<compile_context>
chip_gen: v7x
topology: tpu7x:2x2x1
jax: 0.10.2.dev20260603
libtpu: 0.0.44.dev20260713+nightly
codegen_flags: <defaults>
</compile_context>

<pallas_src>
import functools

import jax
import jax.numpy as jnp
from jax import lax
from jax.experimental import pallas as pl
from jax.experimental.pallas import tpu as pltpu
from jax.experimental.pallas import tpu_sc as plsc

H = 256
R = 50
RP = 64
CUTOFF = 10.0

EB = 1000
NB = 1000

NSLICE = 6
SW = 128
TECS = 16
KB = 80


def _sc_pos_gather_call(pos8, rowi, coli):
    e = rowi.shape[0]
    NW = 2 * TECS
    per_w = e // NW
    K = 200
    nb = per_w // K
    mesh = plsc.VectorSubcoreMesh(core_axis_name="c", subcore_axis_name="s")

    @functools.partial(
        pl.kernel, mesh=mesh,
        out_type=[jax.ShapeDtypeStruct((e, 128), jnp.float32),
                  jax.ShapeDtypeStruct((e, 128), jnp.float32)],
        scratch_types=[
            pltpu.VMEM((K,), jnp.int32),
            pltpu.VMEM((K, 128), jnp.float32),
            pltpu.SemaphoreType.DMA,
        ])
    def body(pos_hbm, row_hbm, col_hbm, pr_hbm, pc_hbm, idx_v, st_v, sem):
        c = lax.axis_index("c")
        t = lax.axis_index("s")
        wbase = (t * 2 + c) * per_w

        def batch(b, _):
            base = wbase + b * K
            pltpu.sync_copy(row_hbm.at[pl.ds(base, K)], idx_v)
            pltpu.async_copy(pos_hbm.at[idx_v], st_v, sem).wait()
            pltpu.sync_copy(st_v, pr_hbm.at[pl.ds(base, K)])
            pltpu.sync_copy(col_hbm.at[pl.ds(base, K)], idx_v)
            pltpu.async_copy(pos_hbm.at[idx_v], st_v, sem).wait()
            pltpu.sync_copy(st_v, pc_hbm.at[pl.ds(base, K)])
            return 0

        lax.fori_loop(0, nb, batch, 0)

    return body(pos8, rowi, coli)


def _sc_hv_gather_call(h, v2, rowi, coli):
    e = rowi.shape[0]
    NW = 2 * TECS
    KH = 80
    nch = e // KH
    nrounds = (nch + NW - 1) // NW
    mesh = plsc.VectorSubcoreMesh(core_axis_name="c", subcore_axis_name="s")

    @functools.partial(
        pl.kernel, mesh=mesh,
        out_type=[jax.ShapeDtypeStruct((e, H), jnp.float32),
                  jax.ShapeDtypeStruct((e, H), jnp.float32),
                  jax.ShapeDtypeStruct((e, 3 * H), jnp.float32)],
        scratch_types=[
            pltpu.VMEM((KH,), jnp.int32),
            pltpu.VMEM((KH,), jnp.int32),
            pltpu.VMEM((KH, H), jnp.float32),
            pltpu.VMEM((KH, H), jnp.float32),
            pltpu.VMEM((KH, 3 * H), jnp.float32),
            pltpu.SemaphoreType.DMA,
            pltpu.SemaphoreType.DMA,
            pltpu.SemaphoreType.DMA,
            pltpu.SemaphoreType.DMA,
        ])
    def body(h_hbm, v_hbm, row_hbm, col_hbm, hc_hbm, hr_hbm, vr_hbm,
             idxc_v, idxr_v, shc_v, shr_v, sv_v, semg, semc, semr, semv):
        c = lax.axis_index("c")
        t = lax.axis_index("s")
        wid = t * 2 + c

        def batch(b, _):
            cid = b * NW + wid

            @pl.when(cid < nch)
            def _():
                base = cid * KH
                @pl.when(b > 0)
                def _():
                    pbase = (b - 1) * NW * KH + wid * KH
                    pltpu.make_async_copy(
                        shc_v, hc_hbm.at[pl.ds(pbase, KH)], semc).wait()
                    pltpu.make_async_copy(
                        shr_v, hr_hbm.at[pl.ds(pbase, KH)], semr).wait()
                    pltpu.make_async_copy(
                        sv_v, vr_hbm.at[pl.ds(pbase, KH)], semv).wait()

                pltpu.sync_copy(col_hbm.at[pl.ds(base, KH)], idxc_v)
                pltpu.sync_copy(row_hbm.at[pl.ds(base, KH)], idxr_v)
                pltpu.async_copy(h_hbm.at[idxc_v], shc_v, semg).wait()
                pltpu.async_copy(shc_v, hc_hbm.at[pl.ds(base, KH)], semc)
                pltpu.async_copy(h_hbm.at[idxr_v], shr_v, semg).wait()
                pltpu.async_copy(shr_v, hr_hbm.at[pl.ds(base, KH)], semr)
                pltpu.async_copy(v_hbm.at[idxr_v], sv_v, semg).wait()
                pltpu.async_copy(sv_v, vr_hbm.at[pl.ds(base, KH)], semv)
            return 0

        lax.fori_loop(0, nrounds, batch, 0)
        last_b = (nch - 1 - wid) // NW
        lbase = (last_b * NW + wid) * KH
        pltpu.make_async_copy(shc_v, hc_hbm.at[pl.ds(lbase, KH)], semc).wait()
        pltpu.make_async_copy(shr_v, hr_hbm.at[pl.ds(lbase, KH)], semr).wait()
        pltpu.make_async_copy(sv_v, vr_hbm.at[pl.ds(lbase, KH)], semv).wait()

    return body(h, v2, rowi, coli)


def _sc_du_scatter_call(pu, nu, rowi, coli, zeros_n8, n):
    e = rowi.shape[0]
    per_tec = e // TECS
    K = 80
    nb = per_tec // K
    RC = 80
    n_chunks = n // RC
    k_rounds = (n_chunks + TECS - 1) // TECS
    mesh = plsc.VectorSubcoreMesh(core_axis_name="c", subcore_axis_name="s")

    @functools.partial(
        pl.kernel, mesh=mesh,
        out_type=jax.ShapeDtypeStruct((n, 128), jnp.float32),
        scratch_types=[
            pltpu.VMEM((K,), jnp.int32),
            pltpu.VMEM((K,), jnp.int32),
            pltpu.VMEM((K,), jnp.int32),
            pltpu.VMEM((K,), jnp.int32),
            pltpu.VMEM((K, 128), jnp.float32),
            pltpu.VMEM((K, 128), jnp.float32),
            pltpu.VMEM((K, 128), jnp.float32),
            pltpu.VMEM((K, 128), jnp.float32),
            pltpu.VMEM_SHARED((n, 128), jnp.float32),
            pltpu.SemaphoreType.DMA,
            pltpu.SemaphoreType.DMA,
            pltpu.SemaphoreType.DMA,
            pltpu.SemaphoreType.DMA,
            pltpu.SemaphoreType.DMA,
            pltpu.SemaphoreType.DMA,
            pltpu.SemaphoreType.DMA,
            pltpu.SemaphoreType.DMA,
        ])
    def body(pu_hbm, nu_hbm, row_hbm, col_hbm, zero_hbm, out_hbm,
             idxr0, idxr1, idxc0, idxc1, str0, str1, stc0, stc1, acc_sh,
             sir0, sir1, sic0, sic1, svr0, svr1, svc0, svc1):
        c = lax.axis_index("c")
        t = lax.axis_index("s")
        idxr = (idxr0, idxr1)
        idxc = (idxc0, idxc1)
        strb = (str0, str1)
        stcb = (stc0, stc1)
        sir = (sir0, sir1)
        sic = (sic0, sic1)
        svr = (svr0, svr1)
        svc = (svc0, svc1)

        @pl.when(c == 0)
        def _():
            for k in range(k_rounds):
                cid = k * TECS + t

                @pl.when(cid < n_chunks)
                def _():
                    pltpu.sync_copy(zero_hbm.at[pl.ds(cid * RC, RC)],
                                    acc_sh.at[pl.ds(cid * RC, RC)])
            plsc.subcore_barrier()
            ebase = t * per_tec

            def load(b, j):
                base = ebase + b * K
                pltpu.async_copy(row_hbm.at[pl.ds(base, K)], idxr[j], sir[j])
                pltpu.async_copy(pu_hbm.at[pl.ds(base, K)], strb[j], svr[j])
                pltpu.async_copy(col_hbm.at[pl.ds(base, K)], idxc[j], sic[j])
                pltpu.async_copy(nu_hbm.at[pl.ds(base, K)], stcb[j], svc[j])

            def drain_scatter(b, j):
                base = ebase + b * K
                pltpu.make_async_copy(row_hbm.at[pl.ds(base, K)],
                                      idxr[j], sir[j]).wait()
                pltpu.make_async_copy(pu_hbm.at[pl.ds(base, K)],
                                      strb[j], svr[j]).wait()
                pltpu.sync_copy(strb[j], acc_sh.at[idxr[j]], add=True)
                pltpu.make_async_copy(col_hbm.at[pl.ds(base, K)],
                                      idxc[j], sic[j]).wait()
                pltpu.make_async_copy(nu_hbm.at[pl.ds(base, K)],
                                      stcb[j], svc[j]).wait()
                pltpu.sync_copy(stcb[j], acc_sh.at[idxc[j]], add=True)

            load(0, 0)

            def pair(k2, _):
                b0 = 2 * k2
                load(b0 + 1, 1)
                drain_scatter(b0, 0)

                @pl.when(b0 + 2 < nb)
                def _():
                    load(b0 + 2, 0)
                drain_scatter(b0 + 1, 1)
                return 0

            lax.fori_loop(0, nb // 2, pair, 0)
            if nb % 2 == 1:
                drain_scatter(nb - 1, 0)
            plsc.subcore_barrier()
            for k in range(k_rounds):
                cid = k * TECS + t

                @pl.when(cid < n_chunks)
                def _():
                    pltpu.sync_copy(acc_sh.at[pl.ds(cid * RC, RC)],
                                    out_hbm.at[pl.ds(cid * RC, RC)])

    return body(pu, nu, rowi, coli, zeros_n8)


def _sc_du_gather_call(du8, rowi, coli):
    e = rowi.shape[0]
    NW = 2 * TECS
    per_w = e // NW
    K = 200
    nb = per_w // K
    mesh = plsc.VectorSubcoreMesh(core_axis_name="c", subcore_axis_name="s")

    @functools.partial(
        pl.kernel, mesh=mesh,
        out_type=[jax.ShapeDtypeStruct((e, 128), jnp.float32),
                  jax.ShapeDtypeStruct((e, 128), jnp.float32)],
        scratch_types=[
            pltpu.VMEM((K,), jnp.int32),
            pltpu.VMEM((K, 128), jnp.float32),
            pltpu.SemaphoreType.DMA,
        ])
    def body(du_hbm, row_hbm, col_hbm, dur_hbm, duc_hbm, idx_v, st_v, sem):
        c = lax.axis_index("c")
        t = lax.axis_index("s")
        wbase = (t * 2 + c) * per_w

        def batch(b, _):
            base = wbase + b * K
            pltpu.sync_copy(row_hbm.at[pl.ds(base, K)], idx_v)
            pltpu.async_copy(du_hbm.at[idx_v], st_v, sem).wait()
            pltpu.sync_copy(st_v, dur_hbm.at[pl.ds(base, K)])
            pltpu.sync_copy(col_hbm.at[pl.ds(base, K)], idx_v)
            pltpu.async_copy(du_hbm.at[idx_v], st_v, sem).wait()
            pltpu.sync_copy(st_v, duc_hbm.at[pl.ds(base, K)])
            return 0

        lax.fori_loop(0, nb, batch, 0)

    return body(du8, rowi, coli)


def _sc_scatter_call(msg6, col, zeros_nw, n):
    e = col.shape[0]
    per_tec = e // TECS
    nb = per_tec // KB
    RC = 80
    n_chunks = n // RC
    k_rounds = (n_chunks + TECS - 1) // TECS
    mesh = plsc.VectorSubcoreMesh(core_axis_name="c", subcore_axis_name="s")

    @functools.partial(
        pl.kernel, mesh=mesh,
        out_type=jax.ShapeDtypeStruct((NSLICE, n, SW), jnp.float32),
        scratch_types=[
            pltpu.VMEM((KB,), jnp.int32),
            pltpu.VMEM((KB,), jnp.int32),
            pltpu.VMEM((KB, SW), jnp.float32),
            pltpu.VMEM((KB, SW), jnp.float32),
            pltpu.VMEM_SHARED((n, SW), jnp.float32),
            pltpu.SemaphoreType.DMA,
            pltpu.SemaphoreType.DMA,
            pltpu.SemaphoreType.DMA,
            pltpu.SemaphoreType.DMA,
        ])
    def body(msg_hbm, col_hbm, zero_hbm, out_hbm,
             idx0_v, idx1_v, st0_v, st1_v, acc_sh,
             semi0, semi1, semm0, semm1):
        c = lax.axis_index("c")
        t = lax.axis_index("s")
        ebase = t * per_tec
        idx_bufs = (idx0_v, idx1_v)
        st_bufs = (st0_v, st1_v)
        sems_i = (semi0, semi1)
        sems_m = (semm0, semm1)

        def load(b, j):
            base = ebase + b * KB
            pltpu.async_copy(col_hbm.at[pl.ds(base, KB)], idx_bufs[j],
                             sems_i[j])
            pltpu.async_copy(msg_hbm.at[s, pl.ds(base, KB)], st_bufs[j],
                             sems_m[j])

        def drain_scatter(b, j):
            base = ebase + b * KB
            pltpu.make_async_copy(col_hbm.at[pl.ds(base, KB)],
                                  idx_bufs[j], sems_i[j]).wait()
            pltpu.make_async_copy(msg_hbm.at[s, pl.ds(base, KB)],
                                  st_bufs[j], sems_m[j]).wait()
            pltpu.sync_copy(st_bufs[j], acc_sh.at[idx_bufs[j]], add=True)

        for s_local in range(NSLICE // 2):
            s = c * (NSLICE // 2) + s_local
            for k in range(k_rounds):
                cid = k * TECS + t

                @pl.when(cid < n_chunks)
                def _():
                    pltpu.sync_copy(zero_hbm.at[pl.ds(cid * RC, RC)],
                                    acc_sh.at[pl.ds(cid * RC, RC)])
            plsc.subcore_barrier()

            load(0, 0)

            def pair(k2, _):
                b0 = 2 * k2
                load(b0 + 1, 1)
                drain_scatter(b0, 0)

                @pl.when(b0 + 2 < nb)
                def _():
                    load(b0 + 2, 0)
                drain_scatter(b0 + 1, 1)
                return 0

            lax.fori_loop(0, nb // 2, pair, 0)
            if nb % 2 == 1:
                drain_scatter(nb - 1, 0)
            plsc.subcore_barrier()
            for k in range(k_rounds):
                cid = k * TECS + t

                @pl.when(cid < n_chunks)
                def _():
                    pltpu.sync_copy(acc_sh.at[pl.ds(cid * RC, RC)],
                                    out_hbm.at[s, pl.ds(cid * RC, RC)])
            plsc.subcore_barrier()

    return body(msg6, col, zeros_nw)


def _geom_body(pc_ref, pr_ref, geom_ref, negu_ref):
    pc = pc_ref[...]
    pr = pr_ref[...]
    ev = pc - pr
    e0 = ev[:, 0:1]
    e1 = ev[:, 1:2]
    e2 = ev[:, 2:3]
    dist = jnp.sqrt(e0 * e0 + e1 * e1 + e2 * e2) + 1e-8
    inv = 1.0 / dist
    u0 = e0 * inv
    u1 = e1 * inv
    u2 = e2 * inv
    cw = 0.5 * (jnp.cos(jnp.pi * dist / CUTOFF) + 1.0)
    cw = jnp.where(dist < CUTOFF, cw, 0.0)
    zero = jnp.zeros((u0.shape[0], 124), jnp.float32)
    geom_ref[...] = jnp.concatenate([u0, u1, u2, cw, zero], axis=1)
    negu_ref[...] = jnp.concatenate(
        [-u0, -u1, -u2, jnp.zeros_like(u0), zero], axis=1)


def _msg_body(hc_ref, hr_ref, rbf_ref, vr_ref, geom_ref,
              w1a_ref, w1b_ref, w1c_ref, b1_ref, wv_ref, bv_ref,
              msg_ref):
    hc = hc_ref[...]
    hr = hr_ref[...]
    rbf = rbf_ref[...]
    geom = geom_ref[...]
    u0 = geom[:, 0:1]
    u1 = geom[:, 1:2]
    u2 = geom[:, 2:3]
    cw = geom[:, 3:4]

    sm = (jnp.dot(hc, w1a_ref[...], preferred_element_type=jnp.float32)
          + jnp.dot(hr, w1b_ref[...], preferred_element_type=jnp.float32)
          + jnp.dot(rbf, w1c_ref[...], preferred_element_type=jnp.float32)
          + b1_ref[...])
    vw = jnp.dot(sm, wv_ref[...], preferred_element_type=jnp.float32) + bv_ref[...]
    w1 = vw[:, :H] * cw
    w2 = vw[:, H:] * cw
    vr = vr_ref[...]
    us = (u0, u1, u2)
    for s in range(NSLICE):
        d, half = s // 2, s % 2
        msg_ref[s] = (w1[:, SW * half:SW * (half + 1)] * us[d]
                      + w2[:, SW * half:SW * (half + 1)]
                      * vr[:, H * d + SW * half:H * d + SW * (half + 1)])


def _fup_body(f_ref, geom_ref, dur_ref, duc_ref,
              we_ref, be_ref, wd_ref, bd_ref,
              fout_ref, dih_ref):
    geom = geom_ref[...]
    u0 = geom[:, 0:1]
    u1 = geom[:, 1:2]
    u2 = geom[:, 2:3]
    dur = dur_ref[...]
    duc = duc_ref[...]
    a0 = dur[:, 0:1]
    a1 = dur[:, 1:2]
    a2 = dur[:, 2:3]
    b0 = duc[:, 0:1]
    b1 = duc[:, 1:2]
    b2 = duc[:, 2:3]
    dvi = a0 * u0 + a1 * u1 + a2 * u2
    dvj = -(b0 * u0 + b1 * u1 + b2 * u2)
    w_ij0 = a0 - dvi * u0
    w_ij1 = a1 - dvi * u1
    w_ij2 = a2 - dvi * u2
    w_ji0 = b0 + dvj * u0
    w_ji1 = b1 + dvj * u1
    w_ji2 = b2 + dvj * u2
    dih = w_ij0 * w_ji0 + w_ij1 * w_ji1 + w_ij2 * w_ji2
    dih_ref[...] = jnp.broadcast_to(dih, (dih.shape[0], H))

    wd_bf = wd_ref[...].astype(jnp.bfloat16).astype(jnp.float32)
    colsum_d = jnp.sum(wd_bf, axis=0, keepdims=True)
    dih_bf = dih.astype(jnp.bfloat16).astype(jnp.float32)
    dmod = jax.nn.sigmoid(dih_bf * colsum_d + bd_ref[...])
    f = f_ref[...]
    fout_ref[...] = f + (jnp.dot(f, we_ref[...], preferred_element_type=jnp.float32)
                         + be_ref[...]) * dmod


def _node_body(h_ref, du_ref, v_ref, vu_ref, ws_ref, bs_ref, wa_ref, ba_ref,
               hout_ref, ang_ref, vout_ref):
    du = du_ref[...]
    ang = du[:, 0:1] ** 2 + du[:, 1:2] ** 2 + du[:, 2:3] ** 2
    ang_ref[...] = jnp.broadcast_to(ang, (ang.shape[0], H))
    wa_bf = wa_ref[...].astype(jnp.bfloat16).astype(jnp.float32)
    colsum_a = jnp.sum(wa_bf, axis=0, keepdims=True)
    ang_bf = ang.astype(jnp.bfloat16).astype(jnp.float32)
    amod = jax.nn.sigmoid(ang_bf * colsum_a + ba_ref[...])
    h = h_ref[...]
    hout_ref[...] = h + (jnp.dot(h, ws_ref[...], preferred_element_type=jnp.float32)
                         + bs_ref[...]) * amod
    v = v_ref[...]
    for s in range(NSLICE):
        vout_ref[:, SW * s:SW * (s + 1)] = v[:, SW * s:SW * (s + 1)] + vu_ref[s]


def kernel(h, v, f, pos, edge_index, edge_rbf,
           lin_msg_w, lin_msg_b, lin_vec_w, lin_vec_b,
           lin_scalar_w, lin_scalar_b, lin_edge_w, lin_edge_b,
           lin_angular_w, lin_angular_b, lin_dihedral_w, lin_dihedral_b):
    n = pos.shape[0]
    e = edge_index.shape[1]
    row = edge_index[0]
    col = edge_index[1]

    pos8 = jnp.pad(pos, ((0, 0), (0, 125)))
    pr8, pc8 = _sc_pos_gather_call(pos8, row, col)
    v2 = v.reshape(n, 3 * H)
    hc, hr, vr = _sc_hv_gather_call(h, v2, row, col)

    geom, negu = pl.pallas_call(
        _geom_body,
        grid=(e // EB,),
        in_specs=[pl.BlockSpec((EB, 128), lambda i: (i, 0)),
                  pl.BlockSpec((EB, 128), lambda i: (i, 0))],
        out_specs=[pl.BlockSpec((EB, 128), lambda i: (i, 0)),
                   pl.BlockSpec((EB, 128), lambda i: (i, 0))],
        out_shape=[jax.ShapeDtypeStruct((e, 128), jnp.float32),
                   jax.ShapeDtypeStruct((e, 128), jnp.float32)],
    )(pc8, pr8)

    zeros_n8 = jnp.zeros((n, 128), jnp.float32)
    du8 = _sc_du_scatter_call(geom, negu, row, col, zeros_n8, n)
    dur8, duc8 = _sc_du_gather_call(du8, row, col)
    du = du8[:, :3]

    rbf_p = jnp.pad(edge_rbf, ((0, 0), (0, RP - R)))
    w1a = lin_msg_w[:H]
    w1b = lin_msg_w[H:2 * H]
    w1c = jnp.pad(lin_msg_w[2 * H:], ((0, RP - R), (0, 0)))
    b1 = lin_msg_b.reshape(1, H)
    bv = lin_vec_b.reshape(1, 2 * H)
    be = lin_edge_b.reshape(1, H)
    bd = lin_dihedral_b.reshape(1, H)
    bs = lin_scalar_b.reshape(1, H)
    ba = lin_angular_b.reshape(1, H)

    wspec = pl.BlockSpec(None, lambda i: (0, 0))
    espec = lambda w: pl.BlockSpec((EB, w), lambda i: (i, 0))
    msg6 = pl.pallas_call(
        _msg_body,
        grid=(e // EB,),
        in_specs=[espec(H), espec(H), espec(RP), espec(3 * H),
                  espec(128),
                  wspec, wspec, wspec, wspec, wspec, wspec],
        out_specs=pl.BlockSpec((NSLICE, EB, SW), lambda i: (0, i, 0)),
        out_shape=jax.ShapeDtypeStruct((NSLICE, e, SW), jnp.float32),
    )(hc, hr, rbf_p, vr, geom,
      w1a, w1b, w1c, b1, lin_vec_w, bv)

    f_updated, dihedral_info = pl.pallas_call(
        _fup_body,
        grid=(e // EB,),
        in_specs=[espec(H), espec(128), espec(128), espec(128),
                  wspec, wspec, wspec, wspec],
        out_specs=[espec(H), espec(H)],
        out_shape=[jax.ShapeDtypeStruct((e, H), jnp.float32),
                   jax.ShapeDtypeStruct((e, H), jnp.float32)],
    )(f, geom, dur8, duc8, lin_edge_w, be, lin_dihedral_w, bd)

    zeros_nw = jnp.zeros((n, SW), jnp.float32)
    vupd6 = _sc_scatter_call(msg6, col, zeros_nw, n)

    du_p = du8
    h_updated, angular_info, v_updated = pl.pallas_call(
        _node_body,
        grid=(n // NB,),
        in_specs=[pl.BlockSpec((NB, H), lambda i: (i, 0)),
                  pl.BlockSpec((NB, 128), lambda i: (i, 0)),
                  pl.BlockSpec((NB, 3 * H), lambda i: (i, 0)),
                  pl.BlockSpec((NSLICE, NB, SW), lambda i: (0, i, 0)),
                  wspec, wspec, wspec, wspec],
        out_specs=[pl.BlockSpec((NB, H), lambda i: (i, 0)),
                   pl.BlockSpec((NB, H), lambda i: (i, 0)),
                   pl.BlockSpec((NB, 3 * H), lambda i: (i, 0))],
        out_shape=[jax.ShapeDtypeStruct((n, H), jnp.float32),
                   jax.ShapeDtypeStruct((n, H), jnp.float32),
                   jax.ShapeDtypeStruct((n, 3 * H), jnp.float32)],
    )(h, du_p, v2, vupd6, lin_scalar_w, bs, lin_angular_w, ba)
    v_updated = v_updated.reshape(n, 3, H)

    return (h_updated, v_updated, f_updated, angular_info, dihedral_info, du)

# --- scband reference (transcript-rebuilt; emitter-appended) ---
"""Pipeline reference for scband-vi-snet-block-25314537242668 (READ-ONLY COPY).

The authoritative reference and input builder live on the scoring server;
editing this copy changes nothing except your own understanding.
"""

import jax, jax.numpy as jnp
import numpy as np

N = 10000
E = 160000
H = 256
R = 50
CUTOFF = 10.0


def setup_inputs(seed: int = 0) -> dict:
    key = jax.random.key(seed)
    ks = jax.random.split(key, 20)
    inp = {}
    inp["h"] = jax.random.normal(ks[0], (N, H), dtype=jnp.float32)
    inp["v"] = jax.random.normal(ks[1], (N, 3, H), dtype=jnp.float32)
    inp["f"] = jax.random.normal(ks[2], (E, H), dtype=jnp.float32)
    inp["pos"] = jax.random.normal(ks[3], (N, 3), dtype=jnp.float32) * 3.0
    inp["edge_index"] = jax.random.randint(ks[4], (2, E), 0, N)
    inp["edge_rbf"] = jax.random.uniform(ks[5], (E, R), dtype=jnp.float32)
    s = 0.05
    inp["lin_msg_w"] = jax.random.normal(ks[6], (2 * H + R, H), dtype=jnp.float32) * s
    inp["lin_msg_b"] = jnp.zeros((H,), dtype=jnp.float32)
    inp["lin_vec_w"] = jax.random.normal(ks[7], (H, 2 * H), dtype=jnp.float32) * s
    inp["lin_vec_b"] = jnp.zeros((2 * H,), dtype=jnp.float32)
    inp["lin_scalar_w"] = jax.random.normal(ks[8], (H, H), dtype=jnp.float32) * s
    inp["lin_scalar_b"] = jnp.zeros((H,), dtype=jnp.float32)
    inp["lin_edge_w"] = jax.random.normal(ks[9], (H, H), dtype=jnp.float32) * s
    inp["lin_edge_b"] = jnp.zeros((H,), dtype=jnp.float32)
    inp["lin_angular_w"] = jax.random.normal(ks[10], (H, H), dtype=jnp.float32) * s
    inp["lin_angular_b"] = jnp.zeros((H,), dtype=jnp.float32)
    inp["lin_dihedral_w"] = jax.random.normal(ks[11], (H, H), dtype=jnp.float32) * s
    inp["lin_dihedral_b"] = jnp.zeros((H,), dtype=jnp.float32)
    return inp


def reference(h, v, f, pos, edge_index, edge_rbf,
              lin_msg_w, lin_msg_b, lin_vec_w, lin_vec_b,
              lin_scalar_w, lin_scalar_b, lin_edge_w, lin_edge_b,
              lin_angular_w, lin_angular_b, lin_dihedral_w, lin_dihedral_b):
    row = edge_index[0]
    col = edge_index[1]
    n_nodes = pos.shape[0]
    n_edges = edge_index.shape[1]

    # shared edge geometry
    edge_vec = pos[col] - pos[row]
    edge_dist = jnp.linalg.norm(edge_vec, axis=-1, keepdims=True) + 1e-8
    unit_vec = edge_vec / edge_dist

    # ---- RuntimeGeometryCalculation ----
    direction_units = jnp.zeros((n_nodes, 3), dtype=pos.dtype)
    direction_units = direction_units.at[row].add(unit_vec)
    direction_units = direction_units.at[col].add(-unit_vec)
    # torch: sum(du.unsqueeze(-1) * du.unsqueeze(-1), dim=1) -> (N,1), expand to (N,H)
    angular = jnp.sum(direction_units[:, :, None] * direction_units[:, :, None], axis=1)
    angular_info = jnp.broadcast_to(angular, (n_nodes, H))
    # vectorized form of the per-edge dihedral loop (same math)
    v_i = direction_units[row]
    v_j = direction_units[col]
    dot_vi_uij = jnp.sum(v_i * unit_vec, axis=-1, keepdims=True)
    dot_vj_uji = jnp.sum(v_j * (-unit_vec), axis=-1, keepdims=True)
    w_ij = v_i - dot_vi_uij * unit_vec
    w_ji = v_j - dot_vj_uji * (-unit_vec)
    dihedral = jnp.sum(w_ij * w_ji, axis=-1, keepdims=True)
    dihedral_info = jnp.broadcast_to(dihedral, (n_edges, H))

    # ---- Scalar2VecUpdate (MessagePassing, aggr='add') ----
    d = edge_dist[:, 0]
    cutoff_w = 0.5 * (jnp.cos(jnp.pi * d / CUTOFF) + 1.0) * (d < CUTOFF).astype(d.dtype)
    # PyG source_to_target: h_i = h[col] (target), h_j = h[row] (source)
    msg_in = jnp.concatenate([h[col], h[row], edge_rbf], axis=-1)
    scalar_msg = msg_in @ lin_msg_w + lin_msg_b
    vec_weights = scalar_msg @ lin_vec_w + lin_vec_b
    w1 = vec_weights[:, :H]
    w2 = vec_weights[:, H:]
    vec_msg = w1[:, None, :] * unit_vec[:, :, None] + w2[:, None, :] * v[row]
    vec_msg = vec_msg * cutoff_w[:, None, None]
    v_update = jnp.zeros_like(v).at[col].add(vec_msg)
    v_updated = v + v_update

    # ---- Vec2ScalarUpdate ----
    angular_mod = jax.nn.sigmoid(angular_info @ lin_angular_w + lin_angular_b)
    h_updated = h + (h @ lin_scalar_w + lin_scalar_b) * angular_mod
    dihedral_mod = jax.nn.sigmoid(dihedral_info @ lin_dihedral_w + lin_dihedral_b)
    f_updated = f + (f @ lin_edge_w + lin_edge_b) * dihedral_mod

    return (h_updated, v_updated, f_updated, angular_info, dihedral_info, direction_units)

if __name__ == "__main__":
    import jax
    _d = setup_inputs()
    print(jax.jit(kernel)(*tuple(_d.values())))

</pallas_src>

<mosaic_0001>
#map = affine_map<(d0, d1) -> (0, 0, 0)>
#map1 = affine_map<(d0, d1) -> (0)>
#map2 = affine_map<(d0, d1) -> (0, 0)>
module attributes {stable_mosaic.version = 14 : i64} {
  func.func @body(%arg0: i32, %arg1: i32, %arg2: memref<6x160000x128xf32, #tpu.memory_space<hbm>>, %arg3: memref<160000xi32, #tpu.memory_space<hbm>>, %arg4: memref<10000x128xf32, #tpu.memory_space<hbm>>, %arg5: memref<6x10000x128xf32, #tpu.memory_space<hbm>>, %arg6: memref<80xi32, #tpu.memory_space<vmem>>, %arg7: memref<80xi32, #tpu.memory_space<vmem>>, %arg8: memref<80x128xf32, #tpu.memory_space<vmem>>, %arg9: memref<80x128xf32, #tpu.memory_space<vmem>>, %arg10: memref<10000x128xf32, #tpu.memory_space<vmem_shared>>, %arg11: memref<!tpu.dma_semaphore, #tpu.memory_space<semaphore_mem>>, %arg12: memref<!tpu.dma_semaphore, #tpu.memory_space<semaphore_mem>>, %arg13: memref<!tpu.dma_semaphore, #tpu.memory_space<semaphore_mem>>, %arg14: memref<!tpu.dma_semaphore, #tpu.memory_space<semaphore_mem>>) attributes {dimension_semantics = [#tpu.dimension_semantics<core_parallel>, #tpu.dimension_semantics<subcore_parallel>], iteration_bounds = array<i64: 2, 16>, scalar_prefetch = 0 : i64, scratch_operands = 9 : i64, tpu.core_type = #tpu.core_type<sc_vector_subcore>, window_params = [{transform_indices = #map}, {transform_indices = #map1}, {transform_indices = #map2}, {transform_indices = #map}]} {
    %mul3A = arith.constant 10000 : i32
    %mul3A_0 = arith.muli %arg1, %mul3A : i32
    %mul3A_1 = arith.constant 3 : i32
    %mul3A_2 = arith.muli %arg0, %mul3A_1 : i32
    %add3A = arith.constant 0 : i32
    %add3A_3 = arith.addi %mul3A_2, %add3A : i32
    %add3A_4 = arith.constant 0 : i32
    %add3A_5 = arith.addi %add3A_4, %arg1 : i32
    %lt3A = arith.constant 125 : i32
    %lt3A_6 = arith.cmpi slt, %add3A_5, %lt3A : i32
    %convert_element_type3A = arith.extui %lt3A_6 : i1 to i32
    %cond3A = arith.constant 0 : i32
    %cond3A_7 = arith.cmpi ne, %convert_element_type3A, %cond3A : i32
    scf.if %cond3A_7 {
      %mul3A_431 = arith.constant 80 : i32
      %mul3A_432 = arith.muli %add3A_5, %mul3A_431 : i32
      %mul3A_433 = arith.constant 80 : i32
      %mul3A_434 = arith.muli %add3A_5, %mul3A_433 : i32
      "tpu.region"() ({
        %run_scoped3A = tpu.sem_alloc : memref<!tpu.dma_semaphore, #tpu.memory_space<semaphore_mem>>
        %dma_start3A_435 = arith.constant 0 : i32
        %dma_start3A_436 = tpu.memref_slice %arg10[%mul3A_434, %dma_start3A_435] : memref<10000x128xf32, #tpu.memory_space<vmem_shared>> -> memref<80x128xf32, #tpu.memory_space<vmem_shared>>
        %dma_start3A_437 = arith.constant 0 : i32
        %dma_start3A_438 = tpu.memref_slice %arg4[%mul3A_432, %dma_start3A_437] : memref<10000x128xf32, #tpu.memory_space<hbm>> -> memref<80x128xf32, #tpu.memory_space<hbm>>
        tpu.enqueue_dma source(%dma_start3A_438 : memref<80x128xf32, #tpu.memory_space<hbm>>) target(%dma_start3A_436 : memref<80x128xf32, #tpu.memory_space<vmem_shared>>) target_semaphore(%run_scoped3A : memref<!tpu.dma_semaphore, #tpu.memory_space<semaphore_mem>>)
        %dma_wait3A_439 = arith.constant 0 : i32
        %dma_wait3A_440 = tpu.memref_slice %arg10[%mul3A_434, %dma_wait3A_439] : memref<10000x128xf32, #tpu.memory_space<vmem_shared>> -> memref<80x128xf32, #tpu.memory_space<vmem_shared>>
        %dma_wait3A_441 = arith.constant 0 : i32
        %dma_wait3A_442 = tpu.memref_slice %arg4[%mul3A_432, %dma_wait3A_441] : memref<10000x128xf32, #tpu.memory_space<hbm>> -> memref<80x128xf32, #tpu.memory_space<hbm>>
        tpu.wait_dma2 semaphore(%run_scoped3A : memref<!tpu.dma_semaphore, #tpu.memory_space<semaphore_mem>>) src(%dma_wait3A_442 : memref<80x128xf32, #tpu.memory_space<hbm>>) dst(%dma_wait3A_440 : memref<80x128xf32, #tpu.memory_space<vmem_shared>>)
        tpu.yield
      }) : () -> ()
    } else {
    }
    %add3A_8 = arith.constant 16 : i32
    %add3A_9 = arith.addi %add3A_8, %arg1 : i32
    %lt3A_10 = arith.constant 125 : i32
    %lt3A_11 = arith.cmpi slt, %add3A_9, %lt3A_10 : i32
    %convert_element_type3A_12 = arith.extui %lt3A_11 : i1 to i32
    %cond3A_13 = arith.constant 0 : i32
    %cond3A_14 = arith.cmpi ne, %convert_element_type3A_12, %cond3A_13 : i32
    scf.if %cond3A_14 {
      %mul3A_431 = arith.constant 80 : i32
      %mul3A_432 = arith.muli %add3A_9, %mul3A_431 : i32
      %mul3A_433 = arith.constant 80 : i32
      %mul3A_434 = arith.muli %add3A_9, %mul3A_433 : i32
      "tpu.region"() ({
        %run_scoped3A = tpu.sem_alloc : memref<!tpu.dma_semaphore, #tpu.memory_space<semaphore_mem>>
        %dma_start3A_435 = arith.constant 0 : i32
        %dma_start3A_436 = tpu.memref_slice %arg10[%mul3A_434, %dma_start3A_435] : memref<10000x128xf32, #tpu.memory_space<vmem_shared>> -> memref<80x128xf32, #tpu.memory_space<vmem_shared>>
        %dma_start3A_437 = arith.constant 0 : i32
        %dma_start3A_438 = tpu.memref_slice %arg4[%mul3A_432, %dma_start3A_437] : memref<10000x128xf32, #tpu.memory_space<hbm>> -> memref<80x128xf32, #tpu.memory_space<hbm>>
        tpu.enqueue_dma source(%dma_start3A_438 : memref<80x128xf32, #tpu.memory_space<hbm>>) target(%dma_start3A_436 : memref<80x128xf32, #tpu.memory_space<vmem_shared>>) target_semaphore(%run_scoped3A : memref<!tpu.dma_semaphore, #tpu.memory_space<semaphore_mem>>)
        %dma_wait3A_439 = arith.constant 0 : i32
        %dma_wait3A_440 = tpu.memref_slice %arg10[%mul3A_434, %dma_wait3A_439] : memref<10000x128xf32, #tpu.memory_space<vmem_shared>> -> memref<80x128xf32, #tpu.memory_space<vmem_shared>>
        %dma_wait3A_441 = arith.constant 0 : i32
        %dma_wait3A_442 = tpu.memref_slice %arg4[%mul3A_432, %dma_wait3A_441] : memref<10000x128xf32, #tpu.memory_space<hbm>> -> memref<80x128xf32, #tpu.memory_space<hbm>>
        tpu.wait_dma2 semaphore(%run_scoped3A : memref<!tpu.dma_semaphore, #tpu.memory_space<semaphore_mem>>) src(%dma_wait3A_442 : memref<80x128xf32, #tpu.memory_space<hbm>>) dst(%dma_wait3A_440 : memref<80x128xf32, #tpu.memory_space<vmem_shared>>)
        tpu.yield
      }) : () -> ()
    } else {
    }
    %add3A_15 = arith.constant 32 : i32
    %add3A_16 = arith.addi %add3A_15, %arg1 : i32
    %lt3A_17 = arith.constant 125 : i32
    %lt3A_18 = arith.cmpi slt, %add3A_16, %lt3A_17 : i32
    %convert_element_type3A_19 = arith.extui %lt3A_18 : i1 to i32
    %cond3A_20 = arith.constant 0 : i32
    %cond3A_21 = arith.cmpi ne, %convert_element_type3A_19, %cond3A_20 : i32
    scf.if %cond3A_21 {
      %mul3A_431 = arith.constant 80 : i32
      %mul3A_432 = arith.muli %add3A_16, %mul3A_431 : i32
      %mul3A_433 = arith.constant 80 : i32
      %mul3A_434 = arith.muli %add3A_16, %mul3A_433 : i32
      "tpu.region"() ({
        %run_scoped3A = tpu.sem_alloc : memref<!tpu.dma_semaphore, #tpu.memory_space<semaphore_mem>>
        %dma_start3A_435 = arith.constant 0 : i32
        %dma_start3A_436 = tpu.memref_slice %arg10[%mul3A_434, %dma_start3A_435] : memref<10000x128xf32, #tpu.memory_space<vmem_shared>> -> memref<80x128xf32, #tpu.memory_space<vmem_shared>>
        %dma_start3A_437 = arith.constant 0 : i32
        %dma_start3A_438 = tpu.memref_slice %arg4[%mul3A_432, %dma_start3A_437] : memref<10000x128xf32, #tpu.memory_space<hbm>> -> memref<80x128xf32, #tpu.memory_space<hbm>>
        tpu.enqueue_dma source(%dma_start3A_438 : memref<80x128xf32, #tpu.memory_space<hbm>>) target(%dma_start3A_436 : memref<80x128xf32, #tpu.memory_space<vmem_shared>>) target_semaphore(%run_scoped3A : memref<!tpu.dma_semaphore, #tpu.memory_space<semaphore_mem>>)
        %dma_wait3A_439 = arith.constant 0 : i32
        %dma_wait3A_440 = tpu.memref_slice %arg10[%mul3A_434, %dma_wait3A_439] : memref<10000x128xf32, #tpu.memory_space<vmem_shared>> -> memref<80x128xf32, #tpu.memory_space<vmem_shared>>
        %dma_wait3A_441 = arith.constant 0 : i32
        %dma_wait3A_442 = tpu.memref_slice %arg4[%mul3A_432, %dma_wait3A_441] : memref<10000x128xf32, #tpu.memory_space<hbm>> -> memref<80x128xf32, #tpu.memory_space<hbm>>
        tpu.wait_dma2 semaphore(%run_scoped3A : memref<!tpu.dma_semaphore, #tpu.memory_space<semaphore_mem>>) src(%dma_wait3A_442 : memref<80x128xf32, #tpu.memory_space<hbm>>) dst(%dma_wait3A_440 : memref<80x128xf32, #tpu.memory_space<vmem_shared>>)
        tpu.yield
      }) : () -> ()
    } else {
    }
    %add3A_22 = arith.constant 48 : i32
    %add3A_23 = arith.addi %add3A_22, %arg1 : i32
    %lt3A_24 = arith.constant 125 : i32
    %lt3A_25 = arith.cmpi slt, %add3A_23, %lt3A_24 : i32
    %convert_element_type3A_26 = arith.extui %lt3A_25 : i1 to i32
    %cond3A_27 = arith.constant 0 : i32
    %cond3A_28 = arith.cmpi ne, %convert_element_type3A_26, %cond3A_27 : i32
    scf.if %cond3A_28 {
      %mul3A_431 = arith.constant 80 : i32
      %mul3A_432 = arith.muli %add3A_23, %mul3A_431 : i32
      %mul3A_433 = arith.constant 80 : i32
      %mul3A_434 = arith.muli %add3A_23, %mul3A_433 : i32
      "tpu.region"() ({
        %run_scoped3A = tpu.sem_alloc : memref<!tpu.dma_semaphore, #tpu.memory_space<semaphore_mem>>
        %dma_start3A_435 = arith.constant 0 : i32
        %dma_start3A_436 = tpu.memref_slice %arg10[%mul3A_434, %dma_start3A_435] : memref<10000x128xf32, #tpu.memory_space<vmem_shared>> -> memref<80x128xf32, #tpu.memory_space<vmem_shared>>
        %dma_start3A_437 = arith.constant 0 : i32
        %dma_start3A_438 = tpu.memref_slice %arg4[%mul3A_432, %dma_start3A_437] : memref<10000x128xf32, #tpu.memory_space<hbm>> -> memref<80x128xf32, #tpu.memory_space<hbm>>
        tpu.enqueue_dma source(%dma_start3A_438 : memref<80x128xf32, #tpu.memory_space<hbm>>) target(%dma_start3A_436 : memref<80x128xf32, #tpu.memory_space<vmem_shared>>) target_semaphore(%run_scoped3A : memref<!tpu.dma_semaphore, #tpu.memory_space<semaphore_mem>>)
        %dma_wait3A_439 = arith.constant 0 : i32
        %dma_wait3A_440 = tpu.memref_slice %arg10[%mul3A_434, %dma_wait3A_439] : memref<10000x128xf32, #tpu.memory_space<vmem_shared>> -> memref<80x128xf32, #tpu.memory_space<vmem_shared>>
        %dma_wait3A_441 = arith.constant 0 : i32
        %dma_wait3A_442 = tpu.memref_slice %arg4[%mul3A_432, %dma_wait3A_441] : memref<10000x128xf32, #tpu.memory_space<hbm>> -> memref<80x128xf32, #tpu.memory_space<hbm>>
        tpu.wait_dma2 semaphore(%run_scoped3A : memref<!tpu.dma_semaphore, #tpu.memory_space<semaphore_mem>>) src(%dma_wait3A_442 : memref<80x128xf32, #tpu.memory_space<hbm>>) dst(%dma_wait3A_440 : memref<80x128xf32, #tpu.memory_space<vmem_shared>>)
        tpu.yield
      }) : () -> ()
    } else {
    }
    %add3A_29 = arith.constant 64 : i32
    %add3A_30 = arith.addi %add3A_29, %arg1 : i32
    %lt3A_31 = arith.constant 125 : i32
    %lt3A_32 = arith.cmpi slt, %add3A_30, %lt3A_31 : i32
    %convert_element_type3A_33 = arith.extui %lt3A_32 : i1 to i32
    %cond3A_34 = arith.constant 0 : i32
    %cond3A_35 = arith.cmpi ne, %convert_element_type3A_33, %cond3A_34 : i32
    scf.if %cond3A_35 {
      %mul3A_431 = arith.constant 80 : i32
      %mul3A_432 = arith.muli %add3A_30, %mul3A_431 : i32
      %mul3A_433 = arith.constant 80 : i32
      %mul3A_434 = arith.muli %add3A_30, %mul3A_433 : i32
      "tpu.region"() ({
        %run_scoped3A = tpu.sem_alloc : memref<!tpu.dma_semaphore, #tpu.memory_space<semaphore_mem>>
        %dma_start3A_435 = arith.constant 0 : i32
        %dma_start3A_436 = tpu.memref_slice %arg10[%mul3A_434, %dma_start3A_435] : memref<10000x128xf32, #tpu.memory_space<vmem_shared>> -> memref<80x128xf32, #tpu.memory_space<vmem_shared>>
        %dma_start3A_437 = arith.constant 0 : i32
        %dma_start3A_438 = tpu.memref_slice %arg4[%mul3A_432, %dma_start3A_437] : memref<10000x128xf32, #tpu.memory_space<hbm>> -> memref<80x128xf32, #tpu.memory_space<hbm>>
        tpu.enqueue_dma source(%dma_start3A_438 : memref<80x128xf32, #tpu.memory_space<hbm>>) target(%dma_start3A_436 : memref<80x128xf32, #tpu.memory_space<vmem_shared>>) target_semaphore(%run_scoped3A : memref<!tpu.dma_semaphore, #tpu.memory_space<semaphore_mem>>)
        %dma_wait3A_439 = arith.constant 0 : i32
        %dma_wait3A_440 = tpu.memref_slice %arg10[%mul3A_434, %dma_wait3A_439] : memref<10000x128xf32, #tpu.memory_space<vmem_shared>> -> memref<80x128xf32, #tpu.memory_space<vmem_shared>>
        %dma_wait3A_441 = arith.constant 0 : i32
        %dma_wait3A_442 = tpu.memref_slice %arg4[%mul3A_432, %dma_wait3A_441] : memref<10000x128xf32, #tpu.memory_space<hbm>> -> memref<80x128xf32, #tpu.memory_space<hbm>>
        tpu.wait_dma2 semaphore(%run_scoped3A : memref<!tpu.dma_semaphore, #tpu.memory_space<semaphore_mem>>) src(%dma_wait3A_442 : memref<80x128xf32, #tpu.memory_space<hbm>>) dst(%dma_wait3A_440 : memref<80x128xf32, #tpu.memory_space<vmem_shared>>)
        tpu.yield
      }) : () -> ()
    } else {
    }
    %add3A_36 = arith.constant 80 : i32
    %add3A_37 = arith.addi %add3A_36, %arg1 : i32
    %lt3A_38 = arith.constant 125 : i32
    %lt3A_39 = arith.cmpi slt, %add3A_37, %lt3A_38 : i32
    %convert_element_type3A_40 = arith.extui %lt3A_39 : i1 to i32
    %cond3A_41 = arith.constant 0 : i32
    %cond3A_42 = arith.cmpi ne, %convert_element_type3A_40, %cond3A_41 : i32
    scf.if %cond3A_42 {
      %mul3A_431 = arith.constant 80 : i32
      %mul3A_432 = arith.muli %add3A_37, %mul3A_431 : i32
      %mul3A_433 = arith.constant 80 : i32
      %mul3A_434 = arith.muli %add3A_37, %mul3A_433 : i32
      "tpu.region"() ({
        %run_scoped3A = tpu.sem_alloc : memref<!tpu.dma_semaphore, #tpu.memory_space<semaphore_mem>>
        %dma_start3A_435 = arith.constant 0 : i32
        %dma_start3A_436 = tpu.memref_slice %arg10[%mul3A_434, %dma_start3A_435] : memref<10000x128xf32, #tpu.memory_space<vmem_shared>> -> memref<80x128xf32, #tpu.memory_space<vmem_shared>>
        %dma_start3A_437 = arith.constant 0 : i32
        %dma_start3A_438 = tpu.memref_slice %arg4[%mul3A_432, %dma_start3A_437] : memref<10000x128xf32, #tpu.memory_space<hbm>> -> memref<80x128xf32, #tpu.memory_space<hbm>>
        tpu.enqueue_dma source(%dma_start3A_438 : memref<80x128xf32, #tpu.memory_space<hbm>>) target(%dma_start3A_436 : memref<80x128xf32, #tpu.memory_space<vmem_shared>>) target_semaphore(%run_scoped3A : memref<!tpu.dma_semaphore, #tpu.memory_space<semaphore_mem>>)
        %dma_wait3A_439 = arith.constant 0 : i32
        %dma_wait3A_440 = tpu.memref_slice %arg10[%mul3A_434, %dma_wait3A_439] : memref<10000x128xf32, #tpu.memory_space<vmem_shared>> -> memref<80x128xf32, #tpu.memory_space<vmem_shared>>
        %dma_wait3A_441 = arith.constant 0 : i32
        %dma_wait3A_442 = tpu.memref_slice %arg4[%mul3A_432, %dma_wait3A_441] : memref<10000x128xf32, #tpu.memory_space<hbm>> -> memref<80x128xf32, #tpu.memory_space<hbm>>
        tpu.wait_dma2 semaphore(%run_scoped3A : memref<!tpu.dma_semaphore, #tpu.memory_space<semaphore_mem>>) src(%dma_wait3A_442 : memref<80x128xf32, #tpu.memory_space<hbm>>) dst(%dma_wait3A_440 : memref<80x128xf32, #tpu.memory_space<vmem_shared>>)
        tpu.yield
      }) : () -> ()
    } else {
    }
    %add3A_43 = arith.constant 96 : i32
    %add3A_44 = arith.addi %add3A_43, %arg1 : i32
    %lt3A_45 = arith.constant 125 : i32
    %lt3A_46 = arith.cmpi slt, %add3A_44, %lt3A_45 : i32
    %convert_element_type3A_47 = arith.extui %lt3A_46 : i1 to i32
    %cond3A_48 = arith.constant 0 : i32
    %cond3A_49 = arith.cmpi ne, %convert_element_type3A_47, %cond3A_48 : i32
    scf.if %cond3A_49 {
      %mul3A_431 = arith.constant 80 : i32
      %mul3A_432 = arith.muli %add3A_44, %mul3A_431 : i32
      %mul3A_433 = arith.constant 80 : i32
      %mul3A_434 = arith.muli %add3A_44, %mul3A_433 : i32
      "tpu.region"() ({
        %run_scoped3A = tpu.sem_alloc : memref<!tpu.dma_semaphore, #tpu.memory_space<semaphore_mem>>
        %dma_start3A_435 = arith.constant 0 : i32
        %dma_start3A_436 = tpu.memref_slice %arg10[%mul3A_434, %dma_start3A_435] : memref<10000x128xf32, #tpu.memory_space<vmem_shared>> -> memref<80x128xf32, #tpu.memory_space<vmem_shared>>
        %dma_start3A_437 = arith.constant 0 : i32
        %dma_start3A_438 = tpu.memref_slice %arg4[%mul3A_432, %dma_start3A_437] : memref<10000x128xf32, #tpu.memory_space<hbm>> -> memref<80x128xf32, #tpu.memory_space<hbm>>
        tpu.enqueue_dma source(%dma_start3A_438 : memref<80x128xf32, #tpu.memory_space<hbm>>) target(%dma_start3A_436 : memref<80x128xf32, #tpu.memory_space<vmem_shared>>) target_semaphore(%run_scoped3A : memref<!tpu.dma_semaphore, #tpu.memory_space<semaphore_mem>>)
        %dma_wait3A_439 = arith.constant 0 : i32
        %dma_wait3A_440 = tpu.memref_slice %arg10[%mul3A_434, %dma_wait3A_439] : memref<10000x128xf32, #tpu.memory_space<vmem_shared>> -> memref<80x128xf32, #tpu.memory_space<vmem_shared>>
        %dma_wait3A_441 = arith.constant 0 : i32
        %dma_wait3A_442 = tpu.memref_slice %arg4[%mul3A_432, %dma_wait3A_441] : memref<10000x128xf32, #tpu.memory_space<hbm>> -> memref<80x128xf32, #tpu.memory_space<hbm>>
        tpu.wait_dma2 semaphore(%run_scoped3A : memref<!tpu.dma_semaphore, #tpu.memory_space<semaphore_mem>>) src(%dma_wait3A_442 : memref<80x128xf32, #tpu.memory_space<hbm>>) dst(%dma_wait3A_440 : memref<80x128xf32, #tpu.memory_space<vmem_shared>>)
        tpu.yield
      }) : () -> ()
    } else {
    }
    %add3A_50 = arith.constant 112 : i32
    %add3A_51 = arith.addi %add3A_50, %arg1 : i32
    %lt3A_52 = arith.constant 125 : i32
    %lt3A_53 = arith.cmpi slt, %add3A_51, %lt3A_52 : i32
    %convert_element_type3A_54 = arith.extui %lt3A_53 : i1 to i32
    %cond3A_55 = arith.constant 0 : i32
    %cond3A_56 = arith.cmpi ne, %convert_element_type3A_54, %cond3A_55 : i32
    scf.if %cond3A_56 {
      %mul3A_431 = arith.constant 80 : i32
      %mul3A_432 = arith.muli %add3A_51, %mul3A_431 : i32
      %mul3A_433 = arith.constant 80 : i32
      %mul3A_434 = arith.muli %add3A_51, %mul3A_433 : i32
      "tpu.region"() ({
        %run_scoped3A = tpu.sem_alloc : memref<!tpu.dma_semaphore, #tpu.memory_space<semaphore_mem>>
        %dma_start3A_435 = arith.constant 0 : i32
        %dma_start3A_436 = tpu.memref_slice %arg10[%mul3A_434, %dma_start3A_435] : memref<10000x128xf32, #tpu.memory_space<vmem_shared>> -> memref<80x128xf32, #tpu.memory_space<vmem_shared>>
        %dma_start3A_437 = arith.constant 0 : i32
        %dma_start3A_438 = tpu.memref_slice %arg4[%mul3A_432, %dma_start3A_437] : memref<10000x128xf32, #tpu.memory_space<hbm>> -> memref<80x128xf32, #tpu.memory_space<hbm>>
        tpu.enqueue_dma source(%dma_start3A_438 : memref<80x128xf32, #tpu.memory_space<hbm>>) target(%dma_start3A_436 : memref<80x128xf32, #tpu.memory_space<vmem_shared>>) target_semaphore(%run_scoped3A : memref<!tpu.dma_semaphore, #tpu.memory_space<semaphore_mem>>)
        %dma_wait3A_439 = arith.constant 0 : i32
        %dma_wait3A_440 = tpu.memref_slice %arg10[%mul3A_434, %dma_wait3A_439] : memref<10000x128xf32, #tpu.memory_space<vmem_shared>> -> memref<80x128xf32, #tpu.memory_space<vmem_shared>>
        %dma_wait3A_441 = arith.constant 0 : i32
        %dma_wait3A_442 = tpu.memref_slice %arg4[%mul3A_432, %dma_wait3A_441] : memref<10000x128xf32, #tpu.memory_space<hbm>> -> memref<80x128xf32, #tpu.memory_space<hbm>>
        tpu.wait_dma2 semaphore(%run_scoped3A : memref<!tpu.dma_semaphore, #tpu.memory_space<semaphore_mem>>) src(%dma_wait3A_442 : memref<80x128xf32, #tpu.memory_space<hbm>>) dst(%dma_wait3A_440 : memref<80x128xf32, #tpu.memory_space<vmem_shared>>)
        tpu.yield
      }) : () -> ()
    } else {
    }
    %barrier3A = arith.constant 0 : index
    tpu.barrier barrier_id(%barrier3A)
    %add3A_57 = arith.constant 0 : i32
    %add3A_58 = arith.addi %mul3A_0, %add3A_57 : i32
    %dma_start3A = tpu.memref_slice %arg3[%add3A_58] : memref<160000xi32, #tpu.memory_space<hbm>> -> memref<80xi32, #tpu.memory_space<hbm>>
    %dma_start3A_59 = tpu.memref_slice %arg3[%add3A_58] : memref<160000xi32, #tpu.memory_space<hbm>> -> memref<80xi32, #tpu.memory_space<hbm>>
    tpu.enqueue_dma source(%dma_start3A_59 : memref<80xi32, #tpu.memory_space<hbm>>) target(%arg6 : memref<80xi32, #tpu.memory_space<vmem>>) target_semaphore(%arg11 : memref<!tpu.dma_semaphore, #tpu.memory_space<semaphore_mem>>)
    %dma_start3A_60 = arith.constant 0 : i32
    %dma_start3A_61 = tpu.memref_slice %arg2[%add3A_3, %add3A_58, %dma_start3A_60] : memref<6x160000x128xf32, #tpu.memory_space<hbm>> -> memref<1x80x128xf32, #tpu.memory_space<hbm>>
    %dma_start3A_62 = tpu.memref_squeeze %dma_start3A_61 : memref<1x80x128xf32, #tpu.memory_space<hbm>> -> memref<80x128xf32, #tpu.memory_space<hbm>>
    %dma_start3A_63 = arith.constant 0 : i32
    %dma_start3A_64 = tpu.memref_slice %arg2[%add3A_3, %add3A_58, %dma_start3A_63] : memref<6x160000x128xf32, #tpu.memory_space<hbm>> -> memref<1x80x128xf32, #tpu.memory_space<hbm>>
    %dma_start3A_65 = tpu.memref_squeeze %dma_start3A_64 : memref<1x80x128xf32, #tpu.memory_space<hbm>> -> memref<80x128xf32, #tpu.memory_space<hbm>>
    tpu.enqueue_dma source(%dma_start3A_65 : memref<80x128xf32, #tpu.memory_space<hbm>>) target(%arg8 : memref<80x128xf32, #tpu.memory_space<vmem>>) target_semaphore(%arg13 : memref<!tpu.dma_semaphore, #tpu.memory_space<semaphore_mem>>)
    %scan3A = arith.constant 0 : i32
    %scan3A_66 = arith.constant 0 : i32
    %scan3A_67 = arith.constant 62 : i32
    %scan3A_68 = arith.addi %scan3A_66, %scan3A_67 : i32
    %scan3A_69 = arith.constant 1 : i32
    %scan3A_70 = scf.for %scan3A_431 = %scan3A_66 to %scan3A_68 step %scan3A_69 iter_args(%scan3A_432 = %scan3A) -> (i32)  : i32 {
      %mul3A_433 = arith.constant 2 : i32
      %mul3A_434 = arith.muli %mul3A_433, %scan3A_431 : i32
      %add3A_435 = arith.constant 1 : i32
      %add3A_436 = arith.addi %mul3A_434, %add3A_435 : i32
      %mul3A_437 = arith.constant 80 : i32
      %mul3A_438 = arith.muli %add3A_436, %mul3A_437 : i32
      %add3A_439 = arith.addi %mul3A_0, %mul3A_438 : i32
      %dma_start3A_440 = tpu.memref_slice %arg3[%add3A_439] : memref<160000xi32, #tpu.memory_space<hbm>> -> memref<80xi32, #tpu.memory_space<hbm>>
      %dma_start3A_441 = tpu.memref_slice %arg3[%add3A_439] : memref<160000xi32, #tpu.memory_space<hbm>> -> memref<80xi32, #tpu.memory_space<hbm>>
      tpu.enqueue_dma source(%dma_start3A_441 : memref<80xi32, #tpu.memory_space<hbm>>) target(%arg7 : memref<80xi32, #tpu.memory_space<vmem>>) target_semaphore(%arg12 : memref<!tpu.dma_semaphore, #tpu.memory_space<semaphore_mem>>)
      %dma_start3A_442 = arith.constant 0 : i32
      %dma_start3A_443 = tpu.memref_slice %arg2[%add3A_3, %add3A_439, %dma_start3A_442] : memref<6x160000x128xf32, #tpu.memory_space<hbm>> -> memref<1x80x128xf32, #tpu.memory_space<hbm>>
      %dma_start3A_444 = tpu.memref_squeeze %dma_start3A_443 : memref<1x80x128xf32, #tpu.memory_space<hbm>> -> memref<80x128xf32, #tpu.memory_space<hbm>>
      %dma_start3A_445 = arith.constant 0 : i32
      %dma_start3A_446 = tpu.memref_slice %arg2[%add3A_3, %add3A_439, %dma_start3A_445] : memref<6x160000x128xf32, #tpu.memory_space<hbm>> -> memref<1x80x128xf32, #tpu.memory_space<hbm>>
      %dma_start3A_447 = tpu.memref_squeeze %dma_start3A_446 : memref<1x80x128xf32, #tpu.memory_space<hbm>> -> memref<80x128xf32, #tpu.memory_space<hbm>>
      tpu.enqueue_dma source(%dma_start3A_447 : memref<80x128xf32, #tpu.memory_space<hbm>>) target(%arg9 : memref<80x128xf32, #tpu.memory_space<vmem>>) target_semaphore(%arg14 : memref<!tpu.dma_semaphore, #tpu.memory_space<semaphore_mem>>)
      %mul3A_448 = arith.constant 80 : i32
      %mul3A_449 = arith.muli %mul3A_434, %mul3A_448 : i32
      %add3A_450 = arith.addi %mul3A_0, %mul3A_449 : i32
      %dma_wait3A_451 = tpu.memref_slice %arg3[%add3A_450] : memref<160000xi32, #tpu.memory_space<hbm>> -> memref<80xi32, #tpu.memory_space<hbm>>
      %dma_wait3A_452 = tpu.memref_slice %arg3[%add3A_450] : memref<160000xi32, #tpu.memory_space<hbm>> -> memref<80xi32, #tpu.memory_space<hbm>>
      tpu.wait_dma2 semaphore(%arg11 : memref<!tpu.dma_semaphore, #tpu.memory_space<semaphore_mem>>) src(%dma_wait3A_452 : memref<80xi32, #tpu.memory_space<hbm>>) dst(%arg6 : memref<80xi32, #tpu.memory_space<vmem>>)
      %dma_wait3A_453 = arith.constant 0 : i32
      %dma_wait3A_454 = tpu.memref_slice %arg2[%add3A_3, %add3A_450, %dma_wait3A_453] : memref<6x160000x128xf32, #tpu.memory_space<hbm>> -> memref<1x80x128xf32, #tpu.memory_space<hbm>>
      %dma_wait3A_455 = tpu.memref_squeeze %dma_wait3A_454 : memref<1x80x128xf32, #tpu.memory_space<hbm>> -> memref<80x128xf32, #tpu.memory_space<hbm>>
      %dma_wait3A_456 = arith.constant 0 : i32
      %dma_wait3A_457 = tpu.memref_slice %arg2[%add3A_3, %add3A_450, %dma_wait3A_456] : memref<6x160000x128xf32, #tpu.memory_space<hbm>> -> memref<1x80x128xf32, #tpu.memory_space<hbm>>
      %dma_wait3A_458 = tpu.memref_squeeze %dma_wait3A_457 : memref<1x80x128xf32, #tpu.memory_space<hbm>> -> memref<80x128xf32, #tpu.memory_space<hbm>>
      tpu.wait_dma2 semaphore(%arg13 : memref<!tpu.dma_semaphore, #tpu.memory_space<semaphore_mem>>) src(%dma_wait3A_458 : memref<80x128xf32, #tpu.memory_space<hbm>>) dst(%arg8 : memref<80x128xf32, #tpu.memory_space<vmem>>)
      "tpu.region"() ({
        %run_scoped3A = tpu.sem_alloc : memref<!tpu.dma_semaphore, #tpu.memory_space<semaphore_mem>>
        %dma_start3A_480 = arith.constant 0 : i32
        %dma_start3A_481 = arith.constant 0 : i32
        %dma_start3A_482 = tpu.memref_slice %arg10[%dma_start3A_480, %dma_start3A_481] : memref<10000x128xf32, #tpu.memory_space<vmem_shared>> -> memref<10000x128xf32, #tpu.memory_space<vmem_shared>>
        tpu.enqueue_indirect_dma source(%arg8 : memref<80x128xf32, #tpu.memory_space<vmem>>) target(%dma_start3A_482 : memref<10000x128xf32, #tpu.memory_space<vmem_shared>>) offsets(%arg6 : memref<80xi32, #tpu.memory_space<vmem>>) semaphore(%run_scoped3A : memref<!tpu.dma_semaphore, #tpu.memory_space<semaphore_mem>>) {add = true}
        %dma_wait3A_483 = arith.constant 0 : i32
        %dma_wait3A_484 = arith.constant 0 : i32
        %dma_wait3A_485 = tpu.memref_slice %arg10[%dma_wait3A_483, %dma_wait3A_484] : memref<10000x128xf32, #tpu.memory_space<vmem_shared>> -> memref<10000x128xf32, #tpu.memory_space<vmem_shared>>
        tpu.wait_indirect_dma semaphore(%run_scoped3A : memref<!tpu.dma_semaphore, #tpu.memory_space<semaphore_mem>>) src(%arg8 : memref<80x128xf32, #tpu.memory_space<vmem>>) dst(%dma_wait3A_485 : memref<10000x128xf32, #tpu.memory_space<vmem_shared>>)
        tpu.yield
      }) : () -> ()
      %add3A_459 = arith.constant 2 : i32
      %add3A_460 = arith.addi %mul3A_434, %add3A_459 : i32
      %lt3A_461 = arith.constant 125 : i32
      %lt3A_462 = arith.cmpi slt, %add3A_460, %lt3A_461 : i32
      %convert_element_type3A_463 = arith.extui %lt3A_462 : i1 to i32
      %cond3A_464 = arith.constant 0 : i32
      %cond3A_465 = arith.cmpi ne, %convert_element_type3A_463, %cond3A_464 : i32
      scf.if %cond3A_465 {
        %add3A_480 = arith.constant 2 : i32
        %add3A_481 = arith.addi %mul3A_434, %add3A_480 : i32
        %mul3A_482 = arith.constant 80 : i32
        %mul3A_483 = arith.muli %add3A_481, %mul3A_482 : i32
        %add3A_484 = arith.addi %mul3A_0, %mul3A_483 : i32
        %dma_start3A_485 = tpu.memref_slice %arg3[%add3A_484] : memref<160000xi32, #tpu.memory_space<hbm>> -> memref<80xi32, #tpu.memory_space<hbm>>
        %dma_start3A_486 = tpu.memref_slice %arg3[%add3A_484] : memref<160000xi32, #tpu.memory_space<hbm>> -> memref<80xi32, #tpu.memory_space<hbm>>
        tpu.enqueue_dma source(%dma_start3A_486 : memref<80xi32, #tpu.memory_space<hbm>>) target(%arg6 : memref<80xi32, #tpu.memory_space<vmem>>) target_semaphore(%arg11 : memref<!tpu.dma_semaphore, #tpu.memory_space<semaphore_mem>>)
        %dma_start3A_487 = arith.constant 0 : i32
        %dma_start3A_488 = tpu.memref_slice %arg2[%add3A_3, %add3A_484, %dma_start3A_487] : memref<6x160000x128xf32, #tpu.memory_space<hbm>> -> memref<1x80x128xf32, #tpu.memory_space<hbm>>
        %dma_start3A_489 = tpu.memref_squeeze %dma_start3A_488 : memref<1x80x128xf32, #tpu.memory_space<hbm>> -> memref<80x128xf32, #tpu.memory_space<hbm>>
        %dma_start3A_490 = arith.constant 0 : i32
        %dma_start3A_491 = tpu.memref_slice %arg2[%add3A_3, %add3A_484, %dma_start3A_490] : memref<6x160000x128xf32, #tpu.memory_space<hbm>> -> memref<1x80x128xf32, #tpu.memory_space<hbm>>
        %dma_start3A_492 = tpu.memref_squeeze %dma_start3A_491 : memref<1x80x128xf32, #tpu.memory_space<hbm>> -> memref<80x128xf32, #tpu.memory_space<hbm>>
        tpu.enqueue_dma source(%dma_start3A_492 : memref<80x128xf32, #tpu.memory_space<hbm>>) target(%arg8 : memref<80x128xf32, #tpu.memory_space<vmem>>) target_semaphore(%arg13 : memref<!tpu.dma_semaphore, #tpu.memory_space<semaphore_mem>>)
      } else {
      }
      %add3A_466 = arith.constant 1 : i32
      %add3A_467 = arith.addi %mul3A_434, %add3A_466 : i32
      %mul3A_468 = arith.constant 80 : i32
      %mul3A_469 = arith.muli %add3A_467, %mul3A_468 : i32
      %add3A_470 = arith.addi %mul3A_0, %mul3A_469 : i32
      %dma_wait3A_471 = tpu.memref_slice %arg3[%add3A_470] : memref<160000xi32, #tpu.memory_space<hbm>> -> memref<80xi32, #tpu.memory_space<hbm>>
      %dma_wait3A_472 = tpu.memref_slice %arg3[%add3A_470] : memref<160000xi32, #tpu.memory_space<hbm>> -> memref<80xi32, #tpu.memory_space<hbm>>
      tpu.wait_dma2 semaphore(%arg12 : memref<!tpu.dma_semaphore, #tpu.memory_space<semaphore_mem>>) src(%dma_wait3A_472 : memref<80xi32, #tpu.memory_space<hbm>>) dst(%arg7 : memref<80xi32, #tpu.memory_space<vmem>>)
      %dma_wait3A_473 = arith.constant 0 : i32
      %dma_wait3A_474 = tpu.memref_slice %arg2[%add3A_3, %add3A_470, %dma_wait3A_473] : memref<6x160000x128xf32, #tpu.memory_space<hbm>> -> memref<1x80x128xf32, #tpu.memory_space<hbm>>
      %dma_wait3A_475 = tpu.memref_squeeze %dma_wait3A_474 : memref<1x80x128xf32, #tpu.memory_space<hbm>> -> memref<80x128xf32, #tpu.memory_space<hbm>>
      %dma_wait3A_476 = arith.constant 0 : i32
      %dma_wait3A_477 = tpu.memref_slice %arg2[%add3A_3, %add3A_470, %dma_wait3A_476] : memref<6x160000x128xf32, #tpu.memory_space<hbm>> -> memref<1x80x128xf32, #tpu.memory_space<hbm>>
      %dma_wait3A_478 = tpu.memref_squeeze %dma_wait3A_477 : memref<1x80x128xf32, #tpu.memory_space<hbm>> -> memref<80x128xf32, #tpu.memory_space<hbm>>
      tpu.wait_dma2 semaphore(%arg14 : memref<!tpu.dma_semaphore, #tpu.memory_space<semaphore_mem>>) src(%dma_wait3A_478 : memref<80x128xf32, #tpu.memory_space<hbm>>) dst(%arg9 : memref<80x128xf32, #tpu.memory_space<vmem>>)
      "tpu.region"() ({
        %run_scoped3A = tpu.sem_alloc : memref<!tpu.dma_semaphore, #tpu.memory_space<semaphore_mem>>
        %dma_start3A_480 = arith.constant 0 : i32
        %dma_start3A_481 = arith.constant 0 : i32
        %dma_start3A_482 = tpu.memref_slice %arg10[%dma_start3A_480, %dma_start3A_481] : memref<10000x128xf32, #tpu.memory_space<vmem_shared>> -> memref<10000x128xf32, #tpu.memory_space<vmem_shared>>
        tpu.enqueue_indirect_dma source(%arg9 : memref<80x128xf32, #tpu.memory_space<vmem>>) target(%dma_start3A_482 : memref<10000x128xf32, #tpu.memory_space<vmem_shared>>) offsets(%arg7 : memref<80xi32, #tpu.memory_space<vmem>>) semaphore(%run_scoped3A : memref<!tpu.dma_semaphore, #tpu.memory_space<semaphore_mem>>) {add = true}
        %dma_wait3A_483 = arith.constant 0 : i32
        %dma_wait3A_484 = arith.constant 0 : i32
        %dma_wait3A_485 = tpu.memref_slice %arg10[%dma_wait3A_483, %dma_wait3A_484] : memref<10000x128xf32, #tpu.memory_space<vmem_shared>> -> memref<10000x128xf32, #tpu.memory_space<vmem_shared>>
        tpu.wait_indirect_dma semaphore(%run_scoped3A : memref<!tpu.dma_semaphore, #tpu.memory_space<semaphore_mem>>) src(%arg9 : memref<80x128xf32, #tpu.memory_space<vmem>>) dst(%dma_wait3A_485 : memref<10000x128xf32, #tpu.memory_space<vmem_shared>>)
        tpu.yield
      }) : () -> ()
      %scan3A_479 = arith.constant 0 : i32
      scf.yield %scan3A_479 : i32
    }
    %scan3A_71 = arith.constant 62 : i32
    %add3A_72 = arith.constant 9920 : i32
    %add3A_73 = arith.addi %mul3A_0, %add3A_72 : i32
    %dma_wait3A = tpu.memref_slice %arg3[%add3A_73] : memref<160000xi32, #tpu.memory_space<hbm>> -> memref<80xi32, #tpu.memory_space<hbm>>
    %dma_wait3A_74 = tpu.memref_slice %arg3[%add3A_73] : memref<160000xi32, #tpu.memory_space<hbm>> -> memref<80xi32, #tpu.memory_space<hbm>>
    tpu.wait_dma2 semaphore(%arg11 : memref<!tpu.dma_semaphore, #tpu.memory_space<semaphore_mem>>) src(%dma_wait3A_74 : memref<80xi32, #tpu.memory_space<hbm>>) dst(%arg6 : memref<80xi32, #tpu.memory_space<vmem>>)
    %dma_wait3A_75 = arith.constant 0 : i32
    %dma_wait3A_76 = tpu.memref_slice %arg2[%add3A_3, %add3A_73, %dma_wait3A_75] : memref<6x160000x128xf32, #tpu.memory_space<hbm>> -> memref<1x80x128xf32, #tpu.memory_space<hbm>>
    %dma_wait3A_77 = tpu.memref_squeeze %dma_wait3A_76 : memref<1x80x128xf32, #tpu.memory_space<hbm>> -> memref<80x128xf32, #tpu.memory_space<hbm>>
    %dma_wait3A_78 = arith.constant 0 : i32
    %dma_wait3A_79 = tpu.memref_slice %arg2[%add3A_3, %add3A_73, %dma_wait3A_78] : memref<6x160000x128xf32, #tpu.memory_space<hbm>> -> memref<1x80x128xf32, #tpu.memory_space<hbm>>
    %dma_wait3A_80 = tpu.memref_squeeze %dma_wait3A_79 : memref<1x80x128xf32, #tpu.memory_space<hbm>> -> memref<80x128xf32, #tpu.memory_space<hbm>>
    tpu.wait_dma2 semaphore(%arg13 : memref<!tpu.dma_semaphore, #tpu.memory_space<semaphore_mem>>) src(%dma_wait3A_80 : memref<80x128xf32, #tpu.memory_space<hbm>>) dst(%arg8 : memref<80x128xf32, #tpu.memory_space<vmem>>)
    "tpu.region"() ({
      %run_scoped3A = tpu.sem_alloc : memref<!tpu.dma_semaphore, #tpu.memory_space<semaphore_mem>>
      %dma_start3A_431 = arith.constant 0 : i32
      %dma_start3A_432 = arith.constant 0 : i32
      %dma_start3A_433 = tpu.memref_slice %arg10[%dma_start3A_431, %dma_start3A_432] : memref<10000x128xf32, #tpu.memory_space<vmem_shared>> -> memref<10000x128xf32, #tpu.memory_space<vmem_shared>>
      tpu.enqueue_indirect_dma source(%arg8 : memref<80x128xf32, #tpu.memory_space<vmem>>) target(%dma_start3A_433 : memref<10000x128xf32, #tpu.memory_space<vmem_shared>>) offsets(%arg6 : memref<80xi32, #tpu.memory_space<vmem>>) semaphore(%run_scoped3A : memref<!tpu.dma_semaphore, #tpu.memory_space<semaphore_mem>>) {add = true}
      %dma_wait3A_434 = arith.constant 0 : i32
      %dma_wait3A_435 = arith.constant 0 : i32
      %dma_wait3A_436 = tpu.memref_slice %arg10[%dma_wait3A_434, %dma_wait3A_435] : memref<10000x128xf32, #tpu.memory_space<vmem_shared>> -> memref<10000x128xf32, #tpu.memory_space<vmem_shared>>
      tpu.wait_indirect_dma semaphore(%run_scoped3A : memref<!tpu.dma_semaphore, #tpu.memory_space<semaphore_mem>>) src(%arg8 : memref<80x128xf32, #tpu.memory_space<vmem>>) dst(%dma_wait3A_436 : memref<10000x128xf32, #tpu.memory_space<vmem_shared>>)
      tpu.yield
    }) : () -> ()
    %barrier3A_81 = arith.constant 0 : index
    tpu.barrier barrier_id(%barrier3A_81)
    %add3A_82 = arith.constant 0 : i32
    %add3A_83 = arith.addi %add3A_82, %arg1 : i32
    %lt3A_84 = arith.constant 125 : i32
    %lt3A_85 = arith.cmpi slt, %add3A_83, %lt3A_84 : i32
    %convert_element_type3A_86 = arith.extui %lt3A_85 : i1 to i32
    %cond3A_87 = arith.constant 0 : i32
    %cond3A_88 = arith.cmpi ne, %convert_element_type3A_86, %cond3A_87 : i32
    scf.if %cond3A_88 {
      %mul3A_431 = arith.constant 80 : i32
      %mul3A_432 = arith.muli %add3A_83, %mul3A_431 : i32
      %mul3A_433 = arith.constant 80 : i32
      %mul3A_434 = arith.muli %add3A_83, %mul3A_433 : i32
      "tpu.region"() ({
        %run_scoped3A = tpu.sem_alloc : memref<!tpu.dma_semaphore, #tpu.memory_space<semaphore_mem>>
        %dma_start3A_435 = arith.constant 0 : i32
        %dma_start3A_436 = tpu.memref_slice %arg5[%add3A_3, %mul3A_434, %dma_start3A_435] : memref<6x10000x128xf32, #tpu.memory_space<hbm>> -> memref<1x80x128xf32, #tpu.memory_space<hbm>>
        %dma_start3A_437 = tpu.memref_squeeze %dma_start3A_436 : memref<1x80x128xf32, #tpu.memory_space<hbm>> -> memref<80x128xf32, #tpu.memory_space<hbm>>
        %dma_start3A_438 = arith.constant 0 : i32
        %dma_start3A_439 = tpu.memref_slice %arg10[%mul3A_432, %dma_start3A_438] : memref<10000x128xf32, #tpu.memory_space<vmem_shared>> -> memref<80x128xf32, #tpu.memory_space<vmem_shared>>
        tpu.enqueue_dma source(%dma_start3A_439 : memref<80x128xf32, #tpu.memory_space<vmem_shared>>) target(%dma_start3A_437 : memref<80x128xf32, #tpu.memory_space<hbm>>) target_semaphore(%run_scoped3A : memref<!tpu.dma_semaphore, #tpu.memory_space<semaphore_mem>>)
        %dma_wait3A_440 = arith.constant 0 : i32
        %dma_wait3A_441 = tpu.memref_slice %arg5[%add3A_3, %mul3A_434, %dma_wait3A_440] : memref<6x10000x128xf32, #tpu.memory_space<hbm>> -> memref<1x80x128xf32, #tpu.memory_space<hbm>>
        %dma_wait3A_442 = tpu.memref_squeeze %dma_wait3A_441 : memref<1x80x128xf32, #tpu.memory_space<hbm>> -> memref<80x128xf32, #tpu.memory_space<hbm>>
        %dma_wait3A_443 = arith.constant 0 : i32
        %dma_wait3A_444 = tpu.memref_slice %arg10[%mul3A_432, %dma_wait3A_443] : memref<10000x128xf32, #tpu.memory_space<vmem_shared>> -> memref<80x128xf32, #tpu.memory_space<vmem_shared>>
        tpu.wait_dma2 semaphore(%run_scoped3A : memref<!tpu.dma_semaphore, #tpu.memory_space<semaphore_mem>>) src(%dma_wait3A_444 : memref<80x128xf32, #tpu.memory_space<vmem_shared>>) dst(%dma_wait3A_442 : memref<80x128xf32, #tpu.memory_space<hbm>>)
        tpu.yield
      }) : () -> ()
    } else {
    }
    %add3A_89 = arith.constant 16 : i32
    %add3A_90 = arith.addi %add3A_89, %arg1 : i32
    %lt3A_91 = arith.constant 125 : i32
    %lt3A_92 = arith.cmpi slt, %add3A_90, %lt3A_91 : i32
    %convert_element_type3A_93 = arith.extui %lt3A_92 : i1 to i32
    %cond3A_94 = arith.constant 0 : i32
    %cond3A_95 = arith.cmpi ne, %convert_element_type3A_93, %cond3A_94 : i32
    scf.if %cond3A_95 {
      %mul3A_431 = arith.constant 80 : i32
      %mul3A_432 = arith.muli %add3A_90, %mul3A_431 : i32
      %mul3A_433 = arith.constant 80 : i32
      %mul3A_434 = arith.muli %add3A_90, %mul3A_433 : i32
      "tpu.region"() ({
        %run_scoped3A = tpu.sem_alloc : memref<!tpu.dma_semaphore, #tpu.memory_space<semaphore_mem>>
        %dma_start3A_435 = arith.constant 0 : i32
        %dma_start3A_436 = tpu.memref_slice %arg5[%add3A_3, %mul3A_434, %dma_start3A_435] : memref<6x10000x128xf32, #tpu.memory_space<hbm>> -> memref<1x80x128xf32, #tpu.memory_space<hbm>>
        %dma_start3A_437 = tpu.memref_squeeze %dma_start3A_436 : memref<1x80x128xf32, #tpu.memory_space<hbm>> -> memref<80x128xf32, #tpu.memory_space<hbm>>
        %dma_start3A_438 = arith.constant 0 : i32
        %dma_start3A_439 = tpu.memref_slice %arg10[%mul3A_432, %dma_start3A_438] : memref<10000x128xf32, #tpu.memory_space<vmem_shared>> -> memref<80x128xf32, #tpu.memory_space<vmem_shared>>
        tpu.enqueue_dma source(%dma_start3A_439 : memref<80x128xf32, #tpu.memory_space<vmem_shared>>) target(%dma_start3A_437 : memref<80x128xf32, #tpu.memory_space<hbm>>) target_semaphore(%run_scoped3A : memref<!tpu.dma_semaphore, #tpu.memory_space<semaphore_mem>>)
        %dma_wait3A_440 = arith.constant 0 : i32
        %dma_wait3A_441 = tpu.memref_slice %arg5[%add3A_3, %mul3A_434, %dma_wait3A_440] : memref<6x10000x128xf32, #tpu.memory_space<hbm>> -> memref<1x80x128xf32, #tpu.memory_space<hbm>>
        %dma_wait3A_442 = tpu.memref_squeeze %dma_wait3A_441 : memref<1x80x128xf32, #tpu.memory_space<hbm>> -> memref<80x128xf32, #tpu.memory_space<hbm>>
        %dma_wait3A_443 = arith.constant 0 : i32
        %dma_wait3A_444 = tpu.memref_slice %arg10[%mul3A_432, %dma_wait3A_443] : memref<10000x128xf32, #tpu.memory_space<vmem_shared>> -> memref<80x128xf32, #tpu.memory_space<vmem_shared>>
        tpu.wait_dma2 semaphore(%run_scoped3A : memref<!tpu.dma_semaphore, #tpu.memory_space<semaphore_mem>>) src(%dma_wait3A_444 : memref<80x128xf32, #tpu.memory_space<vmem_shared>>) dst(%dma_wait3A_442 : memref<80x128xf32, #tpu.memory_space<hbm>>)
        tpu.yield
      }) : () -> ()
    } else {
    }
    %add3A_96 = arith.constant 32 : i32
    %add3A_97 = arith.addi %add3A_96, %arg1 : i32
    %lt3A_98 = arith.constant 125 : i32
    %lt3A_99 = arith.cmpi slt, %add3A_97, %lt3A_98 : i32
    %convert_element_type3A_100 = arith.extui %lt3A_99 : i1 to i32
    %cond3A_101 = arith.constant 0 : i32
    %cond3A_102 = arith.cmpi ne, %convert_element_type3A_100, %cond3A_101 : i32
    scf.if %cond3A_102 {
      %mul3A_431 = arith.constant 80 : i32
      %mul3A_432 = arith.muli %add3A_97, %mul3A_431 : i32
      %mul3A_433 = arith.constant 80 : i32
      %mul3A_434 = arith.muli %add3A_97, %mul3A_433 : i32
      "tpu.region"() ({
        %run_scoped3A = tpu.sem_alloc : memref<!tpu.dma_semaphore, #tpu.memory_space<semaphore_mem>>
        %dma_start3A_435 = arith.constant 0 : i32
        %dma_start3A_436 = tpu.memref_slice %arg5[%add3A_3, %mul3A_434, %dma_start3A_435] : memref<6x10000x128xf32, #tpu.memory_space<hbm>> -> memref<1x80x128xf32, #tpu.memory_space<hbm>>
        %dma_start3A_437 = tpu.memref_squeeze %dma_start3A_436 : memref<1x80x128xf32, #tpu.memory_space<hbm>> -> memref<80x128xf32, #tpu.memory_space<hbm>>
        %dma_start3A_438 = arith.constant 0 : i32
        %dma_start3A_439 = tpu.memref_slice %arg10[%mul3A_432, %dma_start3A_438] : memref<10000x128xf32, #tpu.memory_space<vmem_shared>> -> memref<80x128xf32, #tpu.memory_space<vmem_shared>>
        tpu.enqueue_dma source(%dma_start3A_439 : memref<80x128xf32, #tpu.memory_space<vmem_shared>>) target(%dma_start3A_437 : memref<80x128xf32, #tpu.memory_space<hbm>>) target_semaphore(%run_scoped3A : memref<!tpu.dma_semaphore, #tpu.memory_space<semaphore_mem>>)
        %dma_wait3A_440 = arith.constant 0 : i32
        %dma_wait3A_441 = tpu.memref_slice %arg5[%add3A_3, %mul3A_434, %dma_wait3A_440] : memref<6x10000x128xf32, #tpu.memory_space<hbm>> -> memref<1x80x128xf32, #tpu.memory_space<hbm>>
        %dma_wait3A_442 = tpu.memref_squeeze %dma_wait3A_441 : memref<1x80x128xf32, #tpu.memory_space<hbm>> -> memref<80x128xf32, #tpu.memory_space<hbm>>
        %dma_wait3A_443 = arith.constant 0 : i32
        %dma_wait3A_444 = tpu.memref_slice %arg10[%mul3A_432, %dma_wait3A_443] : memref<10000x128xf32, #tpu.memory_space<vmem_shared>> -> memref<80x128xf32, #tpu.memory_space<vmem_shared>>
        tpu.wait_dma2 semaphore(%run_scoped3A : memref<!tpu.dma_semaphore, #tpu.memory_space<semaphore_mem>>) src(%dma_wait3A_444 : memref<80x128xf32, #tpu.memory_space<vmem_shared>>) dst(%dma_wait3A_442 : memref<80x128xf32, #tpu.memory_space<hbm>>)
        tpu.yield
      }) : () -> ()
    } else {
    }
    %add3A_103 = arith.constant 48 : i32
    %add3A_104 = arith.addi %add3A_103, %arg1 : i32
    %lt3A_105 = arith.constant 125 : i32
    %lt3A_106 = arith.cmpi slt, %add3A_104, %lt3A_105 : i32
    %convert_element_type3A_107 = arith.extui %lt3A_106 : i1 to i32
    %cond3A_108 = arith.constant 0 : i32
    %cond3A_109 = arith.cmpi ne, %convert_element_type3A_107, %cond3A_108 : i32
    scf.if %cond3A_109 {
      %mul3A_431 = arith.constant 80 : i32
      %mul3A_432 = arith.muli %add3A_104, %mul3A_431 : i32
      %mul3A_433 = arith.constant 80 : i32
      %mul3A_434 = arith.muli %add3A_104, %mul3A_433 : i32
      "tpu.region"() ({
        %run_scoped3A = tpu.sem_alloc : memref<!tpu.dma_semaphore, #tpu.memory_space<semaphore_mem>>
        %dma_start3A_435 = arith.constant 0 : i32
        %dma_start3A_436 = tpu.memref_slice %arg5[%add3A_3, %mul3A_434, %dma_start3A_435] : memref<6x10000x128xf32, #tpu.memory_space<hbm>> -> memref<1x80x128xf32, #tpu.memory_space<hbm>>
        %dma_start3A_437 = tpu.memref_squeeze %dma_start3A_436 : memref<1x80x128xf32, #tpu.memory_space<hbm>> -> memref<80x128xf32, #tpu.memory_space<hbm>>
        %dma_start3A_438 = arith.constant 0 : i32
        %dma_start3A_439 = tpu.memref_slice %arg10[%mul3A_432, %dma_start3A_438] : memref<10000x128xf32, #tpu.memory_space<vmem_shared>> -> memref<80x128xf32, #tpu.memory_space<vmem_shared>>
        tpu.enqueue_dma source(%dma_start3A_439 : memref<80x128xf32, #tpu.memory_space<vmem_shared>>) target(%dma_start3A_437 : memref<80x128xf32, #tpu.memory_space<hbm>>) target_semaphore(%run_scoped3A : memref<!tpu.dma_semaphore, #tpu.memory_space<semaphore_mem>>)
        %dma_wait3A_440 = arith.constant 0 : i32
        %dma_wait3A_441 = tpu.memref_slice %arg5[%add3A_3, %mul3A_434, %dma_wait3A_440] : memref<6x10000x128xf32, #tpu.memory_space<hbm>> -> memref<1x80x128xf32, #tpu.memory_space<hbm>>
        %dma_wait3A_442 = tpu.memref_squeeze %dma_wait3A_441 : memref<1x80x128xf32, #tpu.memory_space<hbm>> -> memref<80x128xf32, #tpu.memory_space<hbm>>
        %dma_wait3A_443 = arith.constant 0 : i32
        %dma_wait3A_444 = tpu.memref_slice %arg10[%mul3A_432, %dma_wait3A_443] : memref<10000x128xf32, #tpu.memory_space<vmem_shared>> -> memref<80x128xf32, #tpu.memory_space<vmem_shared>>
        tpu.wait_dma2 semaphore(%run_scoped3A : memref<!tpu.dma_semaphore, #tpu.memory_space<semaphore_mem>>) src(%dma_wait3A_444 : memref<80x128xf32, #tpu.memory_space<vmem_shared>>) dst(%dma_wait3A_442 : memref<80x128xf32, #tpu.memory_space<hbm>>)
        tpu.yield
      }) : () -> ()
    } else {
    }
    %add3A_110 = arith.constant 64 : i32
    %add3A_111 = arith.addi %add3A_110, %arg1 : i32
    %lt3A_112 = arith.constant 125 : i32
    %lt3A_113 = arith.cmpi slt, %add3A_111, %lt3A_112 : i32
    %convert_element_type3A_114 = arith.extui %lt3A_113 : i1 to i32
    %cond3A_115 = arith.constant 0 : i32
    %cond3A_116 = arith.cmpi ne, %convert_element_type3A_114, %cond3A_115 : i32
    scf.if %cond3A_116 {
      %mul3A_431 = arith.constant 80 : i32
      %mul3A_432 = arith.muli %add3A_111, %mul3A_431 : i32
      %mul3A_433 = arith.constant 80 : i32
      %mul3A_434 = arith.muli %add3A_111, %mul3A_433 : i32
      "tpu.region"() ({
        %run_scoped3A = tpu.sem_alloc : memref<!tpu.dma_semaphore, #tpu.memory_space<semaphore_mem>>
        %dma_start3A_435 = arith.constant 0 : i32
        %dma_start3A_436 = tpu.memref_slice %arg5[%add3A_3, %mul3A_434, %dma_start3A_435] : memref<6x10000x128xf32, #tpu.memory_space<hbm>> -> memref<1x80x128xf32, #tpu.memory_space<hbm>>
        %dma_start3A_437 = tpu.memref_squeeze %dma_start3A_436 : memref<1x80x128xf32, #tpu.memory_space<hbm>> -> memref<80x128xf32, #tpu.memory_space<hbm>>
        %dma_start3A_438 = arith.constant 0 : i32
        %dma_start3A_439 = tpu.memref_slice %arg10[%mul3A_432, %dma_start3A_438] : memref<10000x128xf32, #tpu.memory_space<vmem_shared>> -> memref<80x128xf32, #tpu.memory_space<vmem_shared>>
        tpu.enqueue_dma source(%dma_start3A_439 : memref<80x128xf32, #tpu.memory_space<vmem_shared>>) target(%dma_start3A_437 : memref<80x128xf32, #tpu.memory_space<hbm>>) target_semaphore(%run_scoped3A : memref<!tpu.dma_semaphore, #tpu.memory_space<semaphore_mem>>)
        %dma_wait3A_440 = arith.constant 0 : i32
        %dma_wait3A_441 = tpu.memref_slice %arg5[%add3A_3, %mul3A_434, %dma_wait3A_440] : memref<6x10000x128xf32, #tpu.memory_space<hbm>> -> memref<1x80x128xf32, #tpu.memory_space<hbm>>
        %dma_wait3A_442 = tpu.memref_squeeze %dma_wait3A_441 : memref<1x80x128xf32, #tpu.memory_space<hbm>> -> memref<80x128xf32, #tpu.memory_space<hbm>>
        %dma_wait3A_443 = arith.constant 0 : i32
        %dma_wait3A_444 = tpu.memref_slice %arg10[%mul3A_432, %dma_wait3A_443] : memref<10000x128xf32, #tpu.memory_space<vmem_shared>> -> memref<80x128xf32, #tpu.memory_space<vmem_shared>>
        tpu.wait_dma2 semaphore(%run_scoped3A : memref<!tpu.dma_semaphore, #tpu.memory_space<semaphore_mem>>) src(%dma_wait3A_444 : memref<80x128xf32, #tpu.memory_space<vmem_shared>>) dst(%dma_wait3A_442 : memref<80x128xf32, #tpu.memory_space<hbm>>)
        tpu.yield
      }) : () -> ()
    } else {
    }
    %add3A_117 = arith.constant 80 : i32
    %add3A_118 = arith.addi %add3A_117, %arg1 : i32
    %lt3A_119 = arith.constant 125 : i32
    %lt3A_120 = arith.cmpi slt, %add3A_118, %lt3A_119 : i32
    %convert_element_type3A_121 = arith.extui %lt3A_120 : i1 to i32
    %cond3A_122 = arith.constant 0 : i32
    %cond3A_123 = arith.cmpi ne, %convert_element_type3A_121, %cond3A_122 : i32
    scf.if %cond3A_123 {
      %mul3A_431 = arith.constant 80 : i32
      %mul3A_432 = arith.muli %add3A_118, %mul3A_431 : i32
      %mul3A_433 = arith.constant 80 : i32
      %mul3A_434 = arith.muli %add3A_118, %mul3A_433 : i32
      "tpu.region"() ({
        %run_scoped3A = tpu.sem_alloc : memref<!tpu.dma_semaphore, #tpu.memory_space<semaphore_mem>>
        %dma_start3A_435 = arith.constant 0 : i32
        %dma_start3A_436 = tpu.memref_slice %arg5[%add3A_3, %mul3A_434, %dma_start3A_435] : memref<6x10000x128xf32, #tpu.memory_space<hbm>> -> memref<1x80x128xf32, #tpu.memory_space<hbm>>
        %dma_start3A_437 = tpu.memref_squeeze %dma_start3A_436 : memref<1x80x128xf32, #tpu.memory_space<hbm>> -> memref<80x128xf32, #tpu.memory_space<hbm>>
        %dma_start3A_438 = arith.constant 0 : i32
        %dma_start3A_439 = tpu.memref_slice %arg10[%mul3A_432, %dma_start3A_438] : memref<10000x128xf32, #tpu.memory_space<vmem_shared>> -> memref<80x128xf32, #tpu.memory_space<vmem_shared>>
        tpu.enqueue_dma source(%dma_start3A_439 : memref<80x128xf32, #tpu.memory_space<vmem_shared>>) target(%dma_start3A_437 : memref<80x128xf32, #tpu.memory_space<hbm>>) target_semaphore(%run_scoped3A : memref<!tpu.dma_semaphore, #tpu.memory_space<semaphore_mem>>)
        %dma_wait3A_440 = arith.constant 0 : i32
        %dma_wait3A_441 = tpu.memref_slice %arg5[%add3A_3, %mul3A_434, %dma_wait3A_440] : memref<6x10000x128xf32, #tpu.memory_space<hbm>> -> memref<1x80x128xf32, #tpu.memory_space<hbm>>
        %dma_wait3A_442 = tpu.memref_squeeze %dma_wait3A_441 : memref<1x80x128xf32, #tpu.memory_space<hbm>> -> memref<80x128xf32, #tpu.memory_space<hbm>>
        %dma_wait3A_443 = arith.constant 0 : i32
        %dma_wait3A_444 = tpu.memref_slice %arg10[%mul3A_432, %dma_wait3A_443] : memref<10000x128xf32, #tpu.memory_space<vmem_shared>> -> memref<80x128xf32, #tpu.memory_space<vmem_shared>>
        tpu.wait_dma2 semaphore(%run_scoped3A : memref<!tpu.dma_semaphore, #tpu.memory_space<semaphore_mem>>) src(%dma_wait3A_444 : memref<80x128xf32, #tpu.memory_space<vmem_shared>>) dst(%dma_wait3A_442 : memref<80x128xf32, #tpu.memory_space<hbm>>)
        tpu.yield
      }) : () -> ()
    } else {
    }
    %add3A_124 = arith.constant 96 : i32
    %add3A_125 = arith.addi %add3A_124, %arg1 : i32
    %lt3A_126 = arith.constant 125 : i32
    %lt3A_127 = arith.cmpi slt, %add3A_125, %lt3A_126 : i32
    %convert_element_type3A_128 = arith.extui %lt3A_127 : i1 to i32
    %cond3A_129 = arith.constant 0 : i32
    %cond3A_130 = arith.cmpi ne, %convert_element_type3A_128, %cond3A_129 : i32
    scf.if %cond3A_130 {
      %mul3A_431 = arith.constant 80 : i32
      %mul3A_432 = arith.muli %add3A_125, %mul3A_431 : i32
      %mul3A_433 = arith.constant 80 : i32
      %mul3A_434 = arith.muli %add3A_125, %mul3A_433 : i32
      "tpu.region"() ({
        %run_scoped3A = tpu.sem_alloc : memref<!tpu.dma_semaphore, #tpu.memory_space<semaphore_mem>>
        %dma_start3A_435 = arith.constant 0 : i32
        %dma_start3A_436 = tpu.memref_slice %arg5[%add3A_3, %mul3A_434, %dma_start3A_435] : memref<6x10000x128xf32, #tpu.memory_space<hbm>> -> memref<1x80x128xf32, #tpu.memory_space<hbm>>
        %dma_start3A_437 = tpu.memref_squeeze %dma_start3A_436 : memref<1x80x128xf32, #tpu.memory_space<hbm>> -> memref<80x128xf32, #tpu.memory_space<hbm>>
        %dma_start3A_438 = arith.constant 0 : i32
        %dma_start3A_439 = tpu.memref_slice %arg10[%mul3A_432, %dma_start3A_438] : memref<10000x128xf32, #tpu.memory_space<vmem_shared>> -> memref<80x128xf32, #tpu.memory_space<vmem_shared>>
        tpu.enqueue_dma source(%dma_start3A_439 : memref<80x128xf32, #tpu.memory_space<vmem_shared>>) target(%dma_start3A_437 : memref<80x128xf32, #tpu.memory_space<hbm>>) target_semaphore(%run_scoped3A : memref<!tpu.dma_semaphore, #tpu.memory_space<semaphore_mem>>)
        %dma_wait3A_440 = arith.constant 0 : i32
        %dma_wait3A_441 = tpu.memref_slice %arg5[%add3A_3, %mul3A_434, %dma_wait3A_440] : memref<6x10000x128xf32, #tpu.memory_space<hbm>> -> memref<1x80x128xf32, #tpu.memory_space<hbm>>
        %dma_wait3A_442 = tpu.memref_squeeze %dma_wait3A_441 : memref<1x80x128xf32, #tpu.memory_space<hbm>> -> memref<80x128xf32, #tpu.memory_space<hbm>>
        %dma_wait3A_443 = arith.constant 0 : i32
        %dma_wait3A_444 = tpu.memref_slice %arg10[%mul3A_432, %dma_wait3A_443] : memref<10000x128xf32, #tpu.memory_space<vmem_shared>> -> memref<80x128xf32, #tpu.memory_space<vmem_shared>>
        tpu.wait_dma2 semaphore(%run_scoped3A : memref<!tpu.dma_semaphore, #tpu.memory_space<semaphore_mem>>) src(%dma_wait3A_444 : memref<80x128xf32, #tpu.memory_space<vmem_shared>>) dst(%dma_wait3A_442 : memref<80x128xf32, #tpu.memory_space<hbm>>)
        tpu.yield
      }) : () -> ()
    } else {
    }
    %add3A_131 = arith.constant 112 : i32
    %add3A_132 = arith.addi %add3A_131, %arg1 : i32
    %lt3A_133 = arith.constant 125 : i32
    %lt3A_134 = arith.cmpi slt, %add3A_132, %lt3A_133 : i32
    %convert_element_type3A_135 = arith.extui %lt3A_134 : i1 to i32
    %cond3A_136 = arith.constant 0 : i32
    %cond3A_137 = arith.cmpi ne, %convert_element_type3A_135, %cond3A_136 : i32
    scf.if %cond3A_137 {
      %mul3A_431 = arith.constant 80 : i32
      %mul3A_432 = arith.muli %add3A_132, %mul3A_431 : i32
      %mul3A_433 = arith.constant 80 : i32
      %mul3A_434 = arith.muli %add3A_132, %mul3A_433 : i32
      "tpu.region"() ({
        %run_scoped3A = tpu.sem_alloc : memref<!tpu.dma_semaphore, #tpu.memory_space<semaphore_mem>>
        %dma_start3A_435 = arith.constant 0 : i32
        %dma_start3A_436 = tpu.memref_slice %arg5[%add3A_3, %mul3A_434, %dma_start3A_435] : memref<6x10000x128xf32, #tpu.memory_space<hbm>> -> memref<1x80x128xf32, #tpu.memory_space<hbm>>
        %dma_start3A_437 = tpu.memref_squeeze %dma_start3A_436 : memref<1x80x128xf32, #tpu.memory_space<hbm>> -> memref<80x128xf32, #tpu.memory_space<hbm>>
        %dma_start3A_438 = arith.constant 0 : i32
        %dma_start3A_439 = tpu.memref_slice %arg10[%mul3A_432, %dma_start3A_438] : memref<10000x128xf32, #tpu.memory_space<vmem_shared>> -> memref<80x128xf32, #tpu.memory_space<vmem_shared>>
        tpu.enqueue_dma source(%dma_start3A_439 : memref<80x128xf32, #tpu.memory_space<vmem_shared>>) target(%dma_start3A_437 : memref<80x128xf32, #tpu.memory_space<hbm>>) target_semaphore(%run_scoped3A : memref<!tpu.dma_semaphore, #tpu.memory_space<semaphore_mem>>)
        %dma_wait3A_440 = arith.constant 0 : i32
        %dma_wait3A_441 = tpu.memref_slice %arg5[%add3A_3, %mul3A_434, %dma_wait3A_440] : memref<6x10000x128xf32, #tpu.memory_space<hbm>> -> memref<1x80x128xf32, #tpu.memory_space<hbm>>
        %dma_wait3A_442 = tpu.memref_squeeze %dma_wait3A_441 : memref<1x80x128xf32, #tpu.memory_space<hbm>> -> memref<80x128xf32, #tpu.memory_space<hbm>>
        %dma_wait3A_443 = arith.constant 0 : i32
        %dma_wait3A_444 = tpu.memref_slice %arg10[%mul3A_432, %dma_wait3A_443] : memref<10000x128xf32, #tpu.memory_space<vmem_shared>> -> memref<80x128xf32, #tpu.memory_space<vmem_shared>>
        tpu.wait_dma2 semaphore(%run_scoped3A : memref<!tpu.dma_semaphore, #tpu.memory_space<semaphore_mem>>) src(%dma_wait3A_444 : memref<80x128xf32, #tpu.memory_space<vmem_shared>>) dst(%dma_wait3A_442 : memref<80x128xf32, #tpu.memory_space<hbm>>)
        tpu.yield
      }) : () -> ()
    } else {
    }
    %barrier3A_138 = arith.constant 0 : index
    tpu.barrier barrier_id(%barrier3A_138)
    %mul3A_139 = arith.constant 3 : i32
    %mul3A_140 = arith.muli %arg0, %mul3A_139 : i32
    %add3A_141 = arith.constant 1 : i32
    %add3A_142 = arith.addi %mul3A_140, %add3A_141 : i32
    %add3A_143 = arith.constant 0 : i32
    %add3A_144 = arith.addi %add3A_143, %arg1 : i32
    %lt3A_145 = arith.constant 125 : i32
    %lt3A_146 = arith.cmpi slt, %add3A_144, %lt3A_145 : i32
    %convert_element_type3A_147 = arith.extui %lt3A_146 : i1 to i32
    %cond3A_148 = arith.constant 0 : i32
    %cond3A_149 = arith.cmpi ne, %convert_element_type3A_147, %cond3A_148 : i32
    scf.if %cond3A_149 {
      %mul3A_431 = arith.constant 80 : i32
      %mul3A_432 = arith.muli %add3A_144, %mul3A_431 : i32
      %mul3A_433 = arith.constant 80 : i32
      %mul3A_434 = arith.muli %add3A_144, %mul3A_433 : i32
      "tpu.region"() ({
        %run_scoped3A = tpu.sem_alloc : memref<!tpu.dma_semaphore, #tpu.memory_space<semaphore_mem>>
        %dma_start3A_435 = arith.constant 0 : i32
        %dma_start3A_436 = tpu.memref_slice %arg10[%mul3A_434, %dma_start3A_435] : memref<10000x128xf32, #tpu.memory_space<vmem_shared>> -> memref<80x128xf32, #tpu.memory_space<vmem_shared>>
        %dma_start3A_437 = arith.constant 0 : i32
        %dma_start3A_438 = tpu.memref_slice %arg4[%mul3A_432, %dma_start3A_437] : memref<10000x128xf32, #tpu.memory_space<hbm>> -> memref<80x128xf32, #tpu.memory_space<hbm>>
        tpu.enqueue_dma source(%dma_start3A_438 : memref<80x128xf32, #tpu.memory_space<hbm>>) target(%dma_start3A_436 : memref<80x128xf32, #tpu.memory_space<vmem_shared>>) target_semaphore(%run_scoped3A : memref<!tpu.dma_semaphore, #tpu.memory_space<semaphore_mem>>)
        %dma_wait3A_439 = arith.constant 0 : i32
        %dma_wait3A_440 = tpu.memref_slice %arg10[%mul3A_434, %dma_wait3A_439] : memref<10000x128xf32, #tpu.memory_space<vmem_shared>> -> memref<80x128xf32, #tpu.memory_space<vmem_shared>>
        %dma_wait3A_441 = arith.constant 0 : i32
        %dma_wait3A_442 = tpu.memref_slice %arg4[%mul3A_432, %dma_wait3A_441] : memref<10000x128xf32, #tpu.memory_space<hbm>> -> memref<80x128xf32, #tpu.memory_space<hbm>>
        tpu.wait_dma2 semaphore(%run_scoped3A : memref<!tpu.dma_semaphore, #tpu.memory_space<semaphore_mem>>) src(%dma_wait3A_442 : memref<80x128xf32, #tpu.memory_space<hbm>>) dst(%dma_wait3A_440 : memref<80x128xf32, #tpu.memory_space<vmem_shared>>)
        tpu.yield
      }) : () -> ()
    } else {
    }
    %add3A_150 = arith.constant 16 : i32
    %add3A_151 = arith.addi %add3A_150, %arg1 : i32
    %lt3A_152 = arith.constant 125 : i32
    %lt3A_153 = arith.cmpi slt, %add3A_151, %lt3A_152 : i32
    %convert_element_type3A_154 = arith.extui %lt3A_153 : i1 to i32
    %cond3A_155 = arith.constant 0 : i32
    %cond3A_156 = arith.cmpi ne, %convert_element_type3A_154, %cond3A_155 : i32
    scf.if %cond3A_156 {
      %mul3A_431 = arith.constant 80 : i32
      %mul3A_432 = arith.muli %add3A_151, %mul3A_431 : i32
      %mul3A_433 = arith.constant 80 : i32
      %mul3A_434 = arith.muli %add3A_151, %mul3A_433 : i32
      "tpu.region"() ({
        %run_scoped3A = tpu.sem_alloc : memref<!tpu.dma_semaphore, #tpu.memory_space<semaphore_mem>>
        %dma_start3A_435 = arith.constant 0 : i32
        %dma_start3A_436 = tpu.memref_slice %arg10[%mul3A_434, %dma_start3A_435] : memref<10000x128xf32, #tpu.memory_space<vmem_shared>> -> memref<80x128xf32, #tpu.memory_space<vmem_shared>>
        %dma_start3A_437 = arith.constant 0 : i32
        %dma_start3A_438 = tpu.memref_slice %arg4[%mul3A_432, %dma_start3A_437] : memref<10000x128xf32, #tpu.memory_space<hbm>> -> memref<80x128xf32, #tpu.memory_space<hbm>>
        tpu.enqueue_dma source(%dma_start3A_438 : memref<80x128xf32, #tpu.memory_space<hbm>>) target(%dma_start3A_436 : memref<80x128xf32, #tpu.memory_space<vmem_shared>>) target_semaphore(%run_scoped3A : memref<!tpu.dma_semaphore, #tpu.memory_space<semaphore_mem>>)
        %dma_wait3A_439 = arith.constant 0 : i32
        %dma_wait3A_440 = tpu.memref_slice %arg10[%mul3A_434, %dma_wait3A_439] : memref<10000x128xf32, #tpu.memory_space<vmem_shared>> -> memref<80x128xf32, #tpu.memory_space<vmem_shared>>
        %dma_wait3A_441 = arith.constant 0 : i32
        %dma_wait3A_442 = tpu.memref_slice %arg4[%mul3A_432, %dma_wait3A_441] : memref<10000x128xf32, #tpu.memory_space<hbm>> -> memref<80x128xf32, #tpu.memory_space<hbm>>
        tpu.wait_dma2 semaphore(%run_scoped3A : memref<!tpu.dma_semaphore, #tpu.memory_space<semaphore_mem>>) src(%dma_wait3A_442 : memref<80x128xf32, #tpu.memory_space<hbm>>) dst(%dma_wait3A_440 : memref<80x128xf32, #tpu.memory_space<vmem_shared>>)
        tpu.yield
      }) : () -> ()
    } else {
    }
    %add3A_157 = arith.constant 32 : i32
    %add3A_158 = arith.addi %add3A_157, %arg1 : i32
    %lt3A_159 = arith.constant 125 : i32
    %lt3A_160 = arith.cmpi slt, %add3A_158, %lt3A_159 : i32
    %convert_element_type3A_161 = arith.extui %lt3A_160 : i1 to i32
    %cond3A_162 = arith.constant 0 : i32
    %cond3A_163 = arith.cmpi ne, %convert_element_type3A_161, %cond3A_162 : i32
    scf.if %cond3A_163 {
      %mul3A_431 = arith.constant 80 : i32
      %mul3A_432 = arith.muli %add3A_158, %mul3A_431 : i32
      %mul3A_433 = arith.constant 80 : i32
      %mul3A_434 = arith.muli %add3A_158, %mul3A_433 : i32
      "tpu.region"() ({
        %run_scoped3A = tpu.sem_alloc : memref<!tpu.dma_semaphore, #tpu.memory_space<semaphore_mem>>
        %dma_start3A_435 = arith.constant 0 : i32
        %dma_start3A_436 = tpu.memref_slice %arg10[%mul3A_434, %dma_start3A_435] : memref<10000x128xf32, #tpu.memory_space<vmem_shared>> -> memref<80x128xf32, #tpu.memory_space<vmem_shared>>
        %dma_start3A_437 = arith.constant 0 : i32
        %dma_start3A_438 = tpu.memref_slice %arg4[%mul3A_432, %dma_start3A_437] : memref<10000x128xf32, #tpu.memory_space<hbm>> -> memref<80x128xf32, #tpu.memory_space<hbm>>
        tpu.enqueue_dma source(%dma_start3A_438 : memref<80x128xf32, #tpu.memory_space<hbm>>) target(%dma_start3A_436 : memref<80x128xf32, #tpu.memory_space<vmem_shared>>) target_semaphore(%run_scoped3A : memref<!tpu.dma_semaphore, #tpu.memory_space<semaphore_mem>>)
        %dma_wait3A_439 = arith.constant 0 : i32
        %dma_wait3A_440 = tpu.memref_slice %arg10[%mul3A_434, %dma_wait3A_439] : memref<10000x128xf32, #tpu.memory_space<vmem_shared>> -> memref<80x128xf32, #tpu.memory_space<vmem_shared>>
        %dma_wait3A_441 = arith.constant 0 : i32
        %dma_wait3A_442 = tpu.memref_slice %arg4[%mul3A_432, %dma_wait3A_441] : memref<10000x128xf32, #tpu.memory_space<hbm>> -> memref<80x128xf32, #tpu.memory_space<hbm>>
        tpu.wait_dma2 semaphore(%run_scoped3A : memref<!tpu.dma_semaphore, #tpu.memory_space<semaphore_mem>>) src(%dma_wait3A_442 : memref<80x128xf32, #tpu.memory_space<hbm>>) dst(%dma_wait3A_440 : memref<80x128xf32, #tpu.memory_space<vmem_shared>>)
        tpu.yield
      }) : () -> ()
    } else {
    }
    %add3A_164 = arith.constant 48 : i32
    %add3A_165 = arith.addi %add3A_164, %arg1 : i32
    %lt3A_166 = arith.constant 125 : i32
    %lt3A_167 = arith.cmpi slt, %add3A_165, %lt3A_166 : i32
    %convert_element_type3A_168 = arith.extui %lt3A_167 : i1 to i32
    %cond3A_169 = arith.constant 0 : i32
    %cond3A_170 = arith.cmpi ne, %convert_element_type3A_168, %cond3A_169 : i32
    scf.if %cond3A_170 {
      %mul3A_431 = arith.constant 80 : i32
      %mul3A_432 = arith.muli %add3A_165, %mul3A_431 : i32
      %mul3A_433 = arith.constant 80 : i32
      %mul3A_434 = arith.muli %add3A_165, %mul3A_433 : i32
      "tpu.region"() ({
        %run_scoped3A = tpu.sem_alloc : memref<!tpu.dma_semaphore, #tpu.memory_space<semaphore_mem>>
        %dma_start3A_435 = arith.constant 0 : i32
        %dma_start3A_436 = tpu.memref_slice %arg10[%mul3A_434, %dma_start3A_435] : memref<10000x128xf32, #tpu.memory_space<vmem_shared>> -> memref<80x128xf32, #tpu.memory_space<vmem_shared>>
        %dma_start3A_437 = arith.constant 0 : i32
        %dma_start3A_438 = tpu.memref_slice %arg4[%mul3A_432, %dma_start3A_437] : memref<10000x128xf32, #tpu.memory_space<hbm>> -> memref<80x128xf32, #tpu.memory_space<hbm>>
        tpu.enqueue_dma source(%dma_start3A_438 : memref<80x128xf32, #tpu.memory_space<hbm>>) target(%dma_start3A_436 : memref<80x128xf32, #tpu.memory_space<vmem_shared>>) target_semaphore(%run_scoped3A : memref<!tpu.dma_semaphore, #tpu.memory_space<semaphore_mem>>)
        %dma_wait3A_439 = arith.constant 0 : i32
        %dma_wait3A_440 = tpu.memref_slice %arg10[%mul3A_434, %dma_wait3A_439] : memref<10000x128xf32, #tpu.memory_space<vmem_shared>> -> memref<80x128xf32, #tpu.memory_space<vmem_shared>>
        %dma_wait3A_441 = arith.constant 0 : i32
        %dma_wait3A_442 = tpu.memref_slice %arg4[%mul3A_432, %dma_wait3A_441] : memref<10000x128xf32, #tpu.memory_space<hbm>> -> memref<80x128xf32, #tpu.memory_space<hbm>>
        tpu.wait_dma2 semaphore(%run_scoped3A : memref<!tpu.dma_semaphore, #tpu.memory_space<semaphore_mem>>) src(%dma_wait3A_442 : memref<80x128xf32, #tpu.memory_space<hbm>>) dst(%dma_wait3A_440 : memref<80x128xf32, #tpu.memory_space<vmem_shared>>)
        tpu.yield
      }) : () -> ()
    } else {
    }
    %add3A_171 = arith.constant 64 : i32
    %add3A_172 = arith.addi %add3A_171, %arg1 : i32
    %lt3A_173 = arith.constant 125 : i32
    %lt3A_174 = arith.cmpi slt, %add3A_172, %lt3A_173 : i32
    %convert_element_type3A_175 = arith.extui %lt3A_174 : i1 to i32
    %cond3A_176 = arith.constant 0 : i32
    %cond3A_177 = arith.cmpi ne, %convert_element_type3A_175, %cond3A_176 : i32
    scf.if %cond3A_177 {
      %mul3A_431 = arith.constant 80 : i32
      %mul3A_432 = arith.muli %add3A_172, %mul3A_431 : i32
      %mul3A_433 = arith.constant 80 : i32
      %mul3A_434 = arith.muli %add3A_172, %mul3A_433 : i32
      "tpu.region"() ({
        %run_scoped3A = tpu.sem_alloc : memref<!tpu.dma_semaphore, #tpu.memory_space<semaphore_mem>>
        %dma_start3A_435 = arith.constant 0 : i32
        %dma_start3A_436 = tpu.memref_slice %arg10[%mul3A_434, %dma_start3A_435] : memref<10000x128xf32, #tpu.memory_space<vmem_shared>> -> memref<80x128xf32, #tpu.memory_space<vmem_shared>>
        %dma_start3A_437 = arith.constant 0 : i32
        %dma_start3A_438 = tpu.memref_slice %arg4[%mul3A_432, %dma_start3A_437] : memref<10000x128xf32, #tpu.memory_space<hbm>> -> memref<80x128xf32, #tpu.memory_space<hbm>>
        tpu.enqueue_dma source(%dma_start3A_438 : memref<80x128xf32, #tpu.memory_space<hbm>>) target(%dma_start3A_436 : memref<80x128xf32, #tpu.memory_space<vmem_shared>>) target_semaphore(%run_scoped3A : memref<!tpu.dma_semaphore, #tpu.memory_space<semaphore_mem>>)
        %dma_wait3A_439 = arith.constant 0 : i32
        %dma_wait3A_440 = tpu.memref_slice %arg10[%mul3A_434, %dma_wait3A_439] : memref<10000x128xf32, #tpu.memory_space<vmem_shared>> -> memref<80x128xf32, #tpu.memory_space<vmem_shared>>
        %dma_wait3A_441 = arith.constant 0 : i32
        %dma_wait3A_442 = tpu.memref_slice %arg4[%mul3A_432, %dma_wait3A_441] : memref<10000x128xf32, #tpu.memory_space<hbm>> -> memref<80x128xf32, #tpu.memory_space<hbm>>
        tpu.wait_dma2 semaphore(%run_scoped3A : memref<!tpu.dma_semaphore, #tpu.memory_space<semaphore_mem>>) src(%dma_wait3A_442 : memref<80x128xf32, #tpu.memory_space<hbm>>) dst(%dma_wait3A_440 : memref<80x128xf32, #tpu.memory_space<vmem_shared>>)
        tpu.yield
      }) : () -> ()
    } else {
    }
    %add3A_178 = arith.constant 80 : i32
    %add3A_179 = arith.addi %add3A_178, %arg1 : i32
    %lt3A_180 = arith.constant 125 : i32
    %lt3A_181 = arith.cmpi slt, %add3A_179, %lt3A_180 : i32
    %convert_element_type3A_182 = arith.extui %lt3A_181 : i1 to i32
    %cond3A_183 = arith.constant 0 : i32
    %cond3A_184 = arith.cmpi ne, %convert_element_type3A_182, %cond3A_183 : i32
    scf.if %cond3A_184 {
      %mul3A_431 = arith.constant 80 : i32
      %mul3A_432 = arith.muli %add3A_179, %mul3A_431 : i32
      %mul3A_433 = arith.constant 80 : i32
      %mul3A_434 = arith.muli %add3A_179, %mul3A_433 : i32
      "tpu.region"() ({
        %run_scoped3A = tpu.sem_alloc : memref<!tpu.dma_semaphore, #tpu.memory_space<semaphore_mem>>
        %dma_start3A_435 = arith.constant 0 : i32
        %dma_start3A_436 = tpu.memref_slice %arg10[%mul3A_434, %dma_start3A_435] : memref<10000x128xf32, #tpu.memory_space<vmem_shared>> -> memref<80x128xf32, #tpu.memory_space<vmem_shared>>
        %dma_start3A_437 = arith.constant 0 : i32
        %dma_start3A_438 = tpu.memref_slice %arg4[%mul3A_432, %dma_start3A_437] : memref<10000x128xf32, #tpu.memory_space<hbm>> -> memref<80x128xf32, #tpu.memory_space<hbm>>
        tpu.enqueue_dma source(%dma_start3A_438 : memref<80x128xf32, #tpu.memory_space<hbm>>) target(%dma_start3A_436 : memref<80x128xf32, #tpu.memory_space<vmem_shared>>) target_semaphore(%run_scoped3A : memref<!tpu.dma_semaphore, #tpu.memory_space<semaphore_mem>>)
        %dma_wait3A_439 = arith.constant 0 : i32
        %dma_wait3A_440 = tpu.memref_slice %arg10[%mul3A_434, %dma_wait3A_439] : memref<10000x128xf32, #tpu.memory_space<vmem_shared>> -> memref<80x128xf32, #tpu.memory_space<vmem_shared>>
        %dma_wait3A_441 = arith.constant 0 : i32
        %dma_wait3A_442 = tpu.memref_slice %arg4[%mul3A_432, %dma_wait3A_441] : memref<10000x128xf32, #tpu.memory_space<hbm>> -> memref<80x128xf32, #tpu.memory_space<hbm>>
        tpu.wait_dma2 semaphore(%run_scoped3A : memref<!tpu.dma_semaphore, #tpu.memory_space<semaphore_mem>>) src(%dma_wait3A_442 : memref<80x128xf32, #tpu.memory_space<hbm>>) dst(%dma_wait3A_440 : memref<80x128xf32, #tpu.memory_space<vmem_shared>>)
        tpu.yield
      }) : () -> ()
    } else {
    }
    %add3A_185 = arith.constant 96 : i32
    %add3A_186 = arith.addi %add3A_185, %arg1 : i32
    %lt3A_187 = arith.constant 125 : i32
    %lt3A_188 = arith.cmpi slt, %add3A_186, %lt3A_187 : i32
    %convert_element_type3A_189 = arith.extui %lt3A_188 : i1 to i32
    %cond3A_190 = arith.constant 0 : i32
    %cond3A_191 = arith.cmpi ne, %convert_element_type3A_189, %cond3A_190 : i32
    scf.if %cond3A_191 {
      %mul3A_431 = arith.constant 80 : i32
      %mul3A_432 = arith.muli %add3A_186, %mul3A_431 : i32
      %mul3A_433 = arith.constant 80 : i32
      %mul3A_434 = arith.muli %add3A_186, %mul3A_433 : i32
      "tpu.region"() ({
        %run_scoped3A = tpu.sem_alloc : memref<!tpu.dma_semaphore, #tpu.memory_space<semaphore_mem>>
        %dma_start3A_435 = arith.constant 0 : i32
        %dma_start3A_436 = tpu.memref_slice %arg10[%mul3A_434, %dma_start3A_435] : memref<10000x128xf32, #tpu.memory_space<vmem_shared>> -> memref<80x128xf32, #tpu.memory_space<vmem_shared>>
        %dma_start3A_437 = arith.constant 0 : i32
        %dma_start3A_438 = tpu.memref_slice %arg4[%mul3A_432, %dma_start3A_437] : memref<10000x128xf32, #tpu.memory_space<hbm>> -> memref<80x128xf32, #tpu.memory_space<hbm>>
        tpu.enqueue_dma source(%dma_start3A_438 : memref<80x128xf32, #tpu.memory_space<hbm>>) target(%dma_start3A_436 : memref<80x128xf32, #tpu.memory_space<vmem_shared>>) target_semaphore(%run_scoped3A : memref<!tpu.dma_semaphore, #tpu.memory_space<semaphore_mem>>)
        %dma_wait3A_439 = arith.constant 0 : i32
        %dma_wait3A_440 = tpu.memref_slice %arg10[%mul3A_434, %dma_wait3A_439] : memref<10000x128xf32, #tpu.memory_space<vmem_shared>> -> memref<80x128xf32, #tpu.memory_space<vmem_shared>>
        %dma_wait3A_441 = arith.constant 0 : i32
        %dma_wait3A_442 = tpu.memref_slice %arg4[%mul3A_432, %dma_wait3A_441] : memref<10000x128xf32, #tpu.memory_space<hbm>> -> memref<80x128xf32, #tpu.memory_space<hbm>>
        tpu.wait_dma2 semaphore(%run_scoped3A : memref<!tpu.dma_semaphore, #tpu.memory_space<semaphore_mem>>) src(%dma_wait3A_442 : memref<80x128xf32, #tpu.memory_space<hbm>>) dst(%dma_wait3A_440 : memref<80x128xf32, #tpu.memory_space<vmem_shared>>)
        tpu.yield
      }) : () -> ()
    } else {
    }
    %add3A_192 = arith.constant 112 : i32
    %add3A_193 = arith.addi %add3A_192, %arg1 : i32
    %lt3A_194 = arith.constant 125 : i32
    %lt3A_195 = arith.cmpi slt, %add3A_193, %lt3A_194 : i32
    %convert_element_type3A_196 = arith.extui %lt3A_195 : i1 to i32
    %cond3A_197 = arith.constant 0 : i32
    %cond3A_198 = arith.cmpi ne, %convert_element_type3A_196, %cond3A_197 : i32
    scf.if %cond3A_198 {
      %mul3A_431 = arith.constant 80 : i32
      %mul3A_432 = arith.muli %add3A_193, %mul3A_431 : i32
      %mul3A_433 = arith.constant 80 : i32
      %mul3A_434 = arith.muli %add3A_193, %mul3A_433 : i32
      "tpu.region"() ({
        %run_scoped3A = tpu.sem_alloc : memref<!tpu.dma_semaphore, #tpu.memory_space<semaphore_mem>>
        %dma_start3A_435 = arith.constant 0 : i32
        %dma_start3A_436 = tpu.memref_slice %arg10[%mul3A_434, %dma_start3A_435] : memref<10000x128xf32, #tpu.memory_space<vmem_shared>> -> memref<80x128xf32, #tpu.memory_space<vmem_shared>>
        %dma_start3A_437 = arith.constant 0 : i32
        %dma_start3A_438 = tpu.memref_slice %arg4[%mul3A_432, %dma_start3A_437] : memref<10000x128xf32, #tpu.memory_space<hbm>> -> memref<80x128xf32, #tpu.memory_space<hbm>>
        tpu.enqueue_dma source(%dma_start3A_438 : memref<80x128xf32, #tpu.memory_space<hbm>>) target(%dma_start3A_436 : memref<80x128xf32, #tpu.memory_space<vmem_shared>>) target_semaphore(%run_scoped3A : memref<!tpu.dma_semaphore, #tpu.memory_space<semaphore_mem>>)
        %dma_wait3A_439 = arith.constant 0 : i32
        %dma_wait3A_440 = tpu.memref_slice %arg10[%mul3A_434, %dma_wait3A_439] : memref<10000x128xf32, #tpu.memory_space<vmem_shared>> -> memref<80x128xf32, #tpu.memory_space<vmem_shared>>
        %dma_wait3A_441 = arith.constant 0 : i32
        %dma_wait3A_442 = tpu.memref_slice %arg4[%mul3A_432, %dma_wait3A_441] : memref<10000x128xf32, #tpu.memory_space<hbm>> -> memref<80x128xf32, #tpu.memory_space<hbm>>
        tpu.wait_dma2 semaphore(%run_scoped3A : memref<!tpu.dma_semaphore, #tpu.memory_space<semaphore_mem>>) src(%dma_wait3A_442 : memref<80x128xf32, #tpu.memory_space<hbm>>) dst(%dma_wait3A_440 : memref<80x128xf32, #tpu.memory_space<vmem_shared>>)
        tpu.yield
      }) : () -> ()
    } else {
    }
    %barrier3A_199 = arith.constant 0 : index
    tpu.barrier barrier_id(%barrier3A_199)
    %add3A_200 = arith.constant 0 : i32
    %add3A_201 = arith.addi %mul3A_0, %add3A_200 : i32
    %dma_start3A_202 = tpu.memref_slice %arg3[%add3A_201] : memref<160000xi32, #tpu.memory_space<hbm>> -> memref<80xi32, #tpu.memory_space<hbm>>
    %dma_start3A_203 = tpu.memref_slice %arg3[%add3A_201] : memref<160000xi32, #tpu.memory_space<hbm>> -> memref<80xi32, #tpu.memory_space<hbm>>
    tpu.enqueue_dma source(%dma_start3A_203 : memref<80xi32, #tpu.memory_space<hbm>>) target(%arg6 : memref<80xi32, #tpu.memory_space<vmem>>) target_semaphore(%arg11 : memref<!tpu.dma_semaphore, #tpu.memory_space<semaphore_mem>>)
    %dma_start3A_204 = arith.constant 0 : i32
    %dma_start3A_205 = tpu.memref_slice %arg2[%add3A_142, %add3A_201, %dma_start3A_204] : memref<6x160000x128xf32, #tpu.memory_space<hbm>> -> memref<1x80x128xf32, #tpu.memory_space<hbm>>
    %dma_start3A_206 = tpu.memref_squeeze %dma_start3A_205 : memref<1x80x128xf32, #tpu.memory_space<hbm>> -> memref<80x128xf32, #tpu.memory_space<hbm>>
    %dma_start3A_207 = arith.constant 0 : i32
    %dma_start3A_208 = tpu.memref_slice %arg2[%add3A_142, %add3A_201, %dma_start3A_207] : memref<6x160000x128xf32, #tpu.memory_space<hbm>> -> memref<1x80x128xf32, #tpu.memory_space<hbm>>
    %dma_start3A_209 = tpu.memref_squeeze %dma_start3A_208 : memref<1x80x128xf32, #tpu.memory_space<hbm>> -> memref<80x128xf32, #tpu.memory_space<hbm>>
    tpu.enqueue_dma source(%dma_start3A_209 : memref<80x128xf32, #tpu.memory_space<hbm>>) target(%arg8 : memref<80x128xf32, #tpu.memory_space<vmem>>) target_semaphore(%arg13 : memref<!tpu.dma_semaphore, #tpu.memory_space<semaphore_mem>>)
    %scan3A_210 = arith.constant 0 : i32
    %scan3A_211 = arith.constant 0 : i32
    %scan3A_212 = arith.constant 62 : i32
    %scan3A_213 = arith.addi %scan3A_211, %scan3A_212 : i32
    %scan3A_214 = arith.constant 1 : i32
    %scan3A_215 = scf.for %scan3A_431 = %scan3A_211 to %scan3A_213 step %scan3A_214 iter_args(%scan3A_432 = %scan3A_210) -> (i32)  : i32 {
      %mul3A_433 = arith.constant 2 : i32
      %mul3A_434 = arith.muli %mul3A_433, %scan3A_431 : i32
      %add3A_435 = arith.constant 1 : i32
      %add3A_436 = arith.addi %mul3A_434, %add3A_435 : i32
      %mul3A_437 = arith.constant 80 : i32
      %mul3A_438 = arith.muli %add3A_436, %mul3A_437 : i32
      %add3A_439 = arith.addi %mul3A_0, %mul3A_438 : i32
      %dma_start3A_440 = tpu.memref_slice %arg3[%add3A_439] : memref<160000xi32, #tpu.memory_space<hbm>> -> memref<80xi32, #tpu.memory_space<hbm>>
      %dma_start3A_441 = tpu.memref_slice %arg3[%add3A_439] : memref<160000xi32, #tpu.memory_space<hbm>> -> memref<80xi32, #tpu.memory_space<hbm>>
      tpu.enqueue_dma source(%dma_start3A_441 : memref<80xi32, #tpu.memory_space<hbm>>) target(%arg7 : memref<80xi32, #tpu.memory_space<vmem>>) target_semaphore(%arg12 : memref<!tpu.dma_semaphore, #tpu.memory_space<semaphore_mem>>)
      %dma_start3A_442 = arith.constant 0 : i32
      %dma_start3A_443 = tpu.memref_slice %arg2[%add3A_142, %add3A_439, %dma_start3A_442] : memref<6x160000x128xf32, #tpu.memory_space<hbm>> -> memref<1x80x128xf32, #tpu.memory_space<hbm>>
      %dma_start3A_444 = tpu.memref_squeeze %dma_start3A_443 : memref<1x80x128xf32, #tpu.memory_space<hbm>> -> memref<80x128xf32, #tpu.memory_space<hbm>>
      %dma_start3A_445 = arith.constant 0 : i32
      %dma_start3A_446 = tpu.memref_slice %arg2[%add3A_142, %add3A_439, %dma_start3A_445] : memref<6x160000x128xf32, #tpu.memory_space<hbm>> -> memref<1x80x128xf32, #tpu.memory_space<hbm>>
      %dma_start3A_447 = tpu.memref_squeeze %dma_start3A_446 : memref<1x80x128xf32, #tpu.memory_space<hbm>> -> memref<80x128xf32, #tpu.memory_space<hbm>>
      tpu.enqueue_dma source(%dma_start3A_447 : memref<80x128xf32, #tpu.memory_space<hbm>>) target(%arg9 : memref<80x128xf32, #tpu.memory_space<vmem>>) target_semaphore(%arg14 : memref<!tpu.dma_semaphore, #tpu.memory_space<semaphore_mem>>)
      %mul3A_448 = arith.constant 80 : i32
      %mul3A_449 = arith.muli %mul3A_434, %mul3A_448 : i32
      %add3A_450 = arith.addi %mul3A_0, %mul3A_449 : i32
      %dma_wait3A_451 = tpu.memref_slice %arg3[%add3A_450] : memref<160000xi32, #tpu.memory_space<hbm>> -> memref<80xi32, #tpu.memory_space<hbm>>
      %dma_wait3A_452 = tpu.memref_slice %arg3[%add3A_450] : memref<160000xi32, #tpu.memory_space<hbm>> -> memref<80xi32, #tpu.memory_space<hbm>>
      tpu.wait_dma2 semaphore(%arg11 : memref<!tpu.dma_semaphore, #tpu.memory_space<semaphore_mem>>) src(%dma_wait3A_452 : memref<80xi32, #tpu.memory_space<hbm>>) dst(%arg6 : memref<80xi32, #tpu.memory_space<vmem>>)
      %dma_wait3A_453 = arith.constant 0 : i32
      %dma_wait3A_454 = tpu.memref_slice %arg2[%add3A_142, %add3A_450, %dma_wait3A_453] : memref<6x160000x128xf32, #tpu.memory_space<hbm>> -> memref<1x80x128xf32, #tpu.memory_space<hbm>>
      %dma_wait3A_455 = tpu.memref_squeeze %dma_wait3A_454 : memref<1x80x128xf32, #tpu.memory_space<hbm>> -> memref<80x128xf32, #tpu.memory_space<hbm>>
      %dma_wait3A_456 = arith.constant 0 : i32
      %dma_wait3A_457 = tpu.memref_slice %arg2[%add3A_142, %add3A_450, %dma_wait3A_456] : memref<6x160000x128xf32, #tpu.memory_space<hbm>> -> memref<1x80x128xf32, #tpu.memory_space<hbm>>
      %dma_wait3A_458 = tpu.memref_squeeze %dma_wait3A_457 : memref<1x80x128xf32, #tpu.memory_space<hbm>> -> memref<80x128xf32, #tpu.memory_space<hbm>>
      tpu.wait_dma2 semaphore(%arg13 : memref<!tpu.dma_semaphore, #tpu.memory_space<semaphore_mem>>) src(%dma_wait3A_458 : memref<80x128xf32, #tpu.memory_space<hbm>>) dst(%arg8 : memref<80x128xf32, #tpu.memory_space<vmem>>)
      "tpu.region"() ({
        %run_scoped3A = tpu.sem_alloc : memref<!tpu.dma_semaphore, #tpu.memory_space<semaphore_mem>>
        %dma_start3A_480 = arith.constant 0 : i32
        %dma_start3A_481 = arith.constant 0 : i32
        %dma_start3A_482 = tpu.memref_slice %arg10[%dma_start3A_480, %dma_start3A_481] : memref<10000x128xf32, #tpu.memory_space<vmem_shared>> -> memref<10000x128xf32, #tpu.memory_space<vmem_shared>>
        tpu.enqueue_indirect_dma source(%arg8 : memref<80x128xf32, #tpu.memory_space<vmem>>) target(%dma_start3A_482 : memref<10000x128xf32, #tpu.memory_space<vmem_shared>>) offsets(%arg6 : memref<80xi32, #tpu.memory_space<vmem>>) semaphore(%run_scoped3A : memref<!tpu.dma_semaphore, #tpu.memory_space<semaphore_mem>>) {add = true}
        %dma_wait3A_483 = arith.constant 0 : i32
        %dma_wait3A_484 = arith.constant 0 : i32
        %dma_wait3A_485 = tpu.memref_slice %arg10[%dma_wait3A_483, %dma_wait3A_484] : memref<10000x128xf32, #tpu.memory_space<vmem_shared>> -> memref<10000x128xf32, #tpu.memory_space<vmem_shared>>
        tpu.wait_indirect_dma semaphore(%run_scoped3A : memref<!tpu.dma_semaphore, #tpu.memory_space<semaphore_mem>>) src(%arg8 : memref<80x128xf32, #tpu.memory_space<vmem>>) dst(%dma_wait3A_485 : memref<10000x128xf32, #tpu.memory_space<vmem_shared>>)
        tpu.yield
      }) : () -> ()
      %add3A_459 = arith.constant 2 : i32
      %add3A_460 = arith.addi %mul3A_434, %add3A_459 : i32
      %lt3A_461 = arith.constant 125 : i32
      %lt3A_462 = arith.cmpi slt, %add3A_460, %lt3A_461 : i32
      %convert_element_type3A_463 = arith.extui %lt3A_462 : i1 to i32
      %cond3A_464 = arith.constant 0 : i32
      %cond3A_465 = arith.cmpi ne, %convert_element_type3A_463, %cond3A_464 : i32
      scf.if %cond3A_465 {
        %add3A_480 = arith.constant 2 : i32
        %add3A_481 = arith.addi %mul3A_434, %add3A_480 : i32
        %mul3A_482 = arith.constant 80 : i32
        %mul3A_483 = arith.muli %add3A_481, %mul3A_482 : i32
        %add3A_484 = arith.addi %mul3A_0, %mul3A_483 : i32
        %dma_start3A_485 = tpu.memref_slice %arg3[%add3A_484] : memref<160000xi32, #tpu.memory_space<hbm>> -> memref<80xi32, #tpu.memory_space<hbm>>
        %dma_start3A_486 = tpu.memref_slice %arg3[%add3A_484] : memref<160000xi32, #tpu.memory_space<hbm>> -> memref<80xi32, #tpu.memory_space<hbm>>
        tpu.enqueue_dma source(%dma_start3A_486 : memref<80xi32, #tpu.memory_space<hbm>>) target(%arg6 : memref<80xi32, #tpu.memory_space<vmem>>) target_semaphore(%arg11 : memref<!tpu.dma_semaphore, #tpu.memory_space<semaphore_mem>>)
        %dma_start3A_487 = arith.constant 0 : i32
        %dma_start3A_488 = tpu.memref_slice %arg2[%add3A_142, %add3A_484, %dma_start3A_487] : memref<6x160000x128xf32, #tpu.memory_space<hbm>> -> memref<1x80x128xf32, #tpu.memory_space<hbm>>
        %dma_start3A_489 = tpu.memref_squeeze %dma_start3A_488 : memref<1x80x128xf32, #tpu.memory_space<hbm>> -> memref<80x128xf32, #tpu.memory_space<hbm>>
        %dma_start3A_490 = arith.constant 0 : i32
        %dma_start3A_491 = tpu.memref_slice %arg2[%add3A_142, %add3A_484, %dma_start3A_490] : memref<6x160000x128xf32, #tpu.memory_space<hbm>> -> memref<1x80x128xf32, #tpu.memory_space<hbm>>
        %dma_start3A_492 = tpu.memref_squeeze %dma_start3A_491 : memref<1x80x128xf32, #tpu.memory_space<hbm>> -> memref<80x128xf32, #tpu.memory_space<hbm>>
        tpu.enqueue_dma source(%dma_start3A_492 : memref<80x128xf32, #tpu.memory_space<hbm>>) target(%arg8 : memref<80x128xf32, #tpu.memory_space<vmem>>) target_semaphore(%arg13 : memref<!tpu.dma_semaphore, #tpu.memory_space<semaphore_mem>>)
      } else {
      }
      %add3A_466 = arith.constant 1 : i32
      %add3A_467 = arith.addi %mul3A_434, %add3A_466 : i32
      %mul3A_468 = arith.constant 80 : i32
      %mul3A_469 = arith.muli %add3A_467, %mul3A_468 : i32
      %add3A_470 = arith.addi %mul3A_0, %mul3A_469 : i32
      %dma_wait3A_471 = tpu.memref_slice %arg3[%add3A_470] : memref<160000xi32, #tpu.memory_space<hbm>> -> memref<80xi32, #tpu.memory_space<hbm>>
      %dma_wait3A_472 = tpu.memref_slice %arg3[%add3A_470] : memref<160000xi32, #tpu.memory_space<hbm>> -> memref<80xi32, #tpu.memory_space<hbm>>
      tpu.wait_dma2 semaphore(%arg12 : memref<!tpu.dma_semaphore, #tpu.memory_space<semaphore_mem>>) src(%dma_wait3A_472 : memref<80xi32, #tpu.memory_space<hbm>>) dst(%arg7 : memref<80xi32, #tpu.memory_space<vmem>>)
      %dma_wait3A_473 = arith.constant 0 : i32
      %dma_wait3A_474 = tpu.memref_slice %arg2[%add3A_142, %add3A_470, %dma_wait3A_473] : memref<6x160000x128xf32, #tpu.memory_space<hbm>> -> memref<1x80x128xf32, #tpu.memory_space<hbm>>
      %dma_wait3A_475 = tpu.memref_squeeze %dma_wait3A_474 : memref<1x80x128xf32, #tpu.memory_space<hbm>> -> memref<80x128xf32, #tpu.memory_space<hbm>>
      %dma_wait3A_476 = arith.constant 0 : i32
      %dma_wait3A_477 = tpu.memref_slice %arg2[%add3A_142, %add3A_470, %dma_wait3A_476] : memref<6x160000x128xf32, #tpu.memory_space<hbm>> -> memref<1x80x128xf32, #tpu.memory_space<hbm>>
      %dma_wait3A_478 = tpu.memref_squeeze %dma_wait3A_477 : memref<1x80x128xf32, #tpu.memory_space<hbm>> -> memref<80x128xf32, #tpu.memory_space<hbm>>
      tpu.wait_dma2 semaphore(%arg14 : memref<!tpu.dma_semaphore, #tpu.memory_space<semaphore_mem>>) src(%dma_wait3A_478 : memref<80x128xf32, #tpu.memory_space<hbm>>) dst(%arg9 : memref<80x128xf32, #tpu.memory_space<vmem>>)
      "tpu.region"() ({
        %run_scoped3A = tpu.sem_alloc : memref<!tpu.dma_semaphore, #tpu.memory_space<semaphore_mem>>
        %dma_start3A_480 = arith.constant 0 : i32
        %dma_start3A_481 = arith.constant 0 : i32
        %dma_start3A_482 = tpu.memref_slice %arg10[%dma_start3A_480, %dma_start3A_481] : memref<10000x128xf32, #tpu.memory_space<vmem_shared>> -> memref<10000x128xf32, #tpu.memory_space<vmem_shared>>
        tpu.enqueue_indirect_dma source(%arg9 : memref<80x128xf32, #tpu.memory_space<vmem>>) target(%dma_start3A_482 : memref<10000x128xf32, #tpu.memory_space<vmem_shared>>) offsets(%arg7 : memref<80xi32, #tpu.memory_space<vmem>>) semaphore(%run_scoped3A : memref<!tpu.dma_semaphore, #tpu.memory_space<semaphore_mem>>) {add = true}
        %dma_wait3A_483 = arith.constant 0 : i32
        %dma_wait3A_484 = arith.constant 0 : i32
        %dma_wait3A_485 = tpu.memref_slice %arg10[%dma_wait3A_483, %dma_wait3A_484] : memref<10000x128xf32, #tpu.memory_space<vmem_shared>> -> memref<10000x128xf32, #tpu.memory_space<vmem_shared>>
        tpu.wait_indirect_dma semaphore(%run_scoped3A : memref<!tpu.dma_semaphore, #tpu.memory_space<semaphore_mem>>) src(%arg9 : memref<80x128xf32, #tpu.memory_space<vmem>>) dst(%dma_wait3A_485 : memref<10000x128xf32, #tpu.memory_space<vmem_shared>>)
        tpu.yield
      }) : () -> ()
      %scan3A_479 = arith.constant 0 : i32
      scf.yield %scan3A_479 : i32
    }
    %scan3A_216 = arith.constant 62 : i32
    %add3A_217 = arith.constant 9920 : i32
    %add3A_218 = arith.addi %mul3A_0, %add3A_217 : i32
    %dma_wait3A_219 = tpu.memref_slice %arg3[%add3A_218] : memref<160000xi32, #tpu.memory_space<hbm>> -> memref<80xi32, #tpu.memory_space<hbm>>
    %dma_wait3A_220 = tpu.memref_slice %arg3[%add3A_218] : memref<160000xi32, #tpu.memory_space<hbm>> -> memref<80xi32, #tpu.memory_space<hbm>>
    tpu.wait_dma2 semaphore(%arg11 : memref<!tpu.dma_semaphore, #tpu.memory_space<semaphore_mem>>) src(%dma_wait3A_220 : memref<80xi32, #tpu.memory_space<hbm>>) dst(%arg6 : memref<80xi32, #tpu.memory_space<vmem>>)
    %dma_wait3A_221 = arith.constant 0 : i32
    %dma_wait3A_222 = tpu.memref_slice %arg2[%add3A_142, %add3A_218, %dma_wait3A_221] : memref<6x160000x128xf32, #tpu.memory_space<hbm>> -> memref<1x80x128xf32, #tpu.memory_space<hbm>>
    %dma_wait3A_223 = tpu.memref_squeeze %dma_wait3A_222 : memref<1x80x128xf32, #tpu.memory_space<hbm>> -> memref<80x128xf32, #tpu.memory_space<hbm>>
    %dma_wait3A_224 = arith.constant 0 : i32
    %dma_wait3A_225 = tpu.memref_slice %arg2[%add3A_142, %add3A_218, %dma_wait3A_224] : memref<6x160000x128xf32, #tpu.memory_space<hbm>> -> memref<1x80x128xf32, #tpu.memory_space<hbm>>
    %dma_wait3A_226 = tpu.memref_squeeze %dma_wait3A_225 : memref<1x80x128xf32, #tpu.memory_space<hbm>> -> memref<80x128xf32, #tpu.memory_space<hbm>>
    tpu.wait_dma2 semaphore(%arg13 : memref<!tpu.dma_semaphore, #tpu.memory_space<semaphore_mem>>) src(%dma_wait3A_226 : memref<80x128xf32, #tpu.memory_space<hbm>>) dst(%arg8 : memref<80x128xf32, #tpu.memory_space<vmem>>)
    "tpu.region"() ({
      %run_scoped3A = tpu.sem_alloc : memref<!tpu.dma_semaphore, #tpu.memory_space<semaphore_mem>>
      %dma_start3A_431 = arith.constant 0 : i32
      %dma_start3A_432 = arith.constant 0 : i32
      %dma_start3A_433 = tpu.memref_slice %arg10[%dma_start3A_431, %dma_start3A_432] : memref<10000x128xf32, #tpu.memory_space<vmem_shared>> -> memref<10000x128xf32, #tpu.memory_space<vmem_shared>>
      tpu.enqueue_indirect_dma source(%arg8 : memref<80x128xf32, #tpu.memory_space<vmem>>) target(%dma_start3A_433 : memref<10000x128xf32, #tpu.memory_space<vmem_shared>>) offsets(%arg6 : memref<80xi32, #tpu.memory_space<vmem>>) semaphore(%run_scoped3A : memref<!tpu.dma_semaphore, #tpu.memory_space<semaphore_mem>>) {add = true}
      %dma_wait3A_434 = arith.constant 0 : i32
      %dma_wait3A_435 = arith.constant 0 : i32
      %dma_wait3A_436 = tpu.memref_slice %arg10[%dma_wait3A_434, %dma_wait3A_435] : memref<10000x128xf32, #tpu.memory_space<vmem_shared>> -> memref<10000x128xf32, #tpu.memory_space<vmem_shared>>
      tpu.wait_indirect_dma semaphore(%run_scoped3A : memref<!tpu.dma_semaphore, #tpu.memory_space<semaphore_mem>>) src(%arg8 : memref<80x128xf32, #tpu.memory_space<vmem>>) dst(%dma_wait3A_436 : memref<10000x128xf32, #tpu.memory_space<vmem_shared>>)
      tpu.yield
    }) : () -> ()
    %barrier3A_227 = arith.constant 0 : index
    tpu.barrier barrier_id(%barrier3A_227)
    %add3A_228 = arith.constant 0 : i32
    %add3A_229 = arith.addi %add3A_228, %arg1 : i32
    %lt3A_230 = arith.constant 125 : i32
    %lt3A_231 = arith.cmpi slt, %add3A_229, %lt3A_230 : i32
    %convert_element_type3A_232 = arith.extui %lt3A_231 : i1 to i32
    %cond3A_233 = arith.constant 0 : i32
    %cond3A_234 = arith.cmpi ne, %convert_element_type3A_232, %cond3A_233 : i32
    scf.if %cond3A_234 {
      %mul3A_431 = arith.constant 80 : i32
      %mul3A_432 = arith.muli %add3A_229, %mul3A_431 : i32
      %mul3A_433 = arith.constant 80 : i32
      %mul3A_434 = arith.muli %add3A_229, %mul3A_433 : i32
      "tpu.region"() ({
        %run_scoped3A = tpu.sem_alloc : memref<!tpu.dma_semaphore, #tpu.memory_space<semaphore_mem>>
        %dma_start3A_435 = arith.constant 0 : i32
        %dma_start3A_436 = tpu.memref_slice %arg5[%add3A_142, %mul3A_434, %dma_start3A_435] : memref<6x10000x128xf32, #tpu.memory_space<hbm>> -> memref<1x80x128xf32, #tpu.memory_space<hbm>>
        %dma_start3A_437 = tpu.memref_squeeze %dma_start3A_436 : memref<1x80x128xf32, #tpu.memory_space<hbm>> -> memref<80x128xf32, #tpu.memory_space<hbm>>
        %dma_start3A_438 = arith.constant 0 : i32
        %dma_start3A_439 = tpu.memref_slice %arg10[%mul3A_432, %dma_start3A_438] : memref<10000x128xf32, #tpu.memory_space<vmem_shared>> -> memref<80x128xf32, #tpu.memory_space<vmem_shared>>
        tpu.enqueue_dma source(%dma_start3A_439 : memref<80x128xf32, #tpu.memory_space<vmem_shared>>) target(%dma_start3A_437 : memref<80x128xf32, #tpu.memory_space<hbm>>) target_semaphore(%run_scoped3A : memref<!tpu.dma_semaphore, #tpu.memory_space<semaphore_mem>>)
        %dma_wait3A_440 = arith.constant 0 : i32
        %dma_wait3A_441 = tpu.memref_slice %arg5[%add3A_142, %mul3A_434, %dma_wait3A_440] : memref<6x10000x128xf32, #tpu.memory_space<hbm>> -> memref<1x80x128xf32, #tpu.memory_space<hbm>>
        %dma_wait3A_442 = tpu.memref_squeeze %dma_wait3A_441 : memref<1x80x128xf32, #tpu.memory_space<hbm>> -> memref<80x128xf32, #tpu.memory_space<hbm>>
        %dma_wait3A_443 = arith.constant 0 : i32
        %dma_wait3A_444 = tpu.memref_slice %arg10[%mul3A_432, %dma_wait3A_443] : memref<10000x128xf32, #tpu.memory_space<vmem_shared>> -> memref<80x128xf32, #tpu.memory_space<vmem_shared>>
        tpu.wait_dma2 semaphore(%run_scoped3A : memref<!tpu.dma_semaphore, #tpu.memory_space<semaphore_mem>>) src(%dma_wait3A_444 : memref<80x128xf32, #tpu.memory_space<vmem_shared>>) dst(%dma_wait3A_442 : memref<80x128xf32, #tpu.memory_space<hbm>>)
        tpu.yield
      }) : () -> ()
    } else {
    }
    %add3A_235 = arith.constant 16 : i32
    %add3A_236 = arith.addi %add3A_235, %arg1 : i32
    %lt3A_237 = arith.constant 125 : i32
    %lt3A_238 = arith.cmpi slt, %add3A_236, %lt3A_237 : i32
    %convert_element_type3A_239 = arith.extui %lt3A_238 : i1 to i32
    %cond3A_240 = arith.constant 0 : i32
    %cond3A_241 = arith.cmpi ne, %convert_element_type3A_239, %cond3A_240 : i32
    scf.if %cond3A_241 {
      %mul3A_431 = arith.constant 80 : i32
      %mul3A_432 = arith.muli %add3A_236, %mul3A_431 : i32
      %mul3A_433 = arith.constant 80 : i32
      %mul3A_434 = arith.muli %add3A_236, %mul3A_433 : i32
      "tpu.region"() ({
        %run_scoped3A = tpu.sem_alloc : memref<!tpu.dma_semaphore, #tpu.memory_space<semaphore_mem>>
        %dma_start3A_435 = arith.constant 0 : i32
        %dma_start3A_436 = tpu.memref_slice %arg5[%add3A_142, %mul3A_434, %dma_start3A_435] : memref<6x10000x128xf32, #tpu.memory_space<hbm>> -> memref<1x80x128xf32, #tpu.memory_space<hbm>>
        %dma_start3A_437 = tpu.memref_squeeze %dma_start3A_436 : memref<1x80x128xf32, #tpu.memory_space<hbm>> -> memref<80x128xf32, #tpu.memory_space<hbm>>
        %dma_start3A_438 = arith.constant 0 : i32
        %dma_start3A_439 = tpu.memref_slice %arg10[%mul3A_432, %dma_start3A_438] : memref<10000x128xf32, #tpu.memory_space<vmem_shared>> -> memref<80x128xf32, #tpu.memory_space<vmem_shared>>
        tpu.enqueue_dma source(%dma_start3A_439 : memref<80x128xf32, #tpu.memory_space<vmem_shared>>) target(%dma_start3A_437 : memref<80x128xf32, #tpu.memory_space<hbm>>) target_semaphore(%run_scoped3A : memref<!tpu.dma_semaphore, #tpu.memory_space<semaphore_mem>>)
        %dma_wait3A_440 = arith.constant 0 : i32
        %dma_wait3A_441 = tpu.memref_slice %arg5[%add3A_142, %mul3A_434, %dma_wait3A_440] : memref<6x10000x128xf32, #tpu.memory_space<hbm>> -> memref<1x80x128xf32, #tpu.memory_space<hbm>>
        %dma_wait3A_442 = tpu.memref_squeeze %dma_wait3A_441 : memref<1x80x128xf32, #tpu.memory_space<hbm>> -> memref<80x128xf32, #tpu.memory_space<hbm>>
        %dma_wait3A_443 = arith.constant 0 : i32
        %dma_wait3A_444 = tpu.memref_slice %arg10[%mul3A_432, %dma_wait3A_443] : memref<10000x128xf32, #tpu.memory_space<vmem_shared>> -> memref<80x128xf32, #tpu.memory_space<vmem_shared>>
        tpu.wait_dma2 semaphore(%run_scoped3A : memref<!tpu.dma_semaphore, #tpu.memory_space<semaphore_mem>>) src(%dma_wait3A_444 : memref<80x128xf32, #tpu.memory_space<vmem_shared>>) dst(%dma_wait3A_442 : memref<80x128xf32, #tpu.memory_space<hbm>>)
        tpu.yield
      }) : () -> ()
    } else {
    }
    %add3A_242 = arith.constant 32 : i32
    %add3A_243 = arith.addi %add3A_242, %arg1 : i32
    %lt3A_244 = arith.constant 125 : i32
    %lt3A_245 = arith.cmpi slt, %add3A_243, %lt3A_244 : i32
    %convert_element_type3A_246 = arith.extui %lt3A_245 : i1 to i32
    %cond3A_247 = arith.constant 0 : i32
    %cond3A_248 = arith.cmpi ne, %convert_element_type3A_246, %cond3A_247 : i32
    scf.if %cond3A_248 {
      %mul3A_431 = arith.constant 80 : i32
      %mul3A_432 = arith.muli %add3A_243, %mul3A_431 : i32
      %mul3A_433 = arith.constant 80 : i32
      %mul3A_434 = arith.muli %add3A_243, %mul3A_433 : i32
      "tpu.region"() ({
        %run_scoped3A = tpu.sem_alloc : memref<!tpu.dma_semaphore, #tpu.memory_space<semaphore_mem>>
        %dma_start3A_435 = arith.constant 0 : i32
        %dma_start3A_436 = tpu.memref_slice %arg5[%add3A_142, %mul3A_434, %dma_start3A_435] : memref<6x10000x128xf32, #tpu.memory_space<hbm>> -> memref<1x80x128xf32, #tpu.memory_space<hbm>>
        %dma_start3A_437 = tpu.memref_squeeze %dma_start3A_436 : memref<1x80x128xf32, #tpu.memory_space<hbm>> -> memref<80x128xf32, #tpu.memory_space<hbm>>
        %dma_start3A_438 = arith.constant 0 : i32
        %dma_start3A_439 = tpu.memref_slice %arg10[%mul3A_432, %dma_start3A_438] : memref<10000x128xf32, #tpu.memory_space<vmem_shared>> -> memref<80x128xf32, #tpu.memory_space<vmem_shared>>
        tpu.enqueue_dma source(%dma_start3A_439 : memref<80x128xf32, #tpu.memory_space<vmem_shared>>) target(%dma_start3A_437 : memref<80x128xf32, #tpu.memory_space<hbm>>) target_semaphore(%run_scoped3A : memref<!tpu.dma_semaphore, #tpu.memory_space<semaphore_mem>>)
        %dma_wait3A_440 = arith.constant 0 : i32
        %dma_wait3A_441 = tpu.memref_slice %arg5[%add3A_142, %mul3A_434, %dma_wait3A_440] : memref<6x10000x128xf32, #tpu.memory_space<hbm>> -> memref<1x80x128xf32, #tpu.memory_space<hbm>>
        %dma_wait3A_442 = tpu.memref_squeeze %dma_wait3A_441 : memref<1x80x128xf32, #tpu.memory_space<hbm>> -> memref<80x128xf32, #tpu.memory_space<hbm>>
        %dma_wait3A_443 = arith.constant 0 : i32
        %dma_wait3A_444 = tpu.memref_slice %arg10[%mul3A_432, %dma_wait3A_443] : memref<10000x128xf32, #tpu.memory_space<vmem_shared>> -> memref<80x128xf32, #tpu.memory_space<vmem_shared>>
        tpu.wait_dma2 semaphore(%run_scoped3A : memref<!tpu.dma_semaphore, #tpu.memory_space<semaphore_mem>>) src(%dma_wait3A_444 : memref<80x128xf32, #tpu.memory_space<vmem_shared>>) dst(%dma_wait3A_442 : memref<80x128xf32, #tpu.memory_space<hbm>>)
        tpu.yield
      }) : () -> ()
    } else {
    }
    %add3A_249 = arith.constant 48 : i32
    %add3A_250 = arith.addi %add3A_249, %arg1 : i32
    %lt3A_251 = arith.constant 125 : i32
    %lt3A_252 = arith.cmpi slt, %add3A_250, %lt3A_251 : i32
    %convert_element_type3A_253 = arith.extui %lt3A_252 : i1 to i32
    %cond3A_254 = arith.constant 0 : i32
    %cond3A_255 = arith.cmpi ne, %convert_element_type3A_253, %cond3A_254 : i32
    scf.if %cond3A_255 {
      %mul3A_431 = arith.constant 80 : i32
      %mul3A_432 = arith.muli %add3A_250, %mul3A_431 : i32
      %mul3A_433 = arith.constant 80 : i32
      %mul3A_434 = arith.muli %add3A_250, %mul3A_433 : i32
      "tpu.region"() ({
        %run_scoped3A = tpu.sem_alloc : memref<!tpu.dma_semaphore, #tpu.memory_space<semaphore_mem>>
        %dma_start3A_435 = arith.constant 0 : i32
        %dma_start3A_436 = tpu.memref_slice %arg5[%add3A_142, %mul3A_434, %dma_start3A_435] : memref<6x10000x128xf32, #tpu.memory_space<hbm>> -> memref<1x80x128xf32, #tpu.memory_space<hbm>>
        %dma_start3A_437 = tpu.memref_squeeze %dma_start3A_436 : memref<1x80x128xf32, #tpu.memory_space<hbm>> -> memref<80x128xf32, #tpu.memory_space<hbm>>
        %dma_start3A_438 = arith.constant 0 : i32
        %dma_start3A_439 = tpu.memref_slice %arg10[%mul3A_432, %dma_start3A_438] : memref<10000x128xf32, #tpu.memory_space<vmem_shared>> -> memref<80x128xf32, #tpu.memory_space<vmem_shared>>
        tpu.enqueue_dma source(%dma_start3A_439 : memref<80x128xf32, #tpu.memory_space<vmem_shared>>) target(%dma_start3A_437 : memref<80x128xf32, #tpu.memory_space<hbm>>) target_semaphore(%run_scoped3A : memref<!tpu.dma_semaphore, #tpu.memory_space<semaphore_mem>>)
        %dma_wait3A_440 = arith.constant 0 : i32
        %dma_wait3A_441 = tpu.memref_slice %arg5[%add3A_142, %mul3A_434, %dma_wait3A_440] : memref<6x10000x128xf32, #tpu.memory_space<hbm>> -> memref<1x80x128xf32, #tpu.memory_space<hbm>>
        %dma_wait3A_442 = tpu.memref_squeeze %dma_wait3A_441 : memref<1x80x128xf32, #tpu.memory_space<hbm>> -> memref<80x128xf32, #tpu.memory_space<hbm>>
        %dma_wait3A_443 = arith.constant 0 : i32
        %dma_wait3A_444 = tpu.memref_slice %arg10[%mul3A_432, %dma_wait3A_443] : memref<10000x128xf32, #tpu.memory_space<vmem_shared>> -> memref<80x128xf32, #tpu.memory_space<vmem_shared>>
        tpu.wait_dma2 semaphore(%run_scoped3A : memref<!tpu.dma_semaphore, #tpu.memory_space<semaphore_mem>>) src(%dma_wait3A_444 : memref<80x128xf32, #tpu.memory_space<vmem_shared>>) dst(%dma_wait3A_442 : memref<80x128xf32, #tpu.memory_space<hbm>>)
        tpu.yield
      }) : () -> ()
    } else {
    }
    %add3A_256 = arith.constant 64 : i32
    %add3A_257 = arith.addi %add3A_256, %arg1 : i32
    %lt3A_258 = arith.constant 125 : i32
    %lt3A_259 = arith.cmpi slt, %add3A_257, %lt3A_258 : i32
    %convert_element_type3A_260 = arith.extui %lt3A_259 : i1 to i32
    %cond3A_261 = arith.constant 0 : i32
    %cond3A_262 = arith.cmpi ne, %convert_element_type3A_260, %cond3A_261 : i32
    scf.if %cond3A_262 {
      %mul3A_431 = arith.constant 80 : i32
      %mul3A_432 = arith.muli %add3A_257, %mul3A_431 : i32
      %mul3A_433 = arith.constant 80 : i32
      %mul3A_434 = arith.muli %add3A_257, %mul3A_433 : i32
      "tpu.region"() ({
        %run_scoped3A = tpu.sem_alloc : memref<!tpu.dma_semaphore, #tpu.memory_space<semaphore_mem>>
        %dma_start3A_435 = arith.constant 0 : i32
        %dma_start3A_436 = tpu.memref_slice %arg5[%add3A_142, %mul3A_434, %dma_start3A_435] : memref<6x10000x128xf32, #tpu.memory_space<hbm>> -> memref<1x80x128xf32, #tpu.memory_space<hbm>>
        %dma_start3A_437 = tpu.memref_squeeze %dma_start3A_436 : memref<1x80x128xf32, #tpu.memory_space<hbm>> -> memref<80x128xf32, #tpu.memory_space<hbm>>
        %dma_start3A_438 = arith.constant 0 : i32
        %dma_start3A_439 = tpu.memref_slice %arg10[%mul3A_432, %dma_start3A_438] : memref<10000x128xf32, #tpu.memory_space<vmem_shared>> -> memref<80x128xf32, #tpu.memory_space<vmem_shared>>
        tpu.enqueue_dma source(%dma_start3A_439 : memref<80x128xf32, #tpu.memory_space<vmem_shared>>) target(%dma_start3A_437 : memref<80x128xf32, #tpu.memory_space<hbm>>) target_semaphore(%run_scoped3A : memref<!tpu.dma_semaphore, #tpu.memory_space<semaphore_mem>>)
        %dma_wait3A_440 = arith.constant 0 : i32
        %dma_wait3A_441 = tpu.memref_slice %arg5[%add3A_142, %mul3A_434, %dma_wait3A_440] : memref<6x10000x128xf32, #tpu.memory_space<hbm>> -> memref<1x80x128xf32, #tpu.memory_space<hbm>>
        %dma_wait3A_442 = tpu.memref_squeeze %dma_wait3A_441 : memref<1x80x128xf32, #tpu.memory_space<hbm>> -> memref<80x128xf32, #tpu.memory_space<hbm>>
        %dma_wait3A_443 = arith.constant 0 : i32
        %dma_wait3A_444 = tpu.memref_slice %arg10[%mul3A_432, %dma_wait3A_443] : memref<10000x128xf32, #tpu.memory_space<vmem_shared>> -> memref<80x128xf32, #tpu.memory_space<vmem_shared>>
        tpu.wait_dma2 semaphore(%run_scoped3A : memref<!tpu.dma_semaphore, #tpu.memory_space<semaphore_mem>>) src(%dma_wait3A_444 : memref<80x128xf32, #tpu.memory_space<vmem_shared>>) dst(%dma_wait3A_442 : memref<80x128xf32, #tpu.memory_space<hbm>>)
        tpu.yield
      }) : () -> ()
    } else {
    }
    %add3A_263 = arith.constant 80 : i32
    %add3A_264 = arith.addi %add3A_263, %arg1 : i32
    %lt3A_265 = arith.constant 125 : i32
    %lt3A_266 = arith.cmpi slt, %add3A_264, %lt3A_265 : i32
    %convert_element_type3A_267 = arith.extui %lt3A_266 : i1 to i32
    %cond3A_268 = arith.constant 0 : i32
    %cond3A_269 = arith.cmpi ne, %convert_element_type3A_267, %cond3A_268 : i32
    scf.if %cond3A_269 {
      %mul3A_431 = arith.constant 80 : i32
      %mul3A_432 = arith.muli %add3A_264, %mul3A_431 : i32
      %mul3A_433 = arith.constant 80 : i32
      %mul3A_434 = arith.muli %add3A_264, %mul3A_433 : i32
      "tpu.region"() ({
        %run_scoped3A = tpu.sem_alloc : memref<!tpu.dma_semaphore, #tpu.memory_space<semaphore_mem>>
        %dma_start3A_435 = arith.constant 0 : i32
        %dma_start3A_436 = tpu.memref_slice %arg5[%add3A_142, %mul3A_434, %dma_start3A_435] : memref<6x10000x128xf32, #tpu.memory_space<hbm>> -> memref<1x80x128xf32, #tpu.memory_space<hbm>>
        %dma_start3A_437 = tpu.memref_squeeze %dma_start3A_436 : memref<1x80x128xf32, #tpu.memory_space<hbm>> -> memref<80x128xf32, #tpu.memory_space<hbm>>
        %dma_start3A_438 = arith.constant 0 : i32
        %dma_start3A_439 = tpu.memref_slice %arg10[%mul3A_432, %dma_start3A_438] : memref<10000x128xf32, #tpu.memory_space<vmem_shared>> -> memref<80x128xf32, #tpu.memory_space<vmem_shared>>
        tpu.enqueue_dma source(%dma_start3A_439 : memref<80x128xf32, #tpu.memory_space<vmem_shared>>) target(%dma_start3A_437 : memref<80x128xf32, #tpu.memory_space<hbm>>) target_semaphore(%run_scoped3A : memref<!tpu.dma_semaphore, #tpu.memory_space<semaphore_mem>>)
        %dma_wait3A_440 = arith.constant 0 : i32
        %dma_wait3A_441 = tpu.memref_slice %arg5[%add3A_142, %mul3A_434, %dma_wait3A_440] : memref<6x10000x128xf32, #tpu.memory_space<hbm>> -> memref<1x80x128xf32, #tpu.memory_space<hbm>>
        %dma_wait3A_442 = tpu.memref_squeeze %dma_wait3A_441 : memref<1x80x128xf32, #tpu.memory_space<hbm>> -> memref<80x128xf32, #tpu.memory_space<hbm>>
        %dma_wait3A_443 = arith.constant 0 : i32
        %dma_wait3A_444 = tpu.memref_slice %arg10[%mul3A_432, %dma_wait3A_443] : memref<10000x128xf32, #tpu.memory_space<vmem_shared>> -> memref<80x128xf32, #tpu.memory_space<vmem_shared>>
        tpu.wait_dma2 semaphore(%run_scoped3A : memref<!tpu.dma_semaphore, #tpu.memory_space<semaphore_mem>>) src(%dma_wait3A_444 : memref<80x128xf32, #tpu.memory_space<vmem_shared>>) dst(%dma_wait3A_442 : memref<80x128xf32, #tpu.memory_space<hbm>>)
        tpu.yield
      }) : () -> ()
    } else {
    }
    %add3A_270 = arith.constant 96 : i32
    %add3A_271 = arith.addi %add3A_270, %arg1 : i32
    %lt3A_272 = arith.constant 125 : i32
    %lt3A_273 = arith.cmpi slt, %add3A_271, %lt3A_272 : i32
    %convert_element_type3A_274 = arith.extui %lt3A_273 : i1 to i32
    %cond3A_275 = arith.constant 0 : i32
    %cond3A_276 = arith.cmpi ne, %convert_element_type3A_274, %cond3A_275 : i32
    scf.if %cond3A_276 {
      %mul3A_431 = arith.constant 80 : i32
      %mul3A_432 = arith.muli %add3A_271, %mul3A_431 : i32
      %mul3A_433 = arith.constant 80 : i32
      %mul3A_434 = arith.muli %add3A_271, %mul3A_433 : i32
      "tpu.region"() ({
        %run_scoped3A = tpu.sem_alloc : memref<!tpu.dma_semaphore, #tpu.memory_space<semaphore_mem>>
        %dma_start3A_435 = arith.constant 0 : i32
        %dma_start3A_436 = tpu.memref_slice %arg5[%add3A_142, %mul3A_434, %dma_start3A_435] : memref<6x10000x128xf32, #tpu.memory_space<hbm>> -> memref<1x80x128xf32, #tpu.memory_space<hbm>>
        %dma_start3A_437 = tpu.memref_squeeze %dma_start3A_436 : memref<1x80x128xf32, #tpu.memory_space<hbm>> -> memref<80x128xf32, #tpu.memory_space<hbm>>
        %dma_start3A_438 = arith.constant 0 : i32
        %dma_start3A_439 = tpu.memref_slice %arg10[%mul3A_432, %dma_start3A_438] : memref<10000x128xf32, #tpu.memory_space<vmem_shared>> -> memref<80x128xf32, #tpu.memory_space<vmem_shared>>
        tpu.enqueue_dma source(%dma_start3A_439 : memref<80x128xf32, #tpu.memory_space<vmem_shared>>) target(%dma_start3A_437 : memref<80x128xf32, #tpu.memory_space<hbm>>) target_semaphore(%run_scoped3A : memref<!tpu.dma_semaphore, #tpu.memory_space<semaphore_mem>>)
        %dma_wait3A_440 = arith.constant 0 : i32
        %dma_wait3A_441 = tpu.memref_slice %arg5[%add3A_142, %mul3A_434, %dma_wait3A_440] : memref<6x10000x128xf32, #tpu.memory_space<hbm>> -> memref<1x80x128xf32, #tpu.memory_space<hbm>>
        %dma_wait3A_442 = tpu.memref_squeeze %dma_wait3A_441 : memref<1x80x128xf32, #tpu.memory_space<hbm>> -> memref<80x128xf32, #tpu.memory_space<hbm>>
        %dma_wait3A_443 = arith.constant 0 : i32
        %dma_wait3A_444 = tpu.memref_slice %arg10[%mul3A_432, %dma_wait3A_443] : memref<10000x128xf32, #tpu.memory_space<vmem_shared>> -> memref<80x128xf32, #tpu.memory_space<vmem_shared>>
        tpu.wait_dma2 semaphore(%run_scoped3A : memref<!tpu.dma_semaphore, #tpu.memory_space<semaphore_mem>>) src(%dma_wait3A_444 : memref<80x128xf32, #tpu.memory_space<vmem_shared>>) dst(%dma_wait3A_442 : memref<80x128xf32, #tpu.memory_space<hbm>>)
        tpu.yield
      }) : () -> ()
    } else {
    }
    %add3A_277 = arith.constant 112 : i32
    %add3A_278 = arith.addi %add3A_277, %arg1 : i32
    %lt3A_279 = arith.constant 125 : i32
    %lt3A_280 = arith.cmpi slt, %add3A_278, %lt3A_279 : i32
    %convert_element_type3A_281 = arith.extui %lt3A_280 : i1 to i32
    %cond3A_282 = arith.constant 0 : i32
    %cond3A_283 = arith.cmpi ne, %convert_element_type3A_281, %cond3A_282 : i32
    scf.if %cond3A_283 {
      %mul3A_431 = arith.constant 80 : i32
      %mul3A_432 = arith.muli %add3A_278, %mul3A_431 : i32
      %mul3A_433 = arith.constant 80 : i32
      %mul3A_434 = arith.muli %add3A_278, %mul3A_433 : i32
      "tpu.region"() ({
        %run_scoped3A = tpu.sem_alloc : memref<!tpu.dma_semaphore, #tpu.memory_space<semaphore_mem>>
        %dma_start3A_435 = arith.constant 0 : i32
        %dma_start3A_436 = tpu.memref_slice %arg5[%add3A_142, %mul3A_434, %dma_start3A_435] : memref<6x10000x128xf32, #tpu.memory_space<hbm>> -> memref<1x80x128xf32, #tpu.memory_space<hbm>>
        %dma_start3A_437 = tpu.memref_squeeze %dma_start3A_436 : memref<1x80x128xf32, #tpu.memory_space<hbm>> -> memref<80x128xf32, #tpu.memory_space<hbm>>
        %dma_start3A_438 = arith.constant 0 : i32
        %dma_start3A_439 = tpu.memref_slice %arg10[%mul3A_432, %dma_start3A_438] : memref<10000x128xf32, #tpu.memory_space<vmem_shared>> -> memref<80x128xf32, #tpu.memory_space<vmem_shared>>
        tpu.enqueue_dma source(%dma_start3A_439 : memref<80x128xf32, #tpu.memory_space<vmem_shared>>) target(%dma_start3A_437 : memref<80x128xf32, #tpu.memory_space<hbm>>) target_semaphore(%run_scoped3A : memref<!tpu.dma_semaphore, #tpu.memory_space<semaphore_mem>>)
        %dma_wait3A_440 = arith.constant 0 : i32
        %dma_wait3A_441 = tpu.memref_slice %arg5[%add3A_142, %mul3A_434, %dma_wait3A_440] : memref<6x10000x128xf32, #tpu.memory_space<hbm>> -> memref<1x80x128xf32, #tpu.memory_space<hbm>>
        %dma_wait3A_442 = tpu.memref_squeeze %dma_wait3A_441 : memref<1x80x128xf32, #tpu.memory_space<hbm>> -> memref<80x128xf32, #tpu.memory_space<hbm>>
        %dma_wait3A_443 = arith.constant 0 : i32
        %dma_wait3A_444 = tpu.memref_slice %arg10[%mul3A_432, %dma_wait3A_443] : memref<10000x128xf32, #tpu.memory_space<vmem_shared>> -> memref<80x128xf32, #tpu.memory_space<vmem_shared>>
        tpu.wait_dma2 semaphore(%run_scoped3A : memref<!tpu.dma_semaphore, #tpu.memory_space<semaphore_mem>>) src(%dma_wait3A_444 : memref<80x128xf32, #tpu.memory_space<vmem_shared>>) dst(%dma_wait3A_442 : memref<80x128xf32, #tpu.memory_space<hbm>>)
        tpu.yield
      }) : () -> ()
    } else {
    }
    %barrier3A_284 = arith.constant 0 : index
    tpu.barrier barrier_id(%barrier3A_284)
    %mul3A_285 = arith.constant 3 : i32
    %mul3A_286 = arith.muli %arg0, %mul3A_285 : i32
    %add3A_287 = arith.constant 2 : i32
    %add3A_288 = arith.addi %mul3A_286, %add3A_287 : i32
    %add3A_289 = arith.constant 0 : i32
    %add3A_290 = arith.addi %add3A_289, %arg1 : i32
    %lt3A_291 = arith.constant 125 : i32
    %lt3A_292 = arith.cmpi slt, %add3A_290, %lt3A_291 : i32
    %convert_element_type3A_293 = arith.extui %lt3A_292 : i1 to i32
    %cond3A_294 = arith.constant 0 : i32
    %cond3A_295 = arith.cmpi ne, %convert_element_type3A_293, %cond3A_294 : i32
    scf.if %cond3A_295 {
      %mul3A_431 = arith.constant 80 : i32
      %mul3A_432 = arith.muli %add3A_290, %mul3A_431 : i32
      %mul3A_433 = arith.constant 80 : i32
      %mul3A_434 = arith.muli %add3A_290, %mul3A_433 : i32
      "tpu.region"() ({
        %run_scoped3A = tpu.sem_alloc : memref<!tpu.dma_semaphore, #tpu.memory_space<semaphore_mem>>
        %dma_start3A_435 = arith.constant 0 : i32
        %dma_start3A_436 = tpu.memref_slice %arg10[%mul3A_434, %dma_start3A_435] : memref<10000x128xf32, #tpu.memory_space<vmem_shared>> -> memref<80x128xf32, #tpu.memory_space<vmem_shared>>
        %dma_start3A_437 = arith.constant 0 : i32
        %dma_start3A_438 = tpu.memref_slice %arg4[%mul3A_432, %dma_start3A_437] : memref<10000x128xf32, #tpu.memory_space<hbm>> -> memref<80x128xf32, #tpu.memory_space<hbm>>
        tpu.enqueue_dma source(%dma_start3A_438 : memref<80x128xf32, #tpu.memory_space<hbm>>) target(%dma_start3A_436 : memref<80x128xf32, #tpu.memory_space<vmem_shared>>) target_semaphore(%run_scoped3A : memref<!tpu.dma_semaphore, #tpu.memory_space<semaphore_mem>>)
        %dma_wait3A_439 = arith.constant 0 : i32
        %dma_wait3A_440 = tpu.memref_slice %arg10[%mul3A_434, %dma_wait3A_439] : memref<10000x128xf32, #tpu.memory_space<vmem_shared>> -> memref<80x128xf32, #tpu.memory_space<vmem_shared>>
        %dma_wait3A_441 = arith.constant 0 : i32
        %dma_wait3A_442 = tpu.memref_slice %arg4[%mul3A_432, %dma_wait3A_441] : memref<10000x128xf32, #tpu.memory_space<hbm>> -> memref<80x128xf32, #tpu.memory_space<hbm>>
        tpu.wait_dma2 semaphore(%run_scoped3A : memref<!tpu.dma_semaphore, #tpu.memory_space<semaphore_mem>>) src(%dma_wait3A_442 : memref<80x128xf32, #tpu.memory_space<hbm>>) dst(%dma_wait3A_440 : memref<80x128xf32, #tpu.memory_space<vmem_shared>>)
        tpu.yield
      }) : () -> ()
    } else {
    }
    %add3A_296 = arith.constant 16 : i32
    %add3A_297 = arith.addi %add3A_296, %arg1 : i32
    %lt3A_298 = arith.constant 125 : i32
    %lt3A_299 = arith.cmpi slt, %add3A_297, %lt3A_298 : i32
    %convert_element_type3A_300 = arith.extui %lt3A_299 : i1 to i32
    %cond3A_301 = arith.constant 0 : i32
    %cond3A_302 = arith.cmpi ne, %convert_element_type3A_300, %cond3A_301 : i32
    scf.if %cond3A_302 {
      %mul3A_431 = arith.constant 80 : i32
      %mul3A_432 = arith.muli %add3A_297, %mul3A_431 : i32
      %mul3A_433 = arith.constant 80 : i32
      %mul3A_434 = arith.muli %add3A_297, %mul3A_433 : i32
      "tpu.region"() ({
        %run_scoped3A = tpu.sem_alloc : memref<!tpu.dma_semaphore, #tpu.memory_space<semaphore_mem>>
        %dma_start3A_435 = arith.constant 0 : i32
        %dma_start3A_436 = tpu.memref_slice %arg10[%mul3A_434, %dma_start3A_435] : memref<10000x128xf32, #tpu.memory_space<vmem_shared>> -> memref<80x128xf32, #tpu.memory_space<vmem_shared>>
        %dma_start3A_437 = arith.constant 0 : i32
        %dma_start3A_438 = tpu.memref_slice %arg4[%mul3A_432, %dma_start3A_437] : memref<10000x128xf32, #tpu.memory_space<hbm>> -> memref<80x128xf32, #tpu.memory_space<hbm>>
        tpu.enqueue_dma source(%dma_start3A_438 : memref<80x128xf32, #tpu.memory_space<hbm>>) target(%dma_start3A_436 : memref<80x128xf32, #tpu.memory_space<vmem_shared>>) target_semaphore(%run_scoped3A : memref<!tpu.dma_semaphore, #tpu.memory_space<semaphore_mem>>)
        %dma_wait3A_439 = arith.constant 0 : i32
        %dma_wait3A_440 = tpu.memref_slice %arg10[%mul3A_434, %dma_wait3A_439] : memref<10000x128xf32, #tpu.memory_space<vmem_shared>> -> memref<80x128xf32, #tpu.memory_space<vmem_shared>>
        %dma_wait3A_441 = arith.constant 0 : i32
        %dma_wait3A_442 = tpu.memref_slice %arg4[%mul3A_432, %dma_wait3A_441] : memref<10000x128xf32, #tpu.memory_space<hbm>> -> memref<80x128xf32, #tpu.memory_space<hbm>>
        tpu.wait_dma2 semaphore(%run_scoped3A : memref<!tpu.dma_semaphore, #tpu.memory_space<semaphore_mem>>) src(%dma_wait3A_442 : memref<80x128xf32, #tpu.memory_space<hbm>>) dst(%dma_wait3A_440 : memref<80x128xf32, #tpu.memory_space<vmem_shared>>)
        tpu.yield
      }) : () -> ()
    } else {
    }
    %add3A_303 = arith.constant 32 : i32
    %add3A_304 = arith.addi %add3A_303, %arg1 : i32
    %lt3A_305 = arith.constant 125 : i32
    %lt3A_306 = arith.cmpi slt, %add3A_304, %lt3A_305 : i32
    %convert_element_type3A_307 = arith.extui %lt3A_306 : i1 to i32
    %cond3A_308 = arith.constant 0 : i32
    %cond3A_309 = arith.cmpi ne, %convert_element_type3A_307, %cond3A_308 : i32
    scf.if %cond3A_309 {
      %mul3A_431 = arith.constant 80 : i32
      %mul3A_432 = arith.muli %add3A_304, %mul3A_431 : i32
      %mul3A_433 = arith.constant 80 : i32
      %mul3A_434 = arith.muli %add3A_304, %mul3A_433 : i32
      "tpu.region"() ({
        %run_scoped3A = tpu.sem_alloc : memref<!tpu.dma_semaphore, #tpu.memory_space<semaphore_mem>>
        %dma_start3A_435 = arith.constant 0 : i32
        %dma_start3A_436 = tpu.memref_slice %arg10[%mul3A_434, %dma_start3A_435] : memref<10000x128xf32, #tpu.memory_space<vmem_shared>> -> memref<80x128xf32, #tpu.memory_space<vmem_shared>>
        %dma_start3A_437 = arith.constant 0 : i32
        %dma_start3A_438 = tpu.memref_slice %arg4[%mul3A_432, %dma_start3A_437] : memref<10000x128xf32, #tpu.memory_space<hbm>> -> memref<80x128xf32, #tpu.memory_space<hbm>>
        tpu.enqueue_dma source(%dma_start3A_438 : memref<80x128xf32, #tpu.memory_space<hbm>>) target(%dma_start3A_436 : memref<80x128xf32, #tpu.memory_space<vmem_shared>>) target_semaphore(%run_scoped3A : memref<!tpu.dma_semaphore, #tpu.memory_space<semaphore_mem>>)
        %dma_wait3A_439 = arith.constant 0 : i32
        %dma_wait3A_440 = tpu.memref_slice %arg10[%mul3A_434, %dma_wait3A_439] : memref<10000x128xf32, #tpu.memory_space<vmem_shared>> -> memref<80x128xf32, #tpu.memory_space<vmem_shared>>
        %dma_wait3A_441 = arith.constant 0 : i32
        %dma_wait3A_442 = tpu.memref_slice %arg4[%mul3A_432, %dma_wait3A_441] : memref<10000x128xf32, #tpu.memory_space<hbm>> -> memref<80x128xf32, #tpu.memory_space<hbm>>
        tpu.wait_dma2 semaphore(%run_scoped3A : memref<!tpu.dma_semaphore, #tpu.memory_space<semaphore_mem>>) src(%dma_wait3A_442 : memref<80x128xf32, #tpu.memory_space<hbm>>) dst(%dma_wait3A_440 : memref<80x128xf32, #tpu.memory_space<vmem_shared>>)
        tpu.yield
      }) : () -> ()
    } else {
    }
    %add3A_310 = arith.constant 48 : i32
    %add3A_311 = arith.addi %add3A_310, %arg1 : i32
    %lt3A_312 = arith.constant 125 : i32
    %lt3A_313 = arith.cmpi slt, %add3A_311, %lt3A_312 : i32
    %convert_element_type3A_314 = arith.extui %lt3A_313 : i1 to i32
    %cond3A_315 = arith.constant 0 : i32
    %cond3A_316 = arith.cmpi ne, %convert_element_type3A_314, %cond3A_315 : i32
    scf.if %cond3A_316 {
      %mul3A_431 = arith.constant 80 : i32
      %mul3A_432 = arith.muli %add3A_311, %mul3A_431 : i32
      %mul3A_433 = arith.constant 80 : i32
      %mul3A_434 = arith.muli %add3A_311, %mul3A_433 : i32
      "tpu.region"() ({
        %run_scoped3A = tpu.sem_alloc : memref<!tpu.dma_semaphore, #tpu.memory_space<semaphore_mem>>
        %dma_start3A_435 = arith.constant 0 : i32
        %dma_start3A_436 = tpu.memref_slice %arg10[%mul3A_434, %dma_start3A_435] : memref<10000x128xf32, #tpu.memory_space<vmem_shared>> -> memref<80x128xf32, #tpu.memory_space<vmem_shared>>
        %dma_start3A_437 = arith.constant 0 : i32
        %dma_start3A_438 = tpu.memref_slice %arg4[%mul3A_432, %dma_start3A_437] : memref<10000x128xf32, #tpu.memory_space<hbm>> -> memref<80x128xf32, #tpu.memory_space<hbm>>
        tpu.enqueue_dma source(%dma_start3A_438 : memref<80x128xf32, #tpu.memory_space<hbm>>) target(%dma_start3A_436 : memref<80x128xf32, #tpu.memory_space<vmem_shared>>) target_semaphore(%run_scoped3A : memref<!tpu.dma_semaphore, #tpu.memory_space<semaphore_mem>>)
        %dma_wait3A_439 = arith.constant 0 : i32
        %dma_wait3A_440 = tpu.memref_slice %arg10[%mul3A_434, %dma_wait3A_439] : memref<10000x128xf32, #tpu.memory_space<vmem_shared>> -> memref<80x128xf32, #tpu.memory_space<vmem_shared>>
        %dma_wait3A_441 = arith.constant 0 : i32
        %dma_wait3A_442 = tpu.memref_slice %arg4[%mul3A_432, %dma_wait3A_441] : memref<10000x128xf32, #tpu.memory_space<hbm>> -> memref<80x128xf32, #tpu.memory_space<hbm>>
        tpu.wait_dma2 semaphore(%run_scoped3A : memref<!tpu.dma_semaphore, #tpu.memory_space<semaphore_mem>>) src(%dma_wait3A_442 : memref<80x128xf32, #tpu.memory_space<hbm>>) dst(%dma_wait3A_440 : memref<80x128xf32, #tpu.memory_space<vmem_shared>>)
        tpu.yield
      }) : () -> ()
    } else {
    }
    %add3A_317 = arith.constant 64 : i32
    %add3A_318 = arith.addi %add3A_317, %arg1 : i32
    %lt3A_319 = arith.constant 125 : i32
    %lt3A_320 = arith.cmpi slt, %add3A_318, %lt3A_319 : i32
    %convert_element_type3A_321 = arith.extui %lt3A_320 : i1 to i32
    %cond3A_322 = arith.constant 0 : i32
    %cond3A_323 = arith.cmpi ne, %convert_element_type3A_321, %cond3A_322 : i32
    scf.if %cond3A_323 {
      %mul3A_431 = arith.constant 80 : i32
      %mul3A_432 = arith.muli %add3A_318, %mul3A_431 : i32
      %mul3A_433 = arith.constant 80 : i32
      %mul3A_434 = arith.muli %add3A_318, %mul3A_433 : i32
      "tpu.region"() ({
        %run_scoped3A = tpu.sem_alloc : memref<!tpu.dma_semaphore, #tpu.memory_space<semaphore_mem>>
        %dma_start3A_435 = arith.constant 0 : i32
        %dma_start3A_436 = tpu.memref_slice %arg10[%mul3A_434, %dma_start3A_435] : memref<10000x128xf32, #tpu.memory_space<vmem_shared>> -> memref<80x128xf32, #tpu.memory_space<vmem_shared>>
        %dma_start3A_437 = arith.constant 0 : i32
        %dma_start3A_438 = tpu.memref_slice %arg4[%mul3A_432, %dma_start3A_437] : memref<10000x128xf32, #tpu.memory_space<hbm>> -> memref<80x128xf32, #tpu.memory_space<hbm>>
        tpu.enqueue_dma source(%dma_start3A_438 : memref<80x128xf32, #tpu.memory_space<hbm>>) target(%dma_start3A_436 : memref<80x128xf32, #tpu.memory_space<vmem_shared>>) target_semaphore(%run_scoped3A : memref<!tpu.dma_semaphore, #tpu.memory_space<semaphore_mem>>)
        %dma_wait3A_439 = arith.constant 0 : i32
        %dma_wait3A_440 = tpu.memref_slice %arg10[%mul3A_434, %dma_wait3A_439] : memref<10000x128xf32, #tpu.memory_space<vmem_shared>> -> memref<80x128xf32, #tpu.memory_space<vmem_shared>>
        %dma_wait3A_441 = arith.constant 0 : i32
        %dma_wait3A_442 = tpu.memref_slice %arg4[%mul3A_432, %dma_wait3A_441] : memref<10000x128xf32, #tpu.memory_space<hbm>> -> memref<80x128xf32, #tpu.memory_space<hbm>>
        tpu.wait_dma2 semaphore(%run_scoped3A : memref<!tpu.dma_semaphore, #tpu.memory_space<semaphore_mem>>) src(%dma_wait3A_442 : memref<80x128xf32, #tpu.memory_space<hbm>>) dst(%dma_wait3A_440 : memref<80x128xf32, #tpu.memory_space<vmem_shared>>)
        tpu.yield
      }) : () -> ()
    } else {
    }
    %add3A_324 = arith.constant 80 : i32
    %add3A_325 = arith.addi %add3A_324, %arg1 : i32
    %lt3A_326 = arith.constant 125 : i32
    %lt3A_327 = arith.cmpi slt, %add3A_325, %lt3A_326 : i32
    %convert_element_type3A_328 = arith.extui %lt3A_327 : i1 to i32
    %cond3A_329 = arith.constant 0 : i32
    %cond3A_330 = arith.cmpi ne, %convert_element_type3A_328, %cond3A_329 : i32
    scf.if %cond3A_330 {
      %mul3A_431 = arith.constant 80 : i32
      %mul3A_432 = arith.muli %add3A_325, %mul3A_431 : i32
      %mul3A_433 = arith.constant 80 : i32
      %mul3A_434 = arith.muli %add3A_325, %mul3A_433 : i32
      "tpu.region"() ({
        %run_scoped3A = tpu.sem_alloc : memref<!tpu.dma_semaphore, #tpu.memory_space<semaphore_mem>>
        %dma_start3A_435 = arith.constant 0 : i32
        %dma_start3A_436 = tpu.memref_slice %arg10[%mul3A_434, %dma_start3A_435] : memref<10000x128xf32, #tpu.memory_space<vmem_shared>> -> memref<80x128xf32, #tpu.memory_space<vmem_shared>>
        %dma_start3A_437 = arith.constant 0 : i32
        %dma_start3A_438 = tpu.memref_slice %arg4[%mul3A_432, %dma_start3A_437] : memref<10000x128xf32, #tpu.memory_space<hbm>> -> memref<80x128xf32, #tpu.memory_space<hbm>>
        tpu.enqueue_dma source(%dma_start3A_438 : memref<80x128xf32, #tpu.memory_space<hbm>>) target(%dma_start3A_436 : memref<80x128xf32, #tpu.memory_space<vmem_shared>>) target_semaphore(%run_scoped3A : memref<!tpu.dma_semaphore, #tpu.memory_space<semaphore_mem>>)
        %dma_wait3A_439 = arith.constant 0 : i32
        %dma_wait3A_440 = tpu.memref_slice %arg10[%mul3A_434, %dma_wait3A_439] : memref<10000x128xf32, #tpu.memory_space<vmem_shared>> -> memref<80x128xf32, #tpu.memory_space<vmem_shared>>
        %dma_wait3A_441 = arith.constant 0 : i32
        %dma_wait3A_442 = tpu.memref_slice %arg4[%mul3A_432, %dma_wait3A_441] : memref<10000x128xf32, #tpu.memory_space<hbm>> -> memref<80x128xf32, #tpu.memory_space<hbm>>
        tpu.wait_dma2 semaphore(%run_scoped3A : memref<!tpu.dma_semaphore, #tpu.memory_space<semaphore_mem>>) src(%dma_wait3A_442 : memref<80x128xf32, #tpu.memory_space<hbm>>) dst(%dma_wait3A_440 : memref<80x128xf32, #tpu.memory_space<vmem_shared>>)
        tpu.yield
      }) : () -> ()
    } else {
    }
    %add3A_331 = arith.constant 96 : i32
    %add3A_332 = arith.addi %add3A_331, %arg1 : i32
    %lt3A_333 = arith.constant 125 : i32
    %lt3A_334 = arith.cmpi slt, %add3A_332, %lt3A_333 : i32
    %convert_element_type3A_335 = arith.extui %lt3A_334 : i1 to i32
    %cond3A_336 = arith.constant 0 : i32
    %cond3A_337 = arith.cmpi ne, %convert_element_type3A_335, %cond3A_336 : i32
    scf.if %cond3A_337 {
      %mul3A_431 = arith.constant 80 : i32
      %mul3A_432 = arith.muli %add3A_332, %mul3A_431 : i32
      %mul3A_433 = arith.constant 80 : i32
      %mul3A_434 = arith.muli %add3A_332, %mul3A_433 : i32
      "tpu.region"() ({
        %run_scoped3A = tpu.sem_alloc : memref<!tpu.dma_semaphore, #tpu.memory_space<semaphore_mem>>
        %dma_start3A_435 = arith.constant 0 : i32
        %dma_start3A_436 = tpu.memref_slice %arg10[%mul3A_434, %dma_start3A_435] : memref<10000x128xf32, #tpu.memory_space<vmem_shared>> -> memref<80x128xf32, #tpu.memory_space<vmem_shared>>
        %dma_start3A_437 = arith.constant 0 : i32
        %dma_start3A_438 = tpu.memref_slice %arg4[%mul3A_432, %dma_start3A_437] : memref<10000x128xf32, #tpu.memory_space<hbm>> -> memref<80x128xf32, #tpu.memory_space<hbm>>
        tpu.enqueue_dma source(%dma_start3A_438 : memref<80x128xf32, #tpu.memory_space<hbm>>) target(%dma_start3A_436 : memref<80x128xf32, #tpu.memory_space<vmem_shared>>) target_semaphore(%run_scoped3A : memref<!tpu.dma_semaphore, #tpu.memory_space<semaphore_mem>>)
        %dma_wait3A_439 = arith.constant 0 : i32
        %dma_wait3A_440 = tpu.memref_slice %arg10[%mul3A_434, %dma_wait3A_439] : memref<10000x128xf32, #tpu.memory_space<vmem_shared>> -> memref<80x128xf32, #tpu.memory_space<vmem_shared>>
        %dma_wait3A_441 = arith.constant 0 : i32
        %dma_wait3A_442 = tpu.memref_slice %arg4[%mul3A_432, %dma_wait3A_441] : memref<10000x128xf32, #tpu.memory_space<hbm>> -> memref<80x128xf32, #tpu.memory_space<hbm>>
        tpu.wait_dma2 semaphore(%run_scoped3A : memref<!tpu.dma_semaphore, #tpu.memory_space<semaphore_mem>>) src(%dma_wait3A_442 : memref<80x128xf32, #tpu.memory_space<hbm>>) dst(%dma_wait3A_440 : memref<80x128xf32, #tpu.memory_space<vmem_shared>>)
        tpu.yield
      }) : () -> ()
    } else {
    }
    %add3A_338 = arith.constant 112 : i32
    %add3A_339 = arith.addi %add3A_338, %arg1 : i32
    %lt3A_340 = arith.constant 125 : i32
    %lt3A_341 = arith.cmpi slt, %add3A_339, %lt3A_340 : i32
    %convert_element_type3A_342 = arith.extui %lt3A_341 : i1 to i32
    %cond3A_343 = arith.constant 0 : i32
    %cond3A_344 = arith.cmpi ne, %convert_element_type3A_342, %cond3A_343 : i32
    scf.if %cond3A_344 {
      %mul3A_431 = arith.constant 80 : i32
      %mul3A_432 = arith.muli %add3A_339, %mul3A_431 : i32
      %mul3A_433 = arith.constant 80 : i32
      %mul3A_434 = arith.muli %add3A_339, %mul3A_433 : i32
      "tpu.region"() ({
        %run_scoped3A = tpu.sem_alloc : memref<!tpu.dma_semaphore, #tpu.memory_space<semaphore_mem>>
        %dma_start3A_435 = arith.constant 0 : i32
        %dma_start3A_436 = tpu.memref_slice %arg10[%mul3A_434, %dma_start3A_435] : memref<10000x128xf32, #tpu.memory_space<vmem_shared>> -> memref<80x128xf32, #tpu.memory_space<vmem_shared>>
        %dma_start3A_437 = arith.constant 0 : i32
        %dma_start3A_438 = tpu.memref_slice %arg4[%mul3A_432, %dma_start3A_437] : memref<10000x128xf32, #tpu.memory_space<hbm>> -> memref<80x128xf32, #tpu.memory_space<hbm>>
        tpu.enqueue_dma source(%dma_start3A_438 : memref<80x128xf32, #tpu.memory_space<hbm>>) target(%dma_start3A_436 : memref<80x128xf32, #tpu.memory_space<vmem_shared>>) target_semaphore(%run_scoped3A : memref<!tpu.dma_semaphore, #tpu.memory_space<semaphore_mem>>)
        %dma_wait3A_439 = arith.constant 0 : i32
        %dma_wait3A_440 = tpu.memref_slice %arg10[%mul3A_434, %dma_wait3A_439] : memref<10000x128xf32, #tpu.memory_space<vmem_shared>> -> memref<80x128xf32, #tpu.memory_space<vmem_shared>>
        %dma_wait3A_441 = arith.constant 0 : i32
        %dma_wait3A_442 = tpu.memref_slice %arg4[%mul3A_432, %dma_wait3A_441] : memref<10000x128xf32, #tpu.memory_space<hbm>> -> memref<80x128xf32, #tpu.memory_space<hbm>>
        tpu.wait_dma2 semaphore(%run_scoped3A : memref<!tpu.dma_semaphore, #tpu.memory_space<semaphore_mem>>) src(%dma_wait3A_442 : memref<80x128xf32, #tpu.memory_space<hbm>>) dst(%dma_wait3A_440 : memref<80x128xf32, #tpu.memory_space<vmem_shared>>)
        tpu.yield
      }) : () -> ()
    } else {
    }
    %barrier3A_345 = arith.constant 0 : index
    tpu.barrier barrier_id(%barrier3A_345)
    %add3A_346 = arith.constant 0 : i32
    %add3A_347 = arith.addi %mul3A_0, %add3A_346 : i32
    %dma_start3A_348 = tpu.memref_slice %arg3[%add3A_347] : memref<160000xi32, #tpu.memory_space<hbm>> -> memref<80xi32, #tpu.memory_space<hbm>>
    %dma_start3A_349 = tpu.memref_slice %arg3[%add3A_347] : memref<160000xi32, #tpu.memory_space<hbm>> -> memref<80xi32, #tpu.memory_space<hbm>>
    tpu.enqueue_dma source(%dma_start3A_349 : memref<80xi32, #tpu.memory_space<hbm>>) target(%arg6 : memref<80xi32, #tpu.memory_space<vmem>>) target_semaphore(%arg11 : memref<!tpu.dma_semaphore, #tpu.memory_space<semaphore_mem>>)
    %dma_start3A_350 = arith.constant 0 : i32
    %dma_start3A_351 = tpu.memref_slice %arg2[%add3A_288, %add3A_347, %dma_start3A_350] : memref<6x160000x128xf32, #tpu.memory_space<hbm>> -> memref<1x80x128xf32, #tpu.memory_space<hbm>>
    %dma_start3A_352 = tpu.memref_squeeze %dma_start3A_351 : memref<1x80x128xf32, #tpu.memory_space<hbm>> -> memref<80x128xf32, #tpu.memory_space<hbm>>
    %dma_start3A_353 = arith.constant 0 : i32
    %dma_start3A_354 = tpu.memref_slice %arg2[%add3A_288, %add3A_347, %dma_start3A_353] : memref<6x160000x128xf32, #tpu.memory_space<hbm>> -> memref<1x80x128xf32, #tpu.memory_space<hbm>>
    %dma_start3A_355 = tpu.memref_squeeze %dma_start3A_354 : memref<1x80x128xf32, #tpu.memory_space<hbm>> -> memref<80x128xf32, #tpu.memory_space<hbm>>
    tpu.enqueue_dma source(%dma_start3A_355 : memref<80x128xf32, #tpu.memory_space<hbm>>) target(%arg8 : memref<80x128xf32, #tpu.memory_space<vmem>>) target_semaphore(%arg13 : memref<!tpu.dma_semaphore, #tpu.memory_space<semaphore_mem>>)
    %scan3A_356 = arith.constant 0 : i32
    %scan3A_357 = arith.constant 0 : i32
    %scan3A_358 = arith.constant 62 : i32
    %scan3A_359 = arith.addi %scan3A_357, %scan3A_358 : i32
    %scan3A_360 = arith.constant 1 : i32
    %scan3A_361 = scf.for %scan3A_431 = %scan3A_357 to %scan3A_359 step %scan3A_360 iter_args(%scan3A_432 = %scan3A_356) -> (i32)  : i32 {
      %mul3A_433 = arith.constant 2 : i32
      %mul3A_434 = arith.muli %mul3A_433, %scan3A_431 : i32
      %add3A_435 = arith.constant 1 : i32
      %add3A_436 = arith.addi %mul3A_434, %add3A_435 : i32
      %mul3A_437 = arith.constant 80 : i32
      %mul3A_438 = arith.muli %add3A_436, %mul3A_437 : i32
      %add3A_439 = arith.addi %mul3A_0, %mul3A_438 : i32
      %dma_start3A_440 = tpu.memref_slice %arg3[%add3A_439] : memref<160000xi32, #tpu.memory_space<hbm>> -> memref<80xi32, #tpu.memory_space<hbm>>
      %dma_start3A_441 = tpu.memref_slice %arg3[%add3A_439] : memref<160000xi32, #tpu.memory_space<hbm>> -> memref<80xi32, #tpu.memory_space<hbm>>
      tpu.enqueue_dma source(%dma_start3A_441 : memref<80xi32, #tpu.memory_space<hbm>>) target(%arg7 : memref<80xi32, #tpu.memory_space<vmem>>) target_semaphore(%arg12 : memref<!tpu.dma_semaphore, #tpu.memory_space<semaphore_mem>>)
      %dma_start3A_442 = arith.constant 0 : i32
      %dma_start3A_443 = tpu.memref_slice %arg2[%add3A_288, %add3A_439, %dma_start3A_442] : memref<6x160000x128xf32, #tpu.memory_space<hbm>> -> memref<1x80x128xf32, #tpu.memory_space<hbm>>
      %dma_start3A_444 = tpu.memref_squeeze %dma_start3A_443 : memref<1x80x128xf32, #tpu.memory_space<hbm>> -> memref<80x128xf32, #tpu.memory_space<hbm>>
      %dma_start3A_445 = arith.constant 0 : i32
      %dma_start3A_446 = tpu.memref_slice %arg2[%add3A_288, %add3A_439, %dma_start3A_445] : memref<6x160000x128xf32, #tpu.memory_space<hbm>> -> memref<1x80x128xf32, #tpu.memory_space<hbm>>
      %dma_start3A_447 = tpu.memref_squeeze %dma_start3A_446 : memref<1x80x128xf32, #tpu.memory_space<hbm>> -> memref<80x128xf32, #tpu.memory_space<hbm>>
      tpu.enqueue_dma source(%dma_start3A_447 : memref<80x128xf32, #tpu.memory_space<hbm>>) target(%arg9 : memref<80x128xf32, #tpu.memory_space<vmem>>) target_semaphore(%arg14 : memref<!tpu.dma_semaphore, #tpu.memory_space<semaphore_mem>>)
      %mul3A_448 = arith.constant 80 : i32
      %mul3A_449 = arith.muli %mul3A_434, %mul3A_448 : i32
      %add3A_450 = arith.addi %mul3A_0, %mul3A_449 : i32
      %dma_wait3A_451 = tpu.memref_slice %arg3[%add3A_450] : memref<160000xi32, #tpu.memory_space<hbm>> -> memref<80xi32, #tpu.memory_space<hbm>>
      %dma_wait3A_452 = tpu.memref_slice %arg3[%add3A_450] : memref<160000xi32, #tpu.memory_space<hbm>> -> memref<80xi32, #tpu.memory_space<hbm>>
      tpu.wait_dma2 semaphore(%arg11 : memref<!tpu.dma_semaphore, #tpu.memory_space<semaphore_mem>>) src(%dma_wait3A_452 : memref<80xi32, #tpu.memory_space<hbm>>) dst(%arg6 : memref<80xi32, #tpu.memory_space<vmem>>)
      %dma_wait3A_453 = arith.constant 0 : i32
      %dma_wait3A_454 = tpu.memref_slice %arg2[%add3A_288, %add3A_450, %dma_wait3A_453] : memref<6x160000x128xf32, #tpu.memory_space<hbm>> -> memref<1x80x128xf32, #tpu.memory_space<hbm>>
      %dma_wait3A_455 = tpu.memref_squeeze %dma_wait3A_454 : memref<1x80x128xf32, #tpu.memory_space<hbm>> -> memref<80x128xf32, #tpu.memory_space<hbm>>
      %dma_wait3A_456 = arith.constant 0 : i32
      %dma_wait3A_457 = tpu.memref_slice %arg2[%add3A_288, %add3A_450, %dma_wait3A_456] : memref<6x160000x128xf32, #tpu.memory_space<hbm>> -> memref<1x80x128xf32, #tpu.memory_space<hbm>>
      %dma_wait3A_458 = tpu.memref_squeeze %dma_wait3A_457 : memref<1x80x128xf32, #tpu.memory_space<hbm>> -> memref<80x128xf32, #tpu.memory_space<hbm>>
      tpu.wait_dma2 semaphore(%arg13 : memref<!tpu.dma_semaphore, #tpu.memory_space<semaphore_mem>>) src(%dma_wait3A_458 : memref<80x128xf32, #tpu.memory_space<hbm>>) dst(%arg8 : memref<80x128xf32, #tpu.memory_space<vmem>>)
      "tpu.region"() ({
        %run_scoped3A = tpu.sem_alloc : memref<!tpu.dma_semaphore, #tpu.memory_space<semaphore_mem>>
        %dma_start3A_480 = arith.constant 0 : i32
        %dma_start3A_481 = arith.constant 0 : i32
        %dma_start3A_482 = tpu.memref_slice %arg10[%dma_start3A_480, %dma_start3A_481] : memref<10000x128xf32, #tpu.memory_space<vmem_shared>> -> memref<10000x128xf32, #tpu.memory_space<vmem_shared>>
        tpu.enqueue_indirect_dma source(%arg8 : memref<80x128xf32, #tpu.memory_space<vmem>>) target(%dma_start3A_482 : memref<10000x128xf32, #tpu.memory_space<vmem_shared>>) offsets(%arg6 : memref<80xi32, #tpu.memory_space<vmem>>) semaphore(%run_scoped3A : memref<!tpu.dma_semaphore, #tpu.memory_space<semaphore_mem>>) {add = true}
        %dma_wait3A_483 = arith.constant 0 : i32
        %dma_wait3A_484 = arith.constant 0 : i32
        %dma_wait3A_485 = tpu.memref_slice %arg10[%dma_wait3A_483, %dma_wait3A_484] : memref<10000x128xf32, #tpu.memory_space<vmem_shared>> -> memref<10000x128xf32, #tpu.memory_space<vmem_shared>>
        tpu.wait_indirect_dma semaphore(%run_scoped3A : memref<!tpu.dma_semaphore, #tpu.memory_space<semaphore_mem>>) src(%arg8 : memref<80x128xf32, #tpu.memory_space<vmem>>) dst(%dma_wait3A_485 : memref<10000x128xf32, #tpu.memory_space<vmem_shared>>)
        tpu.yield
      }) : () -> ()
      %add3A_459 = arith.constant 2 : i32
      %add3A_460 = arith.addi %mul3A_434, %add3A_459 : i32
      %lt3A_461 = arith.constant 125 : i32
      %lt3A_462 = arith.cmpi slt, %add3A_460, %lt3A_461 : i32
      %convert_element_type3A_463 = arith.extui %lt3A_462 : i1 to i32
      %cond3A_464 = arith.constant 0 : i32
      %cond3A_465 = arith.cmpi ne, %convert_element_type3A_463, %cond3A_464 : i32
      scf.if %cond3A_465 {
        %add3A_480 = arith.constant 2 : i32
        %add3A_481 = arith.addi %mul3A_434, %add3A_480 : i32
        %mul3A_482 = arith.constant 80 : i32
        %mul3A_483 = arith.muli %add3A_481, %mul3A_482 : i32
        %add3A_484 = arith.addi %mul3A_0, %mul3A_483 : i32
        %dma_start3A_485 = tpu.memref_slice %arg3[%add3A_484] : memref<160000xi32, #tpu.memory_space<hbm>> -> memref<80xi32, #tpu.memory_space<hbm>>
        %dma_start3A_486 = tpu.memref_slice %arg3[%add3A_484] : memref<160000xi32, #tpu.memory_space<hbm>> -> memref<80xi32, #tpu.memory_space<hbm>>
        tpu.enqueue_dma source(%dma_start3A_486 : memref<80xi32, #tpu.memory_space<hbm>>) target(%arg6 : memref<80xi32, #tpu.memory_space<vmem>>) target_semaphore(%arg11 : memref<!tpu.dma_semaphore, #tpu.memory_space<semaphore_mem>>)
        %dma_start3A_487 = arith.constant 0 : i32
        %dma_start3A_488 = tpu.memref_slice %arg2[%add3A_288, %add3A_484, %dma_start3A_487] : memref<6x160000x128xf32, #tpu.memory_space<hbm>> -> memref<1x80x128xf32, #tpu.memory_space<hbm>>
        %dma_start3A_489 = tpu.memref_squeeze %dma_start3A_488 : memref<1x80x128xf32, #tpu.memory_space<hbm>> -> memref<80x128xf32, #tpu.memory_space<hbm>>
        %dma_start3A_490 = arith.constant 0 : i32
        %dma_start3A_491 = tpu.memref_slice %arg2[%add3A_288, %add3A_484, %dma_start3A_490] : memref<6x160000x128xf32, #tpu.memory_space<hbm>> -> memref<1x80x128xf32, #tpu.memory_space<hbm>>
        %dma_start3A_492 = tpu.memref_squeeze %dma_start3A_491 : memref<1x80x128xf32, #tpu.memory_space<hbm>> -> memref<80x128xf32, #tpu.memory_space<hbm>>
        tpu.enqueue_dma source(%dma_start3A_492 : memref<80x128xf32, #tpu.memory_space<hbm>>) target(%arg8 : memref<80x128xf32, #tpu.memory_space<vmem>>) target_semaphore(%arg13 : memref<!tpu.dma_semaphore, #tpu.memory_space<semaphore_mem>>)
      } else {
      }
      %add3A_466 = arith.constant 1 : i32
      %add3A_467 = arith.addi %mul3A_434, %add3A_466 : i32
      %mul3A_468 = arith.constant 80 : i32
      %mul3A_469 = arith.muli %add3A_467, %mul3A_468 : i32
      %add3A_470 = arith.addi %mul3A_0, %mul3A_469 : i32
      %dma_wait3A_471 = tpu.memref_slice %arg3[%add3A_470] : memref<160000xi32, #tpu.memory_space<hbm>> -> memref<80xi32, #tpu.memory_space<hbm>>
      %dma_wait3A_472 = tpu.memref_slice %arg3[%add3A_470] : memref<160000xi32, #tpu.memory_space<hbm>> -> memref<80xi32, #tpu.memory_space<hbm>>
      tpu.wait_dma2 semaphore(%arg12 : memref<!tpu.dma_semaphore, #tpu.memory_space<semaphore_mem>>) src(%dma_wait3A_472 : memref<80xi32, #tpu.memory_space<hbm>>) dst(%arg7 : memref<80xi32, #tpu.memory_space<vmem>>)
      %dma_wait3A_473 = arith.constant 0 : i32
      %dma_wait3A_474 = tpu.memref_slice %arg2[%add3A_288, %add3A_470, %dma_wait3A_473] : memref<6x160000x128xf32, #tpu.memory_space<hbm>> -> memref<1x80x128xf32, #tpu.memory_space<hbm>>
      %dma_wait3A_475 = tpu.memref_squeeze %dma_wait3A_474 : memref<1x80x128xf32, #tpu.memory_space<hbm>> -> memref<80x128xf32, #tpu.memory_space<hbm>>
      %dma_wait3A_476 = arith.constant 0 : i32
      %dma_wait3A_477 = tpu.memref_slice %arg2[%add3A_288, %add3A_470, %dma_wait3A_476] : memref<6x160000x128xf32, #tpu.memory_space<hbm>> -> memref<1x80x128xf32, #tpu.memory_space<hbm>>
      %dma_wait3A_478 = tpu.memref_squeeze %dma_wait3A_477 : memref<1x80x128xf32, #tpu.memory_space<hbm>> -> memref<80x128xf32, #tpu.memory_space<hbm>>
      tpu.wait_dma2 semaphore(%arg14 : memref<!tpu.dma_semaphore, #tpu.memory_space<semaphore_mem>>) src(%dma_wait3A_478 : memref<80x128xf32, #tpu.memory_space<hbm>>) dst(%arg9 : memref<80x128xf32, #tpu.memory_space<vmem>>)
      "tpu.region"() ({
        %run_scoped3A = tpu.sem_alloc : memref<!tpu.dma_semaphore, #tpu.memory_space<semaphore_mem>>
        %dma_start3A_480 = arith.constant 0 : i32
        %dma_start3A_481 = arith.constant 0 : i32
        %dma_start3A_482 = tpu.memref_slice %arg10[%dma_start3A_480, %dma_start3A_481] : memref<10000x128xf32, #tpu.memory_space<vmem_shared>> -> memref<10000x128xf32, #tpu.memory_space<vmem_shared>>
        tpu.enqueue_indirect_dma source(%arg9 : memref<80x128xf32, #tpu.memory_space<vmem>>) target(%dma_start3A_482 : memref<10000x128xf32, #tpu.memory_space<vmem_shared>>) offsets(%arg7 : memref<80xi32, #tpu.memory_space<vmem>>) semaphore(%run_scoped3A : memref<!tpu.dma_semaphore, #tpu.memory_space<semaphore_mem>>) {add = true}
        %dma_wait3A_483 = arith.constant 0 : i32
        %dma_wait3A_484 = arith.constant 0 : i32
        %dma_wait3A_485 = tpu.memref_slice %arg10[%dma_wait3A_483, %dma_wait3A_484] : memref<10000x128xf32, #tpu.memory_space<vmem_shared>> -> memref<10000x128xf32, #tpu.memory_space<vmem_shared>>
        tpu.wait_indirect_dma semaphore(%run_scoped3A : memref<!tpu.dma_semaphore, #tpu.memory_space<semaphore_mem>>) src(%arg9 : memref<80x128xf32, #tpu.memory_space<vmem>>) dst(%dma_wait3A_485 : memref<10000x128xf32, #tpu.memory_space<vmem_shared>>)
        tpu.yield
      }) : () -> ()
      %scan3A_479 = arith.constant 0 : i32
      scf.yield %scan3A_479 : i32
    }
    %scan3A_362 = arith.constant 62 : i32
    %add3A_363 = arith.constant 9920 : i32
    %add3A_364 = arith.addi %mul3A_0, %add3A_363 : i32
    %dma_wait3A_365 = tpu.memref_slice %arg3[%add3A_364] : memref<160000xi32, #tpu.memory_space<hbm>> -> memref<80xi32, #tpu.memory_space<hbm>>
    %dma_wait3A_366 = tpu.memref_slice %arg3[%add3A_364] : memref<160000xi32, #tpu.memory_space<hbm>> -> memref<80xi32, #tpu.memory_space<hbm>>
    tpu.wait_dma2 semaphore(%arg11 : memref<!tpu.dma_semaphore, #tpu.memory_space<semaphore_mem>>) src(%dma_wait3A_366 : memref<80xi32, #tpu.memory_space<hbm>>) dst(%arg6 : memref<80xi32, #tpu.memory_space<vmem>>)
    %dma_wait3A_367 = arith.constant 0 : i32
    %dma_wait3A_368 = tpu.memref_slice %arg2[%add3A_288, %add3A_364, %dma_wait3A_367] : memref<6x160000x128xf32, #tpu.memory_space<hbm>> -> memref<1x80x128xf32, #tpu.memory_space<hbm>>
    %dma_wait3A_369 = tpu.memref_squeeze %dma_wait3A_368 : memref<1x80x128xf32, #tpu.memory_space<hbm>> -> memref<80x128xf32, #tpu.memory_space<hbm>>
    %dma_wait3A_370 = arith.constant 0 : i32
    %dma_wait3A_371 = tpu.memref_slice %arg2[%add3A_288, %add3A_364, %dma_wait3A_370] : memref<6x160000x128xf32, #tpu.memory_space<hbm>> -> memref<1x80x128xf32, #tpu.memory_space<hbm>>
    %dma_wait3A_372 = tpu.memref_squeeze %dma_wait3A_371 : memref<1x80x128xf32, #tpu.memory_space<hbm>> -> memref<80x128xf32, #tpu.memory_space<hbm>>
    tpu.wait_dma2 semaphore(%arg13 : memref<!tpu.dma_semaphore, #tpu.memory_space<semaphore_mem>>) src(%dma_wait3A_372 : memref<80x128xf32, #tpu.memory_space<hbm>>) dst(%arg8 : memref<80x128xf32, #tpu.memory_space<vmem>>)
    "tpu.region"() ({
      %run_scoped3A = tpu.sem_alloc : memref<!tpu.dma_semaphore, #tpu.memory_space<semaphore_mem>>
      %dma_start3A_431 = arith.constant 0 : i32
      %dma_start3A_432 = arith.constant 0 : i32
      %dma_start3A_433 = tpu.memref_slice %arg10[%dma_start3A_431, %dma_start3A_432] : memref<10000x128xf32, #tpu.memory_space<vmem_shared>> -> memref<10000x128xf32, #tpu.memory_space<vmem_shared>>
      tpu.enqueue_indirect_dma source(%arg8 : memref<80x128xf32, #tpu.memory_space<vmem>>) target(%dma_start3A_433 : memref<10000x128xf32, #tpu.memory_space<vmem_shared>>) offsets(%arg6 : memref<80xi32, #tpu.memory_space<vmem>>) semaphore(%run_scoped3A : memref<!tpu.dma_semaphore, #tpu.memory_space<semaphore_mem>>) {add = true}
      %dma_wait3A_434 = arith.constant 0 : i32
      %dma_wait3A_435 = arith.constant 0 : i32
      %dma_wait3A_436 = tpu.memref_slice %arg10[%dma_wait3A_434, %dma_wait3A_435] : memref<10000x128xf32, #tpu.memory_space<vmem_shared>> -> memref<10000x128xf32, #tpu.memory_space<vmem_shared>>
      tpu.wait_indirect_dma semaphore(%run_scoped3A : memref<!tpu.dma_semaphore, #tpu.memory_space<semaphore_mem>>) src(%arg8 : memref<80x128xf32, #tpu.memory_space<vmem>>) dst(%dma_wait3A_436 : memref<10000x128xf32, #tpu.memory_space<vmem_shared>>)
      tpu.yield
    }) : () -> ()
    %barrier3A_373 = arith.constant 0 : index
    tpu.barrier barrier_id(%barrier3A_373)
    %add3A_374 = arith.constant 0 : i32
    %add3A_375 = arith.addi %add3A_374, %arg1 : i32
    %lt3A_376 = arith.constant 125 : i32
    %lt3A_377 = arith.cmpi slt, %add3A_375, %lt3A_376 : i32
    %convert_element_type3A_378 = arith.extui %lt3A_377 : i1 to i32
    %cond3A_379 = arith.constant 0 : i32
    %cond3A_380 = arith.cmpi ne, %convert_element_type3A_378, %cond3A_379 : i32
    scf.if %cond3A_380 {
      %mul3A_431 = arith.constant 80 : i32
      %mul3A_432 = arith.muli %add3A_375, %mul3A_431 : i32
      %mul3A_433 = arith.constant 80 : i32
      %mul3A_434 = arith.muli %add3A_375, %mul3A_433 : i32
      "tpu.region"() ({
        %run_scoped3A = tpu.sem_alloc : memref<!tpu.dma_semaphore, #tpu.memory_space<semaphore_mem>>
        %dma_start3A_435 = arith.constant 0 : i32
        %dma_start3A_436 = tpu.memref_slice %arg5[%add3A_288, %mul3A_434, %dma_start3A_435] : memref<6x10000x128xf32, #tpu.memory_space<hbm>> -> memref<1x80x128xf32, #tpu.memory_space<hbm>>
        %dma_start3A_437 = tpu.memref_squeeze %dma_start3A_436 : memref<1x80x128xf32, #tpu.memory_space<hbm>> -> memref<80x128xf32, #tpu.memory_space<hbm>>
        %dma_start3A_438 = arith.constant 0 : i32
        %dma_start3A_439 = tpu.memref_slice %arg10[%mul3A_432, %dma_start3A_438] : memref<10000x128xf32, #tpu.memory_space<vmem_shared>> -> memref<80x128xf32, #tpu.memory_space<vmem_shared>>
        tpu.enqueue_dma source(%dma_start3A_439 : memref<80x128xf32, #tpu.memory_space<vmem_shared>>) target(%dma_start3A_437 : memref<80x128xf32, #tpu.memory_space<hbm>>) target_semaphore(%run_scoped3A : memref<!tpu.dma_semaphore, #tpu.memory_space<semaphore_mem>>)
        %dma_wait3A_440 = arith.constant 0 : i32
        %dma_wait3A_441 = tpu.memref_slice %arg5[%add3A_288, %mul3A_434, %dma_wait3A_440] : memref<6x10000x128xf32, #tpu.memory_space<hbm>> -> memref<1x80x128xf32, #tpu.memory_space<hbm>>
        %dma_wait3A_442 = tpu.memref_squeeze %dma_wait3A_441 : memref<1x80x128xf32, #tpu.memory_space<hbm>> -> memref<80x128xf32, #tpu.memory_space<hbm>>
        %dma_wait3A_443 = arith.constant 0 : i32
        %dma_wait3A_444 = tpu.memref_slice %arg10[%mul3A_432, %dma_wait3A_443] : memref<10000x128xf32, #tpu.memory_space<vmem_shared>> -> memref<80x128xf32, #tpu.memory_space<vmem_shared>>
        tpu.wait_dma2 semaphore(%run_scoped3A : memref<!tpu.dma_semaphore, #tpu.memory_space<semaphore_mem>>) src(%dma_wait3A_444 : memref<80x128xf32, #tpu.memory_space<vmem_shared>>) dst(%dma_wait3A_442 : memref<80x128xf32, #tpu.memory_space<hbm>>)
        tpu.yield
      }) : () -> ()
    } else {
    }
    %add3A_381 = arith.constant 16 : i32
    %add3A_382 = arith.addi %add3A_381, %arg1 : i32
    %lt3A_383 = arith.constant 125 : i32
    %lt3A_384 = arith.cmpi slt, %add3A_382, %lt3A_383 : i32
    %convert_element_type3A_385 = arith.extui %lt3A_384 : i1 to i32
    %cond3A_386 = arith.constant 0 : i32
    %cond3A_387 = arith.cmpi ne, %convert_element_type3A_385, %cond3A_386 : i32
    scf.if %cond3A_387 {
      %mul3A_431 = arith.constant 80 : i32
      %mul3A_432 = arith.muli %add3A_382, %mul3A_431 : i32
      %mul3A_433 = arith.constant 80 : i32
      %mul3A_434 = arith.muli %add3A_382, %mul3A_433 : i32
      "tpu.region"() ({
        %run_scoped3A = tpu.sem_alloc : memref<!tpu.dma_semaphore, #tpu.memory_space<semaphore_mem>>
        %dma_start3A_435 = arith.constant 0 : i32
        %dma_start3A_436 = tpu.memref_slice %arg5[%add3A_288, %mul3A_434, %dma_start3A_435] : memref<6x10000x128xf32, #tpu.memory_space<hbm>> -> memref<1x80x128xf32, #tpu.memory_space<hbm>>
        %dma_start3A_437 = tpu.memref_squeeze %dma_start3A_436 : memref<1x80x128xf32, #tpu.memory_space<hbm>> -> memref<80x128xf32, #tpu.memory_space<hbm>>
        %dma_start3A_438 = arith.constant 0 : i32
        %dma_start3A_439 = tpu.memref_slice %arg10[%mul3A_432, %dma_start3A_438] : memref<10000x128xf32, #tpu.memory_space<vmem_shared>> -> memref<80x128xf32, #tpu.memory_space<vmem_shared>>
        tpu.enqueue_dma source(%dma_start3A_439 : memref<80x128xf32, #tpu.memory_space<vmem_shared>>) target(%dma_start3A_437 : memref<80x128xf32, #tpu.memory_space<hbm>>) target_semaphore(%run_scoped3A : memref<!tpu.dma_semaphore, #tpu.memory_space<semaphore_mem>>)
        %dma_wait3A_440 = arith.constant 0 : i32
        %dma_wait3A_441 = tpu.memref_slice %arg5[%add3A_288, %mul3A_434, %dma_wait3A_440] : memref<6x10000x128xf32, #tpu.memory_space<hbm>> -> memref<1x80x128xf32, #tpu.memory_space<hbm>>
        %dma_wait3A_442 = tpu.memref_squeeze %dma_wait3A_441 : memref<1x80x128xf32, #tpu.memory_space<hbm>> -> memref<80x128xf32, #tpu.memory_space<hbm>>
        %dma_wait3A_443 = arith.constant 0 : i32
        %dma_wait3A_444 = tpu.memref_slice %arg10[%mul3A_432, %dma_wait3A_443] : memref<10000x128xf32, #tpu.memory_space<vmem_shared>> -> memref<80x128xf32, #tpu.memory_space<vmem_shared>>
        tpu.wait_dma2 semaphore(%run_scoped3A : memref<!tpu.dma_semaphore, #tpu.memory_space<semaphore_mem>>) src(%dma_wait3A_444 : memref<80x128xf32, #tpu.memory_space<vmem_shared>>) dst(%dma_wait3A_442 : memref<80x128xf32, #tpu.memory_space<hbm>>)
        tpu.yield
      }) : () -> ()
    } else {
    }
    %add3A_388 = arith.constant 32 : i32
    %add3A_389 = arith.addi %add3A_388, %arg1 : i32
    %lt3A_390 = arith.constant 125 : i32
    %lt3A_391 = arith.cmpi slt, %add3A_389, %lt3A_390 : i32
    %convert_element_type3A_392 = arith.extui %lt3A_391 : i1 to i32
    %cond3A_393 = arith.constant 0 : i32
    %cond3A_394 = arith.cmpi ne, %convert_element_type3A_392, %cond3A_393 : i32
    scf.if %cond3A_394 {
      %mul3A_431 = arith.constant 80 : i32
      %mul3A_432 = arith.muli %add3A_389, %mul3A_431 : i32
      %mul3A_433 = arith.constant 80 : i32
      %mul3A_434 = arith.muli %add3A_389, %mul3A_433 : i32
      "tpu.region"() ({
        %run_scoped3A = tpu.sem_alloc : memref<!tpu.dma_semaphore, #tpu.memory_space<semaphore_mem>>
        %dma_start3A_435 = arith.constant 0 : i32
        %dma_start3A_436 = tpu.memref_slice %arg5[%add3A_288, %mul3A_434, %dma_start3A_435] : memref<6x10000x128xf32, #tpu.memory_space<hbm>> -> memref<1x80x128xf32, #tpu.memory_space<hbm>>
        %dma_start3A_437 = tpu.memref_squeeze %dma_start3A_436 : memref<1x80x128xf32, #tpu.memory_space<hbm>> -> memref<80x128xf32, #tpu.memory_space<hbm>>
        %dma_start3A_438 = arith.constant 0 : i32
        %dma_start3A_439 = tpu.memref_slice %arg10[%mul3A_432, %dma_start3A_438] : memref<10000x128xf32, #tpu.memory_space<vmem_shared>> -> memref<80x128xf32, #tpu.memory_space<vmem_shared>>
        tpu.enqueue_dma source(%dma_start3A_439 : memref<80x128xf32, #tpu.memory_space<vmem_shared>>) target(%dma_start3A_437 : memref<80x128xf32, #tpu.memory_space<hbm>>) target_semaphore(%run_scoped3A : memref<!tpu.dma_semaphore, #tpu.memory_space<semaphore_mem>>)
        %dma_wait3A_440 = arith.constant 0 : i32
        %dma_wait3A_441 = tpu.memref_slice %arg5[%add3A_288, %mul3A_434, %dma_wait3A_440] : memref<6x10000x128xf32, #tpu.memory_space<hbm>> -> memref<1x80x128xf32, #tpu.memory_space<hbm>>
        %dma_wait3A_442 = tpu.memref_squeeze %dma_wait3A_441 : memref<1x80x128xf32, #tpu.memory_space<hbm>> -> memref<80x128xf32, #tpu.memory_space<hbm>>
        %dma_wait3A_443 = arith.constant 0 : i32
        %dma_wait3A_444 = tpu.memref_slice %arg10[%mul3A_432, %dma_wait3A_443] : memref<10000x128xf32, #tpu.memory_space<vmem_shared>> -> memref<80x128xf32, #tpu.memory_space<vmem_shared>>
        tpu.wait_dma2 semaphore(%run_scoped3A : memref<!tpu.dma_semaphore, #tpu.memory_space<semaphore_mem>>) src(%dma_wait3A_444 : memref<80x128xf32, #tpu.memory_space<vmem_shared>>) dst(%dma_wait3A_442 : memref<80x128xf32, #tpu.memory_space<hbm>>)
        tpu.yield
      }) : () -> ()
    } else {
    }
    %add3A_395 = arith.constant 48 : i32
    %add3A_396 = arith.addi %add3A_395, %arg1 : i32
    %lt3A_397 = arith.constant 125 : i32
    %lt3A_398 = arith.cmpi slt, %add3A_396, %lt3A_397 : i32
    %convert_element_type3A_399 = arith.extui %lt3A_398 : i1 to i32
    %cond3A_400 = arith.constant 0 : i32
    %cond3A_401 = arith.cmpi ne, %convert_element_type3A_399, %cond3A_400 : i32
    scf.if %cond3A_401 {
      %mul3A_431 = arith.constant 80 : i32
      %mul3A_432 = arith.muli %add3A_396, %mul3A_431 : i32
      %mul3A_433 = arith.constant 80 : i32
      %mul3A_434 = arith.muli %add3A_396, %mul3A_433 : i32
      "tpu.region"() ({
        %run_scoped3A = tpu.sem_alloc : memref<!tpu.dma_semaphore, #tpu.memory_space<semaphore_mem>>
        %dma_start3A_435 = arith.constant 0 : i32
        %dma_start3A_436 = tpu.memref_slice %arg5[%add3A_288, %mul3A_434, %dma_start3A_435] : memref<6x10000x128xf32, #tpu.memory_space<hbm>> -> memref<1x80x128xf32, #tpu.memory_space<hbm>>
        %dma_start3A_437 = tpu.memref_squeeze %dma_start3A_436 : memref<1x80x128xf32, #tpu.memory_space<hbm>> -> memref<80x128xf32, #tpu.memory_space<hbm>>
        %dma_start3A_438 = arith.constant 0 : i32
        %dma_start3A_439 = tpu.memref_slice %arg10[%mul3A_432, %dma_start3A_438] : memref<10000x128xf32, #tpu.memory_space<vmem_shared>> -> memref<80x128xf32, #tpu.memory_space<vmem_shared>>
        tpu.enqueue_dma source(%dma_start3A_439 : memref<80x128xf32, #tpu.memory_space<vmem_shared>>) target(%dma_start3A_437 : memref<80x128xf32, #tpu.memory_space<hbm>>) target_semaphore(%run_scoped3A : memref<!tpu.dma_semaphore, #tpu.memory_space<semaphore_mem>>)
        %dma_wait3A_440 = arith.constant 0 : i32
        %dma_wait3A_441 = tpu.memref_slice %arg5[%add3A_288, %mul3A_434, %dma_wait3A_440] : memref<6x10000x128xf32, #tpu.memory_space<hbm>> -> memref<1x80x128xf32, #tpu.memory_space<hbm>>
        %dma_wait3A_442 = tpu.memref_squeeze %dma_wait3A_441 : memref<1x80x128xf32, #tpu.memory_space<hbm>> -> memref<80x128xf32, #tpu.memory_space<hbm>>
        %dma_wait3A_443 = arith.constant 0 : i32
        %dma_wait3A_444 = tpu.memref_slice %arg10[%mul3A_432, %dma_wait3A_443] : memref<10000x128xf32, #tpu.memory_space<vmem_shared>> -> memref<80x128xf32, #tpu.memory_space<vmem_shared>>
        tpu.wait_dma2 semaphore(%run_scoped3A : memref<!tpu.dma_semaphore, #tpu.memory_space<semaphore_mem>>) src(%dma_wait3A_444 : memref<80x128xf32, #tpu.memory_space<vmem_shared>>) dst(%dma_wait3A_442 : memref<80x128xf32, #tpu.memory_space<hbm>>)
        tpu.yield
      }) : () -> ()
    } else {
    }
    %add3A_402 = arith.constant 64 : i32
    %add3A_403 = arith.addi %add3A_402, %arg1 : i32
    %lt3A_404 = arith.constant 125 : i32
    %lt3A_405 = arith.cmpi slt, %add3A_403, %lt3A_404 : i32
    %convert_element_type3A_406 = arith.extui %lt3A_405 : i1 to i32
    %cond3A_407 = arith.constant 0 : i32
    %cond3A_408 = arith.cmpi ne, %convert_element_type3A_406, %cond3A_407 : i32
    scf.if %cond3A_408 {
      %mul3A_431 = arith.constant 80 : i32
      %mul3A_432 = arith.muli %add3A_403, %mul3A_431 : i32
      %mul3A_433 = arith.constant 80 : i32
      %mul3A_434 = arith.muli %add3A_403, %mul3A_433 : i32
      "tpu.region"() ({
        %run_scoped3A = tpu.sem_alloc : memref<!tpu.dma_semaphore, #tpu.memory_space<semaphore_mem>>
        %dma_start3A_435 = arith.constant 0 : i32
        %dma_start3A_436 = tpu.memref_slice %arg5[%add3A_288, %mul3A_434, %dma_start3A_435] : memref<6x10000x128xf32, #tpu.memory_space<hbm>> -> memref<1x80x128xf32, #tpu.memory_space<hbm>>
        %dma_start3A_437 = tpu.memref_squeeze %dma_start3A_436 : memref<1x80x128xf32, #tpu.memory_space<hbm>> -> memref<80x128xf32, #tpu.memory_space<hbm>>
        %dma_start3A_438 = arith.constant 0 : i32
        %dma_start3A_439 = tpu.memref_slice %arg10[%mul3A_432, %dma_start3A_438] : memref<10000x128xf32, #tpu.memory_space<vmem_shared>> -> memref<80x128xf32, #tpu.memory_space<vmem_shared>>
        tpu.enqueue_dma source(%dma_start3A_439 : memref<80x128xf32, #tpu.memory_space<vmem_shared>>) target(%dma_start3A_437 : memref<80x128xf32, #tpu.memory_space<hbm>>) target_semaphore(%run_scoped3A : memref<!tpu.dma_semaphore, #tpu.memory_space<semaphore_mem>>)
        %dma_wait3A_440 = arith.constant 0 : i32
        %dma_wait3A_441 = tpu.memref_slice %arg5[%add3A_288, %mul3A_434, %dma_wait3A_440] : memref<6x10000x128xf32, #tpu.memory_space<hbm>> -> memref<1x80x128xf32, #tpu.memory_space<hbm>>
        %dma_wait3A_442 = tpu.memref_squeeze %dma_wait3A_441 : memref<1x80x128xf32, #tpu.memory_space<hbm>> -> memref<80x128xf32, #tpu.memory_space<hbm>>
        %dma_wait3A_443 = arith.constant 0 : i32
        %dma_wait3A_444 = tpu.memref_slice %arg10[%mul3A_432, %dma_wait3A_443] : memref<10000x128xf32, #tpu.memory_space<vmem_shared>> -> memref<80x128xf32, #tpu.memory_space<vmem_shared>>
        tpu.wait_dma2 semaphore(%run_scoped3A : memref<!tpu.dma_semaphore, #tpu.memory_space<semaphore_mem>>) src(%dma_wait3A_444 : memref<80x128xf32, #tpu.memory_space<vmem_shared>>) dst(%dma_wait3A_442 : memref<80x128xf32, #tpu.memory_space<hbm>>)
        tpu.yield
      }) : () -> ()
    } else {
    }
    %add3A_409 = arith.constant 80 : i32
    %add3A_410 = arith.addi %add3A_409, %arg1 : i32
    %lt3A_411 = arith.constant 125 : i32
    %lt3A_412 = arith.cmpi slt, %add3A_410, %lt3A_411 : i32
    %convert_element_type3A_413 = arith.extui %lt3A_412 : i1 to i32
    %cond3A_414 = arith.constant 0 : i32
    %cond3A_415 = arith.cmpi ne, %convert_element_type3A_413, %cond3A_414 : i32
    scf.if %cond3A_415 {
      %mul3A_431 = arith.constant 80 : i32
      %mul3A_432 = arith.muli %add3A_410, %mul3A_431 : i32
      %mul3A_433 = arith.constant 80 : i32
      %mul3A_434 = arith.muli %add3A_410, %mul3A_433 : i32
      "tpu.region"() ({
        %run_scoped3A = tpu.sem_alloc : memref<!tpu.dma_semaphore, #tpu.memory_space<semaphore_mem>>
        %dma_start3A_435 = arith.constant 0 : i32
        %dma_start3A_436 = tpu.memref_slice %arg5[%add3A_288, %mul3A_434, %dma_start3A_435] : memref<6x10000x128xf32, #tpu.memory_space<hbm>> -> memref<1x80x128xf32, #tpu.memory_space<hbm>>
        %dma_start3A_437 = tpu.memref_squeeze %dma_start3A_436 : memref<1x80x128xf32, #tpu.memory_space<hbm>> -> memref<80x128xf32, #tpu.memory_space<hbm>>
        %dma_start3A_438 = arith.constant 0 : i32
        %dma_start3A_439 = tpu.memref_slice %arg10[%mul3A_432, %dma_start3A_438] : memref<10000x128xf32, #tpu.memory_space<vmem_shared>> -> memref<80x128xf32, #tpu.memory_space<vmem_shared>>
        tpu.enqueue_dma source(%dma_start3A_439 : memref<80x128xf32, #tpu.memory_space<vmem_shared>>) target(%dma_start3A_437 : memref<80x128xf32, #tpu.memory_space<hbm>>) target_semaphore(%run_scoped3A : memref<!tpu.dma_semaphore, #tpu.memory_space<semaphore_mem>>)
        %dma_wait3A_440 = arith.constant 0 : i32
        %dma_wait3A_441 = tpu.memref_slice %arg5[%add3A_288, %mul3A_434, %dma_wait3A_440] : memref<6x10000x128xf32, #tpu.memory_space<hbm>> -> memref<1x80x128xf32, #tpu.memory_space<hbm>>
        %dma_wait3A_442 = tpu.memref_squeeze %dma_wait3A_441 : memref<1x80x128xf32, #tpu.memory_space<hbm>> -> memref<80x128xf32, #tpu.memory_space<hbm>>
        %dma_wait3A_443 = arith.constant 0 : i32
        %dma_wait3A_444 = tpu.memref_slice %arg10[%mul3A_432, %dma_wait3A_443] : memref<10000x128xf32, #tpu.memory_space<vmem_shared>> -> memref<80x128xf32, #tpu.memory_space<vmem_shared>>
        tpu.wait_dma2 semaphore(%run_scoped3A : memref<!tpu.dma_semaphore, #tpu.memory_space<semaphore_mem>>) src(%dma_wait3A_444 : memref<80x128xf32, #tpu.memory_space<vmem_shared>>) dst(%dma_wait3A_442 : memref<80x128xf32, #tpu.memory_space<hbm>>)
        tpu.yield
      }) : () -> ()
    } else {
    }
    %add3A_416 = arith.constant 96 : i32
    %add3A_417 = arith.addi %add3A_416, %arg1 : i32
    %lt3A_418 = arith.constant 125 : i32
    %lt3A_419 = arith.cmpi slt, %add3A_417, %lt3A_418 : i32
    %convert_element_type3A_420 = arith.extui %lt3A_419 : i1 to i32
    %cond3A_421 = arith.constant 0 : i32
    %cond3A_422 = arith.cmpi ne, %convert_element_type3A_420, %cond3A_421 : i32
    scf.if %cond3A_422 {
      %mul3A_431 = arith.constant 80 : i32
      %mul3A_432 = arith.muli %add3A_417, %mul3A_431 : i32
      %mul3A_433 = arith.constant 80 : i32
      %mul3A_434 = arith.muli %add3A_417, %mul3A_433 : i32
      "tpu.region"() ({
        %run_scoped3A = tpu.sem_alloc : memref<!tpu.dma_semaphore, #tpu.memory_space<semaphore_mem>>
        %dma_start3A_435 = arith.constant 0 : i32
        %dma_start3A_436 = tpu.memref_slice %arg5[%add3A_288, %mul3A_434, %dma_start3A_435] : memref<6x10000x128xf32, #tpu.memory_space<hbm>> -> memref<1x80x128xf32, #tpu.memory_space<hbm>>
        %dma_start3A_437 = tpu.memref_squeeze %dma_start3A_436 : memref<1x80x128xf32, #tpu.memory_space<hbm>> -> memref<80x128xf32, #tpu.memory_space<hbm>>
        %dma_start3A_438 = arith.constant 0 : i32
        %dma_start3A_439 = tpu.memref_slice %arg10[%mul3A_432, %dma_start3A_438] : memref<10000x128xf32, #tpu.memory_space<vmem_shared>> -> memref<80x128xf32, #tpu.memory_space<vmem_shared>>
        tpu.enqueue_dma source(%dma_start3A_439 : memref<80x128xf32, #tpu.memory_space<vmem_shared>>) target(%dma_start3A_437 : memref<80x128xf32, #tpu.memory_space<hbm>>) target_semaphore(%run_scoped3A : memref<!tpu.dma_semaphore, #tpu.memory_space<semaphore_mem>>)
        %dma_wait3A_440 = arith.constant 0 : i32
        %dma_wait3A_441 = tpu.memref_slice %arg5[%add3A_288, %mul3A_434, %dma_wait3A_440] : memref<6x10000x128xf32, #tpu.memory_space<hbm>> -> memref<1x80x128xf32, #tpu.memory_space<hbm>>
        %dma_wait3A_442 = tpu.memref_squeeze %dma_wait3A_441 : memref<1x80x128xf32, #tpu.memory_space<hbm>> -> memref<80x128xf32, #tpu.memory_space<hbm>>
        %dma_wait3A_443 = arith.constant 0 : i32
        %dma_wait3A_444 = tpu.memref_slice %arg10[%mul3A_432, %dma_wait3A_443] : memref<10000x128xf32, #tpu.memory_space<vmem_shared>> -> memref<80x128xf32, #tpu.memory_space<vmem_shared>>
        tpu.wait_dma2 semaphore(%run_scoped3A : memref<!tpu.dma_semaphore, #tpu.memory_space<semaphore_mem>>) src(%dma_wait3A_444 : memref<80x128xf32, #tpu.memory_space<vmem_shared>>) dst(%dma_wait3A_442 : memref<80x128xf32, #tpu.memory_space<hbm>>)
        tpu.yield
      }) : () -> ()
    } else {
    }
    %add3A_423 = arith.constant 112 : i32
    %add3A_424 = arith.addi %add3A_423, %arg1 : i32
    %lt3A_425 = arith.constant 125 : i32
    %lt3A_426 = arith.cmpi slt, %add3A_424, %lt3A_425 : i32
    %convert_element_type3A_427 = arith.extui %lt3A_426 : i1 to i32
    %cond3A_428 = arith.constant 0 : i32
    %cond3A_429 = arith.cmpi ne, %convert_element_type3A_427, %cond3A_428 : i32
    scf.if %cond3A_429 {
      %mul3A_431 = arith.constant 80 : i32
      %mul3A_432 = arith.muli %add3A_424, %mul3A_431 : i32
      %mul3A_433 = arith.constant 80 : i32
      %mul3A_434 = arith.muli %add3A_424, %mul3A_433 : i32
      "tpu.region"() ({
        %run_scoped3A = tpu.sem_alloc : memref<!tpu.dma_semaphore, #tpu.memory_space<semaphore_mem>>
        %dma_start3A_435 = arith.constant 0 : i32
        %dma_start3A_436 = tpu.memref_slice %arg5[%add3A_288, %mul3A_434, %dma_start3A_435] : memref<6x10000x128xf32, #tpu.memory_space<hbm>> -> memref<1x80x128xf32, #tpu.memory_space<hbm>>
        %dma_start3A_437 = tpu.memref_squeeze %dma_start3A_436 : memref<1x80x128xf32, #tpu.memory_space<hbm>> -> memref<80x128xf32, #tpu.memory_space<hbm>>
        %dma_start3A_438 = arith.constant 0 : i32
        %dma_start3A_439 = tpu.memref_slice %arg10[%mul3A_432, %dma_start3A_438] : memref<10000x128xf32, #tpu.memory_space<vmem_shared>> -> memref<80x128xf32, #tpu.memory_space<vmem_shared>>
        tpu.enqueue_dma source(%dma_start3A_439 : memref<80x128xf32, #tpu.memory_space<vmem_shared>>) target(%dma_start3A_437 : memref<80x128xf32, #tpu.memory_space<hbm>>) target_semaphore(%run_scoped3A : memref<!tpu.dma_semaphore, #tpu.memory_space<semaphore_mem>>)
        %dma_wait3A_440 = arith.constant 0 : i32
        %dma_wait3A_441 = tpu.memref_slice %arg5[%add3A_288, %mul3A_434, %dma_wait3A_440] : memref<6x10000x128xf32, #tpu.memory_space<hbm>> -> memref<1x80x128xf32, #tpu.memory_space<hbm>>
        %dma_wait3A_442 = tpu.memref_squeeze %dma_wait3A_441 : memref<1x80x128xf32, #tpu.memory_space<hbm>> -> memref<80x128xf32, #tpu.memory_space<hbm>>
        %dma_wait3A_443 = arith.constant 0 : i32
        %dma_wait3A_444 = tpu.memref_slice %arg10[%mul3A_432, %dma_wait3A_443] : memref<10000x128xf32, #tpu.memory_space<vmem_shared>> -> memref<80x128xf32, #tpu.memory_space<vmem_shared>>
        tpu.wait_dma2 semaphore(%run_scoped3A : memref<!tpu.dma_semaphore, #tpu.memory_space<semaphore_mem>>) src(%dma_wait3A_444 : memref<80x128xf32, #tpu.memory_space<vmem_shared>>) dst(%dma_wait3A_442 : memref<80x128xf32, #tpu.memory_space<hbm>>)
        tpu.yield
      }) : () -> ()
    } else {
    }
    %barrier3A_430 = arith.constant 0 : index
    tpu.barrier barrier_id(%barrier3A_430)
    return
  }
}

#map = affine_map<(d0, d1) -> (0, 0)>
#map1 = affine_map<(d0, d1) -> (0)>
module attributes {stable_mosaic.version = 14 : i64} {
  func.func @body(%arg0: i32, %arg1: i32, %arg2: memref<160000x128xf32, #tpu.memory_space<hbm>>, %arg3: memref<160000x128xf32, #tpu.memory_space<hbm>>, %arg4: memref<160000xi32, #tpu.memory_space<hbm>>, %arg5: memref<160000xi32, #tpu.memory_space<hbm>>, %arg6: memref<10000x128xf32, #tpu.memory_space<hbm>>, %arg7: memref<10000x128xf32, #tpu.memory_space<hbm>>, %arg8: memref<80xi32, #tpu.memory_space<vmem>>, %arg9: memref<80xi32, #tpu.memory_space<vmem>>, %arg10: memref<80xi32, #tpu.memory_space<vmem>>, %arg11: memref<80xi32, #tpu.memory_space<vmem>>, %arg12: memref<80x128xf32, #tpu.memory_space<vmem>>, %arg13: memref<80x128xf32, #tpu.memory_space<vmem>>, %arg14: memref<80x128xf32, #tpu.memory_space<vmem>>, %arg15: memref<80x128xf32, #tpu.memory_space<vmem>>, %arg16: memref<10000x128xf32, #tpu.memory_space<vmem_shared>>, %arg17: memref<!tpu.dma_semaphore, #tpu.memory_space<semaphore_mem>>, %arg18: memref<!tpu.dma_semaphore, #tpu.memory_space<semaphore_mem>>, %arg19: memref<!tpu.dma_semaphore, #tpu.memory_space<semaphore_mem>>, %arg20: memref<!tpu.dma_semaphore, #tpu.memory_space<semaphore_mem>>, %arg21: memref<!tpu.dma_semaphore, #tpu.memory_space<semaphore_mem>>, %arg22: memref<!tpu.dma_semaphore, #tpu.memory_space<semaphore_mem>>, %arg23: memref<!tpu.dma_semaphore, #tpu.memory_space<semaphore_mem>>, %arg24: memref<!tpu.dma_semaphore, #tpu.memory_space<semaphore_mem>>) attributes {dimension_semantics = [#tpu.dimension_semantics<core_parallel>, #tpu.dimension_semantics<subcore_parallel>], iteration_bounds = array<i64: 2, 16>, scalar_prefetch = 0 : i64, scratch_operands = 17 : i64, tpu.core_type = #tpu.core_type<sc_vector_subcore>, window_params = [{transform_indices = #map}, {transform_indices = #map}, {transform_indices = #map1}, {transform_indices = #map1}, {transform_indices = #map}, {transform_indices = #map}]} {
    %eq3A = arith.constant 0 : i32
    %eq3A_0 = arith.cmpi eq, %arg0, %eq3A : i32
    %convert_element_type3A = arith.extui %eq3A_0 : i1 to i32
    %cond3A = arith.constant 0 : i32
    %cond3A_1 = arith.cmpi ne, %convert_element_type3A, %cond3A : i32
    scf.if %cond3A_1 {
      %add3A = arith.constant 0 : i32
      %add3A_2 = arith.addi %add3A, %arg1 : i32
      %lt3A = arith.constant 125 : i32
      %lt3A_3 = arith.cmpi slt, %add3A_2, %lt3A : i32
      %convert_element_type3A_4 = arith.extui %lt3A_3 : i1 to i32
      %cond3A_5 = arith.constant 0 : i32
      %cond3A_6 = arith.cmpi ne, %convert_element_type3A_4, %cond3A_5 : i32
      scf.if %cond3A_6 {
        %mul3A_146 = arith.constant 80 : i32
        %mul3A_147 = arith.muli %add3A_2, %mul3A_146 : i32
        %mul3A_148 = arith.constant 80 : i32
        %mul3A_149 = arith.muli %add3A_2, %mul3A_148 : i32
        "tpu.region"() ({
          %run_scoped3A = tpu.sem_alloc : memref<!tpu.dma_semaphore, #tpu.memory_space<semaphore_mem>>
          %dma_start3A_150 = arith.constant 0 : i32
          %dma_start3A_151 = tpu.memref_slice %arg16[%mul3A_149, %dma_start3A_150] : memref<10000x128xf32, #tpu.memory_space<vmem_shared>> -> memref<80x128xf32, #tpu.memory_space<vmem_shared>>
          %dma_start3A_152 = arith.constant 0 : i32
          %dma_start3A_153 = tpu.memref_slice %arg6[%mul3A_147, %dma_start3A_152] : memref<10000x128xf32, #tpu.memory_space<hbm>> -> memref<80x128xf32, #tpu.memory_space<hbm>>
          tpu.enqueue_dma source(%dma_start3A_153 : memref<80x128xf32, #tpu.memory_space<hbm>>) target(%dma_start3A_151 : memref<80x128xf32, #tpu.memory_space<vmem_shared>>) target_semaphore(%run_scoped3A : memref<!tpu.dma_semaphore, #tpu.memory_space<semaphore_mem>>)
          %dma_wait3A_154 = arith.constant 0 : i32
          %dma_wait3A_155 = tpu.memref_slice %arg16[%mul3A_149, %dma_wait3A_154] : memref<10000x128xf32, #tpu.memory_space<vmem_shared>> -> memref<80x128xf32, #tpu.memory_space<vmem_shared>>
          %dma_wait3A_156 = arith.constant 0 : i32
          %dma_wait3A_157 = tpu.memref_slice %arg6[%mul3A_147, %dma_wait3A_156] : memref<10000x128xf32, #tpu.memory_space<hbm>> -> memref<80x128xf32, #tpu.memory_space<hbm>>
          tpu.wait_dma2 semaphore(%run_scoped3A : memref<!tpu.dma_semaphore, #tpu.memory_space<semaphore_mem>>) src(%dma_wait3A_157 : memref<80x128xf32, #tpu.memory_space<hbm>>) dst(%dma_wait3A_155 : memref<80x128xf32, #tpu.memory_space<vmem_shared>>)
          tpu.yield
        }) : () -> ()
      } else {
      }
      %add3A_7 = arith.constant 16 : i32
      %add3A_8 = arith.addi %add3A_7, %arg1 : i32
      %lt3A_9 = arith.constant 125 : i32
      %lt3A_10 = arith.cmpi slt, %add3A_8, %lt3A_9 : i32
      %convert_element_type3A_11 = arith.extui %lt3A_10 : i1 to i32
      %cond3A_12 = arith.constant 0 : i32
      %cond3A_13 = arith.cmpi ne, %convert_element_type3A_11, %cond3A_12 : i32
      scf.if %cond3A_13 {
        %mul3A_146 = arith.constant 80 : i32
        %mul3A_147 = arith.muli %add3A_8, %mul3A_146 : i32
        %mul3A_148 = arith.constant 80 : i32
        %mul3A_149 = arith.muli %add3A_8, %mul3A_148 : i32
        "tpu.region"() ({
          %run_scoped3A = tpu.sem_alloc : memref<!tpu.dma_semaphore, #tpu.memory_space<semaphore_mem>>
          %dma_start3A_150 = arith.constant 0 : i32
          %dma_start3A_151 = tpu.memref_slice %arg16[%mul3A_149, %dma_start3A_150] : memref<10000x128xf32, #tpu.memory_space<vmem_shared>> -> memref<80x128xf32, #tpu.memory_space<vmem_shared>>
          %dma_start3A_152 = arith.constant 0 : i32
          %dma_start3A_153 = tpu.memref_slice %arg6[%mul3A_147, %dma_start3A_152] : memref<10000x128xf32, #tpu.memory_space<hbm>> -> memref<80x128xf32, #tpu.memory_space<hbm>>
          tpu.enqueue_dma source(%dma_start3A_153 : memref<80x128xf32, #tpu.memory_space<hbm>>) target(%dma_start3A_151 : memref<80x128xf32, #tpu.memory_space<vmem_shared>>) target_semaphore(%run_scoped3A : memref<!tpu.dma_semaphore, #tpu.memory_space<semaphore_mem>>)
          %dma_wait3A_154 = arith.constant 0 : i32
          %dma_wait3A_155 = tpu.memref_slice %arg16[%mul3A_149, %dma_wait3A_154] : memref<10000x128xf32, #tpu.memory_space<vmem_shared>> -> memref<80x128xf32, #tpu.memory_space<vmem_shared>>
          %dma_wait3A_156 = arith.constant 0 : i32
          %dma_wait3A_157 = tpu.memref_slice %arg6[%mul3A_147, %dma_wait3A_156] : memref<10000x128xf32, #tpu.memory_space<hbm>> -> memref<80x128xf32, #tpu.memory_space<hbm>>
          tpu.wait_dma2 semaphore(%run_scoped3A : memref<!tpu.dma_semaphore, #tpu.memory_space<semaphore_mem>>) src(%dma_wait3A_157 : memref<80x128xf32, #tpu.memory_space<hbm>>) dst(%dma_wait3A_155 : memref<80x128xf32, #tpu.memory_space<vmem_shared>>)
          tpu.yield
        }) : () -> ()
      } else {
      }
      %add3A_14 = arith.constant 32 : i32
      %add3A_15 = arith.addi %add3A_14, %arg1 : i32
      %lt3A_16 = arith.constant 125 : i32
      %lt3A_17 = arith.cmpi slt, %add3A_15, %lt3A_16 : i32
      %convert_element_type3A_18 = arith.extui %lt3A_17 : i1 to i32
      %cond3A_19 = arith.constant 0 : i32
      %cond3A_20 = arith.cmpi ne, %convert_element_type3A_18, %cond3A_19 : i32
      scf.if %cond3A_20 {
        %mul3A_146 = arith.constant 80 : i32
        %mul3A_147 = arith.muli %add3A_15, %mul3A_146 : i32
        %mul3A_148 = arith.constant 80 : i32
        %mul3A_149 = arith.muli %add3A_15, %mul3A_148 : i32
        "tpu.region"() ({
          %run_scoped3A = tpu.sem_alloc : memref<!tpu.dma_semaphore, #tpu.memory_space<semaphore_mem>>
          %dma_start3A_150 = arith.constant 0 : i32
          %dma_start3A_151 = tpu.memref_slice %arg16[%mul3A_149, %dma_start3A_150] : memref<10000x128xf32, #tpu.memory_space<vmem_shared>> -> memref<80x128xf32, #tpu.memory_space<vmem_shared>>
          %dma_start3A_152 = arith.constant 0 : i32
          %dma_start3A_153 = tpu.memref_slice %arg6[%mul3A_147, %dma_start3A_152] : memref<10000x128xf32, #tpu.memory_space<hbm>> -> memref<80x128xf32, #tpu.memory_space<hbm>>
          tpu.enqueue_dma source(%dma_start3A_153 : memref<80x128xf32, #tpu.memory_space<hbm>>) target(%dma_start3A_151 : memref<80x128xf32, #tpu.memory_space<vmem_shared>>) target_semaphore(%run_scoped3A : memref<!tpu.dma_semaphore, #tpu.memory_space<semaphore_mem>>)
          %dma_wait3A_154 = arith.constant 0 : i32
          %dma_wait3A_155 = tpu.memref_slice %arg16[%mul3A_149, %dma_wait3A_154] : memref<10000x128xf32, #tpu.memory_space<vmem_shared>> -> memref<80x128xf32, #tpu.memory_space<vmem_shared>>
          %dma_wait3A_156 = arith.constant 0 : i32
          %dma_wait3A_157 = tpu.memref_slice %arg6[%mul3A_147, %dma_wait3A_156] : memref<10000x128xf32, #tpu.memory_space<hbm>> -> memref<80x128xf32, #tpu.memory_space<hbm>>
          tpu.wait_dma2 semaphore(%run_scoped3A : memref<!tpu.dma_semaphore, #tpu.memory_space<semaphore_mem>>) src(%dma_wait3A_157 : memref<80x128xf32, #tpu.memory_space<hbm>>) dst(%dma_wait3A_155 : memref<80x128xf32, #tpu.memory_space<vmem_shared>>)
          tpu.yield
        }) : () -> ()
      } else {
      }
      %add3A_21 = arith.constant 48 : i32
      %add3A_22 = arith.addi %add3A_21, %arg1 : i32
      %lt3A_23 = arith.constant 125 : i32
      %lt3A_24 = arith.cmpi slt, %add3A_22, %lt3A_23 : i32
      %convert_element_type3A_25 = arith.extui %lt3A_24 : i1 to i32
      %cond3A_26 = arith.constant 0 : i32
      %cond3A_27 = arith.cmpi ne, %convert_element_type3A_25, %cond3A_26 : i32
      scf.if %cond3A_27 {
        %mul3A_146 = arith.constant 80 : i32
        %mul3A_147 = arith.muli %add3A_22, %mul3A_146 : i32
        %mul3A_148 = arith.constant 80 : i32
        %mul3A_149 = arith.muli %add3A_22, %mul3A_148 : i32
        "tpu.region"() ({
          %run_scoped3A = tpu.sem_alloc : memref<!tpu.dma_semaphore, #tpu.memory_space<semaphore_mem>>
          %dma_start3A_150 = arith.constant 0 : i32
          %dma_start3A_151 = tpu.memref_slice %arg16[%mul3A_149, %dma_start3A_150] : memref<10000x128xf32, #tpu.memory_space<vmem_shared>> -> memref<80x128xf32, #tpu.memory_space<vmem_shared>>
          %dma_start3A_152 = arith.constant 0 : i32
          %dma_start3A_153 = tpu.memref_slice %arg6[%mul3A_147, %dma_start3A_152] : memref<10000x128xf32, #tpu.memory_space<hbm>> -> memref<80x128xf32, #tpu.memory_space<hbm>>
          tpu.enqueue_dma source(%dma_start3A_153 : memref<80x128xf32, #tpu.memory_space<hbm>>) target(%dma_start3A_151 : memref<80x128xf32, #tpu.memory_space<vmem_shared>>) target_semaphore(%run_scoped3A : memref<!tpu.dma_semaphore, #tpu.memory_space<semaphore_mem>>)
          %dma_wait3A_154 = arith.constant 0 : i32
          %dma_wait3A_155 = tpu.memref_slice %arg16[%mul3A_149, %dma_wait3A_154] : memref<10000x128xf32, #tpu.memory_space<vmem_shared>> -> memref<80x128xf32, #tpu.memory_space<vmem_shared>>
          %dma_wait3A_156 = arith.constant 0 : i32
          %dma_wait3A_157 = tpu.memref_slice %arg6[%mul3A_147, %dma_wait3A_156] : memref<10000x128xf32, #tpu.memory_space<hbm>> -> memref<80x128xf32, #tpu.memory_space<hbm>>
          tpu.wait_dma2 semaphore(%run_scoped3A : memref<!tpu.dma_semaphore, #tpu.memory_space<semaphore_mem>>) src(%dma_wait3A_157 : memref<80x128xf32, #tpu.memory_space<hbm>>) dst(%dma_wait3A_155 : memref<80x128xf32, #tpu.memory_space<vmem_shared>>)
          tpu.yield
        }) : () -> ()
      } else {
      }
      %add3A_28 = arith.constant 64 : i32
      %add3A_29 = arith.addi %add3A_28, %arg1 : i32
      %lt3A_30 = arith.constant 125 : i32
      %lt3A_31 = arith.cmpi slt, %add3A_29, %lt3A_30 : i32
      %convert_element_type3A_32 = arith.extui %lt3A_31 : i1 to i32
      %cond3A_33 = arith.constant 0 : i32
      %cond3A_34 = arith.cmpi ne, %convert_element_type3A_32, %cond3A_33 : i32
      scf.if %cond3A_34 {
        %mul3A_146 = arith.constant 80 : i32
        %mul3A_147 = arith.muli %add3A_29, %mul3A_146 : i32
        %mul3A_148 = arith.constant 80 : i32
        %mul3A_149 = arith.muli %add3A_29, %mul3A_148 : i32
        "tpu.region"() ({
          %run_scoped3A = tpu.sem_alloc : memref<!tpu.dma_semaphore, #tpu.memory_space<semaphore_mem>>
          %dma_start3A_150 = arith.constant 0 : i32
          %dma_start3A_151 = tpu.memref_slice %arg16[%mul3A_149, %dma_start3A_150] : memref<10000x128xf32, #tpu.memory_space<vmem_shared>> -> memref<80x128xf32, #tpu.memory_space<vmem_shared>>
          %dma_start3A_152 = arith.constant 0 : i32
          %dma_start3A_153 = tpu.memref_slice %arg6[%mul3A_147, %dma_start3A_152] : memref<10000x128xf32, #tpu.memory_space<hbm>> -> memref<80x128xf32, #tpu.memory_space<hbm>>
          tpu.enqueue_dma source(%dma_start3A_153 : memref<80x128xf32, #tpu.memory_space<hbm>>) target(%dma_start3A_151 : memref<80x128xf32, #tpu.memory_space<vmem_shared>>) target_semaphore(%run_scoped3A : memref<!tpu.dma_semaphore, #tpu.memory_space<semaphore_mem>>)
          %dma_wait3A_154 = arith.constant 0 : i32
          %dma_wait3A_155 = tpu.memref_slice %arg16[%mul3A_149, %dma_wait3A_154] : memref<10000x128xf32, #tpu.memory_space<vmem_shared>> -> memref<80x128xf32, #tpu.memory_space<vmem_shared>>
          %dma_wait3A_156 = arith.constant 0 : i32
          %dma_wait3A_157 = tpu.memref_slice %arg6[%mul3A_147, %dma_wait3A_156] : memref<10000x128xf32, #tpu.memory_space<hbm>> -> memref<80x128xf32, #tpu.memory_space<hbm>>
          tpu.wait_dma2 semaphore(%run_scoped3A : memref<!tpu.dma_semaphore, #tpu.memory_space<semaphore_mem>>) src(%dma_wait3A_157 : memref<80x128xf32, #tpu.memory_space<hbm>>) dst(%dma_wait3A_155 : memref<80x128xf32, #tpu.memory_space<vmem_shared>>)
          tpu.yield
        }) : () -> ()
      } else {
      }
      %add3A_35 = arith.constant 80 : i32
      %add3A_36 = arith.addi %add3A_35, %arg1 : i32
      %lt3A_37 = arith.constant 125 : i32
      %lt3A_38 = arith.cmpi slt, %add3A_36, %lt3A_37 : i32
      %convert_element_type3A_39 = arith.extui %lt3A_38 : i1 to i32
      %cond3A_40 = arith.constant 0 : i32
      %cond3A_41 = arith.cmpi ne, %convert_element_type3A_39, %cond3A_40 : i32
      scf.if %cond3A_41 {
        %mul3A_146 = arith.constant 80 : i32
        %mul3A_147 = arith.muli %add3A_36, %mul3A_146 : i32
        %mul3A_148 = arith.constant 80 : i32
        %mul3A_149 = arith.muli %add3A_36, %mul3A_148 : i32
        "tpu.region"() ({
          %run_scoped3A = tpu.sem_alloc : memref<!tpu.dma_semaphore, #tpu.memory_space<semaphore_mem>>
          %dma_start3A_150 = arith.constant 0 : i32
          %dma_start3A_151 = tpu.memref_slice %arg16[%mul3A_149, %dma_start3A_150] : memref<10000x128xf32, #tpu.memory_space<vmem_shared>> -> memref<80x128xf32, #tpu.memory_space<vmem_shared>>
          %dma_start3A_152 = arith.constant 0 : i32
          %dma_start3A_153 = tpu.memref_slice %arg6[%mul3A_147, %dma_start3A_152] : memref<10000x128xf32, #tpu.memory_space<hbm>> -> memref<80x128xf32, #tpu.memory_space<hbm>>
          tpu.enqueue_dma source(%dma_start3A_153 : memref<80x128xf32, #tpu.memory_space<hbm>>) target(%dma_start3A_151 : memref<80x128xf32, #tpu.memory_space<vmem_shared>>) target_semaphore(%run_scoped3A : memref<!tpu.dma_semaphore, #tpu.memory_space<semaphore_mem>>)
          %dma_wait3A_154 = arith.constant 0 : i32
          %dma_wait3A_155 = tpu.memref_slice %arg16[%mul3A_149, %dma_wait3A_154] : memref<10000x128xf32, #tpu.memory_space<vmem_shared>> -> memref<80x128xf32, #tpu.memory_space<vmem_shared>>
          %dma_wait3A_156 = arith.constant 0 : i32
          %dma_wait3A_157 = tpu.memref_slice %arg6[%mul3A_147, %dma_wait3A_156] : memref<10000x128xf32, #tpu.memory_space<hbm>> -> memref<80x128xf32, #tpu.memory_space<hbm>>
          tpu.wait_dma2 semaphore(%run_scoped3A : memref<!tpu.dma_semaphore, #tpu.memory_space<semaphore_mem>>) src(%dma_wait3A_157 : memref<80x128xf32, #tpu.memory_space<hbm>>) dst(%dma_wait3A_155 : memref<80x128xf32, #tpu.memory_space<vmem_shared>>)
          tpu.yield
        }) : () -> ()
      } else {
      }
      %add3A_42 = arith.constant 96 : i32
      %add3A_43 = arith.addi %add3A_42, %arg1 : i32
      %lt3A_44 = arith.constant 125 : i32
      %lt3A_45 = arith.cmpi slt, %add3A_43, %lt3A_44 : i32
      %convert_element_type3A_46 = arith.extui %lt3A_45 : i1 to i32
      %cond3A_47 = arith.constant 0 : i32
      %cond3A_48 = arith.cmpi ne, %convert_element_type3A_46, %cond3A_47 : i32
      scf.if %cond3A_48 {
        %mul3A_146 = arith.constant 80 : i32
        %mul3A_147 = arith.muli %add3A_43, %mul3A_146 : i32
        %mul3A_148 = arith.constant 80 : i32
        %mul3A_149 = arith.muli %add3A_43, %mul3A_148 : i32
        "tpu.region"() ({
          %run_scoped3A = tpu.sem_alloc : memref<!tpu.dma_semaphore, #tpu.memory_space<semaphore_mem>>
          %dma_start3A_150 = arith.constant 0 : i32
          %dma_start3A_151 = tpu.memref_slice %arg16[%mul3A_149, %dma_start3A_150] : memref<10000x128xf32, #tpu.memory_space<vmem_shared>> -> memref<80x128xf32, #tpu.memory_space<vmem_shared>>
          %dma_start3A_152 = arith.constant 0 : i32
          %dma_start3A_153 = tpu.memref_slice %arg6[%mul3A_147, %dma_start3A_152] : memref<10000x128xf32, #tpu.memory_space<hbm>> -> memref<80x128xf32, #tpu.memory_space<hbm>>
          tpu.enqueue_dma source(%dma_start3A_153 : memref<80x128xf32, #tpu.memory_space<hbm>>) target(%dma_start3A_151 : memref<80x128xf32, #tpu.memory_space<vmem_shared>>) target_semaphore(%run_scoped3A : memref<!tpu.dma_semaphore, #tpu.memory_space<semaphore_mem>>)
          %dma_wait3A_154 = arith.constant 0 : i32
          %dma_wait3A_155 = tpu.memref_slice %arg16[%mul3A_149, %dma_wait3A_154] : memref<10000x128xf32, #tpu.memory_space<vmem_shared>> -> memref<80x128xf32, #tpu.memory_space<vmem_shared>>
          %dma_wait3A_156 = arith.constant 0 : i32
          %dma_wait3A_157 = tpu.memref_slice %arg6[%mul3A_147, %dma_wait3A_156] : memref<10000x128xf32, #tpu.memory_space<hbm>> -> memref<80x128xf32, #tpu.memory_space<hbm>>
          tpu.wait_dma2 semaphore(%run_scoped3A : memref<!tpu.dma_semaphore, #tpu.memory_space<semaphore_mem>>) src(%dma_wait3A_157 : memref<80x128xf32, #tpu.memory_space<hbm>>) dst(%dma_wait3A_155 : memref<80x128xf32, #tpu.memory_space<vmem_shared>>)
          tpu.yield
        }) : () -> ()
      } else {
      }
      %add3A_49 = arith.constant 112 : i32
      %add3A_50 = arith.addi %add3A_49, %arg1 : i32
      %lt3A_51 = arith.constant 125 : i32
      %lt3A_52 = arith.cmpi slt, %add3A_50, %lt3A_51 : i32
      %convert_element_type3A_53 = arith.extui %lt3A_52 : i1 to i32
      %cond3A_54 = arith.constant 0 : i32
      %cond3A_55 = arith.cmpi ne, %convert_element_type3A_53, %cond3A_54 : i32
      scf.if %cond3A_55 {
        %mul3A_146 = arith.constant 80 : i32
        %mul3A_147 = arith.muli %add3A_50, %mul3A_146 : i32
        %mul3A_148 = arith.constant 80 : i32
        %mul3A_149 = arith.muli %add3A_50, %mul3A_148 : i32
        "tpu.region"() ({
          %run_scoped3A = tpu.sem_alloc : memref<!tpu.dma_semaphore, #tpu.memory_space<semaphore_mem>>
          %dma_start3A_150 = arith.constant 0 : i32
          %dma_start3A_151 = tpu.memref_slice %arg16[%mul3A_149, %dma_start3A_150] : memref<10000x128xf32, #tpu.memory_space<vmem_shared>> -> memref<80x128xf32, #tpu.memory_space<vmem_shared>>
          %dma_start3A_152 = arith.constant 0 : i32
          %dma_start3A_153 = tpu.memref_slice %arg6[%mul3A_147, %dma_start3A_152] : memref<10000x128xf32, #tpu.memory_space<hbm>> -> memref<80x128xf32, #tpu.memory_space<hbm>>
          tpu.enqueue_dma source(%dma_start3A_153 : memref<80x128xf32, #tpu.memory_space<hbm>>) target(%dma_start3A_151 : memref<80x128xf32, #tpu.memory_space<vmem_shared>>) target_semaphore(%run_scoped3A : memref<!tpu.dma_semaphore, #tpu.memory_space<semaphore_mem>>)
          %dma_wait3A_154 = arith.constant 0 : i32
          %dma_wait3A_155 = tpu.memref_slice %arg16[%mul3A_149, %dma_wait3A_154] : memref<10000x128xf32, #tpu.memory_space<vmem_shared>> -> memref<80x128xf32, #tpu.memory_space<vmem_shared>>
          %dma_wait3A_156 = arith.constant 0 : i32
          %dma_wait3A_157 = tpu.memref_slice %arg6[%mul3A_147, %dma_wait3A_156] : memref<10000x128xf32, #tpu.memory_space<hbm>> -> memref<80x128xf32, #tpu.memory_space<hbm>>
          tpu.wait_dma2 semaphore(%run_scoped3A : memref<!tpu.dma_semaphore, #tpu.memory_space<semaphore_mem>>) src(%dma_wait3A_157 : memref<80x128xf32, #tpu.memory_space<hbm>>) dst(%dma_wait3A_155 : memref<80x128xf32, #tpu.memory_space<vmem_shared>>)
          tpu.yield
        }) : () -> ()
      } else {
      }
      %barrier3A = arith.constant 0 : index
      tpu.barrier barrier_id(%barrier3A)
      %mul3A = arith.constant 10000 : i32
      %mul3A_56 = arith.muli %arg1, %mul3A : i32
      %add3A_57 = arith.constant 0 : i32
      %add3A_58 = arith.addi %mul3A_56, %add3A_57 : i32
      %dma_start3A = tpu.memref_slice %arg4[%add3A_58] : memref<160000xi32, #tpu.memory_space<hbm>> -> memref<80xi32, #tpu.memory_space<hbm>>
      %dma_start3A_59 = tpu.memref_slice %arg4[%add3A_58] : memref<160000xi32, #tpu.memory_space<hbm>> -> memref<80xi32, #tpu.memory_space<hbm>>
      tpu.enqueue_dma source(%dma_start3A_59 : memref<80xi32, #tpu.memory_space<hbm>>) target(%arg8 : memref<80xi32, #tpu.memory_space<vmem>>) target_semaphore(%arg17 : memref<!tpu.dma_semaphore, #tpu.memory_space<semaphore_mem>>)
      %dma_start3A_60 = arith.constant 0 : i32
      %dma_start3A_61 = tpu.memref_slice %arg2[%add3A_58, %dma_start3A_60] : memref<160000x128xf32, #tpu.memory_space<hbm>> -> memref<80x128xf32, #tpu.memory_space<hbm>>
      %dma_start3A_62 = arith.constant 0 : i32
      %dma_start3A_63 = tpu.memref_slice %arg2[%add3A_58, %dma_start3A_62] : memref<160000x128xf32, #tpu.memory_space<hbm>> -> memref<80x128xf32, #tpu.memory_space<hbm>>
      tpu.enqueue_dma source(%dma_start3A_63 : memref<80x128xf32, #tpu.memory_space<hbm>>) target(%arg12 : memref<80x128xf32, #tpu.memory_space<vmem>>) target_semaphore(%arg21 : memref<!tpu.dma_semaphore, #tpu.memory_space<semaphore_mem>>)
      %dma_start3A_64 = tpu.memref_slice %arg5[%add3A_58] : memref<160000xi32, #tpu.memory_space<hbm>> -> memref<80xi32, #tpu.memory_space<hbm>>
      %dma_start3A_65 = tpu.memref_slice %arg5[%add3A_58] : memref<160000xi32, #tpu.memory_space<hbm>> -> memref<80xi32, #tpu.memory_space<hbm>>
      tpu.enqueue_dma source(%dma_start3A_65 : memref<80xi32, #tpu.memory_space<hbm>>) target(%arg10 : memref<80xi32, #tpu.memory_space<vmem>>) target_semaphore(%arg19 : memref<!tpu.dma_semaphore, #tpu.memory_space<semaphore_mem>>)
      %dma_start3A_66 = arith.constant 0 : i32
      %dma_start3A_67 = tpu.memref_slice %arg3[%add3A_58, %dma_start3A_66] : memref<160000x128xf32, #tpu.memory_space<hbm>> -> memref<80x128xf32, #tpu.memory_space<hbm>>
      %dma_start3A_68 = arith.constant 0 : i32
      %dma_start3A_69 = tpu.memref_slice %arg3[%add3A_58, %dma_start3A_68] : memref<160000x128xf32, #tpu.memory_space<hbm>> -> memref<80x128xf32, #tpu.memory_space<hbm>>
      tpu.enqueue_dma source(%dma_start3A_69 : memref<80x128xf32, #tpu.memory_space<hbm>>) target(%arg14 : memref<80x128xf32, #tpu.memory_space<vmem>>) target_semaphore(%arg23 : memref<!tpu.dma_semaphore, #tpu.memory_space<semaphore_mem>>)
      %scan3A = arith.constant 0 : i32
      %scan3A_70 = arith.constant 0 : i32
      %scan3A_71 = arith.constant 62 : i32
      %scan3A_72 = arith.addi %scan3A_70, %scan3A_71 : i32
      %scan3A_73 = arith.constant 1 : i32
      %scan3A_74 = scf.for %scan3A_146 = %scan3A_70 to %scan3A_72 step %scan3A_73 iter_args(%scan3A_147 = %scan3A) -> (i32)  : i32 {
        %mul3A_148 = arith.constant 2 : i32
        %mul3A_149 = arith.muli %mul3A_148, %scan3A_146 : i32
        %add3A_150 = arith.constant 1 : i32
        %add3A_151 = arith.addi %mul3A_149, %add3A_150 : i32
        %mul3A_152 = arith.constant 80 : i32
        %mul3A_153 = arith.muli %add3A_151, %mul3A_152 : i32
        %add3A_154 = arith.addi %mul3A_56, %mul3A_153 : i32
        %dma_start3A_155 = tpu.memref_slice %arg4[%add3A_154] : memref<160000xi32, #tpu.memory_space<hbm>> -> memref<80xi32, #tpu.memory_space<hbm>>
        %dma_start3A_156 = tpu.memref_slice %arg4[%add3A_154] : memref<160000xi32, #tpu.memory_space<hbm>> -> memref<80xi32, #tpu.memory_space<hbm>>
        tpu.enqueue_dma source(%dma_start3A_156 : memref<80xi32, #tpu.memory_space<hbm>>) target(%arg9 : memref<80xi32, #tpu.memory_space<vmem>>) target_semaphore(%arg18 : memref<!tpu.dma_semaphore, #tpu.memory_space<semaphore_mem>>)
        %dma_start3A_157 = arith.constant 0 : i32
        %dma_start3A_158 = tpu.memref_slice %arg2[%add3A_154, %dma_start3A_157] : memref<160000x128xf32, #tpu.memory_space<hbm>> -> memref<80x128xf32, #tpu.memory_space<hbm>>
        %dma_start3A_159 = arith.constant 0 : i32
        %dma_start3A_160 = tpu.memref_slice %arg2[%add3A_154, %dma_start3A_159] : memref<160000x128xf32, #tpu.memory_space<hbm>> -> memref<80x128xf32, #tpu.memory_space<hbm>>
        tpu.enqueue_dma source(%dma_start3A_160 : memref<80x128xf32, #tpu.memory_space<hbm>>) target(%arg13 : memref<80x128xf32, #tpu.memory_space<vmem>>) target_semaphore(%arg22 : memref<!tpu.dma_semaphore, #tpu.memory_space<semaphore_mem>>)
        %dma_start3A_161 = tpu.memref_slice %arg5[%add3A_154] : memref<160000xi32, #tpu.memory_space<hbm>> -> memref<80xi32, #tpu.memory_space<hbm>>
        %dma_start3A_162 = tpu.memref_slice %arg5[%add3A_154] : memref<160000xi32, #tpu.memory_space<hbm>> -> memref<80xi32, #tpu.memory_space<hbm>>
        tpu.enqueue_dma source(%dma_start3A_162 : memref<80xi32, #tpu.memory_space<hbm>>) target(%arg11 : memref<80xi32, #tpu.memory_space<vmem>>) target_semaphore(%arg20 : memref<!tpu.dma_semaphore, #tpu.memory_space<semaphore_mem>>)
        %dma_start3A_163 = arith.constant 0 : i32
        %dma_start3A_164 = tpu.memref_slice %arg3[%add3A_154, %dma_start3A_163] : memref<160000x128xf32, #tpu.memory_space<hbm>> -> memref<80x128xf32, #tpu.memory_space<hbm>>
        %dma_start3A_165 = arith.constant 0 : i32
        %dma_start3A_166 = tpu.memref_slice %arg3[%add3A_154, %dma_start3A_165] : memref<160000x128xf32, #tpu.memory_space<hbm>> -> memref<80x128xf32, #tpu.memory_space<hbm>>
        tpu.enqueue_dma source(%dma_start3A_166 : memref<80x128xf32, #tpu.memory_space<hbm>>) target(%arg15 : memref<80x128xf32, #tpu.memory_space<vmem>>) target_semaphore(%arg24 : memref<!tpu.dma_semaphore, #tpu.memory_space<semaphore_mem>>)
        %mul3A_167 = arith.constant 80 : i32
        %mul3A_168 = arith.muli %mul3A_149, %mul3A_167 : i32
        %add3A_169 = arith.addi %mul3A_56, %mul3A_168 : i32
        %dma_wait3A_170 = tpu.memref_slice %arg4[%add3A_169] : memref<160000xi32, #tpu.memory_space<hbm>> -> memref<80xi32, #tpu.memory_space<hbm>>
        %dma_wait3A_171 = tpu.memref_slice %arg4[%add3A_169] : memref<160000xi32, #tpu.memory_space<hbm>> -> memref<80xi32, #tpu.memory_space<hbm>>
        tpu.wait_dma2 semaphore(%arg17 : memref<!tpu.dma_semaphore, #tpu.memory_space<semaphore_mem>>) src(%dma_wait3A_171 : memref<80xi32, #tpu.memory_space<hbm>>) dst(%arg8 : memref<80xi32, #tpu.memory_space<vmem>>)
        %dma_wait3A_172 = arith.constant 0 : i32
        %dma_wait3A_173 = tpu.memref_slice %arg2[%add3A_169, %dma_wait3A_172] : memref<160000x128xf32, #tpu.memory_space<hbm>> -> memref<80x128xf32, #tpu.memory_space<hbm>>
        %dma_wait3A_174 = arith.constant 0 : i32
        %dma_wait3A_175 = tpu.memref_slice %arg2[%add3A_169, %dma_wait3A_174] : memref<160000x128xf32, #tpu.memory_space<hbm>> -> memref<80x128xf32, #tpu.memory_space<hbm>>
        tpu.wait_dma2 semaphore(%arg21 : memref<!tpu.dma_semaphore, #tpu.memory_space<semaphore_mem>>) src(%dma_wait3A_175 : memref<80x128xf32, #tpu.memory_space<hbm>>) dst(%arg12 : memref<80x128xf32, #tpu.memory_space<vmem>>)
        "tpu.region"() ({
          %run_scoped3A = tpu.sem_alloc : memref<!tpu.dma_semaphore, #tpu.memory_space<semaphore_mem>>
          %dma_start3A_207 = arith.constant 0 : i32
          %dma_start3A_208 = arith.constant 0 : i32
          %dma_start3A_209 = tpu.memref_slice %arg16[%dma_start3A_207, %dma_start3A_208] : memref<10000x128xf32, #tpu.memory_space<vmem_shared>> -> memref<10000x128xf32, #tpu.memory_space<vmem_shared>>
          tpu.enqueue_indirect_dma source(%arg12 : memref<80x128xf32, #tpu.memory_space<vmem>>) target(%dma_start3A_209 : memref<10000x128xf32, #tpu.memory_space<vmem_shared>>) offsets(%arg8 : memref<80xi32, #tpu.memory_space<vmem>>) semaphore(%run_scoped3A : memref<!tpu.dma_semaphore, #tpu.memory_space<semaphore_mem>>) {add = true}
          %dma_wait3A_210 = arith.constant 0 : i32
          %dma_wait3A_211 = arith.constant 0 : i32
          %dma_wait3A_212 = tpu.memref_slice %arg16[%dma_wait3A_210, %dma_wait3A_211] : memref<10000x128xf32, #tpu.memory_space<vmem_shared>> -> memref<10000x128xf32, #tpu.memory_space<vmem_shared>>
          tpu.wait_indirect_dma semaphore(%run_scoped3A : memref<!tpu.dma_semaphore, #tpu.memory_space<semaphore_mem>>) src(%arg12 : memref<80x128xf32, #tpu.memory_space<vmem>>) dst(%dma_wait3A_212 : memref<10000x128xf32, #tpu.memory_space<vmem_shared>>)
          tpu.yield
        }) : () -> ()
        %dma_wait3A_176 = tpu.memref_slice %arg5[%add3A_169] : memref<160000xi32, #tpu.memory_space<hbm>> -> memref<80xi32, #tpu.memory_space<hbm>>
        %dma_wait3A_177 = tpu.memref_slice %arg5[%add3A_169] : memref<160000xi32, #tpu.memory_space<hbm>> -> memref<80xi32, #tpu.memory_space<hbm>>
        tpu.wait_dma2 semaphore(%arg19 : memref<!tpu.dma_semaphore, #tpu.memory_space<semaphore_mem>>) src(%dma_wait3A_177 : memref<80xi32, #tpu.memory_space<hbm>>) dst(%arg10 : memref<80xi32, #tpu.memory_space<vmem>>)
        %dma_wait3A_178 = arith.constant 0 : i32
        %dma_wait3A_179 = tpu.memref_slice %arg3[%add3A_169, %dma_wait3A_178] : memref<160000x128xf32, #tpu.memory_space<hbm>> -> memref<80x128xf32, #tpu.memory_space<hbm>>
        %dma_wait3A_180 = arith.constant 0 : i32
        %dma_wait3A_181 = tpu.memref_slice %arg3[%add3A_169, %dma_wait3A_180] : memref<160000x128xf32, #tpu.memory_space<hbm>> -> memref<80x128xf32, #tpu.memory_space<hbm>>
        tpu.wait_dma2 semaphore(%arg23 : memref<!tpu.dma_semaphore, #tpu.memory_space<semaphore_mem>>) src(%dma_wait3A_181 : memref<80x128xf32, #tpu.memory_space<hbm>>) dst(%arg14 : memref<80x128xf32, #tpu.memory_space<vmem>>)
        "tpu.region"() ({
          %run_scoped3A = tpu.sem_alloc : memref<!tpu.dma_semaphore, #tpu.memory_space<semaphore_mem>>
          %dma_start3A_207 = arith.constant 0 : i32
          %dma_start3A_208 = arith.constant 0 : i32
          %dma_start3A_209 = tpu.memref_slice %arg16[%dma_start3A_207, %dma_start3A_208] : memref<10000x128xf32, #tpu.memory_space<vmem_shared>> -> memref<10000x128xf32, #tpu.memory_space<vmem_shared>>
          tpu.enqueue_indirect_dma source(%arg14 : memref<80x128xf32, #tpu.memory_space<vmem>>) target(%dma_start3A_209 : memref<10000x128xf32, #tpu.memory_space<vmem_shared>>) offsets(%arg10 : memref<80xi32, #tpu.memory_space<vmem>>) semaphore(%run_scoped3A : memref<!tpu.dma_semaphore, #tpu.memory_space<semaphore_mem>>) {add = true}
          %dma_wait3A_210 = arith.constant 0 : i32
          %dma_wait3A_211 = arith.constant 0 : i32
          %dma_wait3A_212 = tpu.memref_slice %arg16[%dma_wait3A_210, %dma_wait3A_211] : memref<10000x128xf32, #tpu.memory_space<vmem_shared>> -> memref<10000x128xf32, #tpu.memory_space<vmem_shared>>
          tpu.wait_indirect_dma semaphore(%run_scoped3A : memref<!tpu.dma_semaphore, #tpu.memory_space<semaphore_mem>>) src(%arg14 : memref<80x128xf32, #tpu.memory_space<vmem>>) dst(%dma_wait3A_212 : memref<10000x128xf32, #tpu.memory_space<vmem_shared>>)
          tpu.yield
        }) : () -> ()
        %add3A_182 = arith.constant 2 : i32
        %add3A_183 = arith.addi %mul3A_149, %add3A_182 : i32
        %lt3A_184 = arith.constant 125 : i32
        %lt3A_185 = arith.cmpi slt, %add3A_183, %lt3A_184 : i32
        %convert_element_type3A_186 = arith.extui %lt3A_185 : i1 to i32
        %cond3A_187 = arith.constant 0 : i32
        %cond3A_188 = arith.cmpi ne, %convert_element_type3A_186, %cond3A_187 : i32
        scf.if %cond3A_188 {
          %add3A_207 = arith.constant 2 : i32
          %add3A_208 = arith.addi %mul3A_149, %add3A_207 : i32
          %mul3A_209 = arith.constant 80 : i32
          %mul3A_210 = arith.muli %add3A_208, %mul3A_209 : i32
          %add3A_211 = arith.addi %mul3A_56, %mul3A_210 : i32
          %dma_start3A_212 = tpu.memref_slice %arg4[%add3A_211] : memref<160000xi32, #tpu.memory_space<hbm>> -> memref<80xi32, #tpu.memory_space<hbm>>
          %dma_start3A_213 = tpu.memref_slice %arg4[%add3A_211] : memref<160000xi32, #tpu.memory_space<hbm>> -> memref<80xi32, #tpu.memory_space<hbm>>
          tpu.enqueue_dma source(%dma_start3A_213 : memref<80xi32, #tpu.memory_space<hbm>>) target(%arg8 : memref<80xi32, #tpu.memory_space<vmem>>) target_semaphore(%arg17 : memref<!tpu.dma_semaphore, #tpu.memory_space<semaphore_mem>>)
          %dma_start3A_214 = arith.constant 0 : i32
          %dma_start3A_215 = tpu.memref_slice %arg2[%add3A_211, %dma_start3A_214] : memref<160000x128xf32, #tpu.memory_space<hbm>> -> memref<80x128xf32, #tpu.memory_space<hbm>>
          %dma_start3A_216 = arith.constant 0 : i32
          %dma_start3A_217 = tpu.memref_slice %arg2[%add3A_211, %dma_start3A_216] : memref<160000x128xf32, #tpu.memory_space<hbm>> -> memref<80x128xf32, #tpu.memory_space<hbm>>
          tpu.enqueue_dma source(%dma_start3A_217 : memref<80x128xf32, #tpu.memory_space<hbm>>) target(%arg12 : memref<80x128xf32, #tpu.memory_space<vmem>>) target_semaphore(%arg21 : memref<!tpu.dma_semaphore, #tpu.memory_space<semaphore_mem>>)
          %dma_start3A_218 = tpu.memref_slice %arg5[%add3A_211] : memref<160000xi32, #tpu.memory_space<hbm>> -> memref<80xi32, #tpu.memory_space<hbm>>
          %dma_start3A_219 = tpu.memref_slice %arg5[%add3A_211] : memref<160000xi32, #tpu.memory_space<hbm>> -> memref<80xi32, #tpu.memory_space<hbm>>
          tpu.enqueue_dma source(%dma_start3A_219 : memref<80xi32, #tpu.memory_space<hbm>>) target(%arg10 : memref<80xi32, #tpu.memory_space<vmem>>) target_semaphore(%arg19 : memref<!tpu.dma_semaphore, #tpu.memory_space<semaphore_mem>>)
          %dma_start3A_220 = arith.constant 0 : i32
          %dma_start3A_221 = tpu.memref_slice %arg3[%add3A_211, %dma_start3A_220] : memref<160000x128xf32, #tpu.memory_space<hbm>> -> memref<80x128xf32, #tpu.memory_space<hbm>>
          %dma_start3A_222 = arith.constant 0 : i32
          %dma_start3A_223 = tpu.memref_slice %arg3[%add3A_211, %dma_start3A_222] : memref<160000x128xf32, #tpu.memory_space<hbm>> -> memref<80x128xf32, #tpu.memory_space<hbm>>
          tpu.enqueue_dma source(%dma_start3A_223 : memref<80x128xf32, #tpu.memory_space<hbm>>) target(%arg14 : memref<80x128xf32, #tpu.memory_space<vmem>>) target_semaphore(%arg23 : memref<!tpu.dma_semaphore, #tpu.memory_space<semaphore_mem>>)
        } else {
        }
        %add3A_189 = arith.constant 1 : i32
        %add3A_190 = arith.addi %mul3A_149, %add3A_189 : i32
        %mul3A_191 = arith.constant 80 : i32
        %mul3A_192 = arith.muli %add3A_190, %mul3A_191 : i32
        %add3A_193 = arith.addi %mul3A_56, %mul3A_192 : i32
        %dma_wait3A_194 = tpu.memref_slice %arg4[%add3A_193] : memref<160000xi32, #tpu.memory_space<hbm>> -> memref<80xi32, #tpu.memory_space<hbm>>
        %dma_wait3A_195 = tpu.memref_slice %arg4[%add3A_193] : memref<160000xi32, #tpu.memory_space<hbm>> -> memref<80xi32, #tpu.memory_space<hbm>>
        tpu.wait_dma2 semaphore(%arg18 : memref<!tpu.dma_semaphore, #tpu.memory_space<semaphore_mem>>) src(%dma_wait3A_195 : memref<80xi32, #tpu.memory_space<hbm>>) dst(%arg9 : memref<80xi32, #tpu.memory_space<vmem>>)
        %dma_wait3A_196 = arith.constant 0 : i32
        %dma_wait3A_197 = tpu.memref_slice %arg2[%add3A_193, %dma_wait3A_196] : memref<160000x128xf32, #tpu.memory_space<hbm>> -> memref<80x128xf32, #tpu.memory_space<hbm>>
        %dma_wait3A_198 = arith.constant 0 : i32
        %dma_wait3A_199 = tpu.memref_slice %arg2[%add3A_193, %dma_wait3A_198] : memref<160000x128xf32, #tpu.memory_space<hbm>> -> memref<80x128xf32, #tpu.memory_space<hbm>>
        tpu.wait_dma2 semaphore(%arg22 : memref<!tpu.dma_semaphore, #tpu.memory_space<semaphore_mem>>) src(%dma_wait3A_199 : memref<80x128xf32, #tpu.memory_space<hbm>>) dst(%arg13 : memref<80x128xf32, #tpu.memory_space<vmem>>)
        "tpu.region"() ({
          %run_scoped3A = tpu.sem_alloc : memref<!tpu.dma_semaphore, #tpu.memory_space<semaphore_mem>>
          %dma_start3A_207 = arith.constant 0 : i32
          %dma_start3A_208 = arith.constant 0 : i32
          %dma_start3A_209 = tpu.memref_slice %arg16[%dma_start3A_207, %dma_start3A_208] : memref<10000x128xf32, #tpu.memory_space<vmem_shared>> -> memref<10000x128xf32, #tpu.memory_space<vmem_shared>>
          tpu.enqueue_indirect_dma source(%arg13 : memref<80x128xf32, #tpu.memory_space<vmem>>) target(%dma_start3A_209 : memref<10000x128xf32, #tpu.memory_space<vmem_shared>>) offsets(%arg9 : memref<80xi32, #tpu.memory_space<vmem>>) semaphore(%run_scoped3A : memref<!tpu.dma_semaphore, #tpu.memory_space<semaphore_mem>>) {add = true}
          %dma_wait3A_210 = arith.constant 0 : i32
          %dma_wait3A_211 = arith.constant 0 : i32
          %dma_wait3A_212 = tpu.memref_slice %arg16[%dma_wait3A_210, %dma_wait3A_211] : memref<10000x128xf32, #tpu.memory_space<vmem_shared>> -> memref<10000x128xf32, #tpu.memory_space<vmem_shared>>
          tpu.wait_indirect_dma semaphore(%run_scoped3A : memref<!tpu.dma_semaphore, #tpu.memory_space<semaphore_mem>>) src(%arg13 : memref<80x128xf32, #tpu.memory_space<vmem>>) dst(%dma_wait3A_212 : memref<10000x128xf32, #tpu.memory_space<vmem_shared>>)
          tpu.yield
        }) : () -> ()
        %dma_wait3A_200 = tpu.memref_slice %arg5[%add3A_193] : memref<160000xi32, #tpu.memory_space<hbm>> -> memref<80xi32, #tpu.memory_space<hbm>>
        %dma_wait3A_201 = tpu.memref_slice %arg5[%add3A_193] : memref<160000xi32, #tpu.memory_space<hbm>> -> memref<80xi32, #tpu.memory_space<hbm>>
        tpu.wait_dma2 semaphore(%arg20 : memref<!tpu.dma_semaphore, #tpu.memory_space<semaphore_mem>>) src(%dma_wait3A_201 : memref<80xi32, #tpu.memory_space<hbm>>) dst(%arg11 : memref<80xi32, #tpu.memory_space<vmem>>)
        %dma_wait3A_202 = arith.constant 0 : i32
        %dma_wait3A_203 = tpu.memref_slice %arg3[%add3A_193, %dma_wait3A_202] : memref<160000x128xf32, #tpu.memory_space<hbm>> -> memref<80x128xf32, #tpu.memory_space<hbm>>
        %dma_wait3A_204 = arith.constant 0 : i32
        %dma_wait3A_205 = tpu.memref_slice %arg3[%add3A_193, %dma_wait3A_204] : memref<160000x128xf32, #tpu.memory_space<hbm>> -> memref<80x128xf32, #tpu.memory_space<hbm>>
        tpu.wait_dma2 semaphore(%arg24 : memref<!tpu.dma_semaphore, #tpu.memory_space<semaphore_mem>>) src(%dma_wait3A_205 : memref<80x128xf32, #tpu.memory_space<hbm>>) dst(%arg15 : memref<80x128xf32, #tpu.memory_space<vmem>>)
        "tpu.region"() ({
          %run_scoped3A = tpu.sem_alloc : memref<!tpu.dma_semaphore, #tpu.memory_space<semaphore_mem>>
          %dma_start3A_207 = arith.constant 0 : i32
          %dma_start3A_208 = arith.constant 0 : i32
          %dma_start3A_209 = tpu.memref_slice %arg16[%dma_start3A_207, %dma_start3A_208] : memref<10000x128xf32, #tpu.memory_space<vmem_shared>> -> memref<10000x128xf32, #tpu.memory_space<vmem_shared>>
          tpu.enqueue_indirect_dma source(%arg15 : memref<80x128xf32, #tpu.memory_space<vmem>>) target(%dma_start3A_209 : memref<10000x128xf32, #tpu.memory_space<vmem_shared>>) offsets(%arg11 : memref<80xi32, #tpu.memory_space<vmem>>) semaphore(%run_scoped3A : memref<!tpu.dma_semaphore, #tpu.memory_space<semaphore_mem>>) {add = true}
          %dma_wait3A_210 = arith.constant 0 : i32
          %dma_wait3A_211 = arith.constant 0 : i32
          %dma_wait3A_212 = tpu.memref_slice %arg16[%dma_wait3A_210, %dma_wait3A_211] : memref<10000x128xf32, #tpu.memory_space<vmem_shared>> -> memref<10000x128xf32, #tpu.memory_space<vmem_shared>>
          tpu.wait_indirect_dma semaphore(%run_scoped3A : memref<!tpu.dma_semaphore, #tpu.memory_space<semaphore_mem>>) src(%arg15 : memref<80x128xf32, #tpu.memory_space<vmem>>) dst(%dma_wait3A_212 : memref<10000x128xf32, #tpu.memory_space<vmem_shared>>)
          tpu.yield
        }) : () -> ()
        %scan3A_206 = arith.constant 0 : i32
        scf.yield %scan3A_206 : i32
      }
      %scan3A_75 = arith.constant 62 : i32
      %add3A_76 = arith.constant 9920 : i32
      %add3A_77 = arith.addi %mul3A_56, %add3A_76 : i32
      %dma_wait3A = tpu.memref_slice %arg4[%add3A_77] : memref<160000xi32, #tpu.memory_space<hbm>> -> memref<80xi32, #tpu.memory_space<hbm>>
      %dma_wait3A_78 = tpu.memref_slice %arg4[%add3A_77] : memref<160000xi32, #tpu.memory_space<hbm>> -> memref<80xi32, #tpu.memory_space<hbm>>
      tpu.wait_dma2 semaphore(%arg17 : memref<!tpu.dma_semaphore, #tpu.memory_space<semaphore_mem>>) src(%dma_wait3A_78 : memref<80xi32, #tpu.memory_space<hbm>>) dst(%arg8 : memref<80xi32, #tpu.memory_space<vmem>>)
      %dma_wait3A_79 = arith.constant 0 : i32
      %dma_wait3A_80 = tpu.memref_slice %arg2[%add3A_77, %dma_wait3A_79] : memref<160000x128xf32, #tpu.memory_space<hbm>> -> memref<80x128xf32, #tpu.memory_space<hbm>>
      %dma_wait3A_81 = arith.constant 0 : i32
      %dma_wait3A_82 = tpu.memref_slice %arg2[%add3A_77, %dma_wait3A_81] : memref<160000x128xf32, #tpu.memory_space<hbm>> -> memref<80x128xf32, #tpu.memory_space<hbm>>
      tpu.wait_dma2 semaphore(%arg21 : memref<!tpu.dma_semaphore, #tpu.memory_space<semaphore_mem>>) src(%dma_wait3A_82 : memref<80x128xf32, #tpu.memory_space<hbm>>) dst(%arg12 : memref<80x128xf32, #tpu.memory_space<vmem>>)
      "tpu.region"() ({
        %run_scoped3A = tpu.sem_alloc : memref<!tpu.dma_semaphore, #tpu.memory_space<semaphore_mem>>
        %dma_start3A_146 = arith.constant 0 : i32
        %dma_start3A_147 = arith.constant 0 : i32
        %dma_start3A_148 = tpu.memref_slice %arg16[%dma_start3A_146, %dma_start3A_147] : memref<10000x128xf32, #tpu.memory_space<vmem_shared>> -> memref<10000x128xf32, #tpu.memory_space<vmem_shared>>
        tpu.enqueue_indirect_dma source(%arg12 : memref<80x128xf32, #tpu.memory_space<vmem>>) target(%dma_start3A_148 : memref<10000x128xf32, #tpu.memory_space<vmem_shared>>) offsets(%arg8 : memref<80xi32, #tpu.memory_space<vmem>>) semaphore(%run_scoped3A : memref<!tpu.dma_semaphore, #tpu.memory_space<semaphore_mem>>) {add = true}
        %dma_wait3A_149 = arith.constant 0 : i32
        %dma_wait3A_150 = arith.constant 0 : i32
        %dma_wait3A_151 = tpu.memref_slice %arg16[%dma_wait3A_149, %dma_wait3A_150] : memref<10000x128xf32, #tpu.memory_space<vmem_shared>> -> memref<10000x128xf32, #tpu.memory_space<vmem_shared>>
        tpu.wait_indirect_dma semaphore(%run_scoped3A : memref<!tpu.dma_semaphore, #tpu.memory_space<semaphore_mem>>) src(%arg12 : memref<80x128xf32, #tpu.memory_space<vmem>>) dst(%dma_wait3A_151 : memref<10000x128xf32, #tpu.memory_space<vmem_shared>>)
        tpu.yield
      }) : () -> ()
      %dma_wait3A_83 = tpu.memref_slice %arg5[%add3A_77] : memref<160000xi32, #tpu.memory_space<hbm>> -> memref<80xi32, #tpu.memory_space<hbm>>
      %dma_wait3A_84 = tpu.memref_slice %arg5[%add3A_77] : memref<160000xi32, #tpu.memory_space<hbm>> -> memref<80xi32, #tpu.memory_space<hbm>>
      tpu.wait_dma2 semaphore(%arg19 : memref<!tpu.dma_semaphore, #tpu.memory_space<semaphore_mem>>) src(%dma_wait3A_84 : memref<80xi32, #tpu.memory_space<hbm>>) dst(%arg10 : memref<80xi32, #tpu.memory_space<vmem>>)
      %dma_wait3A_85 = arith.constant 0 : i32
      %dma_wait3A_86 = tpu.memref_slice %arg3[%add3A_77, %dma_wait3A_85] : memref<160000x128xf32, #tpu.memory_space<hbm>> -> memref<80x128xf32, #tpu.memory_space<hbm>>
      %dma_wait3A_87 = arith.constant 0 : i32
      %dma_wait3A_88 = tpu.memref_slice %arg3[%add3A_77, %dma_wait3A_87] : memref<160000x128xf32, #tpu.memory_space<hbm>> -> memref<80x128xf32, #tpu.memory_space<hbm>>
      tpu.wait_dma2 semaphore(%arg23 : memref<!tpu.dma_semaphore, #tpu.memory_space<semaphore_mem>>) src(%dma_wait3A_88 : memref<80x128xf32, #tpu.memory_space<hbm>>) dst(%arg14 : memref<80x128xf32, #tpu.memory_space<vmem>>)
      "tpu.region"() ({
        %run_scoped3A = tpu.sem_alloc : memref<!tpu.dma_semaphore, #tpu.memory_space<semaphore_mem>>
        %dma_start3A_146 = arith.constant 0 : i32
        %dma_start3A_147 = arith.constant 0 : i32
        %dma_start3A_148 = tpu.memref_slice %arg16[%dma_start3A_146, %dma_start3A_147] : memref<10000x128xf32, #tpu.memory_space<vmem_shared>> -> memref<10000x128xf32, #tpu.memory_space<vmem_shared>>
        tpu.enqueue_indirect_dma source(%arg14 : memref<80x128xf32, #tpu.memory_space<vmem>>) target(%dma_start3A_148 : memref<10000x128xf32, #tpu.memory_space<vmem_shared>>) offsets(%arg10 : memref<80xi32, #tpu.memory_space<vmem>>) semaphore(%run_scoped3A : memref<!tpu.dma_semaphore, #tpu.memory_space<semaphore_mem>>) {add = true}
        %dma_wait3A_149 = arith.constant 0 : i32
        %dma_wait3A_150 = arith.constant 0 : i32
        %dma_wait3A_151 = tpu.memref_slice %arg16[%dma_wait3A_149, %dma_wait3A_150] : memref<10000x128xf32, #tpu.memory_space<vmem_shared>> -> memref<10000x128xf32, #tpu.memory_space<vmem_shared>>
        tpu.wait_indirect_dma semaphore(%run_scoped3A : memref<!tpu.dma_semaphore, #tpu.memory_space<semaphore_mem>>) src(%arg14 : memref<80x128xf32, #tpu.memory_space<vmem>>) dst(%dma_wait3A_151 : memref<10000x128xf32, #tpu.memory_space<vmem_shared>>)
        tpu.yield
      }) : () -> ()
      %barrier3A_89 = arith.constant 0 : index
      tpu.barrier barrier_id(%barrier3A_89)
      %add3A_90 = arith.constant 0 : i32
      %add3A_91 = arith.addi %add3A_90, %arg1 : i32
      %lt3A_92 = arith.constant 125 : i32
      %lt3A_93 = arith.cmpi slt, %add3A_91, %lt3A_92 : i32
      %convert_element_type3A_94 = arith.extui %lt3A_93 : i1 to i32
      %cond3A_95 = arith.constant 0 : i32
      %cond3A_96 = arith.cmpi ne, %convert_element_type3A_94, %cond3A_95 : i32
      scf.if %cond3A_96 {
        %mul3A_146 = arith.constant 80 : i32
        %mul3A_147 = arith.muli %add3A_91, %mul3A_146 : i32
        %mul3A_148 = arith.constant 80 : i32
        %mul3A_149 = arith.muli %add3A_91, %mul3A_148 : i32
        "tpu.region"() ({
          %run_scoped3A = tpu.sem_alloc : memref<!tpu.dma_semaphore, #tpu.memory_space<semaphore_mem>>
          %dma_start3A_150 = arith.constant 0 : i32
          %dma_start3A_151 = tpu.memref_slice %arg7[%mul3A_149, %dma_start3A_150] : memref<10000x128xf32, #tpu.memory_space<hbm>> -> memref<80x128xf32, #tpu.memory_space<hbm>>
          %dma_start3A_152 = arith.constant 0 : i32
          %dma_start3A_153 = tpu.memref_slice %arg16[%mul3A_147, %dma_start3A_152] : memref<10000x128xf32, #tpu.memory_space<vmem_shared>> -> memref<80x128xf32, #tpu.memory_space<vmem_shared>>
          tpu.enqueue_dma source(%dma_start3A_153 : memref<80x128xf32, #tpu.memory_space<vmem_shared>>) target(%dma_start3A_151 : memref<80x128xf32, #tpu.memory_space<hbm>>) target_semaphore(%run_scoped3A : memref<!tpu.dma_semaphore, #tpu.memory_space<semaphore_mem>>)
          %dma_wait3A_154 = arith.constant 0 : i32
          %dma_wait3A_155 = tpu.memref_slice %arg7[%mul3A_149, %dma_wait3A_154] : memref<10000x128xf32, #tpu.memory_space<hbm>> -> memref<80x128xf32, #tpu.memory_space<hbm>>
          %dma_wait3A_156 = arith.constant 0 : i32
          %dma_wait3A_157 = tpu.memref_slice %arg16[%mul3A_147, %dma_wait3A_156] : memref<10000x128xf32, #tpu.memory_space<vmem_shared>> -> memref<80x128xf32, #tpu.memory_space<vmem_shared>>
          tpu.wait_dma2 semaphore(%run_scoped3A : memref<!tpu.dma_semaphore, #tpu.memory_space<semaphore_mem>>) src(%dma_wait3A_157 : memref<80x128xf32, #tpu.memory_space<vmem_shared>>) dst(%dma_wait3A_155 : memref<80x128xf32, #tpu.memory_space<hbm>>)
          tpu.yield
        }) : () -> ()
      } else {
      }
      %add3A_97 = arith.constant 16 : i32
      %add3A_98 = arith.addi %add3A_97, %arg1 : i32
      %lt3A_99 = arith.constant 125 : i32
      %lt3A_100 = arith.cmpi slt, %add3A_98, %lt3A_99 : i32
      %convert_element_type3A_101 = arith.extui %lt3A_100 : i1 to i32
      %cond3A_102 = arith.constant 0 : i32
      %cond3A_103 = arith.cmpi ne, %convert_element_type3A_101, %cond3A_102 : i32
      scf.if %cond3A_103 {
        %mul3A_146 = arith.constant 80 : i32
        %mul3A_147 = arith.muli %add3A_98, %mul3A_146 : i32
        %mul3A_148 = arith.constant 80 : i32
        %mul3A_149 = arith.muli %add3A_98, %mul3A_148 : i32
        "tpu.region"() ({
          %run_scoped3A = tpu.sem_alloc : memref<!tpu.dma_semaphore, #tpu.memory_space<semaphore_mem>>
          %dma_start3A_150 = arith.constant 0 : i32
          %dma_start3A_151 = tpu.memref_slice %arg7[%mul3A_149, %dma_start3A_150] : memref<10000x128xf32, #tpu.memory_space<hbm>> -> memref<80x128xf32, #tpu.memory_space<hbm>>
          %dma_start3A_152 = arith.constant 0 : i32
          %dma_start3A_153 = tpu.memref_slice %arg16[%mul3A_147, %dma_start3A_152] : memref<10000x128xf32, #tpu.memory_space<vmem_shared>> -> memref<80x128xf32, #tpu.memory_space<vmem_shared>>
          tpu.enqueue_dma source(%dma_start3A_153 : memref<80x128xf32, #tpu.memory_space<vmem_shared>>) target(%dma_start3A_151 : memref<80x128xf32, #tpu.memory_space<hbm>>) target_semaphore(%run_scoped3A : memref<!tpu.dma_semaphore, #tpu.memory_space<semaphore_mem>>)
          %dma_wait3A_154 = arith.constant 0 : i32
          %dma_wait3A_155 = tpu.memref_slice %arg7[%mul3A_149, %dma_wait3A_154] : memref<10000x128xf32, #tpu.memory_space<hbm>> -> memref<80x128xf32, #tpu.memory_space<hbm>>
          %dma_wait3A_156 = arith.constant 0 : i32
          %dma_wait3A_157 = tpu.memref_slice %arg16[%mul3A_147, %dma_wait3A_156] : memref<10000x128xf32, #tpu.memory_space<vmem_shared>> -> memref<80x128xf32, #tpu.memory_space<vmem_shared>>
          tpu.wait_dma2 semaphore(%run_scoped3A : memref<!tpu.dma_semaphore, #tpu.memory_space<semaphore_mem>>) src(%dma_wait3A_157 : memref<80x128xf32, #tpu.memory_space<vmem_shared>>) dst(%dma_wait3A_155 : memref<80x128xf32, #tpu.memory_space<hbm>>)
          tpu.yield
        }) : () -> ()
      } else {
      }
      %add3A_104 = arith.constant 32 : i32
      %add3A_105 = arith.addi %add3A_104, %arg1 : i32
      %lt3A_106 = arith.constant 125 : i32
      %lt3A_107 = arith.cmpi slt, %add3A_105, %lt3A_106 : i32
      %convert_element_type3A_108 = arith.extui %lt3A_107 : i1 to i32
      %cond3A_109 = arith.constant 0 : i32
      %cond3A_110 = arith.cmpi ne, %convert_element_type3A_108, %cond3A_109 : i32
      scf.if %cond3A_110 {
        %mul3A_146 = arith.constant 80 : i32
        %mul3A_147 = arith.muli %add3A_105, %mul3A_146 : i32
        %mul3A_148 = arith.constant 80 : i32
        %mul3A_149 = arith.muli %add3A_105, %mul3A_148 : i32
        "tpu.region"() ({
          %run_scoped3A = tpu.sem_alloc : memref<!tpu.dma_semaphore, #tpu.memory_space<semaphore_mem>>
          %dma_start3A_150 = arith.constant 0 : i32
          %dma_start3A_151 = tpu.memref_slice %arg7[%mul3A_149, %dma_start3A_150] : memref<10000x128xf32, #tpu.memory_space<hbm>> -> memref<80x128xf32, #tpu.memory_space<hbm>>
          %dma_start3A_152 = arith.constant 0 : i32
          %dma_start3A_153 = tpu.memref_slice %arg16[%mul3A_147, %dma_start3A_152] : memref<10000x128xf32, #tpu.memory_space<vmem_shared>> -> memref<80x128xf32, #tpu.memory_space<vmem_shared>>
          tpu.enqueue_dma source(%dma_start3A_153 : memref<80x128xf32, #tpu.memory_space<vmem_shared>>) target(%dma_start3A_151 : memref<80x128xf32, #tpu.memory_space<hbm>>) target_semaphore(%run_scoped3A : memref<!tpu.dma_semaphore, #tpu.memory_space<semaphore_mem>>)
          %dma_wait3A_154 = arith.constant 0 : i32
          %dma_wait3A_155 = tpu.memref_slice %arg7[%mul3A_149, %dma_wait3A_154] : memref<10000x128xf32, #tpu.memory_space<hbm>> -> memref<80x128xf32, #tpu.memory_space<hbm>>
          %dma_wait3A_156 = arith.constant 0 : i32
          %dma_wait3A_157 = tpu.memref_slice %arg16[%mul3A_147, %dma_wait3A_156] : memref<10000x128xf32, #tpu.memory_space<vmem_shared>> -> memref<80x128xf32, #tpu.memory_space<vmem_shared>>
          tpu.wait_dma2 semaphore(%run_scoped3A : memref<!tpu.dma_semaphore, #tpu.memory_space<semaphore_mem>>) src(%dma_wait3A_157 : memref<80x128xf32, #tpu.memory_space<vmem_shared>>) dst(%dma_wait3A_155 : memref<80x128xf32, #tpu.memory_space<hbm>>)
          tpu.yield
        }) : () -> ()
      } else {
      }
      %add3A_111 = arith.constant 48 : i32
      %add3A_112 = arith.addi %add3A_111, %arg1 : i32
      %lt3A_113 = arith.constant 125 : i32
      %lt3A_114 = arith.cmpi slt, %add3A_112, %lt3A_113 : i32
      %convert_element_type3A_115 = arith.extui %lt3A_114 : i1 to i32
      %cond3A_116 = arith.constant 0 : i32
      %cond3A_117 = arith.cmpi ne, %convert_element_type3A_115, %cond3A_116 : i32
      scf.if %cond3A_117 {
        %mul3A_146 = arith.constant 80 : i32
        %mul3A_147 = arith.muli %add3A_112, %mul3A_146 : i32
        %mul3A_148 = arith.constant 80 : i32
        %mul3A_149 = arith.muli %add3A_112, %mul3A_148 : i32
        "tpu.region"() ({
          %run_scoped3A = tpu.sem_alloc : memref<!tpu.dma_semaphore, #tpu.memory_space<semaphore_mem>>
          %dma_start3A_150 = arith.constant 0 : i32
          %dma_start3A_151 = tpu.memref_slice %arg7[%mul3A_149, %dma_start3A_150] : memref<10000x128xf32, #tpu.memory_space<hbm>> -> memref<80x128xf32, #tpu.memory_space<hbm>>
          %dma_start3A_152 = arith.constant 0 : i32
          %dma_start3A_153 = tpu.memref_slice %arg16[%mul3A_147, %dma_start3A_152] : memref<10000x128xf32, #tpu.memory_space<vmem_shared>> -> memref<80x128xf32, #tpu.memory_space<vmem_shared>>
          tpu.enqueue_dma source(%dma_start3A_153 : memref<80x128xf32, #tpu.memory_space<vmem_shared>>) target(%dma_start3A_151 : memref<80x128xf32, #tpu.memory_space<hbm>>) target_semaphore(%run_scoped3A : memref<!tpu.dma_semaphore, #tpu.memory_space<semaphore_mem>>)
          %dma_wait3A_154 = arith.constant 0 : i32
          %dma_wait3A_155 = tpu.memref_slice %arg7[%mul3A_149, %dma_wait3A_154] : memref<10000x128xf32, #tpu.memory_space<hbm>> -> memref<80x128xf32, #tpu.memory_space<hbm>>
          %dma_wait3A_156 = arith.constant 0 : i32
          %dma_wait3A_157 = tpu.memref_slice %arg16[%mul3A_147, %dma_wait3A_156] : memref<10000x128xf32, #tpu.memory_space<vmem_shared>> -> memref<80x128xf32, #tpu.memory_space<vmem_shared>>
          tpu.wait_dma2 semaphore(%run_scoped3A : memref<!tpu.dma_semaphore, #tpu.memory_space<semaphore_mem>>) src(%dma_wait3A_157 : memref<80x128xf32, #tpu.memory_space<vmem_shared>>) dst(%dma_wait3A_155 : memref<80x128xf32, #tpu.memory_space<hbm>>)
          tpu.yield
        }) : () -> ()
      } else {
      }
      %add3A_118 = arith.constant 64 : i32
      %add3A_119 = arith.addi %add3A_118, %arg1 : i32
      %lt3A_120 = arith.constant 125 : i32
      %lt3A_121 = arith.cmpi slt, %add3A_119, %lt3A_120 : i32
      %convert_element_type3A_122 = arith.extui %lt3A_121 : i1 to i32
      %cond3A_123 = arith.constant 0 : i32
      %cond3A_124 = arith.cmpi ne, %convert_element_type3A_122, %cond3A_123 : i32
      scf.if %cond3A_124 {
        %mul3A_146 = arith.constant 80 : i32
        %mul3A_147 = arith.muli %add3A_119, %mul3A_146 : i32
        %mul3A_148 = arith.constant 80 : i32
        %mul3A_149 = arith.muli %add3A_119, %mul3A_148 : i32
        "tpu.region"() ({
          %run_scoped3A = tpu.sem_alloc : memref<!tpu.dma_semaphore, #tpu.memory_space<semaphore_mem>>
          %dma_start3A_150 = arith.constant 0 : i32
          %dma_start3A_151 = tpu.memref_slice %arg7[%mul3A_149, %dma_start3A_150] : memref<10000x128xf32, #tpu.memory_space<hbm>> -> memref<80x128xf32, #tpu.memory_space<hbm>>
          %dma_start3A_152 = arith.constant 0 : i32
          %dma_start3A_153 = tpu.memref_slice %arg16[%mul3A_147, %dma_start3A_152] : memref<10000x128xf32, #tpu.memory_space<vmem_shared>> -> memref<80x128xf32, #tpu.memory_space<vmem_shared>>
          tpu.enqueue_dma source(%dma_start3A_153 : memref<80x128xf32, #tpu.memory_space<vmem_shared>>) target(%dma_start3A_151 : memref<80x128xf32, #tpu.memory_space<hbm>>) target_semaphore(%run_scoped3A : memref<!tpu.dma_semaphore, #tpu.memory_space<semaphore_mem>>)
          %dma_wait3A_154 = arith.constant 0 : i32
          %dma_wait3A_155 = tpu.memref_slice %arg7[%mul3A_149, %dma_wait3A_154] : memref<10000x128xf32, #tpu.memory_space<hbm>> -> memref<80x128xf32, #tpu.memory_space<hbm>>
          %dma_wait3A_156 = arith.constant 0 : i32
          %dma_wait3A_157 = tpu.memref_slice %arg16[%mul3A_147, %dma_wait3A_156] : memref<10000x128xf32, #tpu.memory_space<vmem_shared>> -> memref<80x128xf32, #tpu.memory_space<vmem_shared>>
          tpu.wait_dma2 semaphore(%run_scoped3A : memref<!tpu.dma_semaphore, #tpu.memory_space<semaphore_mem>>) src(%dma_wait3A_157 : memref<80x128xf32, #tpu.memory_space<vmem_shared>>) dst(%dma_wait3A_155 : memref<80x128xf32, #tpu.memory_space<hbm>>)
          tpu.yield
        }) : () -> ()
      } else {
      }
      %add3A_125 = arith.constant 80 : i32
      %add3A_126 = arith.addi %add3A_125, %arg1 : i32
      %lt3A_127 = arith.constant 125 : i32
      %lt3A_128 = arith.cmpi slt, %add3A_126, %lt3A_127 : i32
      %convert_element_type3A_129 = arith.extui %lt3A_128 : i1 to i32
      %cond3A_130 = arith.constant 0 : i32
      %cond3A_131 = arith.cmpi ne, %convert_element_type3A_129, %cond3A_130 : i32
      scf.if %cond3A_131 {
        %mul3A_146 = arith.constant 80 : i32
        %mul3A_147 = arith.muli %add3A_126, %mul3A_146 : i32
        %mul3A_148 = arith.constant 80 : i32
        %mul3A_149 = arith.muli %add3A_126, %mul3A_148 : i32
        "tpu.region"() ({
          %run_scoped3A = tpu.sem_alloc : memref<!tpu.dma_semaphore, #tpu.memory_space<semaphore_mem>>
          %dma_start3A_150 = arith.constant 0 : i32
          %dma_start3A_151 = tpu.memref_slice %arg7[%mul3A_149, %dma_start3A_150] : memref<10000x128xf32, #tpu.memory_space<hbm>> -> memref<80x128xf32, #tpu.memory_space<hbm>>
          %dma_start3A_152 = arith.constant 0 : i32
          %dma_start3A_153 = tpu.memref_slice %arg16[%mul3A_147, %dma_start3A_152] : memref<10000x128xf32, #tpu.memory_space<vmem_shared>> -> memref<80x128xf32, #tpu.memory_space<vmem_shared>>
          tpu.enqueue_dma source(%dma_start3A_153 : memref<80x128xf32, #tpu.memory_space<vmem_shared>>) target(%dma_start3A_151 : memref<80x128xf32, #tpu.memory_space<hbm>>) target_semaphore(%run_scoped3A : memref<!tpu.dma_semaphore, #tpu.memory_space<semaphore_mem>>)
          %dma_wait3A_154 = arith.constant 0 : i32
          %dma_wait3A_155 = tpu.memref_slice %arg7[%mul3A_149, %dma_wait3A_154] : memref<10000x128xf32, #tpu.memory_space<hbm>> -> memref<80x128xf32, #tpu.memory_space<hbm>>
          %dma_wait3A_156 = arith.constant 0 : i32
          %dma_wait3A_157 = tpu.memref_slice %arg16[%mul3A_147, %dma_wait3A_156] : memref<10000x128xf32, #tpu.memory_space<vmem_shared>> -> memref<80x128xf32, #tpu.memory_space<vmem_shared>>
          tpu.wait_dma2 semaphore(%run_scoped3A : memref<!tpu.dma_semaphore, #tpu.memory_space<semaphore_mem>>) src(%dma_wait3A_157 : memref<80x128xf32, #tpu.memory_space<vmem_shared>>) dst(%dma_wait3A_155 : memref<80x128xf32, #tpu.memory_space<hbm>>)
          tpu.yield
        }) : () -> ()
      } else {
      }
      %add3A_132 = arith.constant 96 : i32
      %add3A_133 = arith.addi %add3A_132, %arg1 : i32
      %lt3A_134 = arith.constant 125 : i32
      %lt3A_135 = arith.cmpi slt, %add3A_133, %lt3A_134 : i32
      %convert_element_type3A_136 = arith.extui %lt3A_135 : i1 to i32
      %cond3A_137 = arith.constant 0 : i32
      %cond3A_138 = arith.cmpi ne, %convert_element_type3A_136, %cond3A_137 : i32
      scf.if %cond3A_138 {
        %mul3A_146 = arith.constant 80 : i32
        %mul3A_147 = arith.muli %add3A_133, %mul3A_146 : i32
        %mul3A_148 = arith.constant 80 : i32
        %mul3A_149 = arith.muli %add3A_133, %mul3A_148 : i32
        "tpu.region"() ({
          %run_scoped3A = tpu.sem_alloc : memref<!tpu.dma_semaphore, #tpu.memory_space<semaphore_mem>>
          %dma_start3A_150 = arith.constant 0 : i32
          %dma_start3A_151 = tpu.memref_slice %arg7[%mul3A_149, %dma_start3A_150] : memref<10000x128xf32, #tpu.memory_space<hbm>> -> memref<80x128xf32, #tpu.memory_space<hbm>>
          %dma_start3A_152 = arith.constant 0 : i32
          %dma_start3A_153 = tpu.memref_slice %arg16[%mul3A_147, %dma_start3A_152] : memref<10000x128xf32, #tpu.memory_space<vmem_shared>> -> memref<80x128xf32, #tpu.memory_space<vmem_shared>>
          tpu.enqueue_dma source(%dma_start3A_153 : memref<80x128xf32, #tpu.memory_space<vmem_shared>>) target(%dma_start3A_151 : memref<80x128xf32, #tpu.memory_space<hbm>>) target_semaphore(%run_scoped3A : memref<!tpu.dma_semaphore, #tpu.memory_space<semaphore_mem>>)
          %dma_wait3A_154 = arith.constant 0 : i32
          %dma_wait3A_155 = tpu.memref_slice %arg7[%mul3A_149, %dma_wait3A_154] : memref<10000x128xf32, #tpu.memory_space<hbm>> -> memref<80x128xf32, #tpu.memory_space<hbm>>
          %dma_wait3A_156 = arith.constant 0 : i32
          %dma_wait3A_157 = tpu.memref_slice %arg16[%mul3A_147, %dma_wait3A_156] : memref<10000x128xf32, #tpu.memory_space<vmem_shared>> -> memref<80x128xf32, #tpu.memory_space<vmem_shared>>
          tpu.wait_dma2 semaphore(%run_scoped3A : memref<!tpu.dma_semaphore, #tpu.memory_space<semaphore_mem>>) src(%dma_wait3A_157 : memref<80x128xf32, #tpu.memory_space<vmem_shared>>) dst(%dma_wait3A_155 : memref<80x128xf32, #tpu.memory_space<hbm>>)
          tpu.yield
        }) : () -> ()
      } else {
      }
      %add3A_139 = arith.constant 112 : i32
      %add3A_140 = arith.addi %add3A_139, %arg1 : i32
      %lt3A_141 = arith.constant 125 : i32
      %lt3A_142 = arith.cmpi slt, %add3A_140, %lt3A_141 : i32
      %convert_element_type3A_143 = arith.extui %lt3A_142 : i1 to i32
      %cond3A_144 = arith.constant 0 : i32
      %cond3A_145 = arith.cmpi ne, %convert_element_type3A_143, %cond3A_144 : i32
      scf.if %cond3A_145 {
        %mul3A_146 = arith.constant 80 : i32
        %mul3A_147 = arith.muli %add3A_140, %mul3A_146 : i32
        %mul3A_148 = arith.constant 80 : i32
        %mul3A_149 = arith.muli %add3A_140, %mul3A_148 : i32
        "tpu.region"() ({
          %run_scoped3A = tpu.sem_alloc : memref<!tpu.dma_semaphore, #tpu.memory_space<semaphore_mem>>
          %dma_start3A_150 = arith.constant 0 : i32
          %dma_start3A_151 = tpu.memref_slice %arg7[%mul3A_149, %dma_start3A_150] : memref<10000x128xf32, #tpu.memory_space<hbm>> -> memref<80x128xf32, #tpu.memory_space<hbm>>
          %dma_start3A_152 = arith.constant 0 : i32
          %dma_start3A_153 = tpu.memref_slice %arg16[%mul3A_147, %dma_start3A_152] : memref<10000x128xf32, #tpu.memory_space<vmem_shared>> -> memref<80x128xf32, #tpu.memory_space<vmem_shared>>
          tpu.enqueue_dma source(%dma_start3A_153 : memref<80x128xf32, #tpu.memory_space<vmem_shared>>) target(%dma_start3A_151 : memref<80x128xf32, #tpu.memory_space<hbm>>) target_semaphore(%run_scoped3A : memref<!tpu.dma_semaphore, #tpu.memory_space<semaphore_mem>>)
          %dma_wait3A_154 = arith.constant 0 : i32
          %dma_wait3A_155 = tpu.memref_slice %arg7[%mul3A_149, %dma_wait3A_154] : memref<10000x128xf32, #tpu.memory_space<hbm>> -> memref<80x128xf32, #tpu.memory_space<hbm>>
          %dma_wait3A_156 = arith.constant 0 : i32
          %dma_wait3A_157 = tpu.memref_slice %arg16[%mul3A_147, %dma_wait3A_156] : memref<10000x128xf32, #tpu.memory_space<vmem_shared>> -> memref<80x128xf32, #tpu.memory_space<vmem_shared>>
          tpu.wait_dma2 semaphore(%run_scoped3A : memref<!tpu.dma_semaphore, #tpu.memory_space<semaphore_mem>>) src(%dma_wait3A_157 : memref<80x128xf32, #tpu.memory_space<vmem_shared>>) dst(%dma_wait3A_155 : memref<80x128xf32, #tpu.memory_space<hbm>>)
          tpu.yield
        }) : () -> ()
      } else {
      }
    } else {
    }
    return
  }
}

#map = affine_map<(d0, d1) -> (0, 0)>
#map1 = affine_map<(d0, d1) -> (0)>
module attributes {stable_mosaic.version = 14 : i64} {
  func.func @body(%arg0: i32, %arg1: i32, %arg2: memref<10000x256xf32, #tpu.memory_space<hbm>>, %arg3: memref<10000x768xf32, #tpu.memory_space<hbm>>, %arg4: memref<160000xi32, #tpu.memory_space<hbm>>, %arg5: memref<160000xi32, #tpu.memory_space<hbm>>, %arg6: memref<160000x256xf32, #tpu.memory_space<hbm>>, %arg7: memref<160000x256xf32, #tpu.memory_space<hbm>>, %arg8: memref<160000x768xf32, #tpu.memory_space<hbm>>, %arg9: memref<80xi32, #tpu.memory_space<vmem>>, %arg10: memref<80xi32, #tpu.memory_space<vmem>>, %arg11: memref<80x256xf32, #tpu.memory_space<vmem>>, %arg12: memref<80x256xf32, #tpu.memory_space<vmem>>, %arg13: memref<80x768xf32, #tpu.memory_space<vmem>>, %arg14: memref<!tpu.dma_semaphore, #tpu.memory_space<semaphore_mem>>, %arg15: memref<!tpu.dma_semaphore, #tpu.memory_space<semaphore_mem>>, %arg16: memref<!tpu.dma_semaphore, #tpu.memory_space<semaphore_mem>>, %arg17: memref<!tpu.dma_semaphore, #tpu.memory_space<semaphore_mem>>) attributes {dimension_semantics = [#tpu.dimension_semantics<core_parallel>, #tpu.dimension_semantics<subcore_parallel>], iteration_bounds = array<i64: 2, 16>, scalar_prefetch = 0 : i64, scratch_operands = 9 : i64, tpu.core_type = #tpu.core_type<sc_vector_subcore>, window_params = [{transform_indices = #map}, {transform_indices = #map}, {transform_indices = #map1}, {transform_indices = #map1}, {transform_indices = #map}, {transform_indices = #map}, {transform_indices = #map}]} {
    %mul3A = arith.constant 2 : i32
    %mul3A_0 = arith.muli %arg1, %mul3A : i32
    %add3A = arith.addi %mul3A_0, %arg0 : i32
    %scan3A = arith.constant 0 : i32
    %scan3A_1 = arith.constant 0 : i32
    %scan3A_2 = arith.constant 63 : i32
    %scan3A_3 = arith.addi %scan3A_1, %scan3A_2 : i32
    %scan3A_4 = arith.constant 1 : i32
    %scan3A_5 = scf.for %scan3A_41 = %scan3A_1 to %scan3A_3 step %scan3A_4 iter_args(%scan3A_42 = %scan3A) -> (i32)  : i32 {
      %mul3A_43 = arith.constant 32 : i32
      %mul3A_44 = arith.muli %scan3A_41, %mul3A_43 : i32
      %add3A_45 = arith.addi %mul3A_44, %add3A : i32
      %lt3A = arith.constant 2000 : i32
      %lt3A_46 = arith.cmpi slt, %add3A_45, %lt3A : i32
      %convert_element_type3A = arith.extui %lt3A_46 : i1 to i32
      %cond3A = arith.constant 0 : i32
      %cond3A_47 = arith.cmpi ne, %convert_element_type3A, %cond3A : i32
      scf.if %cond3A_47 {
        %mul3A_49 = arith.constant 80 : i32
        %mul3A_50 = arith.muli %add3A_45, %mul3A_49 : i32
        %gt3A = arith.constant 0 : i32
        %gt3A_51 = arith.cmpi sgt, %scan3A_41, %gt3A : i32
        %convert_element_type3A_52 = arith.extui %gt3A_51 : i1 to i32
        %cond3A_53 = arith.constant 0 : i32
        %cond3A_54 = arith.cmpi ne, %convert_element_type3A_52, %cond3A_53 : i32
        scf.if %cond3A_54 {
          %sub3A_84 = arith.constant 1 : i32
          %sub3A_85 = arith.subi %scan3A_41, %sub3A_84 : i32
          %mul3A_86 = arith.constant 32 : i32
          %mul3A_87 = arith.muli %sub3A_85, %mul3A_86 : i32
          %mul3A_88 = arith.constant 80 : i32
          %mul3A_89 = arith.muli %mul3A_87, %mul3A_88 : i32
          %mul3A_90 = arith.constant 80 : i32
          %mul3A_91 = arith.muli %add3A, %mul3A_90 : i32
          %add3A_92 = arith.addi %mul3A_89, %mul3A_91 : i32
          %dma_wait3A_93 = arith.constant 0 : i32
          %dma_wait3A_94 = tpu.memref_slice %arg6[%add3A_92, %dma_wait3A_93] : memref<160000x256xf32, #tpu.memory_space<hbm>> -> memref<80x256xf32, #tpu.memory_space<hbm>>
          %dma_wait3A_95 = arith.constant 0 : i32
          %dma_wait3A_96 = tpu.memref_slice %arg6[%add3A_92, %dma_wait3A_95] : memref<160000x256xf32, #tpu.memory_space<hbm>> -> memref<80x256xf32, #tpu.memory_space<hbm>>
          tpu.wait_dma2 semaphore(%arg15 : memref<!tpu.dma_semaphore, #tpu.memory_space<semaphore_mem>>) src(%arg11 : memref<80x256xf32, #tpu.memory_space<vmem>>) dst(%dma_wait3A_96 : memref<80x256xf32, #tpu.memory_space<hbm>>)
          %dma_wait3A_97 = arith.constant 0 : i32
          %dma_wait3A_98 = tpu.memref_slice %arg7[%add3A_92, %dma_wait3A_97] : memref<160000x256xf32, #tpu.memory_space<hbm>> -> memref<80x256xf32, #tpu.memory_space<hbm>>
          %dma_wait3A_99 = arith.constant 0 : i32
          %dma_wait3A_100 = tpu.memref_slice %arg7[%add3A_92, %dma_wait3A_99] : memref<160000x256xf32, #tpu.memory_space<hbm>> -> memref<80x256xf32, #tpu.memory_space<hbm>>
          tpu.wait_dma2 semaphore(%arg16 : memref<!tpu.dma_semaphore, #tpu.memory_space<semaphore_mem>>) src(%arg12 : memref<80x256xf32, #tpu.memory_space<vmem>>) dst(%dma_wait3A_100 : memref<80x256xf32, #tpu.memory_space<hbm>>)
          %dma_wait3A_101 = arith.constant 0 : i32
          %dma_wait3A_102 = tpu.memref_slice %arg8[%add3A_92, %dma_wait3A_101] : memref<160000x768xf32, #tpu.memory_space<hbm>> -> memref<80x768xf32, #tpu.memory_space<hbm>>
          %dma_wait3A_103 = arith.constant 0 : i32
          %dma_wait3A_104 = tpu.memref_slice %arg8[%add3A_92, %dma_wait3A_103] : memref<160000x768xf32, #tpu.memory_space<hbm>> -> memref<80x768xf32, #tpu.memory_space<hbm>>
          tpu.wait_dma2 semaphore(%arg17 : memref<!tpu.dma_semaphore, #tpu.memory_space<semaphore_mem>>) src(%arg13 : memref<80x768xf32, #tpu.memory_space<vmem>>) dst(%dma_wait3A_104 : memref<80x768xf32, #tpu.memory_space<hbm>>)
        } else {
        }
        "tpu.region"() ({
          %run_scoped3A = tpu.sem_alloc : memref<!tpu.dma_semaphore, #tpu.memory_space<semaphore_mem>>
          %dma_start3A_84 = tpu.memref_slice %arg5[%mul3A_50] : memref<160000xi32, #tpu.memory_space<hbm>> -> memref<80xi32, #tpu.memory_space<hbm>>
          %dma_start3A_85 = tpu.memref_slice %arg5[%mul3A_50] : memref<160000xi32, #tpu.memory_space<hbm>> -> memref<80xi32, #tpu.memory_space<hbm>>
          tpu.enqueue_dma source(%dma_start3A_85 : memref<80xi32, #tpu.memory_space<hbm>>) target(%arg9 : memref<80xi32, #tpu.memory_space<vmem>>) target_semaphore(%run_scoped3A : memref<!tpu.dma_semaphore, #tpu.memory_space<semaphore_mem>>)
          %dma_wait3A_86 = tpu.memref_slice %arg5[%mul3A_50] : memref<160000xi32, #tpu.memory_space<hbm>> -> memref<80xi32, #tpu.memory_space<hbm>>
          %dma_wait3A_87 = tpu.memref_slice %arg5[%mul3A_50] : memref<160000xi32, #tpu.memory_space<hbm>> -> memref<80xi32, #tpu.memory_space<hbm>>
          tpu.wait_dma2 semaphore(%run_scoped3A : memref<!tpu.dma_semaphore, #tpu.memory_space<semaphore_mem>>) src(%dma_wait3A_87 : memref<80xi32, #tpu.memory_space<hbm>>) dst(%arg9 : memref<80xi32, #tpu.memory_space<vmem>>)
          tpu.yield
        }) : () -> ()
        "tpu.region"() ({
          %run_scoped3A = tpu.sem_alloc : memref<!tpu.dma_semaphore, #tpu.memory_space<semaphore_mem>>
          %dma_start3A_84 = tpu.memref_slice %arg4[%mul3A_50] : memref<160000xi32, #tpu.memory_space<hbm>> -> memref<80xi32, #tpu.memory_space<hbm>>
          %dma_start3A_85 = tpu.memref_slice %arg4[%mul3A_50] : memref<160000xi32, #tpu.memory_space<hbm>> -> memref<80xi32, #tpu.memory_space<hbm>>
          tpu.enqueue_dma source(%dma_start3A_85 : memref<80xi32, #tpu.memory_space<hbm>>) target(%arg10 : memref<80xi32, #tpu.memory_space<vmem>>) target_semaphore(%run_scoped3A : memref<!tpu.dma_semaphore, #tpu.memory_space<semaphore_mem>>)
          %dma_wait3A_86 = tpu.memref_slice %arg4[%mul3A_50] : memref<160000xi32, #tpu.memory_space<hbm>> -> memref<80xi32, #tpu.memory_space<hbm>>
          %dma_wait3A_87 = tpu.memref_slice %arg4[%mul3A_50] : memref<160000xi32, #tpu.memory_space<hbm>> -> memref<80xi32, #tpu.memory_space<hbm>>
          tpu.wait_dma2 semaphore(%run_scoped3A : memref<!tpu.dma_semaphore, #tpu.memory_space<semaphore_mem>>) src(%dma_wait3A_87 : memref<80xi32, #tpu.memory_space<hbm>>) dst(%arg10 : memref<80xi32, #tpu.memory_space<vmem>>)
          tpu.yield
        }) : () -> ()
        %dma_start3A = arith.constant 0 : i32
        %dma_start3A_55 = arith.constant 0 : i32
        %dma_start3A_56 = tpu.memref_slice %arg2[%dma_start3A, %dma_start3A_55] : memref<10000x256xf32, #tpu.memory_space<hbm>> -> memref<10000x256xf32, #tpu.memory_space<hbm>>
        tpu.enqueue_indirect_dma source(%dma_start3A_56 : memref<10000x256xf32, #tpu.memory_space<hbm>>) target(%arg11 : memref<80x256xf32, #tpu.memory_space<vmem>>) offsets(%arg9 : memref<80xi32, #tpu.memory_space<vmem>>) semaphore(%arg14 : memref<!tpu.dma_semaphore, #tpu.memory_space<semaphore_mem>>)
        %dma_wait3A_57 = arith.constant 0 : i32
        %dma_wait3A_58 = arith.constant 0 : i32
        %dma_wait3A_59 = tpu.memref_slice %arg2[%dma_wait3A_57, %dma_wait3A_58] : memref<10000x256xf32, #tpu.memory_space<hbm>> -> memref<10000x256xf32, #tpu.memory_space<hbm>>
        tpu.wait_indirect_dma semaphore(%arg14 : memref<!tpu.dma_semaphore, #tpu.memory_space<semaphore_mem>>) src(%dma_wait3A_59 : memref<10000x256xf32, #tpu.memory_space<hbm>>) dst(%arg11 : memref<80x256xf32, #tpu.memory_space<vmem>>)
        %dma_start3A_60 = arith.constant 0 : i32
        %dma_start3A_61 = tpu.memref_slice %arg6[%mul3A_50, %dma_start3A_60] : memref<160000x256xf32, #tpu.memory_space<hbm>> -> memref<80x256xf32, #tpu.memory_space<hbm>>
        %dma_start3A_62 = arith.constant 0 : i32
        %dma_start3A_63 = tpu.memref_slice %arg6[%mul3A_50, %dma_start3A_62] : memref<160000x256xf32, #tpu.memory_space<hbm>> -> memref<80x256xf32, #tpu.memory_space<hbm>>
        tpu.enqueue_dma source(%arg11 : memref<80x256xf32, #tpu.memory_space<vmem>>) target(%dma_start3A_63 : memref<80x256xf32, #tpu.memory_space<hbm>>) target_semaphore(%arg15 : memref<!tpu.dma_semaphore, #tpu.memory_space<semaphore_mem>>)
        %dma_start3A_64 = arith.constant 0 : i32
        %dma_start3A_65 = arith.constant 0 : i32
        %dma_start3A_66 = tpu.memref_slice %arg2[%dma_start3A_64, %dma_start3A_65] : memref<10000x256xf32, #tpu.memory_space<hbm>> -> memref<10000x256xf32, #tpu.memory_space<hbm>>
        tpu.enqueue_indirect_dma source(%dma_start3A_66 : memref<10000x256xf32, #tpu.memory_space<hbm>>) target(%arg12 : memref<80x256xf32, #tpu.memory_space<vmem>>) offsets(%arg10 : memref<80xi32, #tpu.memory_space<vmem>>) semaphore(%arg14 : memref<!tpu.dma_semaphore, #tpu.memory_space<semaphore_mem>>)
        %dma_wait3A_67 = arith.constant 0 : i32
        %dma_wait3A_68 = arith.constant 0 : i32
        %dma_wait3A_69 = tpu.memref_slice %arg2[%dma_wait3A_67, %dma_wait3A_68] : memref<10000x256xf32, #tpu.memory_space<hbm>> -> memref<10000x256xf32, #tpu.memory_space<hbm>>
        tpu.wait_indirect_dma semaphore(%arg14 : memref<!tpu.dma_semaphore, #tpu.memory_space<semaphore_mem>>) src(%dma_wait3A_69 : memref<10000x256xf32, #tpu.memory_space<hbm>>) dst(%arg12 : memref<80x256xf32, #tpu.memory_space<vmem>>)
        %dma_start3A_70 = arith.constant 0 : i32
        %dma_start3A_71 = tpu.memref_slice %arg7[%mul3A_50, %dma_start3A_70] : memref<160000x256xf32, #tpu.memory_space<hbm>> -> memref<80x256xf32, #tpu.memory_space<hbm>>
        %dma_start3A_72 = arith.constant 0 : i32
        %dma_start3A_73 = tpu.memref_slice %arg7[%mul3A_50, %dma_start3A_72] : memref<160000x256xf32, #tpu.memory_space<hbm>> -> memref<80x256xf32, #tpu.memory_space<hbm>>
        tpu.enqueue_dma source(%arg12 : memref<80x256xf32, #tpu.memory_space<vmem>>) target(%dma_start3A_73 : memref<80x256xf32, #tpu.memory_space<hbm>>) target_semaphore(%arg16 : memref<!tpu.dma_semaphore, #tpu.memory_space<semaphore_mem>>)
        %dma_start3A_74 = arith.constant 0 : i32
        %dma_start3A_75 = arith.constant 0 : i32
        %dma_start3A_76 = tpu.memref_slice %arg3[%dma_start3A_74, %dma_start3A_75] : memref<10000x768xf32, #tpu.memory_space<hbm>> -> memref<10000x768xf32, #tpu.memory_space<hbm>>
        tpu.enqueue_indirect_dma source(%dma_start3A_76 : memref<10000x768xf32, #tpu.memory_space<hbm>>) target(%arg13 : memref<80x768xf32, #tpu.memory_space<vmem>>) offsets(%arg10 : memref<80xi32, #tpu.memory_space<vmem>>) semaphore(%arg14 : memref<!tpu.dma_semaphore, #tpu.memory_space<semaphore_mem>>)
        %dma_wait3A_77 = arith.constant 0 : i32
        %dma_wait3A_78 = arith.constant 0 : i32
        %dma_wait3A_79 = tpu.memref_slice %arg3[%dma_wait3A_77, %dma_wait3A_78] : memref<10000x768xf32, #tpu.memory_space<hbm>> -> memref<10000x768xf32, #tpu.memory_space<hbm>>
        tpu.wait_indirect_dma semaphore(%arg14 : memref<!tpu.dma_semaphore, #tpu.memory_space<semaphore_mem>>) src(%dma_wait3A_79 : memref<10000x768xf32, #tpu.memory_space<hbm>>) dst(%arg13 : memref<80x768xf32, #tpu.memory_space<vmem>>)
        %dma_start3A_80 = arith.constant 0 : i32
        %dma_start3A_81 = tpu.memref_slice %arg8[%mul3A_50, %dma_start3A_80] : memref<160000x768xf32, #tpu.memory_space<hbm>> -> memref<80x768xf32, #tpu.memory_space<hbm>>
        %dma_start3A_82 = arith.constant 0 : i32
        %dma_start3A_83 = tpu.memref_slice %arg8[%mul3A_50, %dma_start3A_82] : memref<160000x768xf32, #tpu.memory_space<hbm>> -> memref<80x768xf32, #tpu.memory_space<hbm>>
        tpu.enqueue_dma source(%arg13 : memref<80x768xf32, #tpu.memory_space<vmem>>) target(%dma_start3A_83 : memref<80x768xf32, #tpu.memory_space<hbm>>) target_semaphore(%arg17 : memref<!tpu.dma_semaphore, #tpu.memory_space<semaphore_mem>>)
      } else {
      }
      %scan3A_48 = arith.constant 0 : i32
      scf.yield %scan3A_48 : i32
    }
    %scan3A_6 = arith.constant 63 : i32
    %sub3A = arith.constant 1999 : i32
    %sub3A_7 = arith.subi %sub3A, %add3A : i32
    %jit3A = arith.constant 32 : i32
    %div3A = arith.divsi %sub3A_7, %jit3A : i32
    %sign3A = arith.constant 0 : i32
    %sign3A_8 = arith.cmpi sgt, %sub3A_7, %sign3A : i32
    %sign3A_9 = arith.extui %sign3A_8 : i1 to i32
    %sign3A_10 = arith.constant 0 : i32
    %sign3A_11 = arith.cmpi slt, %sub3A_7, %sign3A_10 : i32
    %sign3A_12 = arith.extui %sign3A_11 : i1 to i32
    %sign3A_13 = arith.subi %sign3A_9, %sign3A_12 : i32
    %sign3A_14 = arith.constant 0 : i32
    %sign3A_15 = arith.cmpi sgt, %jit3A, %sign3A_14 : i32
    %sign3A_16 = arith.extui %sign3A_15 : i1 to i32
    %sign3A_17 = arith.constant 0 : i32
    %sign3A_18 = arith.cmpi slt, %jit3A, %sign3A_17 : i32
    %sign3A_19 = arith.extui %sign3A_18 : i1 to i32
    %sign3A_20 = arith.subi %sign3A_16, %sign3A_19 : i32
    %ne3A = arith.cmpi ne, %sign3A_13, %sign3A_20 : i32
    %rem3A = arith.remsi %sub3A_7, %jit3A : i32
    %ne3A_21 = arith.constant 0 : i32
    %ne3A_22 = arith.cmpi ne, %rem3A, %ne3A_21 : i32
    %and3A = arith.andi %ne3A, %ne3A_22 : i1
    %sub3A_23 = arith.constant 1 : i32
    %sub3A_24 = arith.subi %div3A, %sub3A_23 : i32
    %select_n3A = arith.select %and3A, %sub3A_24, %div3A : i32
    %mul3A_25 = arith.constant 32 : i32
    %mul3A_26 = arith.muli %select_n3A, %mul3A_25 : i32
    %add3A_27 = arith.addi %mul3A_26, %add3A : i32
    %mul3A_28 = arith.constant 80 : i32
    %mul3A_29 = arith.muli %add3A_27, %mul3A_28 : i32
    %dma_wait3A = arith.constant 0 : i32
    %dma_wait3A_30 = tpu.memref_slice %arg6[%mul3A_29, %dma_wait3A] : memref<160000x256xf32, #tpu.memory_space<hbm>> -> memref<80x256xf32, #tpu.memory_space<hbm>>
    %dma_wait3A_31 = arith.constant 0 : i32
    %dma_wait3A_32 = tpu.memref_slice %arg6[%mul3A_29, %dma_wait3A_31] : memref<160000x256xf32, #tpu.memory_space<hbm>> -> memref<80x256xf32, #tpu.memory_space<hbm>>
    tpu.wait_dma2 semaphore(%arg15 : memref<!tpu.dma_semaphore, #tpu.memory_space<semaphore_mem>>) src(%arg11 : memref<80x256xf32, #tpu.memory_space<vmem>>) dst(%dma_wait3A_32 : memref<80x256xf32, #tpu.memory_space<hbm>>)
    %dma_wait3A_33 = arith.constant 0 : i32
    %dma_wait3A_34 = tpu.memref_slice %arg7[%mul3A_29, %dma_wait3A_33] : memref<160000x256xf32, #tpu.memory_space<hbm>> -> memref<80x256xf32, #tpu.memory_space<hbm>>
    %dma_wait3A_35 = arith.constant 0 : i32
    %dma_wait3A_36 = tpu.memref_slice %arg7[%mul3A_29, %dma_wait3A_35] : memref<160000x256xf32, #tpu.memory_space<hbm>> -> memref<80x256xf32, #tpu.memory_space<hbm>>
    tpu.wait_dma2 semaphore(%arg16 : memref<!tpu.dma_semaphore, #tpu.memory_space<semaphore_mem>>) src(%arg12 : memref<80x256xf32, #tpu.memory_space<vmem>>) dst(%dma_wait3A_36 : memref<80x256xf32, #tpu.memory_space<hbm>>)
    %dma_wait3A_37 = arith.constant 0 : i32
    %dma_wait3A_38 = tpu.memref_slice %arg8[%mul3A_29, %dma_wait3A_37] : memref<160000x768xf32, #tpu.memory_space<hbm>> -> memref<80x768xf32, #tpu.memory_space<hbm>>
    %dma_wait3A_39 = arith.constant 0 : i32
    %dma_wait3A_40 = tpu.memref_slice %arg8[%mul3A_29, %dma_wait3A_39] : memref<160000x768xf32, #tpu.memory_space<hbm>> -> memref<80x768xf32, #tpu.memory_space<hbm>>
    tpu.wait_dma2 semaphore(%arg17 : memref<!tpu.dma_semaphore, #tpu.memory_space<semaphore_mem>>) src(%arg13 : memref<80x768xf32, #tpu.memory_space<vmem>>) dst(%dma_wait3A_40 : memref<80x768xf32, #tpu.memory_space<hbm>>)
    return
  }
}

#map = affine_map<(d0, d1) -> (0, 0)>
#map1 = affine_map<(d0, d1) -> (0)>
module attributes {stable_mosaic.version = 14 : i64} {
  func.func @body(%arg0: i32, %arg1: i32, %arg2: memref<10000x128xf32, #tpu.memory_space<hbm>>, %arg3: memref<160000xi32, #tpu.memory_space<hbm>>, %arg4: memref<160000xi32, #tpu.memory_space<hbm>>, %arg5: memref<160000x128xf32, #tpu.memory_space<hbm>>, %arg6: memref<160000x128xf32, #tpu.memory_space<hbm>>, %arg7: memref<200xi32, #tpu.memory_space<vmem>>, %arg8: memref<200x128xf32, #tpu.memory_space<vmem>>, %arg9: memref<!tpu.dma_semaphore, #tpu.memory_space<semaphore_mem>>) attributes {dimension_semantics = [#tpu.dimension_semantics<core_parallel>, #tpu.dimension_semantics<subcore_parallel>], iteration_bounds = array<i64: 2, 16>, scalar_prefetch = 0 : i64, scratch_operands = 3 : i64, tpu.core_type = #tpu.core_type<sc_vector_subcore>, window_params = [{transform_indices = #map}, {transform_indices = #map1}, {transform_indices = #map1}, {transform_indices = #map}, {transform_indices = #map}]} {
    %mul3A = arith.constant 2 : i32
    %mul3A_0 = arith.muli %arg1, %mul3A : i32
    %add3A = arith.addi %mul3A_0, %arg0 : i32
    %mul3A_1 = arith.constant 5000 : i32
    %mul3A_2 = arith.muli %add3A, %mul3A_1 : i32
    %scan3A = arith.constant 0 : i32
    %scan3A_3 = arith.constant 0 : i32
    %scan3A_4 = arith.constant 25 : i32
    %scan3A_5 = arith.addi %scan3A_3, %scan3A_4 : i32
    %scan3A_6 = arith.constant 1 : i32
    %scan3A_7 = scf.for %scan3A_9 = %scan3A_3 to %scan3A_5 step %scan3A_6 iter_args(%scan3A_10 = %scan3A) -> (i32)  : i32 {
      %mul3A_11 = arith.constant 200 : i32
      %mul3A_12 = arith.muli %scan3A_9, %mul3A_11 : i32
      %add3A_13 = arith.addi %mul3A_2, %mul3A_12 : i32
      "tpu.region"() ({
        %run_scoped3A = tpu.sem_alloc : memref<!tpu.dma_semaphore, #tpu.memory_space<semaphore_mem>>
        %dma_start3A_25 = tpu.memref_slice %arg3[%add3A_13] : memref<160000xi32, #tpu.memory_space<hbm>> -> memref<200xi32, #tpu.memory_space<hbm>>
        %dma_start3A_26 = tpu.memref_slice %arg3[%add3A_13] : memref<160000xi32, #tpu.memory_space<hbm>> -> memref<200xi32, #tpu.memory_space<hbm>>
        tpu.enqueue_dma source(%dma_start3A_26 : memref<200xi32, #tpu.memory_space<hbm>>) target(%arg7 : memref<200xi32, #tpu.memory_space<vmem>>) target_semaphore(%run_scoped3A : memref<!tpu.dma_semaphore, #tpu.memory_space<semaphore_mem>>)
        %dma_wait3A_27 = tpu.memref_slice %arg3[%add3A_13] : memref<160000xi32, #tpu.memory_space<hbm>> -> memref<200xi32, #tpu.memory_space<hbm>>
        %dma_wait3A_28 = tpu.memref_slice %arg3[%add3A_13] : memref<160000xi32, #tpu.memory_space<hbm>> -> memref<200xi32, #tpu.memory_space<hbm>>
        tpu.wait_dma2 semaphore(%run_scoped3A : memref<!tpu.dma_semaphore, #tpu.memory_space<semaphore_mem>>) src(%dma_wait3A_28 : memref<200xi32, #tpu.memory_space<hbm>>) dst(%arg7 : memref<200xi32, #tpu.memory_space<vmem>>)
        tpu.yield
      }) : () -> ()
      %dma_start3A = arith.constant 0 : i32
      %dma_start3A_14 = arith.constant 0 : i32
      %dma_start3A_15 = tpu.memref_slice %arg2[%dma_start3A, %dma_start3A_14] : memref<10000x128xf32, #tpu.memory_space<hbm>> -> memref<10000x128xf32, #tpu.memory_space<hbm>>
      tpu.enqueue_indirect_dma source(%dma_start3A_15 : memref<10000x128xf32, #tpu.memory_space<hbm>>) target(%arg8 : memref<200x128xf32, #tpu.memory_space<vmem>>) offsets(%arg7 : memref<200xi32, #tpu.memory_space<vmem>>) semaphore(%arg9 : memref<!tpu.dma_semaphore, #tpu.memory_space<semaphore_mem>>)
      %dma_wait3A = arith.constant 0 : i32
      %dma_wait3A_16 = arith.constant 0 : i32
      %dma_wait3A_17 = tpu.memref_slice %arg2[%dma_wait3A, %dma_wait3A_16] : memref<10000x128xf32, #tpu.memory_space<hbm>> -> memref<10000x128xf32, #tpu.memory_space<hbm>>
      tpu.wait_indirect_dma semaphore(%arg9 : memref<!tpu.dma_semaphore, #tpu.memory_space<semaphore_mem>>) src(%dma_wait3A_17 : memref<10000x128xf32, #tpu.memory_space<hbm>>) dst(%arg8 : memref<200x128xf32, #tpu.memory_space<vmem>>)
      "tpu.region"() ({
        %run_scoped3A = tpu.sem_alloc : memref<!tpu.dma_semaphore, #tpu.memory_space<semaphore_mem>>
        %dma_start3A_25 = arith.constant 0 : i32
        %dma_start3A_26 = tpu.memref_slice %arg5[%add3A_13, %dma_start3A_25] : memref<160000x128xf32, #tpu.memory_space<hbm>> -> memref<200x128xf32, #tpu.memory_space<hbm>>
        %dma_start3A_27 = arith.constant 0 : i32
        %dma_start3A_28 = tpu.memref_slice %arg5[%add3A_13, %dma_start3A_27] : memref<160000x128xf32, #tpu.memory_space<hbm>> -> memref<200x128xf32, #tpu.memory_space<hbm>>
        tpu.enqueue_dma source(%arg8 : memref<200x128xf32, #tpu.memory_space<vmem>>) target(%dma_start3A_28 : memref<200x128xf32, #tpu.memory_space<hbm>>) target_semaphore(%run_scoped3A : memref<!tpu.dma_semaphore, #tpu.memory_space<semaphore_mem>>)
        %dma_wait3A_29 = arith.constant 0 : i32
        %dma_wait3A_30 = tpu.memref_slice %arg5[%add3A_13, %dma_wait3A_29] : memref<160000x128xf32, #tpu.memory_space<hbm>> -> memref<200x128xf32, #tpu.memory_space<hbm>>
        %dma_wait3A_31 = arith.constant 0 : i32
        %dma_wait3A_32 = tpu.memref_slice %arg5[%add3A_13, %dma_wait3A_31] : memref<160000x128xf32, #tpu.memory_space<hbm>> -> memref<200x128xf32, #tpu.memory_space<hbm>>
        tpu.wait_dma2 semaphore(%run_scoped3A : memref<!tpu.dma_semaphore, #tpu.memory_space<semaphore_mem>>) src(%arg8 : memref<200x128xf32, #tpu.memory_space<vmem>>) dst(%dma_wait3A_32 : memref<200x128xf32, #tpu.memory_space<hbm>>)
        tpu.yield
      }) : () -> ()
      "tpu.region"() ({
        %run_scoped3A = tpu.sem_alloc : memref<!tpu.dma_semaphore, #tpu.memory_space<semaphore_mem>>
        %dma_start3A_25 = tpu.memref_slice %arg4[%add3A_13] : memref<160000xi32, #tpu.memory_space<hbm>> -> memref<200xi32, #tpu.memory_space<hbm>>
        %dma_start3A_26 = tpu.memref_slice %arg4[%add3A_13] : memref<160000xi32, #tpu.memory_space<hbm>> -> memref<200xi32, #tpu.memory_space<hbm>>
        tpu.enqueue_dma source(%dma_start3A_26 : memref<200xi32, #tpu.memory_space<hbm>>) target(%arg7 : memref<200xi32, #tpu.memory_space<vmem>>) target_semaphore(%run_scoped3A : memref<!tpu.dma_semaphore, #tpu.memory_space<semaphore_mem>>)
        %dma_wait3A_27 = tpu.memref_slice %arg4[%add3A_13] : memref<160000xi32, #tpu.memory_space<hbm>> -> memref<200xi32, #tpu.memory_space<hbm>>
        %dma_wait3A_28 = tpu.memref_slice %arg4[%add3A_13] : memref<160000xi32, #tpu.memory_space<hbm>> -> memref<200xi32, #tpu.memory_space<hbm>>
        tpu.wait_dma2 semaphore(%run_scoped3A : memref<!tpu.dma_semaphore, #tpu.memory_space<semaphore_mem>>) src(%dma_wait3A_28 : memref<200xi32, #tpu.memory_space<hbm>>) dst(%arg7 : memref<200xi32, #tpu.memory_space<vmem>>)
        tpu.yield
      }) : () -> ()
      %dma_start3A_18 = arith.constant 0 : i32
      %dma_start3A_19 = arith.constant 0 : i32
      %dma_start3A_20 = tpu.memref_slice %arg2[%dma_start3A_18, %dma_start3A_19] : memref<10000x128xf32, #tpu.memory_space<hbm>> -> memref<10000x128xf32, #tpu.memory_space<hbm>>
      tpu.enqueue_indirect_dma source(%dma_start3A_20 : memref<10000x128xf32, #tpu.memory_space<hbm>>) target(%arg8 : memref<200x128xf32, #tpu.memory_space<vmem>>) offsets(%arg7 : memref<200xi32, #tpu.memory_space<vmem>>) semaphore(%arg9 : memref<!tpu.dma_semaphore, #tpu.memory_space<semaphore_mem>>)
      %dma_wait3A_21 = arith.constant 0 : i32
      %dma_wait3A_22 = arith.constant 0 : i32
      %dma_wait3A_23 = tpu.memref_slice %arg2[%dma_wait3A_21, %dma_wait3A_22] : memref<10000x128xf32, #tpu.memory_space<hbm>> -> memref<10000x128xf32, #tpu.memory_space<hbm>>
      tpu.wait_indirect_dma semaphore(%arg9 : memref<!tpu.dma_semaphore, #tpu.memory_space<semaphore_mem>>) src(%dma_wait3A_23 : memref<10000x128xf32, #tpu.memory_space<hbm>>) dst(%arg8 : memref<200x128xf32, #tpu.memory_space<vmem>>)
      "tpu.region"() ({
        %run_scoped3A = tpu.sem_alloc : memref<!tpu.dma_semaphore, #tpu.memory_space<semaphore_mem>>
        %dma_start3A_25 = arith.constant 0 : i32
        %dma_start3A_26 = tpu.memref_slice %arg6[%add3A_13, %dma_start3A_25] : memref<160000x128xf32, #tpu.memory_space<hbm>> -> memref<200x128xf32, #tpu.memory_space<hbm>>
        %dma_start3A_27 = arith.constant 0 : i32
        %dma_start3A_28 = tpu.memref_slice %arg6[%add3A_13, %dma_start3A_27] : memref<160000x128xf32, #tpu.memory_space<hbm>> -> memref<200x128xf32, #tpu.memory_space<hbm>>
        tpu.enqueue_dma source(%arg8 : memref<200x128xf32, #tpu.memory_space<vmem>>) target(%dma_start3A_28 : memref<200x128xf32, #tpu.memory_space<hbm>>) target_semaphore(%run_scoped3A : memref<!tpu.dma_semaphore, #tpu.memory_space<semaphore_mem>>)
        %dma_wait3A_29 = arith.constant 0 : i32
        %dma_wait3A_30 = tpu.memref_slice %arg6[%add3A_13, %dma_wait3A_29] : memref<160000x128xf32, #tpu.memory_space<hbm>> -> memref<200x128xf32, #tpu.memory_space<hbm>>
        %dma_wait3A_31 = arith.constant 0 : i32
        %dma_wait3A_32 = tpu.memref_slice %arg6[%add3A_13, %dma_wait3A_31] : memref<160000x128xf32, #tpu.memory_space<hbm>> -> memref<200x128xf32, #tpu.memory_space<hbm>>
        tpu.wait_dma2 semaphore(%run_scoped3A : memref<!tpu.dma_semaphore, #tpu.memory_space<semaphore_mem>>) src(%arg8 : memref<200x128xf32, #tpu.memory_space<vmem>>) dst(%dma_wait3A_32 : memref<200x128xf32, #tpu.memory_space<hbm>>)
        tpu.yield
      }) : () -> ()
      %scan3A_24 = arith.constant 0 : i32
      scf.yield %scan3A_24 : i32
    }
    %scan3A_8 = arith.constant 25 : i32
    return
  }
}

#map = affine_map<(d0, d1) -> (0, 0)>
#map1 = affine_map<(d0, d1) -> (0)>
module attributes {stable_mosaic.version = 14 : i64} {
  func.func @body(%arg0: i32, %arg1: i32, %arg2: memref<10000x128xf32, #tpu.memory_space<hbm>>, %arg3: memref<160000xi32, #tpu.memory_space<hbm>>, %arg4: memref<160000xi32, #tpu.memory_space<hbm>>, %arg5: memref<160000x128xf32, #tpu.memory_space<hbm>>, %arg6: memref<160000x128xf32, #tpu.memory_space<hbm>>, %arg7: memref<200xi32, #tpu.memory_space<vmem>>, %arg8: memref<200x128xf32, #tpu.memory_space<vmem>>, %arg9: memref<!tpu.dma_semaphore, #tpu.memory_space<semaphore_mem>>) attributes {dimension_semantics = [#tpu.dimension_semantics<core_parallel>, #tpu.dimension_semantics<subcore_parallel>], iteration_bounds = array<i64: 2, 16>, scalar_prefetch = 0 : i64, scratch_operands = 3 : i64, tpu.core_type = #tpu.core_type<sc_vector_subcore>, window_params = [{transform_indices = #map}, {transform_indices = #map1}, {transform_indices = #map1}, {transform_indices = #map}, {transform_indices = #map}]} {
    %mul3A = arith.constant 2 : i32
    %mul3A_0 = arith.muli %arg1, %mul3A : i32
    %add3A = arith.addi %mul3A_0, %arg0 : i32
    %mul3A_1 = arith.constant 5000 : i32
    %mul3A_2 = arith.muli %add3A, %mul3A_1 : i32
    %scan3A = arith.constant 0 : i32
    %scan3A_3 = arith.constant 0 : i32
    %scan3A_4 = arith.constant 25 : i32
    %scan3A_5 = arith.addi %scan3A_3, %scan3A_4 : i32
    %scan3A_6 = arith.constant 1 : i32
    %scan3A_7 = scf.for %scan3A_9 = %scan3A_3 to %scan3A_5 step %scan3A_6 iter_args(%scan3A_10 = %scan3A) -> (i32)  : i32 {
      %mul3A_11 = arith.constant 200 : i32
      %mul3A_12 = arith.muli %scan3A_9, %mul3A_11 : i32
      %add3A_13 = arith.addi %mul3A_2, %mul3A_12 : i32
      "tpu.region"() ({
        %run_scoped3A = tpu.sem_alloc : memref<!tpu.dma_semaphore, #tpu.memory_space<semaphore_mem>>
        %dma_start3A_25 = tpu.memref_slice %arg3[%add3A_13] : memref<160000xi32, #tpu.memory_space<hbm>> -> memref<200xi32, #tpu.memory_space<hbm>>
        %dma_start3A_26 = tpu.memref_slice %arg3[%add3A_13] : memref<160000xi32, #tpu.memory_space<hbm>> -> memref<200xi32, #tpu.memory_space<hbm>>
        tpu.enqueue_dma source(%dma_start3A_26 : memref<200xi32, #tpu.memory_space<hbm>>) target(%arg7 : memref<200xi32, #tpu.memory_space<vmem>>) target_semaphore(%run_scoped3A : memref<!tpu.dma_semaphore, #tpu.memory_space<semaphore_mem>>)
        %dma_wait3A_27 = tpu.memref_slice %arg3[%add3A_13] : memref<160000xi32, #tpu.memory_space<hbm>> -> memref<200xi32, #tpu.memory_space<hbm>>
        %dma_wait3A_28 = tpu.memref_slice %arg3[%add3A_13] : memref<160000xi32, #tpu.memory_space<hbm>> -> memref<200xi32, #tpu.memory_space<hbm>>
        tpu.wait_dma2 semaphore(%run_scoped3A : memref<!tpu.dma_semaphore, #tpu.memory_space<semaphore_mem>>) src(%dma_wait3A_28 : memref<200xi32, #tpu.memory_space<hbm>>) dst(%arg7 : memref<200xi32, #tpu.memory_space<vmem>>)
        tpu.yield
      }) : () -> ()
      %dma_start3A = arith.constant 0 : i32
      %dma_start3A_14 = arith.constant 0 : i32
      %dma_start3A_15 = tpu.memref_slice %arg2[%dma_start3A, %dma_start3A_14] : memref<10000x128xf32, #tpu.memory_space<hbm>> -> memref<10000x128xf32, #tpu.memory_space<hbm>>
      tpu.enqueue_indirect_dma source(%dma_start3A_15 : memref<10000x128xf32, #tpu.memory_space<hbm>>) target(%arg8 : memref<200x128xf32, #tpu.memory_space<vmem>>) offsets(%arg7 : memref<200xi32, #tpu.memory_space<vmem>>) semaphore(%arg9 : memref<!tpu.dma_semaphore, #tpu.memory_space<semaphore_mem>>)
      %dma_wait3A = arith.constant 0 : i32
      %dma_wait3A_16 = arith.constant 0 : i32
      %dma_wait3A_17 = tpu.memref_slice %arg2[%dma_wait3A, %dma_wait3A_16] : memref<10000x128xf32, #tpu.memory_space<hbm>> -> memref<10000x128xf32, #tpu.memory_space<hbm>>
      tpu.wait_indirect_dma semaphore(%arg9 : memref<!tpu.dma_semaphore, #tpu.memory_space<semaphore_mem>>) src(%dma_wait3A_17 : memref<10000x128xf32, #tpu.memory_space<hbm>>) dst(%arg8 : memref<200x128xf32, #tpu.memory_space<vmem>>)
      "tpu.region"() ({
        %run_scoped3A = tpu.sem_alloc : memref<!tpu.dma_semaphore, #tpu.memory_space<semaphore_mem>>
        %dma_start3A_25 = arith.constant 0 : i32
        %dma_start3A_26 = tpu.memref_slice %arg5[%add3A_13, %dma_start3A_25] : memref<160000x128xf32, #tpu.memory_space<hbm>> -> memref<200x128xf32, #tpu.memory_space<hbm>>
        %dma_start3A_27 = arith.constant 0 : i32
        %dma_start3A_28 = tpu.memref_slice %arg5[%add3A_13, %dma_start3A_27] : memref<160000x128xf32, #tpu.memory_space<hbm>> -> memref<200x128xf32, #tpu.memory_space<hbm>>
        tpu.enqueue_dma source(%arg8 : memref<200x128xf32, #tpu.memory_space<vmem>>) target(%dma_start3A_28 : memref<200x128xf32, #tpu.memory_space<hbm>>) target_semaphore(%run_scoped3A : memref<!tpu.dma_semaphore, #tpu.memory_space<semaphore_mem>>)
        %dma_wait3A_29 = arith.constant 0 : i32
        %dma_wait3A_30 = tpu.memref_slice %arg5[%add3A_13, %dma_wait3A_29] : memref<160000x128xf32, #tpu.memory_space<hbm>> -> memref<200x128xf32, #tpu.memory_space<hbm>>
        %dma_wait3A_31 = arith.constant 0 : i32
        %dma_wait3A_32 = tpu.memref_slice %arg5[%add3A_13, %dma_wait3A_31] : memref<160000x128xf32, #tpu.memory_space<hbm>> -> memref<200x128xf32, #tpu.memory_space<hbm>>
        tpu.wait_dma2 semaphore(%run_scoped3A : memref<!tpu.dma_semaphore, #tpu.memory_space<semaphore_mem>>) src(%arg8 : memref<200x128xf32, #tpu.memory_space<vmem>>) dst(%dma_wait3A_32 : memref<200x128xf32, #tpu.memory_space<hbm>>)
        tpu.yield
      }) : () -> ()
      "tpu.region"() ({
        %run_scoped3A = tpu.sem_alloc : memref<!tpu.dma_semaphore, #tpu.memory_space<semaphore_mem>>
        %dma_start3A_25 = tpu.memref_slice %arg4[%add3A_13] : memref<160000xi32, #tpu.memory_space<hbm>> -> memref<200xi32, #tpu.memory_space<hbm>>
        %dma_start3A_26 = tpu.memref_slice %arg4[%add3A_13] : memref<160000xi32, #tpu.memory_space<hbm>> -> memref<200xi32, #tpu.memory_space<hbm>>
        tpu.enqueue_dma source(%dma_start3A_26 : memref<200xi32, #tpu.memory_space<hbm>>) target(%arg7 : memref<200xi32, #tpu.memory_space<vmem>>) target_semaphore(%run_scoped3A : memref<!tpu.dma_semaphore, #tpu.memory_space<semaphore_mem>>)
        %dma_wait3A_27 = tpu.memref_slice %arg4[%add3A_13] : memref<160000xi32, #tpu.memory_space<hbm>> -> memref<200xi32, #tpu.memory_space<hbm>>
        %dma_wait3A_28 = tpu.memref_slice %arg4[%add3A_13] : memref<160000xi32, #tpu.memory_space<hbm>> -> memref<200xi32, #tpu.memory_space<hbm>>
        tpu.wait_dma2 semaphore(%run_scoped3A : memref<!tpu.dma_semaphore, #tpu.memory_space<semaphore_mem>>) src(%dma_wait3A_28 : memref<200xi32, #tpu.memory_space<hbm>>) dst(%arg7 : memref<200xi32, #tpu.memory_space<vmem>>)
        tpu.yield
      }) : () -> ()
      %dma_start3A_18 = arith.constant 0 : i32
      %dma_start3A_19 = arith.constant 0 : i32
      %dma_start3A_20 = tpu.memref_slice %arg2[%dma_start3A_18, %dma_start3A_19] : memref<10000x128xf32, #tpu.memory_space<hbm>> -> memref<10000x128xf32, #tpu.memory_space<hbm>>
      tpu.enqueue_indirect_dma source(%dma_start3A_20 : memref<10000x128xf32, #tpu.memory_space<hbm>>) target(%arg8 : memref<200x128xf32, #tpu.memory_space<vmem>>) offsets(%arg7 : memref<200xi32, #tpu.memory_space<vmem>>) semaphore(%arg9 : memref<!tpu.dma_semaphore, #tpu.memory_space<semaphore_mem>>)
      %dma_wait3A_21 = arith.constant 0 : i32
      %dma_wait3A_22 = arith.constant 0 : i32
      %dma_wait3A_23 = tpu.memref_slice %arg2[%dma_wait3A_21, %dma_wait3A_22] : memref<10000x128xf32, #tpu.memory_space<hbm>> -> memref<10000x128xf32, #tpu.memory_space<hbm>>
      tpu.wait_indirect_dma semaphore(%arg9 : memref<!tpu.dma_semaphore, #tpu.memory_space<semaphore_mem>>) src(%dma_wait3A_23 : memref<10000x128xf32, #tpu.memory_space<hbm>>) dst(%arg8 : memref<200x128xf32, #tpu.memory_space<vmem>>)
      "tpu.region"() ({
        %run_scoped3A = tpu.sem_alloc : memref<!tpu.dma_semaphore, #tpu.memory_space<semaphore_mem>>
        %dma_start3A_25 = arith.constant 0 : i32
        %dma_start3A_26 = tpu.memref_slice %arg6[%add3A_13, %dma_start3A_25] : memref<160000x128xf32, #tpu.memory_space<hbm>> -> memref<200x128xf32, #tpu.memory_space<hbm>>
        %dma_start3A_27 = arith.constant 0 : i32
        %dma_start3A_28 = tpu.memref_slice %arg6[%add3A_13, %dma_start3A_27] : memref<160000x128xf32, #tpu.memory_space<hbm>> -> memref<200x128xf32, #tpu.memory_space<hbm>>
        tpu.enqueue_dma source(%arg8 : memref<200x128xf32, #tpu.memory_space<vmem>>) target(%dma_start3A_28 : memref<200x128xf32, #tpu.memory_space<hbm>>) target_semaphore(%run_scoped3A : memref<!tpu.dma_semaphore, #tpu.memory_space<semaphore_mem>>)
        %dma_wait3A_29 = arith.constant 0 : i32
        %dma_wait3A_30 = tpu.memref_slice %arg6[%add3A_13, %dma_wait3A_29] : memref<160000x128xf32, #tpu.memory_space<hbm>> -> memref<200x128xf32, #tpu.memory_space<hbm>>
        %dma_wait3A_31 = arith.constant 0 : i32
        %dma_wait3A_32 = tpu.memref_slice %arg6[%add3A_13, %dma_wait3A_31] : memref<160000x128xf32, #tpu.memory_space<hbm>> -> memref<200x128xf32, #tpu.memory_space<hbm>>
        tpu.wait_dma2 semaphore(%run_scoped3A : memref<!tpu.dma_semaphore, #tpu.memory_space<semaphore_mem>>) src(%arg8 : memref<200x128xf32, #tpu.memory_space<vmem>>) dst(%dma_wait3A_32 : memref<200x128xf32, #tpu.memory_space<hbm>>)
        tpu.yield
      }) : () -> ()
      %scan3A_24 = arith.constant 0 : i32
      scf.yield %scan3A_24 : i32
    }
    %scan3A_8 = arith.constant 25 : i32
    return
  }
}

module attributes {stable_mosaic.version = 14 : i64} {
  func.func @_geom_body(%arg0: i32, %arg1: memref<1000x128xf32, #tpu.memory_space<vmem>>, %arg2: memref<1000x128xf32, #tpu.memory_space<vmem>>, %arg3: memref<1000x128xf32, #tpu.memory_space<vmem>>, %arg4: memref<1000x128xf32, #tpu.memory_space<vmem>>) attributes {dimension_semantics = [#tpu.dimension_semantics<arbitrary>], iteration_bounds = array<i64: 160>, scalar_prefetch = 0 : i64, scratch_operands = 0 : i64, tpu.core_type = #tpu.core_type<tc>, window_params = [{transform_indices = @transform_0, window_bounds = array<i64: 1000, 128>}, {transform_indices = @transform_1, window_bounds = array<i64: 1000, 128>}, {transform_indices = @transform_2, window_bounds = array<i64: 1000, 128>}, {transform_indices = @transform_3, window_bounds = array<i64: 1000, 128>}]} {
    %get3A = arith.constant 0 : index
    %get3A_0 = arith.constant 0 : index
    %get3A_1 = vector.load %arg1[%get3A, %get3A_0] : memref<1000x128xf32, #tpu.memory_space<vmem>>, vector<1000x128xf32>
    %get3A_2 = arith.constant 0 : index
    %get3A_3 = arith.constant 0 : index
    %get3A_4 = vector.load %arg2[%get3A_2, %get3A_3] : memref<1000x128xf32, #tpu.memory_space<vmem>>, vector<1000x128xf32>
    %sub3A = arith.subf %get3A_1, %get3A_4 : vector<1000x128xf32>
    %slice3A = vector.extract_strided_slice %sub3A {offsets = [0, 0], sizes = [1000, 1], strides = [1, 1]} : vector<1000x128xf32> to vector<1000x1xf32>
    %slice3A_5 = vector.extract_strided_slice %sub3A {offsets = [0, 1], sizes = [1000, 1], strides = [1, 1]} : vector<1000x128xf32> to vector<1000x1xf32>
    %slice3A_6 = vector.extract_strided_slice %sub3A {offsets = [0, 2], sizes = [1000, 1], strides = [1, 1]} : vector<1000x128xf32> to vector<1000x1xf32>
    %mul3A = arith.mulf %slice3A, %slice3A : vector<1000x1xf32>
    %mul3A_7 = arith.mulf %slice3A_5, %slice3A_5 : vector<1000x1xf32>
    %add3A = arith.addf %mul3A, %mul3A_7 : vector<1000x1xf32>
    %mul3A_8 = arith.mulf %slice3A_6, %slice3A_6 : vector<1000x1xf32>
    %add3A_9 = arith.addf %add3A, %mul3A_8 : vector<1000x1xf32>
    %sqrt3A = math.sqrt %add3A_9 : vector<1000x1xf32>
    %add3A_10 = arith.constant 9.99999993E-9 : f32
    %add3A_11 = vector.broadcast %add3A_10 : f32 to vector<1000x1xf32>
    %add3A_12 = arith.addf %sqrt3A, %add3A_11 : vector<1000x1xf32>
    %div3A = arith.constant 1.000000e+00 : f32
    %div3A_13 = vector.broadcast %div3A : f32 to vector<1000x1xf32>
    %div3A_14 = arith.divf %div3A_13, %add3A_12 : vector<1000x1xf32>
    %mul3A_15 = arith.mulf %slice3A, %div3A_14 : vector<1000x1xf32>
    %mul3A_16 = arith.mulf %slice3A_5, %div3A_14 : vector<1000x1xf32>
    %mul3A_17 = arith.mulf %slice3A_6, %div3A_14 : vector<1000x1xf32>
    %mul3A_18 = arith.constant 3.14159274 : f32
    %mul3A_19 = vector.broadcast %mul3A_18 : f32 to vector<1000x1xf32>
    %mul3A_20 = arith.mulf %mul3A_19, %add3A_12 : vector<1000x1xf32>
    %div3A_21 = arith.constant 1.000000e+01 : f32
    %div3A_22 = vector.broadcast %div3A_21 : f32 to vector<1000x1xf32>
    %div3A_23 = arith.divf %mul3A_20, %div3A_22 : vector<1000x1xf32>
    %cos3A = math.cos %div3A_23 : vector<1000x1xf32>
    %add3A_24 = arith.constant 1.000000e+00 : f32
    %add3A_25 = vector.broadcast %add3A_24 : f32 to vector<1000x1xf32>
    %add3A_26 = arith.addf %cos3A, %add3A_25 : vector<1000x1xf32>
    %mul3A_27 = arith.constant 5.000000e-01 : f32
    %mul3A_28 = vector.broadcast %mul3A_27 : f32 to vector<1000x1xf32>
    %mul3A_29 = arith.mulf %mul3A_28, %add3A_26 : vector<1000x1xf32>
    %lt3A = arith.constant 1.000000e+01 : f32
    %lt3A_30 = vector.broadcast %lt3A : f32 to vector<1000x1xf32>
    %lt3A_31 = arith.cmpf olt, %add3A_12, %lt3A_30 : vector<1000x1xf32>
    %jit3A = arith.constant 0.000000e+00 : f32
    %broadcast_in_dim3A = vector.broadcast %jit3A : f32 to vector<1000x1xf32>
    %select_n3A = arith.select %lt3A_31, %mul3A_29, %broadcast_in_dim3A : vector<1000x1xi1>, vector<1000x1xf32>
    %broadcast_in_dim3A_32 = arith.constant 0.000000e+00 : f32
    %broadcast_in_dim3A_33 = vector.broadcast %broadcast_in_dim3A_32 : f32 to vector<1000x124xf32>
    %concatenate3A = tpu.concatenate %mul3A_15, %mul3A_16, %mul3A_17, %select_n3A, %broadcast_in_dim3A_33 in 1 : vector<1000x1xf32>, vector<1000x1xf32>, vector<1000x1xf32>, vector<1000x1xf32>, vector<1000x124xf32> -> vector<1000x128xf32>
    %swap3A = arith.constant 0 : index
    %swap3A_34 = arith.constant 0 : index
    %swap3A_35 = vector.load %arg3[%swap3A, %swap3A_34] : memref<1000x128xf32, #tpu.memory_space<vmem>>, vector<1000x128xf32>
    tpu.vector_store %arg3[%swap3A, %swap3A_34], %concatenate3A {strides = array<i32>} : memref<1000x128xf32, #tpu.memory_space<vmem>>, vector<1000x128xf32>,
    %neg3A = arith.constant 0.000000e+00 : f32
    %neg3A_36 = vector.broadcast %neg3A : f32 to vector<1000x1xf32>
    %neg3A_37 = arith.subf %neg3A_36, %mul3A_15 : vector<1000x1xf32>
    %neg3A_38 = arith.constant 0.000000e+00 : f32
    %neg3A_39 = vector.broadcast %neg3A_38 : f32 to vector<1000x1xf32>
    %neg3A_40 = arith.subf %neg3A_39, %mul3A_16 : vector<1000x1xf32>
    %neg3A_41 = arith.constant 0.000000e+00 : f32
    %neg3A_42 = vector.broadcast %neg3A_41 : f32 to vector<1000x1xf32>
    %neg3A_43 = arith.subf %neg3A_42, %mul3A_17 : vector<1000x1xf32>
    %broadcast_in_dim3A_44 = arith.constant 0.000000e+00 : f32
    %broadcast_in_dim3A_45 = vector.broadcast %broadcast_in_dim3A_44 : f32 to vector<1000x1xf32>
    %concatenate3A_46 = tpu.concatenate %neg3A_37, %neg3A_40, %neg3A_43, %broadcast_in_dim3A_45, %broadcast_in_dim3A_33 in 1 : vector<1000x1xf32>, vector<1000x1xf32>, vector<1000x1xf32>, vector<1000x1xf32>, vector<1000x124xf32> -> vector<1000x128xf32>
    %swap3A_47 = arith.constant 0 : index
    %swap3A_48 = arith.constant 0 : index
    %swap3A_49 = vector.load %arg4[%swap3A_47, %swap3A_48] : memref<1000x128xf32, #tpu.memory_space<vmem>>, vector<1000x128xf32>
    tpu.vector_store %arg4[%swap3A_47, %swap3A_48], %concatenate3A_46 {strides = array<i32>} : memref<1000x128xf32, #tpu.memory_space<vmem>>, vector<1000x128xf32>,
    return
  }
  func.func @transform_0(%arg0: i32) -> (i32, i32) {
    %c0_i32 = arith.constant 0 : i32
    %c0_i32_0 = arith.constant 0 : i32
    return %arg0, %c0_i32 : i32, i32
  }
  func.func @transform_1(%arg0: i32) -> (i32, i32) {
    %c0_i32 = arith.constant 0 : i32
    %c0_i32_0 = arith.constant 0 : i32
    return %arg0, %c0_i32 : i32, i32
  }
  func.func @transform_2(%arg0: i32) -> (i32, i32) {
    %c0_i32 = arith.constant 0 : i32
    %c0_i32_0 = arith.constant 0 : i32
    return %arg0, %c0_i32 : i32, i32
  }
  func.func @transform_3(%arg0: i32) -> (i32, i32) {
    %c0_i32 = arith.constant 0 : i32
    %c0_i32_0 = arith.constant 0 : i32
    return %arg0, %c0_i32 : i32, i32
  }
}

module attributes {stable_mosaic.version = 14 : i64} {
  func.func @_msg_body(%arg0: i32, %arg1: memref<1000x256xf32, #tpu.memory_space<vmem>>, %arg2: memref<1000x256xf32, #tpu.memory_space<vmem>>, %arg3: memref<1000x64xf32, #tpu.memory_space<vmem>>, %arg4: memref<1000x768xf32, #tpu.memory_space<vmem>>, %arg5: memref<1000x128xf32, #tpu.memory_space<vmem>>, %arg6: memref<256x256xf32, #tpu.memory_space<vmem>>, %arg7: memref<256x256xf32, #tpu.memory_space<vmem>>, %arg8: memref<64x256xf32, #tpu.memory_space<vmem>>, %arg9: memref<1x256xf32, #tpu.memory_space<vmem>>, %arg10: memref<256x512xf32, #tpu.memory_space<vmem>>, %arg11: memref<1x512xf32, #tpu.memory_space<vmem>>, %arg12: memref<6x1000x128xf32, #tpu.memory_space<vmem>>) attributes {dimension_semantics = [#tpu.dimension_semantics<arbitrary>], iteration_bounds = array<i64: 160>, scalar_prefetch = 0 : i64, scratch_operands = 0 : i64, tpu.core_type = #tpu.core_type<tc>, window_params = [{transform_indices = @transform_0, window_bounds = array<i64: 1000, 256>}, {transform_indices = @transform_1, window_bounds = array<i64: 1000, 256>}, {transform_indices = @transform_2, window_bounds = array<i64: 1000, 64>}, {transform_indices = @transform_3, window_bounds = array<i64: 1000, 768>}, {transform_indices = @transform_4, window_bounds = array<i64: 1000, 128>}, {pipeline_mode = #tpu.pipeline_mode<synchronous>, transform_indices = @transform_5, window_bounds = array<i64: 256, 256>}, {pipeline_mode = #tpu.pipeline_mode<synchronous>, transform_indices = @transform_6, window_bounds = array<i64: 256, 256>}, {pipeline_mode = #tpu.pipeline_mode<synchronous>, transform_indices = @transform_7, window_bounds = array<i64: 64, 256>}, {pipeline_mode = #tpu.pipeline_mode<synchronous>, transform_indices = @transform_8, window_bounds = array<i64: 1, 256>}, {pipeline_mode = #tpu.pipeline_mode<synchronous>, transform_indices = @transform_9, window_bounds = array<i64: 256, 512>}, {pipeline_mode = #tpu.pipeline_mode<synchronous>, transform_indices = @transform_10, window_bounds = array<i64: 1, 512>}, {transform_indices = @transform_11, window_bounds = array<i64: 6, 1000, 128>}]} {
    %get3A = arith.constant 0 : index
    %get3A_0 = arith.constant 0 : index
    %get3A_1 = vector.load %arg1[%get3A, %get3A_0] : memref<1000x256xf32, #tpu.memory_space<vmem>>, vector<1000x256xf32>
    %get3A_2 = arith.constant 0 : index
    %get3A_3 = arith.constant 0 : index
    %get3A_4 = vector.load %arg2[%get3A_2, %get3A_3] : memref<1000x256xf32, #tpu.memory_space<vmem>>, vector<1000x256xf32>
    %get3A_5 = arith.constant 0 : index
    %get3A_6 = arith.constant 0 : index
    %get3A_7 = vector.load %arg3[%get3A_5, %get3A_6] : memref<1000x64xf32, #tpu.memory_space<vmem>>, vector<1000x64xf32>
    %get3A_8 = arith.constant 0 : index
    %get3A_9 = arith.constant 0 : index
    %get3A_10 = vector.load %arg5[%get3A_8, %get3A_9] : memref<1000x128xf32, #tpu.memory_space<vmem>>, vector<1000x128xf32>
    %slice3A = vector.extract_strided_slice %get3A_10 {offsets = [0, 0], sizes = [1000, 1], strides = [1, 1]} : vector<1000x128xf32> to vector<1000x1xf32>
    %slice3A_11 = vector.extract_strided_slice %get3A_10 {offsets = [0, 1], sizes = [1000, 1], strides = [1, 1]} : vector<1000x128xf32> to vector<1000x1xf32>
    %slice3A_12 = vector.extract_strided_slice %get3A_10 {offsets = [0, 2], sizes = [1000, 1], strides = [1, 1]} : vector<1000x128xf32> to vector<1000x1xf32>
    %slice3A_13 = vector.extract_strided_slice %get3A_10 {offsets = [0, 3], sizes = [1000, 1], strides = [1, 1]} : vector<1000x128xf32> to vector<1000x1xf32>
    %get3A_14 = arith.constant 0 : index
    %get3A_15 = arith.constant 0 : index
    %get3A_16 = vector.load %arg6[%get3A_14, %get3A_15] : memref<256x256xf32, #tpu.memory_space<vmem>>, vector<256x256xf32>
    %dot_general3A = arith.constant dense<0.000000e+00> : vector<1000x256xf32>
    %dot_general3A_17 = tpu.matmul %get3A_1, %get3A_16, %dot_general3A {dimension_numbers = #tpu.dot_dimension_numbers<[1], [0], [0], [1], [0, 0, 1, 1], [], []>, transpose_lhs_hint = false} : vector<1000x256xf32>, vector<256x256xf32>, vector<1000x256xf32> -> vector<1000x256xf32>
    %get3A_18 = arith.constant 0 : index
    %get3A_19 = arith.constant 0 : index
    %get3A_20 = vector.load %arg7[%get3A_18, %get3A_19] : memref<256x256xf32, #tpu.memory_space<vmem>>, vector<256x256xf32>
    %dot_general3A_21 = arith.constant dense<0.000000e+00> : vector<1000x256xf32>
    %dot_general3A_22 = tpu.matmul %get3A_4, %get3A_20, %dot_general3A_21 {dimension_numbers = #tpu.dot_dimension_numbers<[1], [0], [0], [1], [0, 0, 1, 1], [], []>, transpose_lhs_hint = false} : vector<1000x256xf32>, vector<256x256xf32>, vector<1000x256xf32> -> vector<1000x256xf32>
    %add3A = arith.addf %dot_general3A_17, %dot_general3A_22 : vector<1000x256xf32>
    %get3A_23 = arith.constant 0 : index
    %get3A_24 = arith.constant 0 : index
    %get3A_25 = vector.load %arg8[%get3A_23, %get3A_24] : memref<64x256xf32, #tpu.memory_space<vmem>>, vector<64x256xf32>
    %dot_general3A_26 = arith.constant dense<0.000000e+00> : vector<1000x256xf32>
    %dot_general3A_27 = tpu.matmul %get3A_7, %get3A_25, %dot_general3A_26 {dimension_numbers = #tpu.dot_dimension_numbers<[1], [0], [0], [1], [0, 0, 1, 1], [], []>, transpose_lhs_hint = false} : vector<1000x64xf32>, vector<64x256xf32>, vector<1000x256xf32> -> vector<1000x256xf32>
    %add3A_28 = arith.addf %add3A, %dot_general3A_27 : vector<1000x256xf32>
    %get3A_29 = arith.constant 0 : index
    %get3A_30 = arith.constant 0 : index
    %get3A_31 = vector.load %arg9[%get3A_29, %get3A_30] : memref<1x256xf32, #tpu.memory_space<vmem>>, vector<1x256xf32>
    %add3A_32 = vector.broadcast %get3A_31 : vector<1x256xf32> to vector<1000x256xf32>
    %add3A_33 = arith.addf %add3A_28, %add3A_32 : vector<1000x256xf32>
    %get3A_34 = arith.constant 0 : index
    %get3A_35 = arith.constant 0 : index
    %get3A_36 = vector.load %arg10[%get3A_34, %get3A_35] : memref<256x512xf32, #tpu.memory_space<vmem>>, vector<256x512xf32>
    %dot_general3A_37 = arith.constant dense<0.000000e+00> : vector<1000x512xf32>
    %dot_general3A_38 = tpu.matmul %add3A_33, %get3A_36, %dot_general3A_37 {dimension_numbers = #tpu.dot_dimension_numbers<[1], [0], [0], [1], [0, 0, 1, 1], [], []>, transpose_lhs_hint = false} : vector<1000x256xf32>, vector<256x512xf32>, vector<1000x512xf32> -> vector<1000x512xf32>
    %get3A_39 = arith.constant 0 : index
    %get3A_40 = arith.constant 0 : index
    %get3A_41 = vector.load %arg11[%get3A_39, %get3A_40] : memref<1x512xf32, #tpu.memory_space<vmem>>, vector<1x512xf32>
    %add3A_42 = vector.broadcast %get3A_41 : vector<1x512xf32> to vector<1000x512xf32>
    %add3A_43 = arith.addf %dot_general3A_38, %add3A_42 : vector<1000x512xf32>
    %slice3A_44 = vector.extract_strided_slice %add3A_43 {offsets = [0, 0], sizes = [1000, 256], strides = [1, 1]} : vector<1000x512xf32> to vector<1000x256xf32>
    %mul3A = vector.broadcast %slice3A_13 : vector<1000x1xf32> to vector<1000x256xf32>
    %mul3A_45 = arith.mulf %slice3A_44, %mul3A : vector<1000x256xf32>
    %slice3A_46 = vector.extract_strided_slice %add3A_43 {offsets = [0, 256], sizes = [1000, 256], strides = [1, 1]} : vector<1000x512xf32> to vector<1000x256xf32>
    %mul3A_47 = vector.broadcast %slice3A_13 : vector<1000x1xf32> to vector<1000x256xf32>
    %mul3A_48 = arith.mulf %slice3A_46, %mul3A_47 : vector<1000x256xf32>
    %get3A_49 = arith.constant 0 : index
    %get3A_50 = arith.constant 0 : index
    %get3A_51 = vector.load %arg4[%get3A_49, %get3A_50] : memref<1000x768xf32, #tpu.memory_space<vmem>>, vector<1000x768xf32>
    %slice3A_52 = vector.extract_strided_slice %mul3A_45 {offsets = [0, 0], sizes = [1000, 128], strides = [1, 1]} : vector<1000x256xf32> to vector<1000x128xf32>
    %mul3A_53 = vector.broadcast %slice3A : vector<1000x1xf32> to vector<1000x128xf32>
    %mul3A_54 = arith.mulf %slice3A_52, %mul3A_53 : vector<1000x128xf32>
    %slice3A_55 = vector.extract_strided_slice %mul3A_48 {offsets = [0, 0], sizes = [1000, 128], strides = [1, 1]} : vector<1000x256xf32> to vector<1000x128xf32>
    %slice3A_56 = vector.extract_strided_slice %get3A_51 {offsets = [0, 0], sizes = [1000, 128], strides = [1, 1]} : vector<1000x768xf32> to vector<1000x128xf32>
    %mul3A_57 = arith.mulf %slice3A_55, %slice3A_56 : vector<1000x128xf32>
    %add3A_58 = arith.addf %mul3A_54, %mul3A_57 : vector<1000x128xf32>
    %swap3A = arith.constant 0 : index
    %swap3A_59 = arith.constant 0 : index
    %swap3A_60 = arith.constant 0 : index
    %swap3A_61 = vector.load %arg12[%swap3A, %swap3A_59, %swap3A_60] : memref<6x1000x128xf32, #tpu.memory_space<vmem>>, vector<1x1000x128xf32>
    %swap3A_62 = vector.shape_cast %swap3A_61 : vector<1x1000x128xf32> to vector<1000x128xf32>
    %swap3A_63 = vector.shape_cast %add3A_58 : vector<1000x128xf32> to vector<1x1000x128xf32>
    tpu.vector_store %arg12[%swap3A, %swap3A_59, %swap3A_60], %swap3A_63 {strides = array<i32>} : memref<6x1000x128xf32, #tpu.memory_space<vmem>>, vector<1x1000x128xf32>,
    %slice3A_64 = vector.extract_strided_slice %mul3A_45 {offsets = [0, 128], sizes = [1000, 128], strides = [1, 1]} : vector<1000x256xf32> to vector<1000x128xf32>
    %mul3A_65 = vector.broadcast %slice3A : vector<1000x1xf32> to vector<1000x128xf32>
    %mul3A_66 = arith.mulf %slice3A_64, %mul3A_65 : vector<1000x128xf32>
    %slice3A_67 = vector.extract_strided_slice %mul3A_48 {offsets = [0, 128], sizes = [1000, 128], strides = [1, 1]} : vector<1000x256xf32> to vector<1000x128xf32>
    %slice3A_68 = vector.extract_strided_slice %get3A_51 {offsets = [0, 128], sizes = [1000, 128], strides = [1, 1]} : vector<1000x768xf32> to vector<1000x128xf32>
    %mul3A_69 = arith.mulf %slice3A_67, %slice3A_68 : vector<1000x128xf32>
    %add3A_70 = arith.addf %mul3A_66, %mul3A_69 : vector<1000x128xf32>
    %swap3A_71 = arith.constant 1 : index
    %swap3A_72 = arith.constant 0 : index
    %swap3A_73 = arith.constant 0 : index
    %swap3A_74 = vector.load %arg12[%swap3A_71, %swap3A_72, %swap3A_73] : memref<6x1000x128xf32, #tpu.memory_space<vmem>>, vector<1x1000x128xf32>
    %swap3A_75 = vector.shape_cast %swap3A_74 : vector<1x1000x128xf32> to vector<1000x128xf32>
    %swap3A_76 = vector.shape_cast %add3A_70 : vector<1000x128xf32> to vector<1x1000x128xf32>
    tpu.vector_store %arg12[%swap3A_71, %swap3A_72, %swap3A_73], %swap3A_76 {strides = array<i32>} : memref<6x1000x128xf32, #tpu.memory_space<vmem>>, vector<1x1000x128xf32>,
    %slice3A_77 = vector.extract_strided_slice %mul3A_45 {offsets = [0, 0], sizes = [1000, 128], strides = [1, 1]} : vector<1000x256xf32> to vector<1000x128xf32>
    %mul3A_78 = vector.broadcast %slice3A_11 : vector<1000x1xf32> to vector<1000x128xf32>
    %mul3A_79 = arith.mulf %slice3A_77, %mul3A_78 : vector<1000x128xf32>
    %slice3A_80 = vector.extract_strided_slice %mul3A_48 {offsets = [0, 0], sizes = [1000, 128], strides = [1, 1]} : vector<1000x256xf32> to vector<1000x128xf32>
    %slice3A_81 = vector.extract_strided_slice %get3A_51 {offsets = [0, 256], sizes = [1000, 128], strides = [1, 1]} : vector<1000x768xf32> to vector<1000x128xf32>
    %mul3A_82 = arith.mulf %slice3A_80, %slice3A_81 : vector<1000x128xf32>
    %add3A_83 = arith.addf %mul3A_79, %mul3A_82 : vector<1000x128xf32>
    %swap3A_84 = arith.constant 2 : index
    %swap3A_85 = arith.constant 0 : index
    %swap3A_86 = arith.constant 0 : index
    %swap3A_87 = vector.load %arg12[%swap3A_84, %swap3A_85, %swap3A_86] : memref<6x1000x128xf32, #tpu.memory_space<vmem>>, vector<1x1000x128xf32>
    %swap3A_88 = vector.shape_cast %swap3A_87 : vector<1x1000x128xf32> to vector<1000x128xf32>
    %swap3A_89 = vector.shape_cast %add3A_83 : vector<1000x128xf32> to vector<1x1000x128xf32>
    tpu.vector_store %arg12[%swap3A_84, %swap3A_85, %swap3A_86], %swap3A_89 {strides = array<i32>} : memref<6x1000x128xf32, #tpu.memory_space<vmem>>, vector<1x1000x128xf32>,
    %slice3A_90 = vector.extract_strided_slice %mul3A_45 {offsets = [0, 128], sizes = [1000, 128], strides = [1, 1]} : vector<1000x256xf32> to vector<1000x128xf32>
    %mul3A_91 = vector.broadcast %slice3A_11 : vector<1000x1xf32> to vector<1000x128xf32>
    %mul3A_92 = arith.mulf %slice3A_90, %mul3A_91 : vector<1000x128xf32>
    %slice3A_93 = vector.extract_strided_slice %mul3A_48 {offsets = [0, 128], sizes = [1000, 128], strides = [1, 1]} : vector<1000x256xf32> to vector<1000x128xf32>
    %slice3A_94 = vector.extract_strided_slice %get3A_51 {offsets = [0, 384], sizes = [1000, 128], strides = [1, 1]} : vector<1000x768xf32> to vector<1000x128xf32>
    %mul3A_95 = arith.mulf %slice3A_93, %slice3A_94 : vector<1000x128xf32>
    %add3A_96 = arith.addf %mul3A_92, %mul3A_95 : vector<1000x128xf32>
    %swap3A_97 = arith.constant 3 : index
    %swap3A_98 = arith.constant 0 : index
    %swap3A_99 = arith.constant 0 : index
    %swap3A_100 = vector.load %arg12[%swap3A_97, %swap3A_98, %swap3A_99] : memref<6x1000x128xf32, #tpu.memory_space<vmem>>, vector<1x1000x128xf32>
    %swap3A_101 = vector.shape_cast %swap3A_100 : vector<1x1000x128xf32> to vector<1000x128xf32>
    %swap3A_102 = vector.shape_cast %add3A_96 : vector<1000x128xf32> to vector<1x1000x128xf32>
    tpu.vector_store %arg12[%swap3A_97, %swap3A_98, %swap3A_99], %swap3A_102 {strides = array<i32>} : memref<6x1000x128xf32, #tpu.memory_space<vmem>>, vector<1x1000x128xf32>,
    %slice3A_103 = vector.extract_strided_slice %mul3A_45 {offsets = [0, 0], sizes = [1000, 128], strides = [1, 1]} : vector<1000x256xf32> to vector<1000x128xf32>
    %mul3A_104 = vector.broadcast %slice3A_12 : vector<1000x1xf32> to vector<1000x128xf32>
    %mul3A_105 = arith.mulf %slice3A_103, %mul3A_104 : vector<1000x128xf32>
    %slice3A_106 = vector.extract_strided_slice %mul3A_48 {offsets = [0, 0], sizes = [1000, 128], strides = [1, 1]} : vector<1000x256xf32> to vector<1000x128xf32>
    %slice3A_107 = vector.extract_strided_slice %get3A_51 {offsets = [0, 512], sizes = [1000, 128], strides = [1, 1]} : vector<1000x768xf32> to vector<1000x128xf32>
    %mul3A_108 = arith.mulf %slice3A_106, %slice3A_107 : vector<1000x128xf32>
    %add3A_109 = arith.addf %mul3A_105, %mul3A_108 : vector<1000x128xf32>
    %swap3A_110 = arith.constant 4 : index
    %swap3A_111 = arith.constant 0 : index
    %swap3A_112 = arith.constant 0 : index
    %swap3A_113 = vector.load %arg12[%swap3A_110, %swap3A_111, %swap3A_112] : memref<6x1000x128xf32, #tpu.memory_space<vmem>>, vector<1x1000x128xf32>
    %swap3A_114 = vector.shape_cast %swap3A_113 : vector<1x1000x128xf32> to vector<1000x128xf32>
    %swap3A_115 = vector.shape_cast %add3A_109 : vector<1000x128xf32> to vector<1x1000x128xf32>
    tpu.vector_store %arg12[%swap3A_110, %swap3A_111, %swap3A_112], %swap3A_115 {strides = array<i32>} : memref<6x1000x128xf32, #tpu.memory_space<vmem>>, vector<1x1000x128xf32>,
    %slice3A_116 = vector.extract_strided_slice %mul3A_45 {offsets = [0, 128], sizes = [1000, 128], strides = [1, 1]} : vector<1000x256xf32> to vector<1000x128xf32>
    %mul3A_117 = vector.broadcast %slice3A_12 : vector<1000x1xf32> to vector<1000x128xf32>
    %mul3A_118 = arith.mulf %slice3A_116, %mul3A_117 : vector<1000x128xf32>
    %slice3A_119 = vector.extract_strided_slice %mul3A_48 {offsets = [0, 128], sizes = [1000, 128], strides = [1, 1]} : vector<1000x256xf32> to vector<1000x128xf32>
    %slice3A_120 = vector.extract_strided_slice %get3A_51 {offsets = [0, 640], sizes = [1000, 128], strides = [1, 1]} : vector<1000x768xf32> to vector<1000x128xf32>
    %mul3A_121 = arith.mulf %slice3A_119, %slice3A_120 : vector<1000x128xf32>
    %add3A_122 = arith.addf %mul3A_118, %mul3A_121 : vector<1000x128xf32>
    %swap3A_123 = arith.constant 5 : index
    %swap3A_124 = arith.constant 0 : index
    %swap3A_125 = arith.constant 0 : index
    %swap3A_126 = vector.load %arg12[%swap3A_123, %swap3A_124, %swap3A_125] : memref<6x1000x128xf32, #tpu.memory_space<vmem>>, vector<1x1000x128xf32>
    %swap3A_127 = vector.shape_cast %swap3A_126 : vector<1x1000x128xf32> to vector<1000x128xf32>
    %swap3A_128 = vector.shape_cast %add3A_122 : vector<1000x128xf32> to vector<1x1000x128xf32>
    tpu.vector_store %arg12[%swap3A_123, %swap3A_124, %swap3A_125], %swap3A_128 {strides = array<i32>} : memref<6x1000x128xf32, #tpu.memory_space<vmem>>, vector<1x1000x128xf32>,
    return
  }
  func.func @transform_0(%arg0: i32) -> (i32, i32) {
    %c0_i32 = arith.constant 0 : i32
    %c0_i32_0 = arith.constant 0 : i32
    return %arg0, %c0_i32 : i32, i32
  }
  func.func @transform_1(%arg0: i32) -> (i32, i32) {
    %c0_i32 = arith.constant 0 : i32
    %c0_i32_0 = arith.constant 0 : i32
    return %arg0, %c0_i32 : i32, i32
  }
  func.func @transform_2(%arg0: i32) -> (i32, i32) {
    %c0_i32 = arith.constant 0 : i32
    %c0_i32_0 = arith.constant 0 : i32
    return %arg0, %c0_i32 : i32, i32
  }
  func.func @transform_3(%arg0: i32) -> (i32, i32) {
    %c0_i32 = arith.constant 0 : i32
    %c0_i32_0 = arith.constant 0 : i32
    return %arg0, %c0_i32 : i32, i32
  }
  func.func @transform_4(%arg0: i32) -> (i32, i32) {
    %c0_i32 = arith.constant 0 : i32
    %c0_i32_0 = arith.constant 0 : i32
    return %arg0, %c0_i32 : i32, i32
  }
  func.func @transform_5(%arg0: i32) -> (i32, i32) {
    %c0_i32 = arith.constant 0 : i32
    %c0_i32_0 = arith.constant 0 : i32
    %c0_i32_1 = arith.constant 0 : i32
    return %c0_i32, %c0_i32_0 : i32, i32
  }
  func.func @transform_6(%arg0: i32) -> (i32, i32) {
    %c0_i32 = arith.constant 0 : i32
    %c0_i32_0 = arith.constant 0 : i32
    %c0_i32_1 = arith.constant 0 : i32
    return %c0_i32, %c0_i32_0 : i32, i32
  }
  func.func @transform_7(%arg0: i32) -> (i32, i32) {
    %c0_i32 = arith.constant 0 : i32
    %c0_i32_0 = arith.constant 0 : i32
    %c0_i32_1 = arith.constant 0 : i32
    return %c0_i32, %c0_i32_0 : i32, i32
  }
  func.func @transform_8(%arg0: i32) -> (i32, i32) {
    %c0_i32 = arith.constant 0 : i32
    %c0_i32_0 = arith.constant 0 : i32
    %c0_i32_1 = arith.constant 0 : i32
    return %c0_i32, %c0_i32_0 : i32, i32
  }
  func.func @transform_9(%arg0: i32) -> (i32, i32) {
    %c0_i32 = arith.constant 0 : i32
    %c0_i32_0 = arith.constant 0 : i32
    %c0_i32_1 = arith.constant 0 : i32
    return %c0_i32, %c0_i32_0 : i32, i32
  }
  func.func @transform_10(%arg0: i32) -> (i32, i32) {
    %c0_i32 = arith.constant 0 : i32
    %c0_i32_0 = arith.constant 0 : i32
    %c0_i32_1 = arith.constant 0 : i32
    return %c0_i32, %c0_i32_0 : i32, i32
  }
  func.func @transform_11(%arg0: i32) -> (i32, i32, i32) {
    %c0_i32 = arith.constant 0 : i32
    %c0_i32_0 = arith.constant 0 : i32
    %c0_i32_1 = arith.constant 0 : i32
    return %c0_i32, %arg0, %c0_i32_0 : i32, i32, i32
  }
}

module attributes {stable_mosaic.version = 14 : i64} {
  func.func @_node_body(%arg0: i32, %arg1: memref<1000x256xf32, #tpu.memory_space<vmem>>, %arg2: memref<1000x128xf32, #tpu.memory_space<vmem>>, %arg3: memref<1000x768xf32, #tpu.memory_space<vmem>>, %arg4: memref<6x1000x128xf32, #tpu.memory_space<vmem>>, %arg5: memref<256x256xf32, #tpu.memory_space<vmem>>, %arg6: memref<1x256xf32, #tpu.memory_space<vmem>>, %arg7: memref<256x256xf32, #tpu.memory_space<vmem>>, %arg8: memref<1x256xf32, #tpu.memory_space<vmem>>, %arg9: memref<1000x256xf32, #tpu.memory_space<vmem>>, %arg10: memref<1000x256xf32, #tpu.memory_space<vmem>>, %arg11: memref<1000x768xf32, #tpu.memory_space<vmem>>) attributes {dimension_semantics = [#tpu.dimension_semantics<arbitrary>], iteration_bounds = array<i64: 10>, scalar_prefetch = 0 : i64, scratch_operands = 0 : i64, tpu.core_type = #tpu.core_type<tc>, window_params = [{transform_indices = @transform_0, window_bounds = array<i64: 1000, 256>}, {transform_indices = @transform_1, window_bounds = array<i64: 1000, 128>}, {transform_indices = @transform_2, window_bounds = array<i64: 1000, 768>}, {transform_indices = @transform_3, window_bounds = array<i64: 6, 1000, 128>}, {pipeline_mode = #tpu.pipeline_mode<synchronous>, transform_indices = @transform_4, window_bounds = array<i64: 256, 256>}, {pipeline_mode = #tpu.pipeline_mode<synchronous>, transform_indices = @transform_5, window_bounds = array<i64: 1, 256>}, {pipeline_mode = #tpu.pipeline_mode<synchronous>, transform_indices = @transform_6, window_bounds = array<i64: 256, 256>}, {pipeline_mode = #tpu.pipeline_mode<synchronous>, transform_indices = @transform_7, window_bounds = array<i64: 1, 256>}, {transform_indices = @transform_8, window_bounds = array<i64: 1000, 256>}, {transform_indices = @transform_9, window_bounds = array<i64: 1000, 256>}, {transform_indices = @transform_10, window_bounds = array<i64: 1000, 768>}]} {
    %get3A = arith.constant 0 : index
    %get3A_0 = arith.constant 0 : index
    %get3A_1 = vector.load %arg2[%get3A, %get3A_0] : memref<1000x128xf32, #tpu.memory_space<vmem>>, vector<1000x128xf32>
    %slice3A = vector.extract_strided_slice %get3A_1 {offsets = [0, 0], sizes = [1000, 1], strides = [1, 1]} : vector<1000x128xf32> to vector<1000x1xf32>
    %integer_pow3A = arith.mulf %slice3A, %slice3A : vector<1000x1xf32>
    %slice3A_2 = vector.extract_strided_slice %get3A_1 {offsets = [0, 1], sizes = [1000, 1], strides = [1, 1]} : vector<1000x128xf32> to vector<1000x1xf32>
    %integer_pow3A_3 = arith.mulf %slice3A_2, %slice3A_2 : vector<1000x1xf32>
    %add3A = arith.addf %integer_pow3A, %integer_pow3A_3 : vector<1000x1xf32>
    %slice3A_4 = vector.extract_strided_slice %get3A_1 {offsets = [0, 2], sizes = [1000, 1], strides = [1, 1]} : vector<1000x128xf32> to vector<1000x1xf32>
    %integer_pow3A_5 = arith.mulf %slice3A_4, %slice3A_4 : vector<1000x1xf32>
    %add3A_6 = arith.addf %add3A, %integer_pow3A_5 : vector<1000x1xf32>
    %broadcast_in_dim3A = vector.shape_cast %add3A_6 : vector<1000x1xf32> to vector<1000x1xf32>
    %broadcast_in_dim3A_7 = vector.broadcast %broadcast_in_dim3A : vector<1000x1xf32> to vector<1000x256xf32>
    %swap3A = arith.constant 0 : index
    %swap3A_8 = arith.constant 0 : index
    %swap3A_9 = vector.load %arg10[%swap3A, %swap3A_8] : memref<1000x256xf32, #tpu.memory_space<vmem>>, vector<1000x256xf32>
    tpu.vector_store %arg10[%swap3A, %swap3A_8], %broadcast_in_dim3A_7 {strides = array<i32>} : memref<1000x256xf32, #tpu.memory_space<vmem>>, vector<1000x256xf32>,
    %get3A_10 = arith.constant 0 : index
    %get3A_11 = arith.constant 0 : index
    %get3A_12 = vector.load %arg7[%get3A_10, %get3A_11] : memref<256x256xf32, #tpu.memory_space<vmem>>, vector<256x256xf32>
    %convert_element_type3A = arith.truncf %get3A_12 : vector<256x256xf32> to vector<256x256xbf16>
    %convert_element_type3A_13 = arith.extf %convert_element_type3A : vector<256x256xbf16> to vector<256x256xf32>
    %reduce_sum3A = arith.constant dense<0.000000e+00> : vector<256xf32>
    %reduce_sum3A_14 = vector.multi_reduction <add>, %convert_element_type3A_13, %reduce_sum3A [0] : vector<256x256xf32> to vector<256xf32>
    %broadcast_in_dim3A_15 = vector.shape_cast %reduce_sum3A_14 : vector<256xf32> to vector<1x256xf32>
    %convert_element_type3A_16 = arith.truncf %add3A_6 : vector<1000x1xf32> to vector<1000x1xbf16>
    %convert_element_type3A_17 = arith.extf %convert_element_type3A_16 : vector<1000x1xbf16> to vector<1000x1xf32>
    %mul3A = vector.broadcast %convert_element_type3A_17 : vector<1000x1xf32> to vector<1000x256xf32>
    %mul3A_18 = vector.broadcast %broadcast_in_dim3A_15 : vector<1x256xf32> to vector<1000x256xf32>
    %mul3A_19 = arith.mulf %mul3A, %mul3A_18 : vector<1000x256xf32>
    %get3A_20 = arith.constant 0 : index
    %get3A_21 = arith.constant 0 : index
    %get3A_22 = vector.load %arg8[%get3A_20, %get3A_21] : memref<1x256xf32, #tpu.memory_space<vmem>>, vector<1x256xf32>
    %add3A_23 = vector.broadcast %get3A_22 : vector<1x256xf32> to vector<1000x256xf32>
    %add3A_24 = arith.addf %mul3A_19, %add3A_23 : vector<1000x256xf32>
    %logistic3A = arith.negf %add3A_24 : vector<1000x256xf32>
    %logistic3A_25 = math.exp %logistic3A : vector<1000x256xf32>
    %logistic3A_26 = arith.constant 1.000000e+00 : f32
    %logistic3A_27 = vector.broadcast %logistic3A_26 : f32 to vector<1000x256xf32>
    %logistic3A_28 = arith.addf %logistic3A_27, %logistic3A_25 : vector<1000x256xf32>
    %logistic3A_29 = arith.divf %logistic3A_27, %logistic3A_28 : vector<1000x256xf32>
    %get3A_30 = arith.constant 0 : index
    %get3A_31 = arith.constant 0 : index
    %get3A_32 = vector.load %arg1[%get3A_30, %get3A_31] : memref<1000x256xf32, #tpu.memory_space<vmem>>, vector<1000x256xf32>
    %get3A_33 = arith.constant 0 : index
    %get3A_34 = arith.constant 0 : index
    %get3A_35 = vector.load %arg5[%get3A_33, %get3A_34] : memref<256x256xf32, #tpu.memory_space<vmem>>, vector<256x256xf32>
    %dot_general3A = arith.constant dense<0.000000e+00> : vector<1000x256xf32>
    %dot_general3A_36 = tpu.matmul %get3A_32, %get3A_35, %dot_general3A {dimension_numbers = #tpu.dot_dimension_numbers<[1], [0], [0], [1], [0, 0, 1, 1], [], []>, transpose_lhs_hint = false} : vector<1000x256xf32>, vector<256x256xf32>, vector<1000x256xf32> -> vector<1000x256xf32>
    %get3A_37 = arith.constant 0 : index
    %get3A_38 = arith.constant 0 : index
    %get3A_39 = vector.load %arg6[%get3A_37, %get3A_38] : memref<1x256xf32, #tpu.memory_space<vmem>>, vector<1x256xf32>
    %add3A_40 = vector.broadcast %get3A_39 : vector<1x256xf32> to vector<1000x256xf32>
    %add3A_41 = arith.addf %dot_general3A_36, %add3A_40 : vector<1000x256xf32>
    %mul3A_42 = arith.mulf %add3A_41, %logistic3A_29 : vector<1000x256xf32>
    %add3A_43 = arith.addf %get3A_32, %mul3A_42 : vector<1000x256xf32>
    %swap3A_44 = arith.constant 0 : index
    %swap3A_45 = arith.constant 0 : index
    %swap3A_46 = vector.load %arg9[%swap3A_44, %swap3A_45] : memref<1000x256xf32, #tpu.memory_space<vmem>>, vector<1000x256xf32>
    tpu.vector_store %arg9[%swap3A_44, %swap3A_45], %add3A_43 {strides = array<i32>} : memref<1000x256xf32, #tpu.memory_space<vmem>>, vector<1000x256xf32>,
    %get3A_47 = arith.constant 0 : index
    %get3A_48 = arith.constant 0 : index
    %get3A_49 = vector.load %arg3[%get3A_47, %get3A_48] : memref<1000x768xf32, #tpu.memory_space<vmem>>, vector<1000x768xf32>
    %slice3A_50 = vector.extract_strided_slice %get3A_49 {offsets = [0, 0], sizes = [1000, 128], strides = [1, 1]} : vector<1000x768xf32> to vector<1000x128xf32>
    %get3A_51 = arith.constant 0 : index
    %get3A_52 = arith.constant 0 : index
    %get3A_53 = arith.constant 0 : index
    %get3A_54 = vector.load %arg4[%get3A_51, %get3A_52, %get3A_53] : memref<6x1000x128xf32, #tpu.memory_space<vmem>>, vector<1x1000x128xf32>
    %get3A_55 = vector.shape_cast %get3A_54 : vector<1x1000x128xf32> to vector<1000x128xf32>
    %add3A_56 = arith.addf %slice3A_50, %get3A_55 : vector<1000x128xf32>
    %swap3A_57 = arith.constant 0 : index
    %swap3A_58 = arith.constant 0 : index
    %swap3A_59 = vector.load %arg11[%swap3A_57, %swap3A_58] : memref<1000x768xf32, #tpu.memory_space<vmem>>, vector<1000x128xf32>
    tpu.vector_store %arg11[%swap3A_57, %swap3A_58], %add3A_56 {strides = array<i32>} : memref<1000x768xf32, #tpu.memory_space<vmem>>, vector<1000x128xf32>,
    %slice3A_60 = vector.extract_strided_slice %get3A_49 {offsets = [0, 128], sizes = [1000, 128], strides = [1, 1]} : vector<1000x768xf32> to vector<1000x128xf32>
    %get3A_61 = arith.constant 1 : index
    %get3A_62 = arith.constant 0 : index
    %get3A_63 = arith.constant 0 : index
    %get3A_64 = vector.load %arg4[%get3A_61, %get3A_62, %get3A_63] : memref<6x1000x128xf32, #tpu.memory_space<vmem>>, vector<1x1000x128xf32>
    %get3A_65 = vector.shape_cast %get3A_64 : vector<1x1000x128xf32> to vector<1000x128xf32>
    %add3A_66 = arith.addf %slice3A_60, %get3A_65 : vector<1000x128xf32>
    %swap3A_67 = arith.constant 0 : index
    %swap3A_68 = arith.constant 128 : index
    %swap3A_69 = vector.load %arg11[%swap3A_67, %swap3A_68] : memref<1000x768xf32, #tpu.memory_space<vmem>>, vector<1000x128xf32>
    tpu.vector_store %arg11[%swap3A_67, %swap3A_68], %add3A_66 {strides = array<i32>} : memref<1000x768xf32, #tpu.memory_space<vmem>>, vector<1000x128xf32>,
    %slice3A_70 = vector.extract_strided_slice %get3A_49 {offsets = [0, 256], sizes = [1000, 128], strides = [1, 1]} : vector<1000x768xf32> to vector<1000x128xf32>
    %get3A_71 = arith.constant 2 : index
    %get3A_72 = arith.constant 0 : index
    %get3A_73 = arith.constant 0 : index
    %get3A_74 = vector.load %arg4[%get3A_71, %get3A_72, %get3A_73] : memref<6x1000x128xf32, #tpu.memory_space<vmem>>, vector<1x1000x128xf32>
    %get3A_75 = vector.shape_cast %get3A_74 : vector<1x1000x128xf32> to vector<1000x128xf32>
    %add3A_76 = arith.addf %slice3A_70, %get3A_75 : vector<1000x128xf32>
    %swap3A_77 = arith.constant 0 : index
    %swap3A_78 = arith.constant 256 : index
    %swap3A_79 = vector.load %arg11[%swap3A_77, %swap3A_78] : memref<1000x768xf32, #tpu.memory_space<vmem>>, vector<1000x128xf32>
    tpu.vector_store %arg11[%swap3A_77, %swap3A_78], %add3A_76 {strides = array<i32>} : memref<1000x768xf32, #tpu.memory_space<vmem>>, vector<1000x128xf32>,
    %slice3A_80 = vector.extract_strided_slice %get3A_49 {offsets = [0, 384], sizes = [1000, 128], strides = [1, 1]} : vector<1000x768xf32> to vector<1000x128xf32>
    %get3A_81 = arith.constant 3 : index
    %get3A_82 = arith.constant 0 : index
    %get3A_83 = arith.constant 0 : index
    %get3A_84 = vector.load %arg4[%get3A_81, %get3A_82, %get3A_83] : memref<6x1000x128xf32, #tpu.memory_space<vmem>>, vector<1x1000x128xf32>
    %get3A_85 = vector.shape_cast %get3A_84 : vector<1x1000x128xf32> to vector<1000x128xf32>
    %add3A_86 = arith.addf %slice3A_80, %get3A_85 : vector<1000x128xf32>
    %swap3A_87 = arith.constant 0 : index
    %swap3A_88 = arith.constant 384 : index
    %swap3A_89 = vector.load %arg11[%swap3A_87, %swap3A_88] : memref<1000x768xf32, #tpu.memory_space<vmem>>, vector<1000x128xf32>
    tpu.vector_store %arg11[%swap3A_87, %swap3A_88], %add3A_86 {strides = array<i32>} : memref<1000x768xf32, #tpu.memory_space<vmem>>, vector<1000x128xf32>,
    %slice3A_90 = vector.extract_strided_slice %get3A_49 {offsets = [0, 512], sizes = [1000, 128], strides = [1, 1]} : vector<1000x768xf32> to vector<1000x128xf32>
    %get3A_91 = arith.constant 4 : index
    %get3A_92 = arith.constant 0 : index
    %get3A_93 = arith.constant 0 : index
    %get3A_94 = vector.load %arg4[%get3A_91, %get3A_92, %get3A_93] : memref<6x1000x128xf32, #tpu.memory_space<vmem>>, vector<1x1000x128xf32>
    %get3A_95 = vector.shape_cast %get3A_94 : vector<1x1000x128xf32> to vector<1000x128xf32>
    %add3A_96 = arith.addf %slice3A_90, %get3A_95 : vector<1000x128xf32>
    %swap3A_97 = arith.constant 0 : index
    %swap3A_98 = arith.constant 512 : index
    %swap3A_99 = vector.load %arg11[%swap3A_97, %swap3A_98] : memref<1000x768xf32, #tpu.memory_space<vmem>>, vector<1000x128xf32>
    tpu.vector_store %arg11[%swap3A_97, %swap3A_98], %add3A_96 {strides = array<i32>} : memref<1000x768xf32, #tpu.memory_space<vmem>>, vector<1000x128xf32>,
    %slice3A_100 = vector.extract_strided_slice %get3A_49 {offsets = [0, 640], sizes = [1000, 128], strides = [1, 1]} : vector<1000x768xf32> to vector<1000x128xf32>
    %get3A_101 = arith.constant 5 : index
    %get3A_102 = arith.constant 0 : index
    %get3A_103 = arith.constant 0 : index
    %get3A_104 = vector.load %arg4[%get3A_101, %get3A_102, %get3A_103] : memref<6x1000x128xf32, #tpu.memory_space<vmem>>, vector<1x1000x128xf32>
    %get3A_105 = vector.shape_cast %get3A_104 : vector<1x1000x128xf32> to vector<1000x128xf32>
    %add3A_106 = arith.addf %slice3A_100, %get3A_105 : vector<1000x128xf32>
    %swap3A_107 = arith.constant 0 : index
    %swap3A_108 = arith.constant 640 : index
    %swap3A_109 = vector.load %arg11[%swap3A_107, %swap3A_108] : memref<1000x768xf32, #tpu.memory_space<vmem>>, vector<1000x128xf32>
    tpu.vector_store %arg11[%swap3A_107, %swap3A_108], %add3A_106 {strides = array<i32>} : memref<1000x768xf32, #tpu.memory_space<vmem>>, vector<1000x128xf32>,
    return
  }
  func.func @transform_0(%arg0: i32) -> (i32, i32) {
    %c0_i32 = arith.constant 0 : i32
    %c0_i32_0 = arith.constant 0 : i32
    return %arg0, %c0_i32 : i32, i32
  }
  func.func @transform_1(%arg0: i32) -> (i32, i32) {
    %c0_i32 = arith.constant 0 : i32
    %c0_i32_0 = arith.constant 0 : i32
    return %arg0, %c0_i32 : i32, i32
  }
  func.func @transform_2(%arg0: i32) -> (i32, i32) {
    %c0_i32 = arith.constant 0 : i32
    %c0_i32_0 = arith.constant 0 : i32
    return %arg0, %c0_i32 : i32, i32
  }
  func.func @transform_3(%arg0: i32) -> (i32, i32, i32) {
    %c0_i32 = arith.constant 0 : i32
    %c0_i32_0 = arith.constant 0 : i32
    %c0_i32_1 = arith.constant 0 : i32
    return %c0_i32, %arg0, %c0_i32_0 : i32, i32, i32
  }
  func.func @transform_4(%arg0: i32) -> (i32, i32) {
    %c0_i32 = arith.constant 0 : i32
    %c0_i32_0 = arith.constant 0 : i32
    %c0_i32_1 = arith.constant 0 : i32
    return %c0_i32, %c0_i32_0 : i32, i32
  }
  func.func @transform_5(%arg0: i32) -> (i32, i32) {
    %c0_i32 = arith.constant 0 : i32
    %c0_i32_0 = arith.constant 0 : i32
    %c0_i32_1 = arith.constant 0 : i32
    return %c0_i32, %c0_i32_0 : i32, i32
  }
  func.func @transform_6(%arg0: i32) -> (i32, i32) {
    %c0_i32 = arith.constant 0 : i32
    %c0_i32_0 = arith.constant 0 : i32
    %c0_i32_1 = arith.constant 0 : i32
    return %c0_i32, %c0_i32_0 : i32, i32
  }
  func.func @transform_7(%arg0: i32) -> (i32, i32) {
    %c0_i32 = arith.constant 0 : i32
    %c0_i32_0 = arith.constant 0 : i32
    %c0_i32_1 = arith.constant 0 : i32
    return %c0_i32, %c0_i32_0 : i32, i32
  }
  func.func @transform_8(%arg0: i32) -> (i32, i32) {
    %c0_i32 = arith.constant 0 : i32
    %c0_i32_0 = arith.constant 0 : i32
    return %arg0, %c0_i32 : i32, i32
  }
  func.func @transform_9(%arg0: i32) -> (i32, i32) {
    %c0_i32 = arith.constant 0 : i32
    %c0_i32_0 = arith.constant 0 : i32
    return %arg0, %c0_i32 : i32, i32
  }
  func.func @transform_10(%arg0: i32) -> (i32, i32) {
    %c0_i32 = arith.constant 0 : i32
    %c0_i32_0 = arith.constant 0 : i32
    return %arg0, %c0_i32 : i32, i32
  }
}

module attributes {stable_mosaic.version = 14 : i64} {
  func.func @_fup_body(%arg0: i32, %arg1: memref<1000x256xf32, #tpu.memory_space<vmem>>, %arg2: memref<1000x128xf32, #tpu.memory_space<vmem>>, %arg3: memref<1000x128xf32, #tpu.memory_space<vmem>>, %arg4: memref<1000x128xf32, #tpu.memory_space<vmem>>, %arg5: memref<256x256xf32, #tpu.memory_space<vmem>>, %arg6: memref<1x256xf32, #tpu.memory_space<vmem>>, %arg7: memref<256x256xf32, #tpu.memory_space<vmem>>, %arg8: memref<1x256xf32, #tpu.memory_space<vmem>>, %arg9: memref<1000x256xf32, #tpu.memory_space<vmem>>, %arg10: memref<1000x256xf32, #tpu.memory_space<vmem>>) attributes {dimension_semantics = [#tpu.dimension_semantics<arbitrary>], iteration_bounds = array<i64: 160>, scalar_prefetch = 0 : i64, scratch_operands = 0 : i64, tpu.core_type = #tpu.core_type<tc>, window_params = [{transform_indices = @transform_0, window_bounds = array<i64: 1000, 256>}, {transform_indices = @transform_1, window_bounds = array<i64: 1000, 128>}, {transform_indices = @transform_2, window_bounds = array<i64: 1000, 128>}, {transform_indices = @transform_3, window_bounds = array<i64: 1000, 128>}, {pipeline_mode = #tpu.pipeline_mode<synchronous>, transform_indices = @transform_4, window_bounds = array<i64: 256, 256>}, {pipeline_mode = #tpu.pipeline_mode<synchronous>, transform_indices = @transform_5, window_bounds = array<i64: 1, 256>}, {pipeline_mode = #tpu.pipeline_mode<synchronous>, transform_indices = @transform_6, window_bounds = array<i64: 256, 256>}, {pipeline_mode = #tpu.pipeline_mode<synchronous>, transform_indices = @transform_7, window_bounds = array<i64: 1, 256>}, {transform_indices = @transform_8, window_bounds = array<i64: 1000, 256>}, {transform_indices = @transform_9, window_bounds = array<i64: 1000, 256>}]} {
    %get3A = arith.constant 0 : index
    %get3A_0 = arith.constant 0 : index
    %get3A_1 = vector.load %arg2[%get3A, %get3A_0] : memref<1000x128xf32, #tpu.memory_space<vmem>>, vector<1000x128xf32>
    %slice3A = vector.extract_strided_slice %get3A_1 {offsets = [0, 0], sizes = [1000, 1], strides = [1, 1]} : vector<1000x128xf32> to vector<1000x1xf32>
    %slice3A_2 = vector.extract_strided_slice %get3A_1 {offsets = [0, 1], sizes = [1000, 1], strides = [1, 1]} : vector<1000x128xf32> to vector<1000x1xf32>
    %slice3A_3 = vector.extract_strided_slice %get3A_1 {offsets = [0, 2], sizes = [1000, 1], strides = [1, 1]} : vector<1000x128xf32> to vector<1000x1xf32>
    %get3A_4 = arith.constant 0 : index
    %get3A_5 = arith.constant 0 : index
    %get3A_6 = vector.load %arg3[%get3A_4, %get3A_5] : memref<1000x128xf32, #tpu.memory_space<vmem>>, vector<1000x128xf32>
    %get3A_7 = arith.constant 0 : index
    %get3A_8 = arith.constant 0 : index
    %get3A_9 = vector.load %arg4[%get3A_7, %get3A_8] : memref<1000x128xf32, #tpu.memory_space<vmem>>, vector<1000x128xf32>
    %slice3A_10 = vector.extract_strided_slice %get3A_6 {offsets = [0, 0], sizes = [1000, 1], strides = [1, 1]} : vector<1000x128xf32> to vector<1000x1xf32>
    %slice3A_11 = vector.extract_strided_slice %get3A_6 {offsets = [0, 1], sizes = [1000, 1], strides = [1, 1]} : vector<1000x128xf32> to vector<1000x1xf32>
    %slice3A_12 = vector.extract_strided_slice %get3A_6 {offsets = [0, 2], sizes = [1000, 1], strides = [1, 1]} : vector<1000x128xf32> to vector<1000x1xf32>
    %slice3A_13 = vector.extract_strided_slice %get3A_9 {offsets = [0, 0], sizes = [1000, 1], strides = [1, 1]} : vector<1000x128xf32> to vector<1000x1xf32>
    %slice3A_14 = vector.extract_strided_slice %get3A_9 {offsets = [0, 1], sizes = [1000, 1], strides = [1, 1]} : vector<1000x128xf32> to vector<1000x1xf32>
    %slice3A_15 = vector.extract_strided_slice %get3A_9 {offsets = [0, 2], sizes = [1000, 1], strides = [1, 1]} : vector<1000x128xf32> to vector<1000x1xf32>
    %mul3A = arith.mulf %slice3A_10, %slice3A : vector<1000x1xf32>
    %mul3A_16 = arith.mulf %slice3A_11, %slice3A_2 : vector<1000x1xf32>
    %add3A = arith.addf %mul3A, %mul3A_16 : vector<1000x1xf32>
    %mul3A_17 = arith.mulf %slice3A_12, %slice3A_3 : vector<1000x1xf32>
    %add3A_18 = arith.addf %add3A, %mul3A_17 : vector<1000x1xf32>
    %mul3A_19 = arith.mulf %slice3A_13, %slice3A : vector<1000x1xf32>
    %mul3A_20 = arith.mulf %slice3A_14, %slice3A_2 : vector<1000x1xf32>
    %add3A_21 = arith.addf %mul3A_19, %mul3A_20 : vector<1000x1xf32>
    %mul3A_22 = arith.mulf %slice3A_15, %slice3A_3 : vector<1000x1xf32>
    %add3A_23 = arith.addf %add3A_21, %mul3A_22 : vector<1000x1xf32>
    %neg3A = arith.constant 0.000000e+00 : f32
    %neg3A_24 = vector.broadcast %neg3A : f32 to vector<1000x1xf32>
    %neg3A_25 = arith.subf %neg3A_24, %add3A_23 : vector<1000x1xf32>
    %mul3A_26 = arith.mulf %add3A_18, %slice3A : vector<1000x1xf32>
    %sub3A = arith.subf %slice3A_10, %mul3A_26 : vector<1000x1xf32>
    %mul3A_27 = arith.mulf %add3A_18, %slice3A_2 : vector<1000x1xf32>
    %sub3A_28 = arith.subf %slice3A_11, %mul3A_27 : vector<1000x1xf32>
    %mul3A_29 = arith.mulf %add3A_18, %slice3A_3 : vector<1000x1xf32>
    %sub3A_30 = arith.subf %slice3A_12, %mul3A_29 : vector<1000x1xf32>
    %mul3A_31 = arith.mulf %neg3A_25, %slice3A : vector<1000x1xf32>
    %add3A_32 = arith.addf %slice3A_13, %mul3A_31 : vector<1000x1xf32>
    %mul3A_33 = arith.mulf %neg3A_25, %slice3A_2 : vector<1000x1xf32>
    %add3A_34 = arith.addf %slice3A_14, %mul3A_33 : vector<1000x1xf32>
    %mul3A_35 = arith.mulf %neg3A_25, %slice3A_3 : vector<1000x1xf32>
    %add3A_36 = arith.addf %slice3A_15, %mul3A_35 : vector<1000x1xf32>
    %mul3A_37 = arith.mulf %sub3A, %add3A_32 : vector<1000x1xf32>
    %mul3A_38 = arith.mulf %sub3A_28, %add3A_34 : vector<1000x1xf32>
    %add3A_39 = arith.addf %mul3A_37, %mul3A_38 : vector<1000x1xf32>
    %mul3A_40 = arith.mulf %sub3A_30, %add3A_36 : vector<1000x1xf32>
    %add3A_41 = arith.addf %add3A_39, %mul3A_40 : vector<1000x1xf32>
    %broadcast_in_dim3A = vector.shape_cast %add3A_41 : vector<1000x1xf32> to vector<1000x1xf32>
    %broadcast_in_dim3A_42 = vector.broadcast %broadcast_in_dim3A : vector<1000x1xf32> to vector<1000x256xf32>
    %swap3A = arith.constant 0 : index
    %swap3A_43 = arith.constant 0 : index
    %swap3A_44 = vector.load %arg10[%swap3A, %swap3A_43] : memref<1000x256xf32, #tpu.memory_space<vmem>>, vector<1000x256xf32>
    tpu.vector_store %arg10[%swap3A, %swap3A_43], %broadcast_in_dim3A_42 {strides = array<i32>} : memref<1000x256xf32, #tpu.memory_space<vmem>>, vector<1000x256xf32>,
    %get3A_45 = arith.constant 0 : index
    %get3A_46 = arith.constant 0 : index
    %get3A_47 = vector.load %arg7[%get3A_45, %get3A_46] : memref<256x256xf32, #tpu.memory_space<vmem>>, vector<256x256xf32>
    %convert_element_type3A = arith.truncf %get3A_47 : vector<256x256xf32> to vector<256x256xbf16>
    %convert_element_type3A_48 = arith.extf %convert_element_type3A : vector<256x256xbf16> to vector<256x256xf32>
    %reduce_sum3A = arith.constant dense<0.000000e+00> : vector<256xf32>
    %reduce_sum3A_49 = vector.multi_reduction <add>, %convert_element_type3A_48, %reduce_sum3A [0] : vector<256x256xf32> to vector<256xf32>
    %broadcast_in_dim3A_50 = vector.shape_cast %reduce_sum3A_49 : vector<256xf32> to vector<1x256xf32>
    %convert_element_type3A_51 = arith.truncf %add3A_41 : vector<1000x1xf32> to vector<1000x1xbf16>
    %convert_element_type3A_52 = arith.extf %convert_element_type3A_51 : vector<1000x1xbf16> to vector<1000x1xf32>
    %mul3A_53 = vector.broadcast %convert_element_type3A_52 : vector<1000x1xf32> to vector<1000x256xf32>
    %mul3A_54 = vector.broadcast %broadcast_in_dim3A_50 : vector<1x256xf32> to vector<1000x256xf32>
    %mul3A_55 = arith.mulf %mul3A_53, %mul3A_54 : vector<1000x256xf32>
    %get3A_56 = arith.constant 0 : index
    %get3A_57 = arith.constant 0 : index
    %get3A_58 = vector.load %arg8[%get3A_56, %get3A_57] : memref<1x256xf32, #tpu.memory_space<vmem>>, vector<1x256xf32>
    %add3A_59 = vector.broadcast %get3A_58 : vector<1x256xf32> to vector<1000x256xf32>
    %add3A_60 = arith.addf %mul3A_55, %add3A_59 : vector<1000x256xf32>
    %logistic3A = arith.negf %add3A_60 : vector<1000x256xf32>
    %logistic3A_61 = math.exp %logistic3A : vector<1000x256xf32>
    %logistic3A_62 = arith.constant 1.000000e+00 : f32
    %logistic3A_63 = vector.broadcast %logistic3A_62 : f32 to vector<1000x256xf32>
    %logistic3A_64 = arith.addf %logistic3A_63, %logistic3A_61 : vector<1000x256xf32>
    %logistic3A_65 = arith.divf %logistic3A_63, %logistic3A_64 : vector<1000x256xf32>
    %get3A_66 = arith.constant 0 : index
    %get3A_67 = arith.constant 0 : index
    %get3A_68 = vector.load %arg1[%get3A_66, %get3A_67] : memref<1000x256xf32, #tpu.memory_space<vmem>>, vector<1000x256xf32>
    %get3A_69 = arith.constant 0 : index
    %get3A_70 = arith.constant 0 : index
    %get3A_71 = vector.load %arg5[%get3A_69, %get3A_70] : memref<256x256xf32, #tpu.memory_space<vmem>>, vector<256x256xf32>
    %dot_general3A = arith.constant dense<0.000000e+00> : vector<1000x256xf32>
    %dot_general3A_72 = tpu.matmul %get3A_68, %get3A_71, %dot_general3A {dimension_numbers = #tpu.dot_dimension_numbers<[1], [0], [0], [1], [0, 0, 1, 1], [], []>, transpose_lhs_hint = false} : vector<1000x256xf32>, vector<256x256xf32>, vector<1000x256xf32> -> vector<1000x256xf32>
    %get3A_73 = arith.constant 0 : index
    %get3A_74 = arith.constant 0 : index
    %get3A_75 = vector.load %arg6[%get3A_73, %get3A_74] : memref<1x256xf32, #tpu.memory_space<vmem>>, vector<1x256xf32>
    %add3A_76 = vector.broadcast %get3A_75 : vector<1x256xf32> to vector<1000x256xf32>
    %add3A_77 = arith.addf %dot_general3A_72, %add3A_76 : vector<1000x256xf32>
    %mul3A_78 = arith.mulf %add3A_77, %logistic3A_65 : vector<1000x256xf32>
    %add3A_79 = arith.addf %get3A_68, %mul3A_78 : vector<1000x256xf32>
    %swap3A_80 = arith.constant 0 : index
    %swap3A_81 = arith.constant 0 : index
    %swap3A_82 = vector.load %arg9[%swap3A_80, %swap3A_81] : memref<1000x256xf32, #tpu.memory_space<vmem>>, vector<1000x256xf32>
    tpu.vector_store %arg9[%swap3A_80, %swap3A_81], %add3A_79 {strides = array<i32>} : memref<1000x256xf32, #tpu.memory_space<vmem>>, vector<1000x256xf32>,
    return
  }
  func.func @transform_0(%arg0: i32) -> (i32, i32) {
    %c0_i32 = arith.constant 0 : i32
    %c0_i32_0 = arith.constant 0 : i32
    return %arg0, %c0_i32 : i32, i32
  }
  func.func @transform_1(%arg0: i32) -> (i32, i32) {
    %c0_i32 = arith.constant 0 : i32
    %c0_i32_0 = arith.constant 0 : i32
    return %arg0, %c0_i32 : i32, i32
  }
  func.func @transform_2(%arg0: i32) -> (i32, i32) {
    %c0_i32 = arith.constant 0 : i32
    %c0_i32_0 = arith.constant 0 : i32
    return %arg0, %c0_i32 : i32, i32
  }
  func.func @transform_3(%arg0: i32) -> (i32, i32) {
    %c0_i32 = arith.constant 0 : i32
    %c0_i32_0 = arith.constant 0 : i32
    return %arg0, %c0_i32 : i32, i32
  }
  func.func @transform_4(%arg0: i32) -> (i32, i32) {
    %c0_i32 = arith.constant 0 : i32
    %c0_i32_0 = arith.constant 0 : i32
    %c0_i32_1 = arith.constant 0 : i32
    return %c0_i32, %c0_i32_0 : i32, i32
  }
  func.func @transform_5(%arg0: i32) -> (i32, i32) {
    %c0_i32 = arith.constant 0 : i32
    %c0_i32_0 = arith.constant 0 : i32
    %c0_i32_1 = arith.constant 0 : i32
    return %c0_i32, %c0_i32_0 : i32, i32
  }
  func.func @transform_6(%arg0: i32) -> (i32, i32) {
    %c0_i32 = arith.constant 0 : i32
    %c0_i32_0 = arith.constant 0 : i32
    %c0_i32_1 = arith.constant 0 : i32
    return %c0_i32, %c0_i32_0 : i32, i32
  }
  func.func @transform_7(%arg0: i32) -> (i32, i32) {
    %c0_i32 = arith.constant 0 : i32
    %c0_i32_0 = arith.constant 0 : i32
    %c0_i32_1 = arith.constant 0 : i32
    return %c0_i32, %c0_i32_0 : i32, i32
  }
  func.func @transform_8(%arg0: i32) -> (i32, i32) {
    %c0_i32 = arith.constant 0 : i32
    %c0_i32_0 = arith.constant 0 : i32
    return %arg0, %c0_i32 : i32, i32
  }
  func.func @transform_9(%arg0: i32) -> (i32, i32) {
    %c0_i32 = arith.constant 0 : i32
    %c0_i32_0 = arith.constant 0 : i32
    return %arg0, %c0_i32 : i32, i32
  }
}

</mosaic_0001>

<sc_bundles>
// kernel: kernel.11.cloned.1.call-start
scs
__scs_entry_jumppad:
0x0: {  	(pc) =	sbr.rel $0x88, $3  }
0x1: {  	(tag) =	ssettag $0x0;
	lr =	simm.s32 $0x1  }
0x2: {  	[smem:$0x3F8F] =	sst lr;
	_ =	strace $0xD0000000  }
0x3: {  	_ = 	snop  }
0x4: {  	_ = 	snop  }
0x5: {  	_ = 	snop  }
0x6: {  	_ = 	snop  }
0x7: {  	_ = 	snop  }
__scs_overlays_trampoline_lowered:
0x8: {  	[smem:$0x3F9E] =	sst s0  }
0x9: {  	[smem:$0x3F9F] =	sst s1  }
0xa: {  	[smem:$0x3FA0] =	sst s2  }
0xb: {  	[smem:$0x3FA1] =	sst s3  }
0xc: {  	[smem:$0x3FA2] =	sst s4  }
0xd: {  	[smem:$0x3FA3] =	sst s5  }
0xe: {  	[smem:$0x3FA4] =	sst s6  }
0xf: {  	[smem:$0x3FA5] =	sst s7  }
0x10: {  	[smem:$0x3FA6] =	sst s8  }
0x11: {  	[smem:$0x3FA7] =	sst s9;
	s0 =	simm.s32 @!p0 $0x0  }
0x12: {  	s1 =	sld [smem:$0x3F8D];
	s0 =	simm.s32 @p0 $0x1  }
0x13: {  	[smem:$0x3FA8] =	sst s0;
	s0 =	simm.s32 @!p1 $0x0  }
0x14: {  	s2 =	sld [smem:$0x3F8C];
	s0 =	simm.s32 @p1 $0x1  }
0x15: {  	[smem:$0x3FA9] =	sst s0;
	s0 =	simm.s32 @!p2 $0x0  }
0x16: {  	s3 =	sld [smem:$0x3FDB];
	s0 =	simm.s32 @p2 $0x1  }
0x17: {  	s4 =	simm.s32 $0x1BF5;
	[smem:$0x3FAB] =	sst s0  }
0x18: {  	s0 =	sld [smem:$0x3F8E];
	_ =	swait.ge [sflag:s4], $0x0  }
0x19: {  	s7 =	sld [smem:$0x3F8F]  }
0x1a: {  	s8 =	sadd.s32 $0xFFFFE003, lr  }
0x1b: {  	s9 =	sadd.s32 $0xFFFFFEF7, lr;
	s5 =	simm.s32 $0xFFFFFFFF;
	p2 =	slt.u32 s8, $0xFFFFF086  }
0x1c: {  	p1 =	slt.u32 s9, $0xF7A;
	s5 =	simm.s32 @!p2 $0x0  }
0x1d: {  	s5 =	simm.s32 @p1 $0x1;
	p0 =	seq.s32 s7, s2  }
0x1e: {  	s7 =	smul.u32 @!p0 $0xF7A, s2;
	p2 =	seq.s32 @!p0 s5, $0x0  }
0x1f: {  	s9 =	smul.u32 $0xF7A, s1;
	s8 =	simm.s32 @!p0 $0x1BF5;
	p2 =	por !p2, p0  }
0x20: {  	[sflag:s8] =	ssyncset.s32 @!p0 $0xFFFFF086;
	s6 =	sadd.s32 @!p0 s3, s7;
	s7 =	simm.s32 @!p0 $0x108  }
0x21: {  	s3 =	sadd.s32 s3, s9;
	s6 =	sadd.s32 @!p0 $0x88, s6;
	s7 =	simm.s32 @p2 $0x1082  }
0x22: {  	[simem:s7], [sflag:s8] =	dma.local @!p0 [hbm:s6], $0xF7A  }
0x23: {  	s9 =	sor.u32 $0xD0000000, s2;
	s6 =	simm.s32 $0x108;
	_ =	swait.ge @!p0 [sflag:s8], $0x0  }
0x24: {  	s3 =	sadd.s32 $0x88, s3;
	s6 =	simm.s32 @!p1 $0x1082;
	[sflag:s4] =	ssyncset.s32 $0xFFFFF086  }
0x25: {  	[simem:s6], [sflag:s4] =	dma.local [hbm:s3], $0xF7A  }
0x26: {  	[smem:$0x3F8F] =	sst s1;
	(tag) =	ssettag s2;
	_ =	strace s9  }
0x27: {  	s1 =	sld [smem:$0x3F9F]  }
0x28: {  	s2 =	sld [smem:$0x3FA0]  }
0x29: {  	s4 =	sld [smem:$0x3FA2]  }
0x2a: {  	p0 =	seq.s32 s5, $0x0;
	s5 =	sld [smem:$0x3FA3]  }
0x2b: {  	s6 =	sld [smem:$0x3FA4]  }
0x2c: {  	s7 =	sld [smem:$0x3FA5]  }
0x2d: {  	s3 =	simm.s32 $0x108;
	s8 =	sld [smem:$0x3FA6]  }
0x2e: {  	s3 =	simm.s32 @!p0 $0x1082;
	s9 =	sld [smem:$0x3FA7]  }
0x2f: {  	lr =	sadd.s32 s0, s3;
	s0 =	sld [smem:$0x3F9E]  }
0x30: {  	s3 =	sld [smem:$0x3FA1]  }
0x31: {  	[smem:$0x3FAA] =	sst s10  }
0x32: {  	s10 =	sld [smem:$0x3FA8];
	_ =	sdelay $0x3  }
0x33: {  	p0 =	seq.s32 s10, $0x1;
	s10 =	sld [smem:$0x3FAA];
	_ =	sdelay $0x3  }
0x34: {  	[smem:$0x3FAA] =	sst s10  }
0x35: {  	s10 =	sld [smem:$0x3FA9];
	_ =	sdelay $0x3  }
0x36: {  	p1 =	seq.s32 s10, $0x1;
	s10 =	sld [smem:$0x3FAA];
	_ =	sdelay $0x3  }
0x37: {  	[smem:$0x3FAA] =	sst s10  }
0x38: {  	s10 =	sld [smem:$0x3FAB]  }
0x39: {  	_ = 	snop;
	(pc) =	sbr.ind lr, $3  }
0x3a: {  	_ = 	snop  }
0x3b: {  	_ = 	snop  }
0x3c: {  	p2 =	seq.s32 s10, $0x1;
	s10 =	sld [smem:$0x3FAA]  }
0x3d: {  	_ =	shalt  }
0x3e: {  	_ =	shalt  }
0x3f: {  	_ =	shalt  }
0x40: {  	_ =	shalt  }
0x41: {  	_ =	shalt  }
0x42: {  	_ =	shalt  }
0x43: {  	_ =	shalt  }
0x44: {  	_ =	shalt  }
0x45: {  	_ =	shalt  }
0x46: {  	_ =	shalt  }
0x47: {  	_ =	shalt  }
0x48: {  	_ =	shalt  }
0x49: {  	_ =	shalt  }
0x4a: {  	_ =	shalt  }
0x4b: {  	_ =	shalt  }
0x4c: {  	_ =	shalt  }
0x4d: {  	_ =	shalt  }
0x4e: {  	_ =	shalt  }
0x4f: {  	_ =	shalt  }
0x50: {  	_ =	shalt  }
0x51: {  	_ =	shalt  }
0x52: {  	_ =	shalt  }
0x53: {  	_ =	shalt  }
0x54: {  	_ =	shalt  }
0x55: {  	_ =	shalt  }
0x56: {  	_ =	shalt  }
0x57: {  	_ =	shalt  }
0x58: {  	_ =	shalt  }
0x59: {  	_ =	shalt  }
0x5a: {  	_ =	shalt  }
0x5b: {  	_ =	shalt  }
0x5c: {  	_ =	shalt  }
0x5d: {  	_ =	shalt  }
0x5e: {  	_ =	shalt  }
0x5f: {  	_ =	shalt  }
0x60: {  	_ =	shalt  }
0x61: {  	_ =	shalt  }
0x62: {  	_ =	shalt  }
0x63: {  	_ =	shalt  }
0x64: {  	_ =	shalt  }
0x65: {  	_ =	shalt  }
0x66: {  	_ =	shalt  }
0x67: {  	_ =	shalt  }
0x68: {  	_ =	shalt  }
0x69: {  	_ =	shalt  }
0x6a: {  	_ =	shalt  }
0x6b: {  	_ =	shalt  }
0x6c: {  	_ =	shalt  }
0x6d: {  	_ =	shalt  }
0x6e: {  	_ =	shalt  }
0x6f: {  	_ =	shalt  }
0x70: {  	_ =	shalt  }
0x71: {  	_ =	shalt  }
0x72: {  	_ =	shalt  }
0x73: {  	_ =	shalt  }
0x74: {  	_ =	shalt  }
0x75: {  	_ =	shalt  }
0x76: {  	_ =	shalt  }
0x77: {  	_ =	shalt  }
0x78: {  	_ =	shalt  }
0x79: {  	_ =	shalt  }
0x7a: {  	_ =	shalt  }
0x7b: {  	_ =	shalt  }
0x7c: {  	_ =	shalt  }
0x7d: {  	_ =	shalt  }
0x7e: {  	_ =	shalt  }
0x7f: {  	_ =	shalt  }
0x80: {  	_ =	shalt  }
0x81: {  	_ =	shalt  }
0x82: {  	_ =	shalt  }
0x83: {  	_ =	shalt  }
0x84: {  	_ =	shalt  }
0x85: {  	_ =	shalt  }
0x86: {  	_ =	shalt  }
0x87: {  	_ =	shalt  }
.Lfunc_end0:
.L_simem_size_0:
called_computation_lowered:
.L_overlay_start_0:
0x88: {  	s2 =	sld [smem:$0x3FD9]  }
0x89: {  	s3 =	sld [smem:$0x3FFE];
	_ =	sdelay $0x1  }
0x8a: {  	s1 =	srdreg.scid  }
0x8b: {  	s0 =	sand.u32 $0x1, s1  }
0x8c: {  	s14 =	sshll.u32 s0, $0xA;
	s2 =	sadd.s32 s3, s2  }
0x8d: {  	s2 =	sadd.s32 s2, s14  }
0x8e: {  	[smem:$0x3FB6] =	sst s2  }
0x8f: {  	_ = 	snop  }
0x90: {  	s2 =	sld [smem:$0x3FD0];
	_ =	sdelay $0x2  }
0x91: {  	s15 =	simm.s32 $0xB;
	s4 =	simm.s32 $0x10  }
0x92: {  	[smem:s4], [sflag:s15] =	dma.local [hbm:s2], $0x1  }
0x93: {  	_ =	swait.eq [sflag:s15], $0x1  }
0x94: {  	[sflag:s15] =	ssyncset.done $0x0  }
0x95: {  	[sflag:s15] =	ssyncadd.s32 $0xFFFFFFFF  }
0x96: {  	s16 =	sld [smem:$0x13];
	(tm) =	ssettm $0x1  }
0x97: {  	s17 =	sld [smem:$0x3FFB];
	_ =	sdelay $0x3  }
0x98: {  	_ =	strace s17  }
0x99: {  	s3 =	sld [smem:$0x3FFC];
	_ =	sdelay $0x3  }
0x9a: {  	_ =	strace s3  }
0x9b: {  	s3 =	sld [smem:$0x3FFD];
	_ =	sdelay $0x3  }
0x9c: {  	_ =	strace s3  }
0x9d: {  	_ =	strace $0x8FFFFFFF  }
0x9e: {  	s18 =	sld [smem:$0x3FDB];
	_ =	sdelay $0x1  }
0x9f: {  	s19 =	simm.s32 $_scs_section_size  }
0xa0: {  	s5 =	simm.s32 $_size__tile_overlayer_lowered;
	s6 =	simm.s32 $_tile_overlayer_lowered  }
0xa1: {  	s22 =	simm.s32 $0x1BFF;
	s21 =	sshll.u32 s6, $0x1;
	s3 =	sadd.s32 s19, s18  }
0xa2: {  	s7 =	simm.s32 $0x0;
	s20 =	sshll.u32 s5, $0x1;
	s5 =	sadd.s32 s21, s3  }
0xa3: {  	[timem:s7], [sflag:s22] =	dma.local [hbm:s5], s20  }
0xa4: {  	_ =	swait.ge [sflag:s22], s20  }
0xa5: {  	s4 =	ssub.s32 $0x0, s20;
	[sflag:s22] =	ssyncset.done $0x0  }
0xa6: {  	[sflag:s22] =	ssyncadd.s32 s4;
	_ =	sdelay $0x1  }
0xa7: {  	s23 =	simm.s32 $0x1B8B  }
0xa8: {  	_ =	swait.ge [sflag:s23], $0x1  }
0xa9: {  	[sflag:s23] =	ssyncset.done $0x0  }
0xaa: {  	s25 =	simm.s32 $0x1B8E;
	s24 =	sld [smem:$0x3FFE];
	[sflag:s23] =	ssyncadd.s32 $0xFFFFFFFF  }
0xab: {  	s26 =	simm.s32 $execute0_lowered;
	[smem:$0x3FD2] =	sst s25  }
0xac: {  	s5 =	sshll.u32 s26, $0x1;
	_ =	strace $0x80000046;
	[dreg:$0x1] =	wrdreg $0xFFFFFFFF  }
0xad: {  	s28 =	simm.s32 $_size_execute0_lowered;
	s3 =	sadd.s32 s3, s5;
	[dreg:$0x0] =	wrdreg $0x0  }
0xae: {  	s5 =	sshll.u32 s28, $0x1;
	[dreg:$0x2] =	wrdreg s3  }
0xaf: {  	[dreg:$0x3] =	wrdreg s5  }
0xb0: {  	[dreg:$0x4] =	wrdreg $0xC0  }
0xb1: {  	_ =	task [dreg:s7], $0x5FFFF  }
0xb2: {  	[dreg:$0x1] =	wrdreg $0xFFFFFFFF  }
0xb3: {  	[dreg:$0x0] =	wrdreg $0x60  }
0xb4: {  	[dreg:$0x2] =	wrdreg s16  }
0xb5: {  	[dreg:$0x3] =	wrdreg s24  }
0xb6: {  	[dreg:$0x4] =	wrdreg $0xA  }
0xb7: {  	_ =	task.clear_ibuf [dreg:s7], $0x5FFFF;
	_ =	strace $0x90000046  }
0xb8: {  	s29 =	simm.s32 $0xA;
	_ =	strace $0x80000048  }
0xb9: {  	_ =	swait.ge [sflag:s29], $0x1  }
0xba: {  	[sflag:s29] =	ssyncadd.s32 $0xFFFFFFFF  }
0xbb: {  	_ =	strace $0x90000048  }
0xbc: {  	_ =	sfence  }
0xbd: {  	s30 =	sld [smem:$0x0];
	_ =	sdelay $0x2  }
0xbe: {  	s31 =	sshll.u32 s1, $0xD;
	s1 =	sshrl.u32 s1, $0x2  }
0xbf: {  	s3 =	sand.u32 $0x4000, s31;
	s1 =	sadd.s32 s1, s30  }
0xc0: {  	s0 =	sor.u32 s3, s0;
	s1 =	sshll.u32 s1, $0x11  }
0xc1: {  	s0 =	sor.u32 s1, s0  }
0xc2: {  	s0 =	sadd.s32 $0x8F2B, s0  }
0xc3: {  	[sflag:s0] =	ssyncadd.remote.s32 $0x1  }
0xc4: {  	_ =	sfence.sel $0xFFFF  }
0xc5: {  	[dreg:$0x0] =	wrdreg $0xFFFFFFFF;
	(pc) =	sbr.abs _section_cstart, $3  }
0xc6: {  	[dreg:$0x1] =	wrdreg $0xFFFFFFFF  }
0xc7: {  	_ =	task.clear_ibuf [dreg:s7], $0x2FFFF;
	_ =	strace $0x9FFFFFFF  }
0xc8: {  	(tm) =	ssettm $0x7FFFFFFF  }
0xc9: {  	_ =	shalt  }
tec
execute0_lowered:
.L_overlay_start_1:
0x0: {  	(tag) =	ssettag $0x1  }
0x1: {  	s2 =	rddreg [dreg:$0x0]  }
0x2: {  	s4 =	rddreg [dreg:$0x1]  }
0x3: {  	s0 =	rddreg [dreg:$0x2];
	s5 =	srdreg.scid  }
0x4: {  	s1 =	stileid.u32;
	s3 =	simm.s32 $0x0;
	s10 =	simm.s32 $0xC8  }
0x5: {  	s11 =	simm.s32 $0x100;
	s12 =	simm.s32 $0x1;
	s6 =	smul.u32 $0x2710, s1  }
0x6: {  	s13 =	simm.s32 $0x0;
	s5 =	sand.u32 $0x1, s5;
	s8 =	smul.u32 $0x27100, s1  }
0x7: {  	[smem:$0x7FF] =	sst s3;
	s7 =	smul.u32 $0x1388, s5;
	s9 =	ssub.s32 $0x2, s5  }
0x8: {  	_ =	strace $0x80000047;
	s5 =	smul.u32 $0x13880, s5;
	s29 =	sshrl.u32 s9, $0x1  }
0x9: {  	s8 =	sadd.s32 s8, s4;
	s6 =	sadd.s32 s7, s6;
	s7 =	ssub.s32 s9, s29  }
0xa: {  	s31 =	sadd.s32 s5, s8;
	s9 =	simm.s32 $0x2;
	s6 =	sshrl.u32 s6, $0x3  }
0xb: {  	s5 =	sadd.s32 $0xE000, s31;
	s30 =	sadd.s32 s6, s4;
	s4 =	smax.u32 s7, $0x1  }
0xc: {  	s6 =	sadd.s32 $0x27F000, s31;
	s7 =	sadd.s32 $0x4000, s30;
	s8 =	sadd.s32 $0x9000, s30  }
.LBB2_1:
0xd: {  	s14 =	sadd.s32 $0x0, s8  }
0xe: {  	[tilespmem:s3], [sflag:$0x2] =	stream.linear.gather [hbm4b:s14+s3], $0xC8, $0x38;
	[tilespmem:$0x6500] =	vst v63  }
0xf: {  	_ =	swait.ge [sflag:s9], $0xC8  }
0x10: {  	[sflag:s9] =	ssyncset.done $0x0  }
0x11: {  	[sflag:s9] =	ssyncadd.s32 $0xFFFFFF38  }
0x12: {  	[tilespmem:s11], [sflag:$0x1] =	stream.indirect.gather [hbm4b:s2+s10], $0x80, s3, s10, $0xb8;
	[tilespmem:$0x6500] =	vst v63  }
0x13: {  	_ =	swait.ge [sflag:s12], $0x6400  }
0x14: {  	[sflag:s12] =	ssyncset.done $0x0  }
0x15: {  	[sflag:s12] =	ssyncadd.s32 $0xFFFF9C00  }
0x16: {  	[hbm4b:s5+s3] =	stream.linear.scatter [tilespmem:s11], [sflag:$0x2], $0x6400, $0x38;
	[tilespmem:$0x6500] =	vst v63  }
0x17: {  	_ =	swait.ge [sflag:s9], $0x6400  }
0x18: {  	[sflag:s9] =	ssyncset.done $0x0  }
0x19: {  	s31 =	sadd.s32 $0x0, s7;
	[sflag:s9] =	ssyncadd.s32 $0xFFFF9C00  }
0x1a: {  	[tilespmem:s3], [sflag:$0x2] =	stream.linear.gather [hbm4b:s31+s3], $0xC8, $0x38;
	[tilespmem:$0x6500] =	vst v63  }
0x1b: {  	_ =	swait.ge [sflag:s9], $0xC8  }
0x1c: {  	[sflag:s9] =	ssyncset.done $0x0  }
0x1d: {  	[sflag:s9] =	ssyncadd.s32 $0xFFFFFF38  }
0x1e: {  	[tilespmem:s11], [sflag:$0x1] =	stream.indirect.gather [hbm4b:s2+s10], $0x80, s3, s10, $0xb8;
	[tilespmem:$0x6500] =	vst v63  }
0x1f: {  	_ =	swait.ge [sflag:s12], $0x6400  }
0x20: {  	[sflag:s12] =	ssyncset.done $0x0  }
0x21: {  	[sflag:s12] =	ssyncadd.s32 $0xFFFF9C00  }
0x22: {  	[hbm4b:s6+s3] =	stream.linear.scatter [tilespmem:s11], [sflag:$0x2], $0x6400, $0x38;
	[tilespmem:$0x6500] =	vst v63  }
0x23: {  	s15 =	simm.s32 $0x19;
	s17 =	simm.s32 $0x32;
	_ =	swait.ge [sflag:s9], $0x6400  }
0x24: {  	s16 =	sadd.s32 $0xC80, s5;
	s14 =	sadd.s32 $0xC80, s6;
	[sflag:s9] =	ssyncset.done $0x0  }
.LBB2_2:
0x25: {  	s18 =	sadd.s32 s15, s8  }
0x26: {  	[sflag:s9] =	ssyncadd.s32 $0xFFFF9C00;
	s19 =	smov.u32 s17;
	s20 =	sadd.s32 $0x19, s17  }
0x27: {  	[tilespmem:s3], [sflag:$0x2] =	stream.linear.gather [hbm4b:s18+s3], $0xC8, $0x38;
	[tilespmem:$0x6500] =	vst v63  }
0x28: {  	p0 =	sne.s32 s17, $0x258;
	_ =	swait.ge [sflag:s9], $0xC8  }
0x29: {  	[sflag:s9] =	ssyncset.done $0x0  }
0x2a: {  	[sflag:s9] =	ssyncadd.s32 $0xFFFFFF38  }
0x2b: {  	[tilespmem:s11], [sflag:$0x1] =	stream.indirect.gather [hbm4b:s2+s10], $0x80, s3, s10, $0xb8;
	[tilespmem:$0x6500] =	vst v63  }
0x2c: {  	_ =	swait.ge [sflag:s12], $0x6400  }
0x2d: {  	[sflag:s12] =	ssyncset.done $0x0  }
0x2e: {  	[sflag:s12] =	ssyncadd.s32 $0xFFFF9C00  }
0x2f: {  	[hbm4b:s16+s3] =	stream.linear.scatter [tilespmem:s11], [sflag:$0x2], $0x6400, $0x38;
	[tilespmem:$0x6500] =	vst v63  }
0x30: {  	_ =	swait.ge [sflag:s9], $0x6400  }
0x31: {  	[sflag:s9] =	ssyncset.done $0x0  }
0x32: {  	s17 =	sadd.s32 s15, s7;
	s15 =	smov.u32 s19;
	[sflag:s9] =	ssyncadd.s32 $0xFFFF9C00  }
0x33: {  	[tilespmem:s3], [sflag:$0x2] =	stream.linear.gather [hbm4b:s17+s3], $0xC8, $0x38;
	[tilespmem:$0x6500] =	vst v63  }
0x34: {  	_ =	swait.ge [sflag:s9], $0xC8  }
0x35: {  	[sflag:s9] =	ssyncset.done $0x0  }
0x36: {  	[sflag:s9] =	ssyncadd.s32 $0xFFFFFF38  }
0x37: {  	[tilespmem:s11], [sflag:$0x1] =	stream.indirect.gather [hbm4b:s2+s10], $0x80, s3, s10, $0xb8;
	[tilespmem:$0x6500] =	vst v63  }
0x38: {  	_ =	swait.ge [sflag:s12], $0x6400  }
.Ltmp0:
0x39: {  	[sflag:s12] =	ssyncset.done $0x0;
	(pc) =	sbr.rel @p0 .LBB2_2-.Ltmp0, $4  }
0x3a: {  	[sflag:s12] =	ssyncadd.s32 $0xFFFF9C00  }
0x3b: {  	[hbm4b:s14+s3] =	stream.linear.scatter [tilespmem:s11], [sflag:$0x2], $0x6400, $0x38;
	[tilespmem:$0x6500] =	vst v63  }
0x3c: {  	s16 =	sadd.s32 $0xC80, s16;
	_ =	swait.ge [sflag:s9], $0x6400  }
0x3d: {  	s17 =	smov.u32 s20;
	s14 =	sadd.s32 $0xC80, s14;
	[sflag:s9] =	ssyncset.done $0x0  }
0x3e: {  	s17 =	sadd.s32 s15, s8;
	[sflag:s9] =	ssyncadd.s32 $0xFFFF9C00  }
0x3f: {  	[tilespmem:s3], [sflag:$0x2] =	stream.linear.gather [hbm4b:s17+s3], $0xC8, $0x38;
	[tilespmem:$0x6500] =	vst v63  }
0x40: {  	_ =	swait.ge [sflag:s9], $0xC8  }
0x41: {  	[sflag:s9] =	ssyncset.done $0x0  }
0x42: {  	[sflag:s9] =	ssyncadd.s32 $0xFFFFFF38  }
0x43: {  	[tilespmem:s11], [sflag:$0x1] =	stream.indirect.gather [hbm4b:s2+s10], $0x80, s3, s10, $0xb8;
	[tilespmem:$0x6500] =	vst v63  }
0x44: {  	_ =	swait.ge [sflag:s12], $0x6400  }
0x45: {  	[sflag:s12] =	ssyncset.done $0x0  }
0x46: {  	[sflag:s12] =	ssyncadd.s32 $0xFFFF9C00  }
0x47: {  	[hbm4b:s16+s3] =	stream.linear.scatter [tilespmem:s11], [sflag:$0x2], $0x6400, $0x38;
	[tilespmem:$0x6500] =	vst v63  }
0x48: {  	_ =	swait.ge [sflag:s9], $0x6400  }
0x49: {  	[sflag:s9] =	ssyncset.done $0x0  }
0x4a: {  	s31 =	sadd.s32 s15, s7;
	[sflag:s9] =	ssyncadd.s32 $0xFFFF9C00  }
0x4b: {  	[tilespmem:s3], [sflag:$0x2] =	stream.linear.gather [hbm4b:s31+s3], $0xC8, $0x38;
	[tilespmem:$0x6500] =	vst v63  }
0x4c: {  	_ =	swait.ge [sflag:s9], $0xC8  }
0x4d: {  	[sflag:s9] =	ssyncset.done $0x0  }
0x4e: {  	[sflag:s9] =	ssyncadd.s32 $0xFFFFFF38  }
0x4f: {  	[tilespmem:s11], [sflag:$0x1] =	stream.indirect.gather [hbm4b:s2+s10], $0x80, s3, s10, $0xb8;
	[tilespmem:$0x6500] =	vst v63  }
0x50: {  	s13 =	sadd.s32 $0x1, s13;
	_ =	swait.ge [sflag:s12], $0x6400  }
0x51: {  	p0 =	sne.s32 s13, s4;
	[sflag:s12] =	ssyncset.done $0x0  }
.Ltmp1:
0x52: {  	[sflag:s12] =	ssyncadd.s32 $0xFFFF9C00;
	(pc) =	sbr.rel @p0 .LBB2_1-.Ltmp1, $4  }
0x53: {  	[hbm4b:s14+s3] =	stream.linear.scatter [tilespmem:s11], [sflag:$0x2], $0x6400, $0x38;
	[tilespmem:$0x6500] =	vst v63  }
0x54: {  	_ =	swait.ge [sflag:s9], $0x6400  }
0x55: {  	[sflag:s9] =	ssyncset.done $0x0  }
0x56: {  	[sflag:s9] =	ssyncadd.s32 $0xFFFF9C00  }
0x57: {  	_ =	sfence.sel $0x180000  }
0x58: {  	[bflag:$0x0] =	sbarrier.arrive $0xFFFF  }
0x59: {  	p0 =	sne.s32 s1, $0x0;
	_ =	strace $0x90000047  }
0x5a: {  	s0 =	sadd.s32 @!p0 $0x100000, s0;
	[bflag:$0x2] =	sbarrier.arrive $0xFFFF  }
0x5b: {  	[sflag:s0] =	ssyncadd.tile.s32 @!p0 $0x1;
	_ =	shalt  }
.Lfunc_end2:
_tile_overlayer_lowered:
.L_overlay_start_2:
0x5c: {  	(tag) =	ssettag $0x2  }
0x5d: {  	s0 =	rddreg [dreg:$0x0];
	s2 =	stileid.u32  }
0x5e: {  	s1 =	rddreg [dreg:$0x1];
	p0 =	sne.s32 s2, $0x0  }
0x5f: {  	s3 =	rddreg [dreg:$0x2];
	[bflag:$0x3] =	sbarrier.arrive $0xFFFF;
	s2 =	simm.s32 @!p0 $0x1C02  }
0x60: {  	[timem:s3], [sflag:s2] =	dma.local @!p0 [hbm:s0], s1  }
0x61: {  	s0 =	simm.s32 @!p0 $0x2  }
0x62: {  	_ =	swait.ge @!p0 [sflag:s0], s1  }
0x63: {  	s1 =	ssub.s32 @!p0 $0x0, s1;
	[sflag:s0] =	ssyncset.done @!p0 $0x0  }
0x64: {  	[sflag:s0] =	ssyncadd.s32 @!p0 s1  }
0x65: {  	[bflag:$0x3] =	sbarrier.arrive $0xFFFF  }
0x66: {  	_ =	shalt  }

// kernel: kernel.14.cloned.1.call-start
scs
__scs_entry_jumppad:
0x0: {  	(pc) =	sbr.rel $0x88, $3  }
0x1: {  	(tag) =	ssettag $0x0;
	lr =	simm.s32 $0x1  }
0x2: {  	[smem:$0x3F8F] =	sst lr;
	_ =	strace $0xD0000000  }
0x3: {  	_ = 	snop  }
0x4: {  	_ = 	snop  }
0x5: {  	_ = 	snop  }
0x6: {  	_ = 	snop  }
0x7: {  	_ = 	snop  }
__scs_overlays_trampoline_lowered:
0x8: {  	[smem:$0x3F9E] =	sst s0  }
0x9: {  	[smem:$0x3F9F] =	sst s1  }
0xa: {  	[smem:$0x3FA0] =	sst s2  }
0xb: {  	[smem:$0x3FA1] =	sst s3  }
0xc: {  	[smem:$0x3FA2] =	sst s4  }
0xd: {  	[smem:$0x3FA3] =	sst s5  }
0xe: {  	[smem:$0x3FA4] =	sst s6  }
0xf: {  	[smem:$0x3FA5] =	sst s7  }
0x10: {  	[smem:$0x3FA6] =	sst s8  }
0x11: {  	[smem:$0x3FA7] =	sst s9;
	s0 =	simm.s32 @!p0 $0x0  }
0x12: {  	s1 =	sld [smem:$0x3F8D];
	s0 =	simm.s32 @p0 $0x1  }
0x13: {  	[smem:$0x3FA8] =	sst s0;
	s0 =	simm.s32 @!p1 $0x0  }
0x14: {  	s2 =	sld [smem:$0x3F8C];
	s0 =	simm.s32 @p1 $0x1  }
0x15: {  	[smem:$0x3FA9] =	sst s0;
	s0 =	simm.s32 @!p2 $0x0  }
0x16: {  	s3 =	sld [smem:$0x3FDB];
	s0 =	simm.s32 @p2 $0x1  }
0x17: {  	s4 =	simm.s32 $0x1BF5;
	[smem:$0x3FAB] =	sst s0  }
0x18: {  	s0 =	sld [smem:$0x3F8E];
	_ =	swait.ge [sflag:s4], $0x0  }
0x19: {  	s7 =	sld [smem:$0x3F8F]  }
0x1a: {  	s8 =	sadd.s32 $0xFFFFE003, lr  }
0x1b: {  	s9 =	sadd.s32 $0xFFFFFEF7, lr;
	s5 =	simm.s32 $0xFFFFFFFF;
	p2 =	slt.u32 s8, $0xFFFFF086  }
0x1c: {  	p1 =	slt.u32 s9, $0xF7A;
	s5 =	simm.s32 @!p2 $0x0  }
0x1d: {  	s5 =	simm.s32 @p1 $0x1;
	p0 =	seq.s32 s7, s2  }
0x1e: {  	s7 =	smul.u32 @!p0 $0xF7A, s2;
	p2 =	seq.s32 @!p0 s5, $0x0  }
0x1f: {  	s9 =	smul.u32 $0xF7A, s1;
	s8 =	simm.s32 @!p0 $0x1BF5;
	p2 =	por !p2, p0  }
0x20: {  	[sflag:s8] =	ssyncset.s32 @!p0 $0xFFFFF086;
	s6 =	sadd.s32 @!p0 s3, s7;
	s7 =	simm.s32 @!p0 $0x108  }
0x21: {  	s3 =	sadd.s32 s3, s9;
	s6 =	sadd.s32 @!p0 $0x88, s6;
	s7 =	simm.s32 @p2 $0x1082  }
0x22: {  	[simem:s7], [sflag:s8] =	dma.local @!p0 [hbm:s6], $0xF7A  }
0x23: {  	s9 =	sor.u32 $0xD0000000, s2;
	s6 =	simm.s32 $0x108;
	_ =	swait.ge @!p0 [sflag:s8], $0x0  }
0x24: {  	s3 =	sadd.s32 $0x88, s3;
	s6 =	simm.s32 @!p1 $0x1082;
	[sflag:s4] =	ssyncset.s32 $0xFFFFF086  }
0x25: {  	[simem:s6], [sflag:s4] =	dma.local [hbm:s3], $0xF7A  }
0x26: {  	[smem:$0x3F8F] =	sst s1;
	(tag) =	ssettag s2;
	_ =	strace s9  }
0x27: {  	s1 =	sld [smem:$0x3F9F]  }
0x28: {  	s2 =	sld [smem:$0x3FA0]  }
0x29: {  	s4 =	sld [smem:$0x3FA2]  }
0x2a: {  	p0 =	seq.s32 s5, $0x0;
	s5 =	sld [smem:$0x3FA3]  }
0x2b: {  	s6 =	sld [smem:$0x3FA4]  }
0x2c: {  	s7 =	sld [smem:$0x3FA5]  }
0x2d: {  	s3 =	simm.s32 $0x108;
	s8 =	sld [smem:$0x3FA6]  }
0x2e: {  	s3 =	simm.s32 @!p0 $0x1082;
	s9 =	sld [smem:$0x3FA7]  }
0x2f: {  	lr =	sadd.s32 s0, s3;
	s0 =	sld [smem:$0x3F9E]  }
0x30: {  	s3 =	sld [smem:$0x3FA1]  }
0x31: {  	[smem:$0x3FAA] =	sst s10  }
0x32: {  	s10 =	sld [smem:$0x3FA8];
	_ =	sdelay $0x3  }
0x33: {  	p0 =	seq.s32 s10, $0x1;
	s10 =	sld [smem:$0x3FAA];
	_ =	sdelay $0x3  }
0x34: {  	[smem:$0x3FAA] =	sst s10  }
0x35: {  	s10 =	sld [smem:$0x3FA9];
	_ =	sdelay $0x3  }
0x36: {  	p1 =	seq.s32 s10, $0x1;
	s10 =	sld [smem:$0x3FAA];
	_ =	sdelay $0x3  }
0x37: {  	[smem:$0x3FAA] =	sst s10  }
0x38: {  	s10 =	sld [smem:$0x3FAB]  }
0x39: {  	_ = 	snop;
	(pc) =	sbr.ind lr, $3  }
0x3a: {  	_ = 	snop  }
0x3b: {  	_ = 	snop  }
0x3c: {  	p2 =	seq.s32 s10, $0x1;
	s10 =	sld [smem:$0x3FAA]  }
0x3d: {  	_ =	shalt  }
0x3e: {  	_ =	shalt  }
0x3f: {  	_ =	shalt  }
0x40: {  	_ =	shalt  }
0x41: {  	_ =	shalt  }
0x42: {  	_ =	shalt  }
0x43: {  	_ =	shalt  }
0x44: {  	_ =	shalt  }
0x45: {  	_ =	shalt  }
0x46: {  	_ =	shalt  }
0x47: {  	_ =	shalt  }
0x48: {  	_ =	shalt  }
0x49: {  	_ =	shalt  }
0x4a: {  	_ =	shalt  }
0x4b: {  	_ =	shalt  }
0x4c: {  	_ =	shalt  }
0x4d: {  	_ =	shalt  }
0x4e: {  	_ =	shalt  }
0x4f: {  	_ =	shalt  }
0x50: {  	_ =	shalt  }
0x51: {  	_ =	shalt  }
0x52: {  	_ =	shalt  }
0x53: {  	_ =	shalt  }
0x54: {  	_ =	shalt  }
0x55: {  	_ =	shalt  }
0x56: {  	_ =	shalt  }
0x57: {  	_ =	shalt  }
0x58: {  	_ =	shalt  }
0x59: {  	_ =	shalt  }
0x5a: {  	_ =	shalt  }
0x5b: {  	_ =	shalt  }
0x5c: {  	_ =	shalt  }
0x5d: {  	_ =	shalt  }
0x5e: {  	_ =	shalt  }
0x5f: {  	_ =	shalt  }
0x60: {  	_ =	shalt  }
0x61: {  	_ =	shalt  }
0x62: {  	_ =	shalt  }
0x63: {  	_ =	shalt  }
0x64: {  	_ =	shalt  }
0x65: {  	_ =	shalt  }
0x66: {  	_ =	shalt  }
0x67: {  	_ =	shalt  }
0x68: {  	_ =	shalt  }
0x69: {  	_ =	shalt  }
0x6a: {  	_ =	shalt  }
0x6b: {  	_ =	shalt  }
0x6c: {  	_ =	shalt  }
0x6d: {  	_ =	shalt  }
0x6e: {  	_ =	shalt  }
0x6f: {  	_ =	shalt  }
0x70: {  	_ =	shalt  }
0x71: {  	_ =	shalt  }
0x72: {  	_ =	shalt  }
0x73: {  	_ =	shalt  }
0x74: {  	_ =	shalt  }
0x75: {  	_ =	shalt  }
0x76: {  	_ =	shalt  }
0x77: {  	_ =	shalt  }
0x78: {  	_ =	shalt  }
0x79: {  	_ =	shalt  }
0x7a: {  	_ =	shalt  }
0x7b: {  	_ =	shalt  }
0x7c: {  	_ =	shalt  }
0x7d: {  	_ =	shalt  }
0x7e: {  	_ =	shalt  }
0x7f: {  	_ =	shalt  }
0x80: {  	_ =	shalt  }
0x81: {  	_ =	shalt  }
0x82: {  	_ =	shalt  }
0x83: {  	_ =	shalt  }
0x84: {  	_ =	shalt  }
0x85: {  	_ =	shalt  }
0x86: {  	_ =	shalt  }
0x87: {  	_ =	shalt  }
.Lfunc_end0:
.L_simem_size_0:
called_computation.1_lowered:
.L_overlay_start_0:
0x88: {  	s2 =	sld [smem:$0x3FD9]  }
0x89: {  	s3 =	sld [smem:$0x3FFE];
	_ =	sdelay $0x1  }
0x8a: {  	s1 =	srdreg.scid  }
0x8b: {  	s0 =	sand.u32 $0x1, s1  }
0x8c: {  	s15 =	sshll.u32 s0, $0xA;
	s2 =	sadd.s32 s3, s2  }
0x8d: {  	s2 =	sadd.s32 s2, s15  }
0x8e: {  	[smem:$0x3FB6] =	sst s2  }
0x8f: {  	_ = 	snop  }
0x90: {  	s16 =	sld [smem:$0x3FD0];
	_ =	sdelay $0x2  }
0x91: {  	s6 =	simm.s32 $0xB;
	s4 =	simm.s32 $0x10;
	s2 =	sld [smem:$0x3FC9]  }
0x92: {  	[smem:s4], [sflag:s6] =	dma.local [hbm:s16], $0x1  }
0x93: {  	_ =	swait.eq [sflag:s6], $0x1  }
0x94: {  	s5 =	sld [smem:$0x11];
	[sflag:s6] =	ssyncset.done $0x0  }
0x95: {  	s17 =	sld [smem:$0x12];
	[sflag:s6] =	ssyncadd.s32 $0xFFFFFFFF  }
0x96: {  	s18 =	sld [smem:$0x14];
	(tm) =	ssettm $0x1  }
0x97: {  	s19 =	sld [smem:$0x3FFB];
	_ =	sdelay $0x3  }
0x98: {  	_ =	strace s19  }
0x99: {  	s3 =	sld [smem:$0x3FFC];
	_ =	sdelay $0x3  }
0x9a: {  	_ =	strace s3  }
0x9b: {  	s3 =	sld [smem:$0x3FFD];
	_ =	sdelay $0x3  }
0x9c: {  	_ =	strace s3  }
0x9d: {  	_ =	strace $0x8FFFFFFF  }
0x9e: {  	s20 =	sld [smem:$0x3FDB];
	_ =	sdelay $0x1  }
0x9f: {  	s7 =	simm.s32 $_scs_section_size  }
0xa0: {  	s8 =	simm.s32 $_size__tile_overlayer_lowered;
	s9 =	simm.s32 $_tile_overlayer_lowered  }
0xa1: {  	s10 =	simm.s32 $0x1BFF;
	s21 =	sshll.u32 s9, $0x1;
	s7 =	sadd.s32 s7, s20  }
0xa2: {  	s22 =	simm.s32 $0x0;
	s8 =	sshll.u32 s8, $0x1;
	s9 =	sadd.s32 s21, s7  }
0xa3: {  	[timem:s22], [sflag:s10] =	dma.local [hbm:s9], s8  }
0xa4: {  	_ =	swait.ge [sflag:s10], s8  }
0xa5: {  	s8 =	ssub.s32 $0x0, s8;
	[sflag:s10] =	ssyncset.done $0x0  }
0xa6: {  	[sflag:s10] =	ssyncadd.s32 s8;
	_ =	sdelay $0x1  }
0xa7: {  	s23 =	simm.s32 $0x1B8B  }
0xa8: {  	_ =	swait.ge [sflag:s23], $0x1  }
0xa9: {  	[sflag:s23] =	ssyncset.done $0x0  }
0xaa: {  	[sflag:s23] =	ssyncadd.s32 $0xFFFFFFFF  }
0xab: {  	s8 =	sld [smem:$0x0]  }
0xac: {  	s9 =	sand.u32 $0xFFFFFFFE, s1  }
0xad: {  	p0 =	sne.s32 s1, s9  }
0xae: {  	s9 =	sshll.u32 @p0 s9, $0xE  }
0xaf: {  	s9 =	sadd.s32 @p0 $0x11B8D, s9;
	s10 =	sshll.u32 @p0 s8, $0x11  }
0xb0: {  	s9 =	sor.u32 @p0 s10, s9  }
0xb1: {  	[sflag:s9] =	ssyncadd.remote.s32 @p0 $0x1;
	_ =	sdelay $0x1  }
0xb2: {  	s9 =	simm.s32 @p0 $0x1B8D  }
0xb3: {  	_ =	swait.eq @p0 [sflag:s9], $0x1  }
0xb4: {  	[sflag:s9] =	ssyncadd.s32 @p0 $0xFFFFFFFF  }
0xb5: {  	s10 =	sshll.u32 @!p0 s1, $0xE  }
0xb6: {  	s10 =	sor.u32 @!p0 $0x4000, s10;
	s9 =	simm.s32 @!p0 $0x1B8D  }
0xb7: {  	s8 =	sshll.u32 @!p0 s8, $0x11;
	s10 =	sadd.s32 @!p0 $0x11B8D, s10;
	_ =	swait.eq @!p0 [sflag:s9], $0x1  }
0xb8: {  	s8 =	sor.u32 @!p0 s8, s10;
	[sflag:s9] =	ssyncadd.s32 @!p0 $0xFFFFFFFF  }
0xb9: {  	s25 =	simm.s32 $0x1B8E;
	s24 =	sld [smem:$0x3FFE];
	[sflag:s8] =	ssyncadd.remote.s32 @!p0 $0x1  }
0xba: {  	s26 =	simm.s32 $execute0_lowered;
	[smem:$0x3FD2] =	sst s25  }
0xbb: {  	s9 =	sshll.u32 s26, $0x1;
	_ =	strace $0x80000049;
	[dreg:$0x1] =	wrdreg $0xFFFFFFFF  }
0xbc: {  	s28 =	simm.s32 $_size_execute0_lowered;
	s7 =	sadd.s32 s7, s9;
	[dreg:$0x0] =	wrdreg $0x0  }
0xbd: {  	s9 =	sshll.u32 s28, $0x1;
	[dreg:$0x2] =	wrdreg s7  }
0xbe: {  	[dreg:$0x3] =	wrdreg s9  }
0xbf: {  	[dreg:$0x4] =	wrdreg $0xC0  }
0xc0: {  	_ =	task [dreg:s22], $0x5FFFF  }
0xc1: {  	[dreg:$0x1] =	wrdreg $0xFFFFFFFF  }
0xc2: {  	[dreg:$0x0] =	wrdreg $0x60  }
0xc3: {  	[dreg:$0x2] =	wrdreg s2  }
0xc4: {  	[dreg:$0x3] =	wrdreg s5  }
0xc5: {  	[dreg:$0x4] =	wrdreg s24  }
0xc6: {  	[dreg:$0x5] =	wrdreg s18  }
0xc7: {  	[dreg:$0x6] =	wrdreg s17  }
0xc8: {  	[dreg:$0x7] =	wrdreg $0x9  }
0xc9: {  	_ =	task.clear_ibuf [dreg:s22], $0x8FFFF;
	_ =	strace $0x90000049  }
0xca: {  	s29 =	simm.s32 $0x9;
	_ =	strace $0x8000004B  }
0xcb: {  	_ =	swait.ge [sflag:s29], $0x1  }
0xcc: {  	[sflag:s29] =	ssyncadd.s32 $0xFFFFFFFF  }
0xcd: {  	_ =	strace $0x9000004B  }
0xce: {  	_ =	sfence  }
0xcf: {  	s30 =	sld [smem:$0x0];
	_ =	sdelay $0x2  }
0xd0: {  	s31 =	sshll.u32 s1, $0xD;
	s1 =	sshrl.u32 s1, $0x2  }
0xd1: {  	s4 =	sand.u32 $0x4000, s31;
	s1 =	sadd.s32 s1, s30  }
0xd2: {  	s0 =	sor.u32 s4, s0;
	s1 =	sshll.u32 s1, $0x11  }
0xd3: {  	s0 =	sor.u32 s1, s0  }
0xd4: {  	s0 =	sadd.s32 $0x8F2B, s0  }
0xd5: {  	[sflag:s0] =	ssyncadd.remote.s32 $0x1  }
0xd6: {  	_ =	sfence.sel $0xFFFF  }
0xd7: {  	[dreg:$0x0] =	wrdreg $0xFFFFFFFF;
	(pc) =	sbr.abs _section_cstart, $3  }
0xd8: {  	[dreg:$0x1] =	wrdreg $0xFFFFFFFF  }
0xd9: {  	_ =	task.clear_ibuf [dreg:s22], $0x2FFFF;
	_ =	strace $0x9FFFFFFF  }
0xda: {  	(tm) =	ssettm $0x7FFFFFFF  }
0xdb: {  	_ =	shalt  }
tec
execute0_lowered:
.L_overlay_start_1:
0x0: {  	(tag) =	ssettag $0x1  }
0x1: {  	s1 =	rddreg [dreg:$0x0]  }
0x2: {  	s2 =	rddreg [dreg:$0x1]  }
0x3: {  	s0 =	rddreg [dreg:$0x2]  }
0x4: {  	s3 =	rddreg [dreg:$0x3]  }
0x5: {  	s5 =	rddreg [dreg:$0x4];
	s13 =	stileid.u32  }
0x6: {  	s4 =	simm.s32 $0x0;
	s7 =	srdreg.scid;
	s14 =	simm.s32 $0x5  }
0x7: {  	s16 =	simm.s32 $0x100;
	s28 =	simm.s32 $0x5100;
	s15 =	simm.s32 $0x14100  }
0x8: {  	s17 =	simm.s32 $0x14900;
	s18 =	simm.s32 $0x15100;
	s19 =	simm.s32 $0x15900  }
0x9: {  	s20 =	simm.s32 $0x16100;
	s21 =	simm.s32 $0x16900;
	s6 =	smul.u32 $0x14, s13  }
0xa: {  	s22 =	simm.s32 $0x17100;
	[smem:$0x7FF] =	sst s4;
	s8 =	smul.u32 $0x3C00, s13  }
0xb: {  	s9 =	sand.u32 $0x1, s7;
	s25 =	sshll.u32 s13, $0x1;
	s26 =	smul.u32 $0x1400, s13  }
0xc: {  	s13 =	simm.s32 $0xA100;
	_ =	strace $0x8000004A;
	s11 =	smul.u32 $0x1E00, s9  }
0xd: {  	s7 =	ssub.s32 $0x2, s9;
	[dreg:$0x6] =	wrdreg s25;
	s12 =	smul.u32 $0xA, s9  }
0xe: {  	s9 =	smul.u32 $0xA00, s9;
	s25 =	simm.s32 $0x18900;
	s10 =	sadd.s32 s6, s0  }
0xf: {  	s0 =	sadd.s32 s8, s0;
	s23 =	sshrl.u32 s7, $0x1;
	s6 =	sadd.s32 $0x100, s2  }
0x10: {  	s3 =	sadd.s32 s26, s3;
	s5 =	sadd.s32 s26, s5;
	s26 =	simm.s32 $0x1  }
0x11: {  	s24 =	ssub.s32 s7, s23;
	s7 =	sadd.s32 $0x200, s2;
	s0 =	sadd.s32 s11, s0  }
0x12: {  	s29 =	sadd.s32 s12, s10;
	s30 =	sadd.s32 s9, s3;
	s31 =	sadd.s32 s9, s5  }
.Ltmp0:
0x13: {  	s9 =	simm.s32 $0x13100;
	s12 =	simm.s32 $0x13900;
	(pc) =	sbr.rel .LBB2_1-.Ltmp0, $4  }
0x14: {  	s23 =	simm.s32 $0x17900;
	s5 =	simm.s32 $0x0;
	[dreg:$0x9] =	wrdreg s30  }
0x15: {  	v2 =	vlaneseq.u32;
	s8 =	smax.u32 s24, $0x1;
	s0 =	sadd.s32 $0x4F0000, s0;
	[dreg:$0xa] =	wrdreg s31  }
0x16: {  	vm0 =	vmmov $0xffff;
	v1 =	vshrl.u32 v2, $0x3;
	s10 =	sadd.s32 $0x4000, s29;
	s11 =	sadd.s32 $0x9000, s29;
	[dreg:$0x7] =	wrdreg s8  }
0x17: {  	v0 =	vand.u32 $0x7, v2;
	v2 =	vor.u32 $0x8, v2;
	v1 =	vmul.u32 $0x8, v1;
	s24 =	simm.s32 $0x18100;
	[dreg:$0x8] =	wrdreg s0;
	s8 =	simm.s32 $0x80  }
.LBB2_5:
0x18: {  	s0 =	simm.s32 $0x2  }
0x19: {  	_ =	swait.ge [sflag:s0], $0x5000  }
0x1a: {  	[sflag:s0] =	ssyncset.done $0x0  }
0x1b: {  	s30 =	simm.s32 $0x3;
	[sflag:s0] =	ssyncadd.s32 $0xFFFFB000  }
0x1c: {  	_ =	swait.ge [sflag:s30], $0x5000  }
0x1d: {  	[sflag:s30] =	ssyncset.done $0x0  }
0x1e: {  	s3 =	simm.s32 $0x4;
	[sflag:s30] =	ssyncadd.s32 $0xFFFFB000  }
0x1f: {  	_ =	swait.ge [sflag:s3], $0xF000  }
0x20: {  	s5 =	rddreg [dreg:$0xb]  }
0x21: {  	s31 =	rddreg [dreg:$0x7];
	s5 =	sadd.s32 $0x1, s5  }
0x22: {  	p0 =	sne.s32 s5, s31  }
.Ltmp1:
0x23: {  	_ = 	snop;
	(pc) =	sbr.rel @!p0 .LBB2_6-.Ltmp1, $3  }
0x24: {  	_ =	sdelay $0x1  }
0x25: {  	[sflag:s3] =	ssyncset.done $0x0  }
0x26: {  	[sflag:s3] =	ssyncadd.s32 $0xFFFF1000  }
.LBB2_1:
.Ltmp2:
0x27: {  	[dreg:$0xb] =	wrdreg s5;
	(pc) =	sbr.rel .LBB2_2-.Ltmp2, $4  }
0x28: {  	s29 =	rddreg [dreg:$0xa]  }
0x29: {  	s30 =	rddreg [dreg:$0x9]  }
0x2a: {  	s31 =	rddreg [dreg:$0x8]  }
0x2b: {  	s0 =	rddreg [dreg:$0x6];
	s3 =	simm.s32 $0x0  }
.LBB2_4:
0x2c: {  	s3 =	sadd.s32 $0x140, s3  }
0x2d: {  	p0 =	sne.s32 s3, $0x4EC0  }
.Ltmp3:
0x2e: {  	_ = 	snop;
	(pc) =	sbr.rel @!p0 .LBB2_5-.Ltmp3, $3  }
0x2f: {  	_ =	sdelay $0x1  }
0x30: {  	s0 =	sadd.s32 $0x20, s0  }
0x31: {  	s31 =	sadd.s32 $0x3C000, s31;
	s30 =	sadd.s32 $0x14000, s30;
	s29 =	sadd.s32 $0x14000, s29  }
.LBB2_2:
0x32: {  	p0 =	sgt.u32 s0, $0x7CF  }
.Ltmp4:
0x33: {  	_ = 	snop;
	(pc) =	sbr.rel @p0 .LBB2_4-.Ltmp4, $1  }
0x34: {  	_ =	sdelay $0x3  }
0x35: {  	p0 =	seq.s32 s3, $0x0  }
0x36: {  	s5 =	simm.s32 @!p0 $0x2  }
0x37: {  	_ =	swait.ge @!p0 [sflag:s5], $0x5000  }
0x38: {  	[sflag:s5] =	ssyncset.done @!p0 $0x0  }
0x39: {  	[sflag:s5] =	ssyncadd.s32 @!p0 $0xFFFFB000;
	s5 =	simm.s32 @!p0 $0x3  }
0x3a: {  	_ =	swait.ge @!p0 [sflag:s5], $0x5000  }
0x3b: {  	[sflag:s5] =	ssyncset.done @!p0 $0x0  }
0x3c: {  	[sflag:s5] =	ssyncadd.s32 @!p0 $0xFFFFB000;
	s5 =	simm.s32 @!p0 $0x4  }
0x3d: {  	_ =	swait.ge @!p0 [sflag:s5], $0xF000  }
0x3e: {  	[sflag:s5] =	ssyncset.done @!p0 $0x0  }
0x3f: {  	[sflag:s5] =	ssyncadd.s32 @!p0 $0xFFFF1000;
	s5 =	sadd.s32 s3, s10  }
0x40: {  	[tilespmem:s4], [sflag:$0x5] =	stream.linear.gather [hbm4b:s5+s4], $0x50, $0x38;
	[tilespmem:$0x19100] =	vst v63  }
0x41: {  	_ =	swait.ge [sflag:s14], $0x50  }
0x42: {  	[sflag:s14] =	ssyncset.done $0x0  }
0x43: {  	s5 =	sadd.s32 s3, s11;
	[sflag:s14] =	ssyncadd.s32 $0xFFFFFFB0  }
0x44: {  	[tilespmem:s8], [sflag:$0x5] =	stream.linear.gather [hbm4b:s5+s4], $0x50, $0x38;
	[tilespmem:$0x19100] =	vst v63  }
0x45: {  	_ =	swait.ge [sflag:s14], $0x50  }
0x46: {  	[sflag:s14] =	ssyncset.done $0x0  }
0x47: {  	[sflag:s14] =	ssyncadd.s32 $0xFFFFFFB0  }
0x48: {  	v3 =	vld [tilespmem:$0x0];
	_ =	sdelay $0x4  }
0x49: {  	v4 =	vshll.u32 v3, $0x1  }
0x4a: {  	v3 =	vand.u32 $0x7, v3;
	v4 =	vand.u32 $0xFFFFFFF0, v4  }
0x4b: {  	v3 =	vor.u32 v3, v4  }
0x4c: {  	v4 =	vperm.xlane v3, v0;
	_ =	sdelay $0x1  }
0x4d: {  	v3 =	vperm.xlane v3, v2;
	v4 =	vadd.s32 v1, v4;
	_ =	sdelay $0x1  }
0x4e: {  	v3 =	vadd.s32 v1, v3;
	_ =	sdelay $0x2  }
0x4f: {  	[tilespmem:s16], [sflag:$0x1] =	stream.indirect_vreg.gather [hbm4b:s1+s4], $0x80, v4, vm0, $0xb8;
	[tilespmem:$0x19100] =	vst v63  }
0x50: {  	s5 =	simm.s32 $0x900  }
0x51: {  	[tilespmem:s5], [sflag:$0x1] =	stream.indirect_vreg.gather [hbm4b:s1+s4], $0x80, v3, vm0, $0xb8;
	[tilespmem:$0x19100] =	vst v63  }
0x52: {  	v3 =	vld [tilespmem:$0x10];
	_ =	sdelay $0x4  }
0x53: {  	v50 =	vshll.u32 v3, $0x1  }
0x54: {  	v3 =	vand.u32 $0x7, v3;
	v4 =	vand.u32 $0xFFFFFFF0, v50  }
0x55: {  	v3 =	vor.u32 v3, v4  }
0x56: {  	v4 =	vperm.xlane v3, v0;
	_ =	sdelay $0x1  }
0x57: {  	v3 =	vperm.xlane v3, v2;
	v4 =	vadd.s32 v1, v4;
	_ =	sdelay $0x1  }
0x58: {  	v3 =	vadd.s32 v1, v3;
	_ =	sdelay $0x1  }
0x59: {  	s5 =	simm.s32 $0x1100  }
0x5a: {  	[tilespmem:s5], [sflag:$0x1] =	stream.indirect_vreg.gather [hbm4b:s1+s4], $0x80, v4, vm0, $0xb8;
	[tilespmem:$0x19100] =	vst v63  }
0x5b: {  	s5 =	simm.s32 $0x1900  }
0x5c: {  	[tilespmem:s5], [sflag:$0x1] =	stream.indirect_vreg.gather [hbm4b:s1+s4], $0x80, v3, vm0, $0xb8;
	[tilespmem:$0x19100] =	vst v63  }
0x5d: {  	v3 =	vld [tilespmem:$0x20];
	_ =	sdelay $0x4  }
0x5e: {  	v51 =	vshll.u32 v3, $0x1  }
0x5f: {  	v3 =	vand.u32 $0x7, v3;
	v4 =	vand.u32 $0xFFFFFFF0, v51  }
0x60: {  	v3 =	vor.u32 v3, v4  }
0x61: {  	v4 =	vperm.xlane v3, v0;
	_ =	sdelay $0x1  }
0x62: {  	v3 =	vperm.xlane v3, v2;
	v4 =	vadd.s32 v1, v4;
	_ =	sdelay $0x1  }
0x63: {  	v3 =	vadd.s32 v1, v3;
	_ =	sdelay $0x1  }
0x64: {  	s5 =	simm.s32 $0x2100  }
0x65: {  	[tilespmem:s5], [sflag:$0x1] =	stream.indirect_vreg.gather [hbm4b:s1+s4], $0x80, v4, vm0, $0xb8;
	[tilespmem:$0x19100] =	vst v63  }
0x66: {  	s5 =	simm.s32 $0x2900  }
0x67: {  	[tilespmem:s5], [sflag:$0x1] =	stream.indirect_vreg.gather [hbm4b:s1+s4], $0x80, v3, vm0, $0xb8;
	[tilespmem:$0x19100] =	vst v63  }
0x68: {  	v3 =	vld [tilespmem:$0x30];
	_ =	sdelay $0x4  }
0x69: {  	v52 =	vshll.u32 v3, $0x1  }
0x6a: {  	v3 =	vand.u32 $0x7, v3;
	v4 =	vand.u32 $0xFFFFFFF0, v52  }
0x6b: {  	v3 =	vor.u32 v3, v4  }
0x6c: {  	v4 =	vperm.xlane v3, v0;
	_ =	sdelay $0x1  }
0x6d: {  	v3 =	vperm.xlane v3, v2;
	v4 =	vadd.s32 v1, v4;
	_ =	sdelay $0x1  }
0x6e: {  	v3 =	vadd.s32 v1, v3;
	_ =	sdelay $0x1  }
0x6f: {  	s5 =	simm.s32 $0x3100  }
0x70: {  	[tilespmem:s5], [sflag:$0x1] =	stream.indirect_vreg.gather [hbm4b:s1+s4], $0x80, v4, vm0, $0xb8;
	[tilespmem:$0x19100] =	vst v63  }
0x71: {  	s5 =	simm.s32 $0x3900  }
0x72: {  	[tilespmem:s5], [sflag:$0x1] =	stream.indirect_vreg.gather [hbm4b:s1+s4], $0x80, v3, vm0, $0xb8;
	[tilespmem:$0x19100] =	vst v63  }
0x73: {  	v3 =	vld [tilespmem:$0x40];
	_ =	sdelay $0x4  }
0x74: {  	v53 =	vshll.u32 v3, $0x1  }
0x75: {  	v3 =	vand.u32 $0x7, v3;
	v4 =	vand.u32 $0xFFFFFFF0, v53  }
0x76: {  	v3 =	vor.u32 v3, v4  }
0x77: {  	v4 =	vperm.xlane v3, v0;
	_ =	sdelay $0x1  }
0x78: {  	v3 =	vperm.xlane v3, v2;
	v4 =	vadd.s32 v1, v4;
	_ =	sdelay $0x1  }
0x79: {  	v3 =	vadd.s32 v1, v3;
	_ =	sdelay $0x1  }
0x7a: {  	s5 =	simm.s32 $0x4100  }
0x7b: {  	[tilespmem:s5], [sflag:$0x1] =	stream.indirect_vreg.gather [hbm4b:s1+s4], $0x80, v4, vm0, $0xb8;
	[tilespmem:$0x19100] =	vst v63  }
0x7c: {  	s5 =	simm.s32 $0x4900  }
0x7d: {  	[tilespmem:s5], [sflag:$0x1] =	stream.indirect_vreg.gather [hbm4b:s1+s4], $0x80, v3, vm0, $0xb8;
	[tilespmem:$0x19100] =	vst v63  }
0x7e: {  	_ =	swait.ge [sflag:s26], $0x5000  }
0x7f: {  	[sflag:s26] =	ssyncset.done $0x0  }
0x80: {  	[sflag:s26] =	ssyncadd.s32 $0xFFFFB000  }
0x81: {  	[hbm4b:s30+s4] =	stream.linear.scatter [tilespmem:s16], [sflag:$0x2], $0x5000, $0x38;
	[tilespmem:$0x19100] =	vst v63  }
0x82: {  	v3 =	vld [tilespmem:$0x80];
	_ =	sdelay $0x4  }
0x83: {  	v54 =	vshll.u32 v3, $0x1  }
0x84: {  	v3 =	vand.u32 $0x7, v3;
	v4 =	vand.u32 $0xFFFFFFF0, v54  }
0x85: {  	v3 =	vor.u32 v3, v4  }
0x86: {  	v4 =	vperm.xlane v3, v0;
	_ =	sdelay $0x1  }
0x87: {  	v3 =	vperm.xlane v3, v2;
	v4 =	vadd.s32 v1, v4;
	_ =	sdelay $0x1  }
0x88: {  	v3 =	vadd.s32 v1, v3;
	_ =	sdelay $0x2  }
0x89: {  	[tilespmem:s28], [sflag:$0x1] =	stream.indirect_vreg.gather [hbm4b:s1+s4], $0x80, v4, vm0, $0xb8;
	[tilespmem:$0x19100] =	vst v63  }
0x8a: {  	s5 =	simm.s32 $0x5900  }
0x8b: {  	[tilespmem:s5], [sflag:$0x1] =	stream.indirect_vreg.gather [hbm4b:s1+s4], $0x80, v3, vm0, $0xb8;
	[tilespmem:$0x19100] =	vst v63  }
0x8c: {  	v3 =	vld [tilespmem:$0x90];
	_ =	sdelay $0x4  }
0x8d: {  	v55 =	vshll.u32 v3, $0x1  }
0x8e: {  	v3 =	vand.u32 $0x7, v3;
	v4 =	vand.u32 $0xFFFFFFF0, v55  }
0x8f: {  	v3 =	vor.u32 v3, v4  }
0x90: {  	v4 =	vperm.xlane v3, v0;
	_ =	sdelay $0x1  }
0x91: {  	v3 =	vperm.xlane v3, v2;
	v4 =	vadd.s32 v1, v4;
	_ =	sdelay $0x1  }
0x92: {  	v3 =	vadd.s32 v1, v3;
	_ =	sdelay $0x1  }
0x93: {  	s5 =	simm.s32 $0x6100  }
0x94: {  	[tilespmem:s5], [sflag:$0x1] =	stream.indirect_vreg.gather [hbm4b:s1+s4], $0x80, v4, vm0, $0xb8;
	[tilespmem:$0x19100] =	vst v63  }
0x95: {  	s5 =	simm.s32 $0x6900  }
0x96: {  	[tilespmem:s5], [sflag:$0x1] =	stream.indirect_vreg.gather [hbm4b:s1+s4], $0x80, v3, vm0, $0xb8;
	[tilespmem:$0x19100] =	vst v63  }
0x97: {  	v3 =	vld [tilespmem:$0xA0];
	_ =	sdelay $0x4  }
0x98: {  	v56 =	vshll.u32 v3, $0x1  }
0x99: {  	v3 =	vand.u32 $0x7, v3;
	v4 =	vand.u32 $0xFFFFFFF0, v56  }
0x9a: {  	v3 =	vor.u32 v3, v4  }
0x9b: {  	v4 =	vperm.xlane v3, v0;
	_ =	sdelay $0x1  }
0x9c: {  	v3 =	vperm.xlane v3, v2;
	v4 =	vadd.s32 v1, v4;
	_ =	sdelay $0x1  }
0x9d: {  	v3 =	vadd.s32 v1, v3;
	_ =	sdelay $0x1  }
0x9e: {  	s5 =	simm.s32 $0x7100  }
0x9f: {  	[tilespmem:s5], [sflag:$0x1] =	stream.indirect_vreg.gather [hbm4b:s1+s4], $0x80, v4, vm0, $0xb8;
	[tilespmem:$0x19100] =	vst v63  }
0xa0: {  	s5 =	simm.s32 $0x7900  }
0xa1: {  	[tilespmem:s5], [sflag:$0x1] =	stream.indirect_vreg.gather [hbm4b:s1+s4], $0x80, v3, vm0, $0xb8;
	[tilespmem:$0x19100] =	vst v63  }
0xa2: {  	v3 =	vld [tilespmem:$0xB0];
	_ =	sdelay $0x4  }
0xa3: {  	v57 =	vshll.u32 v3, $0x1  }
0xa4: {  	v3 =	vand.u32 $0x7, v3;
	v4 =	vand.u32 $0xFFFFFFF0, v57  }
0xa5: {  	v3 =	vor.u32 v3, v4  }
0xa6: {  	v4 =	vperm.xlane v3, v0;
	_ =	sdelay $0x1  }
0xa7: {  	v3 =	vperm.xlane v3, v2;
	v4 =	vadd.s32 v1, v4;
	_ =	sdelay $0x1  }
0xa8: {  	v3 =	vadd.s32 v1, v3;
	_ =	sdelay $0x1  }
0xa9: {  	s5 =	simm.s32 $0x8100  }
0xaa: {  	[tilespmem:s5], [sflag:$0x1] =	stream.indirect_vreg.gather [hbm4b:s1+s4], $0x80, v4, vm0, $0xb8;
	[tilespmem:$0x19100] =	vst v63  }
0xab: {  	s5 =	simm.s32 $0x8900  }
0xac: {  	[tilespmem:s5], [sflag:$0x1] =	stream.indirect_vreg.gather [hbm4b:s1+s4], $0x80, v3, vm0, $0xb8;
	[tilespmem:$0x19100] =	vst v63  }
0xad: {  	v3 =	vld [tilespmem:$0xC0];
	_ =	sdelay $0x4  }
0xae: {  	v58 =	vshll.u32 v3, $0x1  }
0xaf: {  	v3 =	vand.u32 $0x7, v3;
	v4 =	vand.u32 $0xFFFFFFF0, v58  }
0xb0: {  	v3 =	vor.u32 v3, v4  }
0xb1: {  	v4 =	vperm.xlane v3, v0;
	_ =	sdelay $0x1  }
0xb2: {  	v3 =	vperm.xlane v3, v2;
	v4 =	vadd.s32 v1, v4;
	_ =	sdelay $0x1  }
0xb3: {  	v3 =	vadd.s32 v1, v3;
	_ =	sdelay $0x1  }
0xb4: {  	s5 =	simm.s32 $0x9100  }
0xb5: {  	[tilespmem:s5], [sflag:$0x1] =	stream.indirect_vreg.gather [hbm4b:s1+s4], $0x80, v4, vm0, $0xb8;
	[tilespmem:$0x19100] =	vst v63  }
0xb6: {  	s5 =	simm.s32 $0x9900  }
0xb7: {  	[tilespmem:s5], [sflag:$0x1] =	stream.indirect_vreg.gather [hbm4b:s1+s4], $0x80, v3, vm0, $0xb8;
	[tilespmem:$0x19100] =	vst v63  }
0xb8: {  	_ =	swait.ge [sflag:s26], $0x5000  }
0xb9: {  	[sflag:s26] =	ssyncset.done $0x0  }
0xba: {  	[sflag:s26] =	ssyncadd.s32 $0xFFFFB000  }
0xbb: {  	[hbm4b:s29+s4] =	stream.linear.scatter [tilespmem:s28], [sflag:$0x3], $0x5000, $0x38;
	[tilespmem:$0x19100] =	vst v63  }
0xbc: {  	v3 =	vld [tilespmem:$0x80];
	_ =	sdelay $0x4  }
0xbd: {  	v59 =	vshrl.u32 v3, $0x3  }
0xbe: {  	v4 =	vmul.u32 $0x30, v59  }
0xbf: {  	v3 =	vand.u32 $0x7, v3  }
0xc0: {  	v3 =	vor.u32 v3, v4  }
0xc1: {  	v4 =	vperm.xlane v3, v0;
	_ =	sdelay $0x1  }
0xc2: {  	v4 =	vadd.s32 v1, v4;
	_ =	sdelay $0x3  }
0xc3: {  	v3 =	vperm.xlane v3, v2  }
0xc4: {  	[tilespmem:s13], [sflag:$0x1] =	stream.indirect_vreg.gather [hbm4b:s2+s4], $0x80, v4, vm0, $0xb8;
	[tilespmem:$0x19100] =	vst v63  }
0xc5: {  	s5 =	simm.s32 $0xA900;
	v3 =	vadd.s32 v1, v3  }
0xc6: {  	[tilespmem:s5], [sflag:$0x1] =	stream.indirect_vreg.gather [hbm4b:s6+s4], $0x80, v4, vm0, $0xb8;
	[tilespmem:$0x19100] =	vst v63  }
0xc7: {  	s5 =	simm.s32 $0xB100  }
0xc8: {  	[tilespmem:s5], [sflag:$0x1] =	stream.indirect_vreg.gather [hbm4b:s7+s4], $0x80, v4, vm0, $0xb8;
	[tilespmem:$0x19100] =	vst v63  }
0xc9: {  	s5 =	simm.s32 $0xB900  }
0xca: {  	[tilespmem:s5], [sflag:$0x1] =	stream.indirect_vreg.gather [hbm4b:s2+s4], $0x80, v3, vm0, $0xb8;
	[tilespmem:$0x19100] =	vst v63  }
0xcb: {  	s5 =	simm.s32 $0xC100  }
0xcc: {  	[tilespmem:s5], [sflag:$0x1] =	stream.indirect_vreg.gather [hbm4b:s6+s4], $0x80, v3, vm0, $0xb8;
	[tilespmem:$0x19100] =	vst v63  }
0xcd: {  	s5 =	simm.s32 $0xC900  }
0xce: {  	[tilespmem:s5], [sflag:$0x1] =	stream.indirect_vreg.gather [hbm4b:s7+s4], $0x80, v3, vm0, $0xb8;
	[tilespmem:$0x19100] =	vst v63  }
0xcf: {  	v3 =	vld [tilespmem:$0x90];
	_ =	sdelay $0x4  }
0xd0: {  	v60 =	vshrl.u32 v3, $0x3  }
0xd1: {  	v4 =	vmul.u32 $0x30, v60  }
0xd2: {  	v3 =	vand.u32 $0x7, v3  }
0xd3: {  	v3 =	vor.u32 v3, v4  }
0xd4: {  	v4 =	vperm.xlane v3, v0;
	_ =	sdelay $0x1  }
0xd5: {  	v4 =	vadd.s32 v1, v4;
	_ =	sdelay $0x3  }
0xd6: {  	s5 =	simm.s32 $0xD100;
	v3 =	vperm.xlane v3, v2  }
0xd7: {  	[tilespmem:s5], [sflag:$0x1] =	stream.indirect_vreg.gather [hbm4b:s2+s4], $0x80, v4, vm0, $0xb8;
	[tilespmem:$0x19100] =	vst v63  }
0xd8: {  	v3 =	vadd.s32 v1, v3;
	s5 =	simm.s32 $0xD900  }
0xd9: {  	[tilespmem:s5], [sflag:$0x1] =	stream.indirect_vreg.gather [hbm4b:s6+s4], $0x80, v4, vm0, $0xb8;
	[tilespmem:$0x19100] =	vst v63  }
0xda: {  	s5 =	simm.s32 $0xE100  }
0xdb: {  	[tilespmem:s5], [sflag:$0x1] =	stream.indirect_vreg.gather [hbm4b:s7+s4], $0x80, v4, vm0, $0xb8;
	[tilespmem:$0x19100] =	vst v63  }
0xdc: {  	s5 =	simm.s32 $0xE900  }
0xdd: {  	[tilespmem:s5], [sflag:$0x1] =	stream.indirect_vreg.gather [hbm4b:s2+s4], $0x80, v3, vm0, $0xb8;
	[tilespmem:$0x19100] =	vst v63  }
0xde: {  	s5 =	simm.s32 $0xF100  }
0xdf: {  	[tilespmem:s5], [sflag:$0x1] =	stream.indirect_vreg.gather [hbm4b:s6+s4], $0x80, v3, vm0, $0xb8;
	[tilespmem:$0x19100] =	vst v63  }
0xe0: {  	s5 =	simm.s32 $0xF900  }
0xe1: {  	[tilespmem:s5], [sflag:$0x1] =	stream.indirect_vreg.gather [hbm4b:s7+s4], $0x80, v3, vm0, $0xb8;
	[tilespmem:$0x19100] =	vst v63  }
0xe2: {  	v3 =	vld [tilespmem:$0xA0];
	_ =	sdelay $0x4  }
0xe3: {  	v61 =	vshrl.u32 v3, $0x3  }
0xe4: {  	v4 =	vmul.u32 $0x30, v61  }
0xe5: {  	v3 =	vand.u32 $0x7, v3  }
0xe6: {  	v3 =	vor.u32 v3, v4  }
0xe7: {  	v4 =	vperm.xlane v3, v0;
	_ =	sdelay $0x1  }
0xe8: {  	v4 =	vadd.s32 v1, v4;
	_ =	sdelay $0x3  }
0xe9: {  	s5 =	simm.s32 $0x10100;
	v3 =	vperm.xlane v3, v2  }
0xea: {  	[tilespmem:s5], [sflag:$0x1] =	stream.indirect_vreg.gather [hbm4b:s2+s4], $0x80, v4, vm0, $0xb8;
	[tilespmem:$0x19100] =	vst v63  }
0xeb: {  	v3 =	vadd.s32 v1, v3;
	s5 =	simm.s32 $0x10900  }
0xec: {  	[tilespmem:s5], [sflag:$0x1] =	stream.indirect_vreg.gather [hbm4b:s6+s4], $0x80, v4, vm0, $0xb8;
	[tilespmem:$0x19100] =	vst v63  }
0xed: {  	s5 =	simm.s32 $0x11100  }
0xee: {  	[tilespmem:s5], [sflag:$0x1] =	stream.indirect_vreg.gather [hbm4b:s7+s4], $0x80, v4, vm0, $0xb8;
	[tilespmem:$0x19100] =	vst v63  }
0xef: {  	s5 =	simm.s32 $0x11900  }
0xf0: {  	[tilespmem:s5], [sflag:$0x1] =	stream.indirect_vreg.gather [hbm4b:s2+s4], $0x80, v3, vm0, $0xb8;
	[tilespmem:$0x19100] =	vst v63  }
0xf1: {  	s5 =	simm.s32 $0x12100  }
0xf2: {  	[tilespmem:s5], [sflag:$0x1] =	stream.indirect_vreg.gather [hbm4b:s6+s4], $0x80, v3, vm0, $0xb8;
	[tilespmem:$0x19100] =	vst v63  }
0xf3: {  	s5 =	simm.s32 $0x12900  }
0xf4: {  	[tilespmem:s5], [sflag:$0x1] =	stream.indirect_vreg.gather [hbm4b:s7+s4], $0x80, v3, vm0, $0xb8;
	[tilespmem:$0x19100] =	vst v63  }
0xf5: {  	v3 =	vld [tilespmem:$0xB0];
	_ =	sdelay $0x4  }
0xf6: {  	v62 =	vshrl.u32 v3, $0x3  }
0xf7: {  	v4 =	vmul.u32 $0x30, v62  }
0xf8: {  	v3 =	vand.u32 $0x7, v3  }
0xf9: {  	v3 =	vor.u32 v3, v4  }
0xfa: {  	v4 =	vperm.xlane v3, v0;
	_ =	sdelay $0x1  }
0xfb: {  	v4 =	vadd.s32 v1, v4;
	_ =	sdelay $0x3  }
0xfc: {  	v3 =	vperm.xlane v3, v2  }
0xfd: {  	[tilespmem:s9], [sflag:$0x1] =	stream.indirect_vreg.gather [hbm4b:s2+s4], $0x80, v4, vm0, $0xb8;
	[tilespmem:$0x19100] =	vst v63  }
0xfe: {  	v3 =	vadd.s32 v1, v3  }
0xff: {  	[tilespmem:s12], [sflag:$0x1] =	stream.indirect_vreg.gather [hbm4b:s6+s4], $0x80, v4, vm0, $0xb8;
	[tilespmem:$0x19100] =	vst v63  }
0x100: {  	_ = 	snop  }
0x101: {  	[tilespmem:s15], [sflag:$0x1] =	stream.indirect_vreg.gather [hbm4b:s7+s4], $0x80, v4, vm0, $0xb8;
	[tilespmem:$0x19100] =	vst v63  }
0x102: {  	_ = 	snop  }
0x103: {  	[tilespmem:s17], [sflag:$0x1] =	stream.indirect_vreg.gather [hbm4b:s2+s4], $0x80, v3, vm0, $0xb8;
	[tilespmem:$0x19100] =	vst v63  }
0x104: {  	_ = 	snop  }
0x105: {  	[tilespmem:s18], [sflag:$0x1] =	stream.indirect_vreg.gather [hbm4b:s6+s4], $0x80, v3, vm0, $0xb8;
	[tilespmem:$0x19100] =	vst v63  }
0x106: {  	_ = 	snop  }
0x107: {  	[tilespmem:s19], [sflag:$0x1] =	stream.indirect_vreg.gather [hbm4b:s7+s4], $0x80, v3, vm0, $0xb8;
	[tilespmem:$0x19100] =	vst v63  }
0x108: {  	v3 =	vld [tilespmem:$0xC0];
	_ =	sdelay $0x4  }
0x109: {  	v63 =	vshrl.u32 v3, $0x3  }
0x10a: {  	v4 =	vmul.u32 $0x30, v63  }
0x10b: {  	v3 =	vand.u32 $0x7, v3  }
0x10c: {  	v3 =	vor.u32 v3, v4  }
0x10d: {  	v4 =	vperm.xlane v3, v0;
	_ =	sdelay $0x1  }
0x10e: {  	v4 =	vadd.s32 v1, v4;
	_ =	sdelay $0x3  }
0x10f: {  	v3 =	vperm.xlane v3, v2  }
0x110: {  	[tilespmem:s20], [sflag:$0x1] =	stream.indirect_vreg.gather [hbm4b:s2+s4], $0x80, v4, vm0, $0xb8;
	[tilespmem:$0x19100] =	vst v63  }
0x111: {  	v3 =	vadd.s32 v1, v3  }
0x112: {  	[tilespmem:s21], [sflag:$0x1] =	stream.indirect_vreg.gather [hbm4b:s6+s4], $0x80, v4, vm0, $0xb8;
	[tilespmem:$0x19100] =	vst v63  }
0x113: {  	_ = 	snop  }
0x114: {  	[tilespmem:s22], [sflag:$0x1] =	stream.indirect_vreg.gather [hbm4b:s7+s4], $0x80, v4, vm0, $0xb8;
	[tilespmem:$0x19100] =	vst v63  }
0x115: {  	_ = 	snop  }
0x116: {  	[tilespmem:s23], [sflag:$0x1] =	stream.indirect_vreg.gather [hbm4b:s2+s4], $0x80, v3, vm0, $0xb8;
	[tilespmem:$0x19100] =	vst v63  }
0x117: {  	_ = 	snop  }
0x118: {  	[tilespmem:s24], [sflag:$0x1] =	stream.indirect_vreg.gather [hbm4b:s6+s4], $0x80, v3, vm0, $0xb8;
	[tilespmem:$0x19100] =	vst v63  }
0x119: {  	_ = 	snop  }
0x11a: {  	[tilespmem:s25], [sflag:$0x1] =	stream.indirect_vreg.gather [hbm4b:s7+s4], $0x80, v3, vm0, $0xb8;
	[tilespmem:$0x19100] =	vst v63  }
.Ltmp5:
0x11b: {  	_ = 	snop;
	(pc) =	sbr.rel .LBB2_4-.Ltmp5, $4  }
0x11c: {  	_ =	swait.ge [sflag:s26], $0xF000  }
0x11d: {  	[sflag:s26] =	ssyncset.done $0x0  }
0x11e: {  	[sflag:s26] =	ssyncadd.s32 $0xFFFF1000  }
0x11f: {  	[hbm4b:s31+s4] =	stream.linear.scatter [tilespmem:s13], [sflag:$0x4], $0xF000, $0x38;
	[tilespmem:$0x19100] =	vst v63  }
.LBB2_6:
0x120: {  	_ =	sfence.sel $0x180000  }
0x121: {  	[bflag:$0x0] =	sbarrier.arrive $0xFFFF  }
0x122: {  	_ =	strace $0x9000004A  }
0x123: {  	s0 =	stileid.u32;
	[bflag:$0x2] =	sbarrier.arrive $0xFFFF  }
0x124: {  	p0 =	sne.s32 s0, $0x0;
	s0 =	rddreg [dreg:$0x5]  }
0x125: {  	s0 =	sadd.s32 @!p0 $0x100000, s0  }
0x126: {  	[sflag:s0] =	ssyncadd.tile.s32 @!p0 $0x1;
	_ =	shalt  }
.Lfunc_end2:
_tile_overlayer_lowered:
.L_overlay_start_2:
0x127: {  	(tag) =	ssettag $0x2  }
0x128: {  	s0 =	rddreg [dreg:$0x0];
	s2 =	stileid.u32  }
0x129: {  	s1 =	rddreg [dreg:$0x1];
	p0 =	sne.s32 s2, $0x0  }
0x12a: {  	s3 =	rddreg [dreg:$0x2];
	[bflag:$0x3] =	sbarrier.arrive $0xFFFF;
	s2 =	simm.s32 @!p0 $0x1C05  }
0x12b: {  	[timem:s3], [sflag:s2] =	dma.local @!p0 [hbm:s0], s1  }
0x12c: {  	s0 =	simm.s32 @!p0 $0x5  }
0x12d: {  	_ =	swait.ge @!p0 [sflag:s0], s1  }
0x12e: {  	s1 =	ssub.s32 @!p0 $0x0, s1;
	[sflag:s0] =	ssyncset.done @!p0 $0x0  }
0x12f: {  	[sflag:s0] =	ssyncadd.s32 @!p0 s1  }
0x130: {  	[bflag:$0x3] =	sbarrier.arrive $0xFFFF  }
0x131: {  	_ =	shalt  }

// kernel: kernel.17.cloned.1.call-start
scs
__scs_entry_jumppad:
0x0: {  	(pc) =	sbr.rel $0x88, $3  }
0x1: {  	(tag) =	ssettag $0x0;
	lr =	simm.s32 $0x1  }
0x2: {  	[smem:$0x3F8F] =	sst lr;
	_ =	strace $0xD0000000  }
0x3: {  	_ = 	snop  }
0x4: {  	_ = 	snop  }
0x5: {  	_ = 	snop  }
0x6: {  	_ = 	snop  }
0x7: {  	_ = 	snop  }
__scs_overlays_trampoline_lowered:
0x8: {  	[smem:$0x3F9E] =	sst s0  }
0x9: {  	[smem:$0x3F9F] =	sst s1  }
0xa: {  	[smem:$0x3FA0] =	sst s2  }
0xb: {  	[smem:$0x3FA1] =	sst s3  }
0xc: {  	[smem:$0x3FA2] =	sst s4  }
0xd: {  	[smem:$0x3FA3] =	sst s5  }
0xe: {  	[smem:$0x3FA4] =	sst s6  }
0xf: {  	[smem:$0x3FA5] =	sst s7  }
0x10: {  	[smem:$0x3FA6] =	sst s8  }
0x11: {  	[smem:$0x3FA7] =	sst s9;
	s0 =	simm.s32 @!p0 $0x0  }
0x12: {  	s1 =	sld [smem:$0x3F8D];
	s0 =	simm.s32 @p0 $0x1  }
0x13: {  	[smem:$0x3FA8] =	sst s0;
	s0 =	simm.s32 @!p1 $0x0  }
0x14: {  	s2 =	sld [smem:$0x3F8C];
	s0 =	simm.s32 @p1 $0x1  }
0x15: {  	[smem:$0x3FA9] =	sst s0;
	s0 =	simm.s32 @!p2 $0x0  }
0x16: {  	s3 =	sld [smem:$0x3FDB];
	s0 =	simm.s32 @p2 $0x1  }
0x17: {  	s4 =	simm.s32 $0x1BF5;
	[smem:$0x3FAB] =	sst s0  }
0x18: {  	s0 =	sld [smem:$0x3F8E];
	_ =	swait.ge [sflag:s4], $0x0  }
0x19: {  	s7 =	sld [smem:$0x3F8F]  }
0x1a: {  	s8 =	sadd.s32 $0xFFFFE003, lr  }
0x1b: {  	s9 =	sadd.s32 $0xFFFFFEF7, lr;
	s5 =	simm.s32 $0xFFFFFFFF;
	p2 =	slt.u32 s8, $0xFFFFF086  }
0x1c: {  	p1 =	slt.u32 s9, $0xF7A;
	s5 =	simm.s32 @!p2 $0x0  }
0x1d: {  	s5 =	simm.s32 @p1 $0x1;
	p0 =	seq.s32 s7, s2  }
0x1e: {  	s7 =	smul.u32 @!p0 $0xF7A, s2;
	p2 =	seq.s32 @!p0 s5, $0x0  }
0x1f: {  	s9 =	smul.u32 $0xF7A, s1;
	s8 =	simm.s32 @!p0 $0x1BF5;
	p2 =	por !p2, p0  }
0x20: {  	[sflag:s8] =	ssyncset.s32 @!p0 $0xFFFFF086;
	s6 =	sadd.s32 @!p0 s3, s7;
	s7 =	simm.s32 @!p0 $0x108  }
0x21: {  	s3 =	sadd.s32 s3, s9;
	s6 =	sadd.s32 @!p0 $0x88, s6;
	s7 =	simm.s32 @p2 $0x1082  }
0x22: {  	[simem:s7], [sflag:s8] =	dma.local @!p0 [hbm:s6], $0xF7A  }
0x23: {  	s9 =	sor.u32 $0xD0000000, s2;
	s6 =	simm.s32 $0x108;
	_ =	swait.ge @!p0 [sflag:s8], $0x0  }
0x24: {  	s3 =	sadd.s32 $0x88, s3;
	s6 =	simm.s32 @!p1 $0x1082;
	[sflag:s4] =	ssyncset.s32 $0xFFFFF086  }
0x25: {  	[simem:s6], [sflag:s4] =	dma.local [hbm:s3], $0xF7A  }
0x26: {  	[smem:$0x3F8F] =	sst s1;
	(tag) =	ssettag s2;
	_ =	strace s9  }
0x27: {  	s1 =	sld [smem:$0x3F9F]  }
0x28: {  	s2 =	sld [smem:$0x3FA0]  }
0x29: {  	s4 =	sld [smem:$0x3FA2]  }
0x2a: {  	p0 =	seq.s32 s5, $0x0;
	s5 =	sld [smem:$0x3FA3]  }
0x2b: {  	s6 =	sld [smem:$0x3FA4]  }
0x2c: {  	s7 =	sld [smem:$0x3FA5]  }
0x2d: {  	s3 =	simm.s32 $0x108;
	s8 =	sld [smem:$0x3FA6]  }
0x2e: {  	s3 =	simm.s32 @!p0 $0x1082;
	s9 =	sld [smem:$0x3FA7]  }
0x2f: {  	lr =	sadd.s32 s0, s3;
	s0 =	sld [smem:$0x3F9E]  }
0x30: {  	s3 =	sld [smem:$0x3FA1]  }
0x31: {  	[smem:$0x3FAA] =	sst s10  }
0x32: {  	s10 =	sld [smem:$0x3FA8];
	_ =	sdelay $0x3  }
0x33: {  	p0 =	seq.s32 s10, $0x1;
	s10 =	sld [smem:$0x3FAA];
	_ =	sdelay $0x3  }
0x34: {  	[smem:$0x3FAA] =	sst s10  }
0x35: {  	s10 =	sld [smem:$0x3FA9];
	_ =	sdelay $0x3  }
0x36: {  	p1 =	seq.s32 s10, $0x1;
	s10 =	sld [smem:$0x3FAA];
	_ =	sdelay $0x3  }
0x37: {  	[smem:$0x3FAA] =	sst s10  }
0x38: {  	s10 =	sld [smem:$0x3FAB]  }
0x39: {  	_ = 	snop;
	(pc) =	sbr.ind lr, $3  }
0x3a: {  	_ = 	snop  }
0x3b: {  	_ = 	snop  }
0x3c: {  	p2 =	seq.s32 s10, $0x1;
	s10 =	sld [smem:$0x3FAA]  }
0x3d: {  	_ =	shalt  }
0x3e: {  	_ =	shalt  }
0x3f: {  	_ =	shalt  }
0x40: {  	_ =	shalt  }
0x41: {  	_ =	shalt  }
0x42: {  	_ =	shalt  }
0x43: {  	_ =	shalt  }
0x44: {  	_ =	shalt  }
0x45: {  	_ =	shalt  }
0x46: {  	_ =	shalt  }
0x47: {  	_ =	shalt  }
0x48: {  	_ =	shalt  }
0x49: {  	_ =	shalt  }
0x4a: {  	_ =	shalt  }
0x4b: {  	_ =	shalt  }
0x4c: {  	_ =	shalt  }
0x4d: {  	_ =	shalt  }
0x4e: {  	_ =	shalt  }
0x4f: {  	_ =	shalt  }
0x50: {  	_ =	shalt  }
0x51: {  	_ =	shalt  }
0x52: {  	_ =	shalt  }
0x53: {  	_ =	shalt  }
0x54: {  	_ =	shalt  }
0x55: {  	_ =	shalt  }
0x56: {  	_ =	shalt  }
0x57: {  	_ =	shalt  }
0x58: {  	_ =	shalt  }
0x59: {  	_ =	shalt  }
0x5a: {  	_ =	shalt  }
0x5b: {  	_ =	shalt  }
0x5c: {  	_ =	shalt  }
0x5d: {  	_ =	shalt  }
0x5e: {  	_ =	shalt  }
0x5f: {  	_ =	shalt  }
0x60: {  	_ =	shalt  }
0x61: {  	_ =	shalt  }
0x62: {  	_ =	shalt  }
0x63: {  	_ =	shalt  }
0x64: {  	_ =	shalt  }
0x65: {  	_ =	shalt  }
0x66: {  	_ =	shalt  }
0x67: {  	_ =	shalt  }
0x68: {  	_ =	shalt  }
0x69: {  	_ =	shalt  }
0x6a: {  	_ =	shalt  }
0x6b: {  	_ =	shalt  }
0x6c: {  	_ =	shalt  }
0x6d: {  	_ =	shalt  }
0x6e: {  	_ =	shalt  }
0x6f: {  	_ =	shalt  }
0x70: {  	_ =	shalt  }
0x71: {  	_ =	shalt  }
0x72: {  	_ =	shalt  }
0x73: {  	_ =	shalt  }
0x74: {  	_ =	shalt  }
0x75: {  	_ =	shalt  }
0x76: {  	_ =	shalt  }
0x77: {  	_ =	shalt  }
0x78: {  	_ =	shalt  }
0x79: {  	_ =	shalt  }
0x7a: {  	_ =	shalt  }
0x7b: {  	_ =	shalt  }
0x7c: {  	_ =	shalt  }
0x7d: {  	_ =	shalt  }
0x7e: {  	_ =	shalt  }
0x7f: {  	_ =	shalt  }
0x80: {  	_ =	shalt  }
0x81: {  	_ =	shalt  }
0x82: {  	_ =	shalt  }
0x83: {  	_ =	shalt  }
0x84: {  	_ =	shalt  }
0x85: {  	_ =	shalt  }
0x86: {  	_ =	shalt  }
0x87: {  	_ =	shalt  }
.Lfunc_end0:
.L_simem_size_0:
called_computation.2_lowered:
.L_overlay_start_0:
0x88: {  	s2 =	sld [smem:$0x3FD9]  }
0x89: {  	s3 =	sld [smem:$0x3FFE];
	_ =	sdelay $0x1  }
0x8a: {  	s1 =	srdreg.scid  }
0x8b: {  	s0 =	sand.u32 $0x1, s1  }
0x8c: {  	s15 =	sshll.u32 s0, $0xA;
	s2 =	sadd.s32 s3, s2  }
0x8d: {  	s2 =	sadd.s32 s2, s15  }
0x8e: {  	[smem:$0x3FB6] =	sst s2  }
0x8f: {  	_ = 	snop  }
0x90: {  	s2 =	sld [smem:$0x3FD0];
	_ =	sdelay $0x2  }
0x91: {  	s16 =	simm.s32 $0xB;
	s4 =	simm.s32 $0x10  }
0x92: {  	[smem:s4], [sflag:s16] =	dma.local [hbm:s2], $0x1  }
0x93: {  	_ =	swait.eq [sflag:s16], $0x1  }
0x94: {  	[sflag:s16] =	ssyncset.done $0x0  }
0x95: {  	[sflag:s16] =	ssyncadd.s32 $0xFFFFFFFF  }
0x96: {  	s17 =	sld [smem:$0x13];
	(tm) =	ssettm $0x1  }
0x97: {  	s18 =	sld [smem:$0x3FFB];
	_ =	sdelay $0x3  }
0x98: {  	_ =	strace s18  }
0x99: {  	s2 =	sld [smem:$0x3FFC];
	_ =	sdelay $0x3  }
0x9a: {  	_ =	strace s2  }
0x9b: {  	s2 =	sld [smem:$0x3FFD];
	_ =	sdelay $0x3  }
0x9c: {  	_ =	strace s2  }
0x9d: {  	_ =	strace $0x8FFFFFFF  }
0x9e: {  	s19 =	sld [smem:$0x3FDB];
	_ =	sdelay $0x1  }
0x9f: {  	s20 =	simm.s32 $_scs_section_size  }
0xa0: {  	s5 =	simm.s32 $_size__tile_overlayer_lowered;
	s6 =	simm.s32 $_tile_overlayer_lowered  }
0xa1: {  	s7 =	simm.s32 $0x1BFF;
	s21 =	sshll.u32 s6, $0x1;
	s4 =	sadd.s32 s20, s19  }
0xa2: {  	s22 =	simm.s32 $0x0;
	s5 =	sshll.u32 s5, $0x1;
	s6 =	sadd.s32 s21, s4  }
0xa3: {  	[timem:s22], [sflag:s7] =	dma.local [hbm:s6], s5  }
0xa4: {  	_ =	swait.ge [sflag:s7], s5  }
0xa5: {  	s5 =	ssub.s32 $0x0, s5;
	[sflag:s7] =	ssyncset.done $0x0  }
0xa6: {  	[sflag:s7] =	ssyncadd.s32 s5;
	_ =	sdelay $0x1  }
0xa7: {  	s23 =	simm.s32 $0x1B8B  }
0xa8: {  	_ =	swait.ge [sflag:s23], $0x1  }
0xa9: {  	[sflag:s23] =	ssyncset.done $0x0  }
0xaa: {  	[sflag:s23] =	ssyncadd.s32 $0xFFFFFFFF  }
0xab: {  	s5 =	sld [smem:$0x0]  }
0xac: {  	s6 =	sand.u32 $0xFFFFFFFE, s1  }
0xad: {  	p0 =	sne.s32 s1, s6  }
0xae: {  	s6 =	sshll.u32 @p0 s6, $0xE  }
0xaf: {  	s6 =	sadd.s32 @p0 $0x11B8D, s6;
	s7 =	sshll.u32 @p0 s5, $0x11  }
0xb0: {  	s6 =	sor.u32 @p0 s7, s6  }
0xb1: {  	[sflag:s6] =	ssyncadd.remote.s32 @p0 $0x1;
	_ =	sdelay $0x1  }
0xb2: {  	s6 =	simm.s32 @p0 $0x1B8D  }
0xb3: {  	_ =	swait.eq @p0 [sflag:s6], $0x1  }
0xb4: {  	[sflag:s6] =	ssyncadd.s32 @p0 $0xFFFFFFFF  }
0xb5: {  	s7 =	sshll.u32 @!p0 s1, $0xE  }
0xb6: {  	s7 =	sor.u32 @!p0 $0x4000, s7;
	s6 =	simm.s32 @!p0 $0x1B8D  }
0xb7: {  	s5 =	sshll.u32 @!p0 s5, $0x11;
	s7 =	sadd.s32 @!p0 $0x11B8D, s7;
	_ =	swait.eq @!p0 [sflag:s6], $0x1  }
0xb8: {  	s5 =	sor.u32 @!p0 s5, s7;
	[sflag:s6] =	ssyncadd.s32 @!p0 $0xFFFFFFFF  }
0xb9: {  	s25 =	simm.s32 $0x1B8E;
	s24 =	sld [smem:$0x3FFE];
	[sflag:s5] =	ssyncadd.remote.s32 @!p0 $0x1  }
0xba: {  	s26 =	simm.s32 $execute0_lowered;
	[smem:$0x3FD2] =	sst s25  }
0xbb: {  	s6 =	sshll.u32 s26, $0x1;
	_ =	strace $0x8000004C;
	[dreg:$0x1] =	wrdreg $0xFFFFFFFF  }
0xbc: {  	s28 =	simm.s32 $_size_execute0_lowered;
	s4 =	sadd.s32 s4, s6;
	[dreg:$0x0] =	wrdreg $0x0  }
0xbd: {  	s6 =	sshll.u32 s28, $0x1;
	[dreg:$0x2] =	wrdreg s4  }
0xbe: {  	[dreg:$0x3] =	wrdreg s6  }
0xbf: {  	[dreg:$0x4] =	wrdreg $0xC0  }
0xc0: {  	_ =	task [dreg:s22], $0x5FFFF  }
0xc1: {  	[dreg:$0x1] =	wrdreg $0xFFFFFFFF  }
0xc2: {  	[dreg:$0x0] =	wrdreg $0x60  }
0xc3: {  	[dreg:$0x2] =	wrdreg s24  }
0xc4: {  	[dreg:$0x3] =	wrdreg s17  }
0xc5: {  	[dreg:$0x4] =	wrdreg $0xA2000  }
0xc6: {  	[dreg:$0x5] =	wrdreg $0xA  }
0xc7: {  	_ =	task.clear_ibuf [dreg:s22], $0x6FFFF;
	_ =	strace $0x9000004C  }
0xc8: {  	s29 =	simm.s32 $0xA;
	_ =	strace $0x8000004E  }
0xc9: {  	_ =	swait.ge [sflag:s29], $0x1  }
0xca: {  	[sflag:s29] =	ssyncadd.s32 $0xFFFFFFFF  }
0xcb: {  	_ =	strace $0x9000004E  }
0xcc: {  	_ =	sfence  }
0xcd: {  	s30 =	sld [smem:$0x0];
	_ =	sdelay $0x2  }
0xce: {  	s31 =	sshll.u32 s1, $0xD;
	s1 =	sshrl.u32 s1, $0x2  }
0xcf: {  	s4 =	sand.u32 $0x4000, s31;
	s1 =	sadd.s32 s1, s30  }
0xd0: {  	s0 =	sor.u32 s4, s0;
	s1 =	sshll.u32 s1, $0x11  }
0xd1: {  	s0 =	sor.u32 s1, s0  }
0xd2: {  	s0 =	sadd.s32 $0x8F2B, s0  }
0xd3: {  	[sflag:s0] =	ssyncadd.remote.s32 $0x1  }
0xd4: {  	_ =	sfence.sel $0xFFFF  }
0xd5: {  	[dreg:$0x0] =	wrdreg $0xFFFFFFFF;
	(pc) =	sbr.abs _section_cstart, $3  }
0xd6: {  	[dreg:$0x1] =	wrdreg $0xFFFFFFFF  }
0xd7: {  	_ =	task.clear_ibuf [dreg:s22], $0x2FFFF;
	_ =	strace $0x9FFFFFFF  }
0xd8: {  	(tm) =	ssettm $0x7FFFFFFF  }
0xd9: {  	_ =	shalt  }
tec
execute0_lowered:
.L_overlay_start_1:
0x0: {  	(tag) =	ssettag $0x1  }
0x1: {  	s1 =	srdreg.scid  }
0x2: {  	s1 =	sand.u32 $0x1, s1  }
0x3: {  	p0 =	seq.s32 s1, $0x1  }
.Ltmp0:
0x4: {  	s23 =	rddreg [dreg:$0x0];
	(pc) =	sbr.rel @p0 .LBB2_4-.Ltmp0, $4  }
0x5: {  	s0 =	rddreg [dreg:$0x1]  }
0x6: {  	s3 =	rddreg [dreg:$0x2];
	s9 =	simm.s32 $0x0  }
0x7: {  	[smem:$0x7FF] =	sst s9  }
0x8: {  	s2 =	rddreg [dreg:$0x3];
	s24 =	stileid.u32;
	_ =	strace $0x8000004D  }
0x9: {  	s2 =	smul.u32 $0xA000, s24  }
0xa: {  	s4 =	sor.u32 $0x10, s24;
	s25 =	smul.u32 $0x500, s24  }
0xb: {  	s12 =	sor.u32 $0x20, s24;
	s5 =	smul.u32 $0xA000, s4  }
0xc: {  	s8 =	smul.u32 $0xA000, s12  }
0xd: {  	s14 =	smul.u32 $0x500, s4  }
0xe: {  	s13 =	sshll.u32 s24, $0x6;
	s16 =	sor.u32 $0x30, s24;
	s28 =	smul.u32 $0x500, s12  }
0xf: {  	s20 =	sor.u32 $0x40, s24;
	s30 =	sor.u32 $0x50, s24;
	s17 =	smul.u32 $0xA000, s16  }
0x10: {  	p0 =	sgt.u32 s24, $0xC;
	s21 =	smul.u32 $0xA000, s20;
	s2 =	sshrl.u32 s2, $0x2  }
0x11: {  	s10 =	sadd.s32 s0, s25;
	s6 =	sadd.s32 s2, s3;
	s11 =	sshrl.u32 s5, $0x2  }
0x12: {  	s2 =	sor.u32 $0x1C09, s13;
	s15 =	sshrl.u32 s8, $0x2;
	s1 =	sshrl.u32 s6, $0x3  }
0x13: {  	s18 =	sadd.s32 s0, s14;
	s22 =	sadd.s32 s0, s28;
	[dreg:$0x6] =	wrdreg s1  }
0x14: {  	[spmem:s1], [sflag:s2] =	dma.local [hbm:s10], $0x500  }
0x15: {  	s7 =	sadd.s32 s11, s3;
	s11 =	simm.s32 $0x9;
	[dreg:$0x15] =	wrdreg s14  }
0x16: {  	s8 =	smul.u32 $0x500, s16;
	s29 =	sshrl.u32 s21, $0x2;
	_ =	swait.ge [sflag:s11], $0x500  }
0x17: {  	s16 =	sor.u32 $0x60, s24;
	s19 =	sshrl.u32 s7, $0x3;
	[sflag:s11] =	ssyncset.done $0x0  }
0x18: {  	s4 =	sadd.s32 s15, s3;
	[dreg:$0x7] =	wrdreg s19;
	[sflag:s11] =	ssyncadd.s32 $0xFFFFFB00  }
0x19: {  	[spmem:s19], [sflag:s2] =	dma.local [hbm:s18], $0x500  }
0x1a: {  	s6 =	sshrl.u32 s17, $0x2;
	s15 =	smul.u32 $0xA000, s30;
	_ =	swait.ge [sflag:s11], $0x500  }
0x1b: {  	s6 =	sadd.s32 s6, s3;
	s26 =	sshrl.u32 s4, $0x3;
	[sflag:s11] =	ssyncset.done $0x0  }
0x1c: {  	s13 =	sadd.s32 s0, s8;
	[dreg:$0x8] =	wrdreg s26;
	[sflag:s11] =	ssyncadd.s32 $0xFFFFFB00  }
0x1d: {  	[spmem:s26], [sflag:s2] =	dma.local [hbm:s22], $0x500  }
0x1e: {  	s4 =	sadd.s32 s29, s3;
	s29 =	smul.u32 $0x500, s16;
	_ =	swait.ge [sflag:s11], $0x500  }
0x1f: {  	s10 =	smul.u32 $0x500, s20;
	s14 =	sshrl.u32 s6, $0x3;
	[sflag:s11] =	ssyncset.done $0x0  }
0x20: {  	s17 =	sshrl.u32 s4, $0x3;
	[dreg:$0x9] =	wrdreg s14;
	[sflag:s11] =	ssyncadd.s32 $0xFFFFFB00  }
0x21: {  	[spmem:s14], [sflag:s2] =	dma.local [hbm:s13], $0x500  }
0x22: {  	s6 =	sadd.s32 $0x1607000, s23;
	s18 =	sshrl.u32 s15, $0x2;
	_ =	swait.ge [sflag:s11], $0x500  }
0x23: {  	s12 =	sadd.s32 s0, s10;
	s4 =	sadd.s32 s18, s3;
	[sflag:s11] =	ssyncset.done $0x0  }
0x24: {  	s13 =	smul.u32 $0xA000, s16;
	[dreg:$0xa] =	wrdreg s17;
	[sflag:s11] =	ssyncadd.s32 $0xFFFFFB00  }
0x25: {  	[spmem:s17], [sflag:s2] =	dma.local [hbm:s12], $0x500  }
0x26: {  	s21 =	sshrl.u32 s4, $0x3;
	s12 =	smul.u32 $0x500, s30;
	_ =	swait.ge [sflag:s11], $0x500  }
0x27: {  	s22 =	sor.u32 $0x70, s24;
	s19 =	sshrl.u32 s13, $0x2;
	[sflag:s11] =	ssyncset.done $0x0  }
0x28: {  	[dreg:$0xb] =	wrdreg s21;
	s20 =	sadd.s32 s0, s12;
	[sflag:s11] =	ssyncadd.s32 $0xFFFFFB00  }
0x29: {  	[spmem:s21], [sflag:s2] =	dma.local [hbm:s20], $0x500  }
0x2a: {  	s26 =	smul.u32 $0xA000, s22;
	s5 =	sadd.s32 s19, s3;
	_ =	swait.ge [sflag:s11], $0x500  }
0x2b: {  	s7 =	sadd.s32 s0, s29;
	s30 =	sshrl.u32 s5, $0x3;
	[sflag:s11] =	ssyncset.done $0x0  }
0x2c: {  	s1 =	sshrl.u32 s26, $0x2;
	[dreg:$0xc] =	wrdreg s30;
	[sflag:s11] =	ssyncadd.s32 $0xFFFFFB00  }
0x2d: {  	[spmem:s30], [sflag:s2] =	dma.local [hbm:s7], $0x500  }
0x2e: {  	s4 =	sadd.s32 s1, s3;
	s30 =	smul.u32 $0x500, s22;
	_ =	swait.ge [sflag:s11], $0x500  }
0x2f: {  	s1 =	sshrl.u32 @!p0 s4, $0x3;
	s5 =	smul.u32 $0x2710, s24;
	[sflag:s11] =	ssyncset.done $0x0  }
0x30: {  	[dreg:$0xd] =	wrdreg s1;
	s0 =	sadd.s32 s0, s30;
	[sflag:s11] =	ssyncadd.s32 $0xFFFFFB00  }
0x31: {  	[spmem:s1], [sflag:s2] =	dma.local @!p0 [hbm:s0], $0x500  }
0x32: {  	s15 =	simm.s32 $0x100;
	s17 =	smul.u32 $0x27100, s24;
	s0 =	simm.s32 @!p0 $0x9  }
0x33: {  	s14 =	simm.s32 $0x200;
	s19 =	sadd.s32 $0x1396000, s23;
	_ =	swait.ge @!p0 [sflag:s0], $0x500  }
0x34: {  	s4 =	sshrl.u32 s5, $0x3;
	s18 =	sadd.s32 s6, s17;
	[sflag:s0] =	ssyncset.done @!p0 $0x0  }
0x35: {  	s5 =	sadd.s32 s17, s6;
	s7 =	sadd.s32 $0x9000, s23;
	[sflag:s0] =	ssyncadd.s32 @!p0 $0xFFFFFB00  }
0x36: {  	s16 =	sadd.s32 s7, s4;
	s0 =	sadd.s32 $0x4000, s23;
	[bflag:$0x0] =	sbarrier.arrive $0xFFFF  }
0x37: {  	[tilespmem:s9], [sflag:$0x1] =	stream.linear.gather [hbm4b:s16+s9], $0x50, $0x38;
	[tilespmem:$0x1DA80] =	vst v63  }
0x38: {  	s20 =	sadd.s32 s19, s17;
	s4 =	sadd.s32 s0, s4;
	[dreg:$0x4] =	wrdreg s5  }
0x39: {  	[tilespmem:s14], [sflag:$0x5] =	stream.linear.gather [hbm4b:s18+s9], $0x2800, $0x38;
	[tilespmem:$0x1DA80] =	vst v63  }
0x3a: {  	s16 =	simm.s32 $0x5200;
	s22 =	rddreg [dreg:$0x4];
	s18 =	smul.u32 $0x4E2, s24  }
0x3b: {  	[tilespmem:s15], [sflag:$0x3] =	stream.linear.gather [hbm4b:s4+s9], $0x50, $0x38;
	[tilespmem:$0x1DA80] =	vst v63  }
0x3c: {  	s1 =	sadd.s32 $0x0, s22;
	s21 =	sadd.s32 s18, s7;
	s4 =	sadd.s32 s17, s19  }
0x3d: {  	s17 =	simm.s32 $0x80;
	s0 =	sadd.s32 s18, s0;
	s13 =	sadd.s32 $0x14, s21  }
0x3e: {  	[tilespmem:s16], [sflag:$0x7] =	stream.linear.gather [hbm4b:s20+s9], $0x2800, $0x38;
	[tilespmem:$0x1DA80] =	vst v63  }
0x3f: {  	[dreg:$0x5] =	wrdreg s4;
	s21 =	simm.s32 $0x2A00;
	s26 =	sadd.s32 $0xFFFFFFF6, s13  }
0x40: {  	[tilespmem:s17], [sflag:$0x2] =	stream.linear.gather [hbm4b:s26+s9], $0x50, $0x38;
	[tilespmem:$0x1DA80] =	vst v63  }
0x41: {  	s31 =	sadd.s32 $0x14, s0;
	s20 =	sadd.s32 $0x500, s1;
	s22 =	rddreg [dreg:$0x5]  }
0x42: {  	[tilespmem:s21], [sflag:$0x6] =	stream.linear.gather [hbm4b:s20+s9], $0x2800, $0x38;
	[tilespmem:$0x1DA80] =	vst v63  }
0x43: {  	s18 =	simm.s32 $0x180;
	s19 =	sadd.s32 $0x0, s22;
	s26 =	sadd.s32 $0xFFFFFFF6, s31  }
0x44: {  	[tilespmem:s18], [sflag:$0x4] =	stream.linear.gather [hbm4b:s26+s9], $0x50, $0x38;
	[tilespmem:$0x1DA80] =	vst v63  }
0x45: {  	s0 =	sadd.s32 $0x500, s19;
	s20 =	simm.s32 $0x7A00  }
0x46: {  	[tilespmem:s20], [sflag:$0x8] =	stream.linear.gather [hbm4b:s0+s9], $0x2800, $0x38;
	[tilespmem:$0x1DA80] =	vst v63  }
0x47: {  	s0 =	simm.s32 $0x1  }
0x48: {  	_ =	swait.ge [sflag:s0], $0x50  }
0x49: {  	[sflag:s0] =	ssyncset.done $0x0  }
0x4a: {  	s4 =	simm.s32 $0x5;
	[sflag:s0] =	ssyncadd.s32 $0xFFFFFFB0  }
0x4b: {  	_ =	swait.ge [sflag:s4], $0x2800  }
0x4c: {  	[sflag:s4] =	ssyncset.done $0x0  }
0x4d: {  	s26 =	simm.s32 $0x50;
	[sflag:s4] =	ssyncadd.s32 $0xFFFFD800  }
0x4e: {  	[spmem:s3] =	stream.indirect.scatter.add.f32 [tilespmem:s14], [sflag:$0x9], $0x80, s9, s26, $0xb8;
	[tilespmem:$0x1DA80] =	vst v63  }
0x4f: {  	_ =	swait.ge [sflag:s11], $0x2800  }
0x50: {  	[sflag:s11] =	ssyncset.done $0x0  }
0x51: {  	s5 =	simm.s32 $0x3;
	[sflag:s11] =	ssyncadd.s32 $0xFFFFD800  }
0x52: {  	_ =	swait.ge [sflag:s5], $0x50  }
0x53: {  	[sflag:s5] =	ssyncset.done $0x0  }
0x54: {  	s6 =	simm.s32 $0x7;
	[sflag:s5] =	ssyncadd.s32 $0xFFFFFFB0  }
0x55: {  	_ =	swait.ge [sflag:s6], $0x2800  }
0x56: {  	[sflag:s6] =	ssyncset.done $0x0  }
0x57: {  	[sflag:s6] =	ssyncadd.s32 $0xFFFFD800  }
0x58: {  	[spmem:s3] =	stream.indirect.scatter.add.f32 [tilespmem:s16], [sflag:$0x9], $0x80, s15, s26, $0xb8;
	[tilespmem:$0x1DA80] =	vst v63  }
0x59: {  	_ =	swait.ge [sflag:s11], $0x2800  }
0x5a: {  	[sflag:s11] =	ssyncset.done $0x0  }
0x5b: {  	[sflag:s11] =	ssyncadd.s32 $0xFFFFD800  }
0x5c: {  	[tilespmem:s9], [sflag:$0x1] =	stream.linear.gather [hbm4b:s13+s9], $0x50, $0x38;
	[tilespmem:$0x1DA80] =	vst v63  }
0x5d: {  	s7 =	sadd.s32 $0xA00, s1  }
0x5e: {  	[tilespmem:s14], [sflag:$0x5] =	stream.linear.gather [hbm4b:s7+s9], $0x2800, $0x38;
	[tilespmem:$0x1DA80] =	vst v63  }
0x5f: {  	_ = 	snop  }
0x60: {  	[tilespmem:s15], [sflag:$0x3] =	stream.linear.gather [hbm4b:s31+s9], $0x50, $0x38;
	[tilespmem:$0x1DA80] =	vst v63  }
0x61: {  	s1 =	sadd.s32 $0xA00, s19;
	s19 =	simm.s32 $0x2  }
0x62: {  	[tilespmem:s16], [sflag:$0x7] =	stream.linear.gather [hbm4b:s1+s9], $0x2800, $0x38;
	[tilespmem:$0x1DA80] =	vst v63  }
0x63: {  	_ =	swait.ge [sflag:s19], $0x50  }
0x64: {  	[sflag:s19] =	ssyncset.done $0x0  }
0x65: {  	s7 =	simm.s32 $0x6;
	[sflag:s19] =	ssyncadd.s32 $0xFFFFFFB0  }
0x66: {  	_ =	swait.ge [sflag:s7], $0x2800  }
0x67: {  	[sflag:s7] =	ssyncset.done $0x0  }
0x68: {  	[sflag:s7] =	ssyncadd.s32 $0xFFFFD800  }
0x69: {  	[spmem:s3] =	stream.indirect.scatter.add.f32 [tilespmem:s21], [sflag:$0x9], $0x80, s17, s26, $0xb8;
	[tilespmem:$0x1DA80] =	vst v63  }
0x6a: {  	_ =	swait.ge [sflag:s11], $0x2800  }
0x6b: {  	[sflag:s11] =	ssyncset.done $0x0  }
0x6c: {  	s22 =	simm.s32 $0x4;
	s1 =	sadd.s32 $0xE000, s23;
	[sflag:s11] =	ssyncadd.s32 $0xFFFFD800  }
0x6d: {  	s25 =	sadd.s32 s1, s25;
	_ =	swait.ge [sflag:s22], $0x50  }
0x6e: {  	s23 =	simm.s32 $0x8;
	[dreg:$0x14] =	wrdreg s25;
	[sflag:s22] =	ssyncset.done $0x0  }
0x6f: {  	s28 =	sadd.s32 s1, s28;
	s25 =	rddreg [dreg:$0x15];
	[sflag:s22] =	ssyncadd.s32 $0xFFFFFFB0  }
0x70: {  	s8 =	sadd.s32 s1, s8;
	_ =	swait.ge [sflag:s23], $0x2800;
	[dreg:$0x13] =	wrdreg s28  }
0x71: {  	s10 =	sadd.s32 s1, s10;
	[dreg:$0x12] =	wrdreg s8  }
0x72: {  	s29 =	sadd.s32 s1, s29;
	[dreg:$0x11] =	wrdreg s10  }
0x73: {  	s25 =	sadd.s32 s1, s25;
	s28 =	sadd.s32 s1, s12;
	[dreg:$0xf] =	wrdreg s29  }
0x74: {  	s1 =	sadd.s32 s1, s30;
	[sflag:s23] =	ssyncset.done $0x0;
	[dreg:$0x10] =	wrdreg s28  }
0x75: {  	s8 =	sadd.s32 $0x14, s13;
	[dreg:$0xe] =	wrdreg s1;
	[sflag:s23] =	ssyncadd.s32 $0xFFFFD800  }
0x76: {  	[spmem:s3] =	stream.indirect.scatter.add.f32 [tilespmem:s20], [sflag:$0x9], $0x80, s18, s26, $0xb8;
	[tilespmem:$0x1DA80] =	vst v63  }
0x77: {  	s10 =	simm.s32 $0xA00;
	s12 =	simm.s32 $0x1400;
	_ =	swait.ge [sflag:s11], $0x2800  }
.LBB2_2:
0x78: {  	s1 =	rddreg [dreg:$0x4];
	[sflag:s11] =	ssyncset.done $0x0  }
0x79: {  	s29 =	sadd.s32 $0xFFFFFFF6, s8;
	[sflag:s11] =	ssyncadd.s32 $0xFFFFD800;
	s1 =	sadd.s32 s10, s1  }
0x7a: {  	[tilespmem:s17], [sflag:$0x2] =	stream.linear.gather [hbm4b:s29+s9], $0x50, $0x38;
	[tilespmem:$0x1DA80] =	vst v63  }
0x7b: {  	s31 =	sadd.s32 $0x14, s31;
	s29 =	rddreg [dreg:$0x5];
	s30 =	sadd.s32 $0x500, s1  }
0x7c: {  	[tilespmem:s21], [sflag:$0x6] =	stream.linear.gather [hbm4b:s30+s9], $0x2800, $0x38;
	[tilespmem:$0x1DA80] =	vst v63  }
0x7d: {  	s28 =	sadd.s32 $0xFFFFFFF6, s31;
	s29 =	sadd.s32 s10, s29  }
0x7e: {  	[tilespmem:s18], [sflag:$0x4] =	stream.linear.gather [hbm4b:s28+s9], $0x50, $0x38;
	[tilespmem:$0x1DA80] =	vst v63  }
0x7f: {  	s28 =	sadd.s32 $0x500, s29  }
0x80: {  	[tilespmem:s20], [sflag:$0x8] =	stream.linear.gather [hbm4b:s28+s9], $0x2800, $0x38;
	[tilespmem:$0x1DA80] =	vst v63  }
0x81: {  	_ =	swait.ge [sflag:s0], $0x50  }
0x82: {  	[sflag:s0] =	ssyncset.done $0x0  }
0x83: {  	[sflag:s0] =	ssyncadd.s32 $0xFFFFFFB0  }
0x84: {  	_ =	swait.ge [sflag:s4], $0x2800  }
0x85: {  	[sflag:s4] =	ssyncset.done $0x0  }
0x86: {  	[sflag:s4] =	ssyncadd.s32 $0xFFFFD800  }
0x87: {  	[spmem:s3] =	stream.indirect.scatter.add.f32 [tilespmem:s14], [sflag:$0x9], $0x80, s9, s26, $0xb8;
	[tilespmem:$0x1DA80] =	vst v63  }
0x88: {  	_ =	swait.ge [sflag:s11], $0x2800  }
0x89: {  	[sflag:s11] =	ssyncset.done $0x0  }
0x8a: {  	[sflag:s11] =	ssyncadd.s32 $0xFFFFD800  }
0x8b: {  	_ =	swait.ge [sflag:s5], $0x50  }
0x8c: {  	[sflag:s5] =	ssyncset.done $0x0  }
0x8d: {  	[sflag:s5] =	ssyncadd.s32 $0xFFFFFFB0  }
0x8e: {  	_ =	swait.ge [sflag:s6], $0x2800  }
0x8f: {  	[sflag:s6] =	ssyncset.done $0x0  }
0x90: {  	[sflag:s6] =	ssyncadd.s32 $0xFFFFD800  }
0x91: {  	[spmem:s3] =	stream.indirect.scatter.add.f32 [tilespmem:s16], [sflag:$0x9], $0x80, s15, s26, $0xb8;
	[tilespmem:$0x1DA80] =	vst v63  }
0x92: {  	_ =	swait.ge [sflag:s11], $0x2800  }
0x93: {  	[sflag:s11] =	ssyncset.done $0x0  }
0x94: {  	[sflag:s11] =	ssyncadd.s32 $0xFFFFD800  }
0x95: {  	[tilespmem:s9], [sflag:$0x1] =	stream.linear.gather [hbm4b:s8+s9], $0x50, $0x38;
	[tilespmem:$0x1DA80] =	vst v63  }
0x96: {  	s1 =	sadd.s32 $0xA00, s1  }
0x97: {  	[tilespmem:s14], [sflag:$0x5] =	stream.linear.gather [hbm4b:s1+s9], $0x2800, $0x38;
	[tilespmem:$0x1DA80] =	vst v63  }
0x98: {  	_ = 	snop  }
0x99: {  	[tilespmem:s15], [sflag:$0x3] =	stream.linear.gather [hbm4b:s31+s9], $0x50, $0x38;
	[tilespmem:$0x1DA80] =	vst v63  }
0x9a: {  	s30 =	sadd.s32 $0xA00, s29  }
0x9b: {  	[tilespmem:s16], [sflag:$0x7] =	stream.linear.gather [hbm4b:s30+s9], $0x2800, $0x38;
	[tilespmem:$0x1DA80] =	vst v63  }
0x9c: {  	_ =	swait.ge [sflag:s19], $0x50  }
0x9d: {  	[sflag:s19] =	ssyncset.done $0x0  }
0x9e: {  	[sflag:s19] =	ssyncadd.s32 $0xFFFFFFB0  }
0x9f: {  	_ =	swait.ge [sflag:s7], $0x2800  }
0xa0: {  	[sflag:s7] =	ssyncset.done $0x0  }
0xa1: {  	[sflag:s7] =	ssyncadd.s32 $0xFFFFD800  }
0xa2: {  	[spmem:s3] =	stream.indirect.scatter.add.f32 [tilespmem:s21], [sflag:$0x9], $0x80, s17, s26, $0xb8;
	[tilespmem:$0x1DA80] =	vst v63  }
0xa3: {  	_ =	swait.ge [sflag:s11], $0x2800  }
0xa4: {  	[sflag:s11] =	ssyncset.done $0x0  }
0xa5: {  	[sflag:s11] =	ssyncadd.s32 $0xFFFFD800  }
0xa6: {  	_ =	swait.ge [sflag:s22], $0x50  }
0xa7: {  	[sflag:s22] =	ssyncset.done $0x0  }
0xa8: {  	p1 =	sne.s32 s12, $0x26200;
	[sflag:s22] =	ssyncadd.s32 $0xFFFFFFB0  }
.Ltmp1:
0xa9: {  	_ =	swait.ge [sflag:s23], $0x2800;
	(pc) =	sbr.rel @p1 .LBB2_2-.Ltmp1, $4  }
0xaa: {  	[sflag:s23] =	ssyncset.done $0x0  }
0xab: {  	s13 =	smov.u32 s12;
	s12 =	sadd.s32 $0xA00, s12;
	[sflag:s23] =	ssyncadd.s32 $0xFFFFD800  }
0xac: {  	[spmem:s3] =	stream.indirect.scatter.add.f32 [tilespmem:s20], [sflag:$0x9], $0x80, s18, s26, $0xb8;
	[tilespmem:$0x1DA80] =	vst v63  }
0xad: {  	s10 =	smov.u32 s13;
	s8 =	sadd.s32 $0x14, s8;
	_ =	swait.ge [sflag:s11], $0x2800  }
0xae: {  	[sflag:s11] =	ssyncset.done $0x0;
	s1 =	rddreg [dreg:$0x4]  }
0xaf: {  	s12 =	sadd.s32 $0xFFFFFFF6, s8;
	[sflag:s11] =	ssyncadd.s32 $0xFFFFD800;
	s1 =	sadd.s32 s10, s1  }
0xb0: {  	[tilespmem:s17], [sflag:$0x2] =	stream.linear.gather [hbm4b:s12+s9], $0x50, $0x38;
	[tilespmem:$0x1DA80] =	vst v63  }
0xb1: {  	s30 =	rddreg [dreg:$0x5];
	s28 =	sadd.s32 $0x14, s31;
	s13 =	sadd.s32 $0x500, s1  }
0xb2: {  	[tilespmem:s21], [sflag:$0x6] =	stream.linear.gather [hbm4b:s13+s9], $0x2800, $0x38;
	[tilespmem:$0x1DA80] =	vst v63  }
0xb3: {  	s29 =	sadd.s32 s10, s30;
	s30 =	sadd.s32 $0xFFFFFFF6, s28  }
0xb4: {  	[tilespmem:s18], [sflag:$0x4] =	stream.linear.gather [hbm4b:s30+s9], $0x50, $0x38;
	[tilespmem:$0x1DA80] =	vst v63  }
0xb5: {  	s31 =	sadd.s32 $0x500, s29  }
0xb6: {  	[tilespmem:s20], [sflag:$0x8] =	stream.linear.gather [hbm4b:s31+s9], $0x2800, $0x38;
	[tilespmem:$0x1DA80] =	vst v63  }
0xb7: {  	_ =	swait.ge [sflag:s0], $0x50  }
0xb8: {  	[sflag:s0] =	ssyncset.done $0x0  }
0xb9: {  	[sflag:s0] =	ssyncadd.s32 $0xFFFFFFB0  }
0xba: {  	_ =	swait.ge [sflag:s4], $0x2800  }
0xbb: {  	[sflag:s4] =	ssyncset.done $0x0  }
0xbc: {  	[sflag:s4] =	ssyncadd.s32 $0xFFFFD800  }
0xbd: {  	[spmem:s3] =	stream.indirect.scatter.add.f32 [tilespmem:s14], [sflag:$0x9], $0x80, s9, s26, $0xb8;
	[tilespmem:$0x1DA80] =	vst v63  }
0xbe: {  	_ =	swait.ge [sflag:s11], $0x2800  }
0xbf: {  	[sflag:s11] =	ssyncset.done $0x0  }
0xc0: {  	[sflag:s11] =	ssyncadd.s32 $0xFFFFD800  }
0xc1: {  	_ =	swait.ge [sflag:s5], $0x50  }
0xc2: {  	[sflag:s5] =	ssyncset.done $0x0  }
0xc3: {  	[sflag:s5] =	ssyncadd.s32 $0xFFFFFFB0  }
0xc4: {  	_ =	swait.ge [sflag:s6], $0x2800  }
0xc5: {  	[sflag:s6] =	ssyncset.done $0x0  }
0xc6: {  	[sflag:s6] =	ssyncadd.s32 $0xFFFFD800  }
0xc7: {  	[spmem:s3] =	stream.indirect.scatter.add.f32 [tilespmem:s16], [sflag:$0x9], $0x80, s15, s26, $0xb8;
	[tilespmem:$0x1DA80] =	vst v63  }
0xc8: {  	_ =	swait.ge [sflag:s11], $0x2800  }
0xc9: {  	[sflag:s11] =	ssyncset.done $0x0  }
0xca: {  	[sflag:s11] =	ssyncadd.s32 $0xFFFFD800  }
0xcb: {  	[tilespmem:s9], [sflag:$0x1] =	stream.linear.gather [hbm4b:s8+s9], $0x50, $0x38;
	[tilespmem:$0x1DA80] =	vst v63  }
0xcc: {  	s5 =	sadd.s32 $0xA00, s1  }
0xcd: {  	[tilespmem:s14], [sflag:$0x5] =	stream.linear.gather [hbm4b:s5+s9], $0x2800, $0x38;
	[tilespmem:$0x1DA80] =	vst v63  }
0xce: {  	_ = 	snop  }
0xcf: {  	[tilespmem:s15], [sflag:$0x3] =	stream.linear.gather [hbm4b:s28+s9], $0x50, $0x38;
	[tilespmem:$0x1DA80] =	vst v63  }
0xd0: {  	s6 =	sadd.s32 $0xA00, s29  }
0xd1: {  	[tilespmem:s16], [sflag:$0x7] =	stream.linear.gather [hbm4b:s6+s9], $0x2800, $0x38;
	[tilespmem:$0x1DA80] =	vst v63  }
0xd2: {  	_ =	swait.ge [sflag:s19], $0x50  }
0xd3: {  	[sflag:s19] =	ssyncset.done $0x0  }
0xd4: {  	[sflag:s19] =	ssyncadd.s32 $0xFFFFFFB0  }
0xd5: {  	_ =	swait.ge [sflag:s7], $0x2800  }
0xd6: {  	[sflag:s7] =	ssyncset.done $0x0  }
0xd7: {  	[sflag:s7] =	ssyncadd.s32 $0xFFFFD800  }
0xd8: {  	[spmem:s3] =	stream.indirect.scatter.add.f32 [tilespmem:s21], [sflag:$0x9], $0x80, s17, s26, $0xb8;
	[tilespmem:$0x1DA80] =	vst v63  }
0xd9: {  	_ =	swait.ge [sflag:s11], $0x2800  }
0xda: {  	[sflag:s11] =	ssyncset.done $0x0  }
0xdb: {  	[sflag:s11] =	ssyncadd.s32 $0xFFFFD800  }
0xdc: {  	_ =	swait.ge [sflag:s22], $0x50  }
0xdd: {  	[sflag:s22] =	ssyncset.done $0x0  }
0xde: {  	[sflag:s22] =	ssyncadd.s32 $0xFFFFFFB0  }
0xdf: {  	_ =	swait.ge [sflag:s23], $0x2800  }
0xe0: {  	[sflag:s23] =	ssyncset.done $0x0  }
0xe1: {  	[sflag:s23] =	ssyncadd.s32 $0xFFFFD800  }
0xe2: {  	[spmem:s3] =	stream.indirect.scatter.add.f32 [tilespmem:s20], [sflag:$0x9], $0x80, s18, s26, $0xb8;
	[tilespmem:$0x1DA80] =	vst v63  }
0xe3: {  	_ =	swait.ge [sflag:s11], $0x2800  }
0xe4: {  	[sflag:s11] =	ssyncset.done $0x0  }
0xe5: {  	s7 =	simm.s32 $0x1;
	[sflag:s11] =	ssyncadd.s32 $0xFFFFD800  }
0xe6: {  	_ =	swait.ge [sflag:s7], $0x50  }
0xe7: {  	[sflag:s7] =	ssyncset.done $0x0  }
0xe8: {  	s8 =	simm.s32 $0x5;
	[sflag:s7] =	ssyncadd.s32 $0xFFFFFFB0  }
0xe9: {  	_ =	swait.ge [sflag:s8], $0x2800  }
0xea: {  	s10 =	simm.s32 $0x0;
	s12 =	simm.s32 $0x9;
	[sflag:s8] =	ssyncset.done $0x0  }
0xeb: {  	s9 =	simm.s32 $0x50;
	s11 =	simm.s32 $0x200;
	[sflag:s8] =	ssyncadd.s32 $0xFFFFD800  }
0xec: {  	[spmem:s3] =	stream.indirect.scatter.add.f32 [tilespmem:s11], [sflag:$0x9], $0x80, s10, s9, $0xb8;
	[tilespmem:$0x1DA80] =	vst v63  }
0xed: {  	_ =	swait.ge [sflag:s12], $0x2800  }
0xee: {  	[sflag:s12] =	ssyncset.done $0x0  }
0xef: {  	s13 =	simm.s32 $0x3;
	[sflag:s12] =	ssyncadd.s32 $0xFFFFD800  }
0xf0: {  	_ =	swait.ge [sflag:s13], $0x50  }
0xf1: {  	[sflag:s13] =	ssyncset.done $0x0  }
0xf2: {  	s14 =	simm.s32 $0x7;
	[sflag:s13] =	ssyncadd.s32 $0xFFFFFFB0  }
0xf3: {  	_ =	swait.ge [sflag:s14], $0x2800  }
0xf4: {  	[sflag:s14] =	ssyncset.done $0x0  }
0xf5: {  	s15 =	simm.s32 $0x100;
	s16 =	simm.s32 $0x5200;
	[sflag:s14] =	ssyncadd.s32 $0xFFFFD800  }
0xf6: {  	[spmem:s3] =	stream.indirect.scatter.add.f32 [tilespmem:s16], [sflag:$0x9], $0x80, s15, s9, $0xb8;
	[tilespmem:$0x1DA80] =	vst v63  }
0xf7: {  	_ =	swait.ge [sflag:s12], $0x2800  }
0xf8: {  	[sflag:s12] =	ssyncset.done $0x0  }
0xf9: {  	[sflag:s12] =	ssyncadd.s32 $0xFFFFD800  }
0xfa: {  	[bflag:$0x0] =	sbarrier.arrive $0xFFFF  }
0xfb: {  	s17 =	rddreg [dreg:$0x6]  }
0xfc: {  	s18 =	rddreg [dreg:$0x14]  }
0xfd: {  	[hbm:s18], [sflag:s2] =	dma.local [spmem:s17], $0x500  }
0xfe: {  	_ =	swait.ge [sflag:s12], $0x500  }
0xff: {  	[sflag:s12] =	ssyncset.done $0x0  }
0x100: {  	s19 =	rddreg [dreg:$0x7];
	[sflag:s12] =	ssyncadd.s32 $0xFFFFFB00  }
0x101: {  	[hbm:s25], [sflag:s2] =	dma.local [spmem:s19], $0x500  }
0x102: {  	_ =	swait.ge [sflag:s12], $0x500  }
0x103: {  	[sflag:s12] =	ssyncset.done $0x0;
	s20 =	rddreg [dreg:$0x8]  }
0x104: {  	s21 =	rddreg [dreg:$0x13];
	[sflag:s12] =	ssyncadd.s32 $0xFFFFFB00  }
0x105: {  	[hbm:s21], [sflag:s2] =	dma.local [spmem:s20], $0x500  }
0x106: {  	_ =	swait.ge [sflag:s12], $0x500  }
0x107: {  	[sflag:s12] =	ssyncset.done $0x0;
	s22 =	rddreg [dreg:$0x9]  }
0x108: {  	s23 =	rddreg [dreg:$0x12];
	[sflag:s12] =	ssyncadd.s32 $0xFFFFFB00  }
0x109: {  	[hbm:s23], [sflag:s2] =	dma.local [spmem:s22], $0x500  }
0x10a: {  	_ =	swait.ge [sflag:s12], $0x500  }
0x10b: {  	[sflag:s12] =	ssyncset.done $0x0;
	s25 =	rddreg [dreg:$0xa]  }
0x10c: {  	s26 =	rddreg [dreg:$0x11];
	[sflag:s12] =	ssyncadd.s32 $0xFFFFFB00  }
0x10d: {  	[hbm:s26], [sflag:s2] =	dma.local [spmem:s25], $0x500  }
0x10e: {  	_ =	swait.ge [sflag:s12], $0x500  }
0x10f: {  	[sflag:s12] =	ssyncset.done $0x0;
	s28 =	rddreg [dreg:$0xb]  }
0x110: {  	s29 =	rddreg [dreg:$0x10];
	[sflag:s12] =	ssyncadd.s32 $0xFFFFFB00  }
0x111: {  	[hbm:s29], [sflag:s2] =	dma.local [spmem:s28], $0x500  }
0x112: {  	_ =	swait.ge [sflag:s12], $0x500  }
0x113: {  	[sflag:s12] =	ssyncset.done $0x0;
	s30 =	rddreg [dreg:$0xc]  }
0x114: {  	s31 =	rddreg [dreg:$0xf];
	[sflag:s12] =	ssyncadd.s32 $0xFFFFFB00  }
0x115: {  	[hbm:s31], [sflag:s2] =	dma.local [spmem:s30], $0x500  }
0x116: {  	_ =	swait.ge [sflag:s12], $0x500  }
0x117: {  	[sflag:s12] =	ssyncset.done $0x0;
	s0 =	rddreg [dreg:$0xd]  }
0x118: {  	s1 =	rddreg [dreg:$0xe];
	[sflag:s12] =	ssyncadd.s32 $0xFFFFFB00  }
0x119: {  	[hbm:s1], [sflag:s2] =	dma.local @!p0 [spmem:s0], $0x500  }
0x11a: {  	s0 =	simm.s32 @!p0 $0x9  }
0x11b: {  	_ =	swait.ge @!p0 [sflag:s0], $0x500  }
0x11c: {  	[sflag:s0] =	ssyncset.done @!p0 $0x0  }
0x11d: {  	[sflag:s0] =	ssyncadd.s32 @!p0 $0xFFFFFB00  }
0x11e: {  	s2 =	rddreg [dreg:$0x3]  }
.LBB2_4:
0x11f: {  	_ =	sfence.sel $0x180000  }
0x120: {  	[bflag:$0x0] =	sbarrier.arrive $0xFFFF  }
0x121: {  	p0 =	sne.s32 s24, $0x0;
	_ =	strace $0x9000004D  }
0x122: {  	s0 =	sadd.s32 @!p0 $0x100000, s2;
	[bflag:$0x2] =	sbarrier.arrive $0xFFFF  }
0x123: {  	[sflag:s0] =	ssyncadd.tile.s32 @!p0 $0x1;
	_ =	shalt  }
.Lfunc_end2:
_tile_overlayer_lowered:
.L_overlay_start_2:
0x124: {  	(tag) =	ssettag $0x2  }
0x125: {  	s0 =	rddreg [dreg:$0x0];
	s2 =	stileid.u32  }
0x126: {  	s1 =	rddreg [dreg:$0x1];
	p0 =	sne.s32 s2, $0x0  }
0x127: {  	s3 =	rddreg [dreg:$0x2];
	[bflag:$0x3] =	sbarrier.arrive $0xFFFF;
	s2 =	simm.s32 @!p0 $0x1C09  }
0x128: {  	[timem:s3], [sflag:s2] =	dma.local @!p0 [hbm:s0], s1  }
0x129: {  	s0 =	simm.s32 @!p0 $0x9  }
0x12a: {  	_ =	swait.ge @!p0 [sflag:s0], s1  }
0x12b: {  	s1 =	ssub.s32 @!p0 $0x0, s1;
	[sflag:s0] =	ssyncset.done @!p0 $0x0  }
0x12c: {  	[sflag:s0] =	ssyncadd.s32 @!p0 s1  }
0x12d: {  	[bflag:$0x3] =	sbarrier.arrive $0xFFFF  }
0x12e: {  	_ =	shalt  }

// kernel: kernel.20.cloned.1.call-start
scs
__scs_entry_jumppad:
0x0: {  	(pc) =	sbr.rel $0x88, $3  }
0x1: {  	(tag) =	ssettag $0x0;
	lr =	simm.s32 $0x1  }
0x2: {  	[smem:$0x3F8F] =	sst lr;
	_ =	strace $0xD0000000  }
0x3: {  	_ = 	snop  }
0x4: {  	_ = 	snop  }
0x5: {  	_ = 	snop  }
0x6: {  	_ = 	snop  }
0x7: {  	_ = 	snop  }
__scs_overlays_trampoline_lowered:
0x8: {  	[smem:$0x3F9E] =	sst s0  }
0x9: {  	[smem:$0x3F9F] =	sst s1  }
0xa: {  	[smem:$0x3FA0] =	sst s2  }
0xb: {  	[smem:$0x3FA1] =	sst s3  }
0xc: {  	[smem:$0x3FA2] =	sst s4  }
0xd: {  	[smem:$0x3FA3] =	sst s5  }
0xe: {  	[smem:$0x3FA4] =	sst s6  }
0xf: {  	[smem:$0x3FA5] =	sst s7  }
0x10: {  	[smem:$0x3FA6] =	sst s8  }
0x11: {  	[smem:$0x3FA7] =	sst s9;
	s0 =	simm.s32 @!p0 $0x0  }
0x12: {  	s1 =	sld [smem:$0x3F8D];
	s0 =	simm.s32 @p0 $0x1  }
0x13: {  	[smem:$0x3FA8] =	sst s0;
	s0 =	simm.s32 @!p1 $0x0  }
0x14: {  	s2 =	sld [smem:$0x3F8C];
	s0 =	simm.s32 @p1 $0x1  }
0x15: {  	[smem:$0x3FA9] =	sst s0;
	s0 =	simm.s32 @!p2 $0x0  }
0x16: {  	s3 =	sld [smem:$0x3FDB];
	s0 =	simm.s32 @p2 $0x1  }
0x17: {  	s4 =	simm.s32 $0x1BF5;
	[smem:$0x3FAB] =	sst s0  }
0x18: {  	s0 =	sld [smem:$0x3F8E];
	_ =	swait.ge [sflag:s4], $0x0  }
0x19: {  	s7 =	sld [smem:$0x3F8F]  }
0x1a: {  	s8 =	sadd.s32 $0xFFFFE003, lr  }
0x1b: {  	s9 =	sadd.s32 $0xFFFFFEF7, lr;
	s5 =	simm.s32 $0xFFFFFFFF;
	p2 =	slt.u32 s8, $0xFFFFF086  }
0x1c: {  	p1 =	slt.u32 s9, $0xF7A;
	s5 =	simm.s32 @!p2 $0x0  }
0x1d: {  	s5 =	simm.s32 @p1 $0x1;
	p0 =	seq.s32 s7, s2  }
0x1e: {  	s7 =	smul.u32 @!p0 $0xF7A, s2;
	p2 =	seq.s32 @!p0 s5, $0x0  }
0x1f: {  	s9 =	smul.u32 $0xF7A, s1;
	s8 =	simm.s32 @!p0 $0x1BF5;
	p2 =	por !p2, p0  }
0x20: {  	[sflag:s8] =	ssyncset.s32 @!p0 $0xFFFFF086;
	s6 =	sadd.s32 @!p0 s3, s7;
	s7 =	simm.s32 @!p0 $0x108  }
0x21: {  	s3 =	sadd.s32 s3, s9;
	s6 =	sadd.s32 @!p0 $0x88, s6;
	s7 =	simm.s32 @p2 $0x1082  }
0x22: {  	[simem:s7], [sflag:s8] =	dma.local @!p0 [hbm:s6], $0xF7A  }
0x23: {  	s9 =	sor.u32 $0xD0000000, s2;
	s6 =	simm.s32 $0x108;
	_ =	swait.ge @!p0 [sflag:s8], $0x0  }
0x24: {  	s3 =	sadd.s32 $0x88, s3;
	s6 =	simm.s32 @!p1 $0x1082;
	[sflag:s4] =	ssyncset.s32 $0xFFFFF086  }
0x25: {  	[simem:s6], [sflag:s4] =	dma.local [hbm:s3], $0xF7A  }
0x26: {  	[smem:$0x3F8F] =	sst s1;
	(tag) =	ssettag s2;
	_ =	strace s9  }
0x27: {  	s1 =	sld [smem:$0x3F9F]  }
0x28: {  	s2 =	sld [smem:$0x3FA0]  }
0x29: {  	s4 =	sld [smem:$0x3FA2]  }
0x2a: {  	p0 =	seq.s32 s5, $0x0;
	s5 =	sld [smem:$0x3FA3]  }
0x2b: {  	s6 =	sld [smem:$0x3FA4]  }
0x2c: {  	s7 =	sld [smem:$0x3FA5]  }
0x2d: {  	s3 =	simm.s32 $0x108;
	s8 =	sld [smem:$0x3FA6]  }
0x2e: {  	s3 =	simm.s32 @!p0 $0x1082;
	s9 =	sld [smem:$0x3FA7]  }
0x2f: {  	lr =	sadd.s32 s0, s3;
	s0 =	sld [smem:$0x3F9E]  }
0x30: {  	s3 =	sld [smem:$0x3FA1]  }
0x31: {  	[smem:$0x3FAA] =	sst s10  }
0x32: {  	s10 =	sld [smem:$0x3FA8];
	_ =	sdelay $0x3  }
0x33: {  	p0 =	seq.s32 s10, $0x1;
	s10 =	sld [smem:$0x3FAA];
	_ =	sdelay $0x3  }
0x34: {  	[smem:$0x3FAA] =	sst s10  }
0x35: {  	s10 =	sld [smem:$0x3FA9];
	_ =	sdelay $0x3  }
0x36: {  	p1 =	seq.s32 s10, $0x1;
	s10 =	sld [smem:$0x3FAA];
	_ =	sdelay $0x3  }
0x37: {  	[smem:$0x3FAA] =	sst s10  }
0x38: {  	s10 =	sld [smem:$0x3FAB]  }
0x39: {  	_ = 	snop;
	(pc) =	sbr.ind lr, $3  }
0x3a: {  	_ = 	snop  }
0x3b: {  	_ = 	snop  }
0x3c: {  	p2 =	seq.s32 s10, $0x1;
	s10 =	sld [smem:$0x3FAA]  }
0x3d: {  	_ =	shalt  }
0x3e: {  	_ =	shalt  }
0x3f: {  	_ =	shalt  }
0x40: {  	_ =	shalt  }
0x41: {  	_ =	shalt  }
0x42: {  	_ =	shalt  }
0x43: {  	_ =	shalt  }
0x44: {  	_ =	shalt  }
0x45: {  	_ =	shalt  }
0x46: {  	_ =	shalt  }
0x47: {  	_ =	shalt  }
0x48: {  	_ =	shalt  }
0x49: {  	_ =	shalt  }
0x4a: {  	_ =	shalt  }
0x4b: {  	_ =	shalt  }
0x4c: {  	_ =	shalt  }
0x4d: {  	_ =	shalt  }
0x4e: {  	_ =	shalt  }
0x4f: {  	_ =	shalt  }
0x50: {  	_ =	shalt  }
0x51: {  	_ =	shalt  }
0x52: {  	_ =	shalt  }
0x53: {  	_ =	shalt  }
0x54: {  	_ =	shalt  }
0x55: {  	_ =	shalt  }
0x56: {  	_ =	shalt  }
0x57: {  	_ =	shalt  }
0x58: {  	_ =	shalt  }
0x59: {  	_ =	shalt  }
0x5a: {  	_ =	shalt  }
0x5b: {  	_ =	shalt  }
0x5c: {  	_ =	shalt  }
0x5d: {  	_ =	shalt  }
0x5e: {  	_ =	shalt  }
0x5f: {  	_ =	shalt  }
0x60: {  	_ =	shalt  }
0x61: {  	_ =	shalt  }
0x62: {  	_ =	shalt  }
0x63: {  	_ =	shalt  }
0x64: {  	_ =	shalt  }
0x65: {  	_ =	shalt  }
0x66: {  	_ =	shalt  }
0x67: {  	_ =	shalt  }
0x68: {  	_ =	shalt  }
0x69: {  	_ =	shalt  }
0x6a: {  	_ =	shalt  }
0x6b: {  	_ =	shalt  }
0x6c: {  	_ =	shalt  }
0x6d: {  	_ =	shalt  }
0x6e: {  	_ =	shalt  }
0x6f: {  	_ =	shalt  }
0x70: {  	_ =	shalt  }
0x71: {  	_ =	shalt  }
0x72: {  	_ =	shalt  }
0x73: {  	_ =	shalt  }
0x74: {  	_ =	shalt  }
0x75: {  	_ =	shalt  }
0x76: {  	_ =	shalt  }
0x77: {  	_ =	shalt  }
0x78: {  	_ =	shalt  }
0x79: {  	_ =	shalt  }
0x7a: {  	_ =	shalt  }
0x7b: {  	_ =	shalt  }
0x7c: {  	_ =	shalt  }
0x7d: {  	_ =	shalt  }
0x7e: {  	_ =	shalt  }
0x7f: {  	_ =	shalt  }
0x80: {  	_ =	shalt  }
0x81: {  	_ =	shalt  }
0x82: {  	_ =	shalt  }
0x83: {  	_ =	shalt  }
0x84: {  	_ =	shalt  }
0x85: {  	_ =	shalt  }
0x86: {  	_ =	shalt  }
0x87: {  	_ =	shalt  }
.Lfunc_end0:
.L_simem_size_0:
called_computation.3_lowered:
.L_overlay_start_0:
0x88: {  	s2 =	sld [smem:$0x3FD9]  }
0x89: {  	s3 =	sld [smem:$0x3FFE];
	_ =	sdelay $0x1  }
0x8a: {  	s1 =	srdreg.scid  }
0x8b: {  	s0 =	sand.u32 $0x1, s1  }
0x8c: {  	s17 =	sshll.u32 s0, $0xA;
	s2 =	sadd.s32 s3, s2  }
0x8d: {  	s2 =	sadd.s32 s2, s17  }
0x8e: {  	[smem:$0x3FB6] =	sst s2  }
0x8f: {  	_ = 	snop  }
0x90: {  	(tm) =	ssettm $0x1  }
0x91: {  	s18 =	sld [smem:$0x3FFB];
	_ =	sdelay $0x3  }
0x92: {  	_ =	strace s18  }
0x93: {  	s2 =	sld [smem:$0x3FFC];
	_ =	sdelay $0x3  }
0x94: {  	_ =	strace s2  }
0x95: {  	s2 =	sld [smem:$0x3FFD];
	_ =	sdelay $0x3  }
0x96: {  	_ =	strace s2  }
0x97: {  	_ =	strace $0x8FFFFFFF  }
0x98: {  	s19 =	sld [smem:$0x3FDB];
	_ =	sdelay $0x1  }
0x99: {  	s20 =	simm.s32 $_scs_section_size  }
0x9a: {  	s4 =	simm.s32 $_size__tile_overlayer_lowered;
	s5 =	simm.s32 $_tile_overlayer_lowered  }
0x9b: {  	s6 =	simm.s32 $0x1BFF;
	s21 =	sshll.u32 s5, $0x1;
	s3 =	sadd.s32 s20, s19  }
0x9c: {  	s22 =	simm.s32 $0x0;
	s4 =	sshll.u32 s4, $0x1;
	s5 =	sadd.s32 s21, s3  }
0x9d: {  	[timem:s22], [sflag:s6] =	dma.local [hbm:s5], s4  }
0x9e: {  	_ =	swait.ge [sflag:s6], s4  }
0x9f: {  	s4 =	ssub.s32 $0x0, s4;
	[sflag:s6] =	ssyncset.done $0x0  }
0xa0: {  	[sflag:s6] =	ssyncadd.s32 s4;
	_ =	sdelay $0x1  }
0xa1: {  	s23 =	simm.s32 $0x1B8B  }
0xa2: {  	_ =	swait.ge [sflag:s23], $0x1  }
0xa3: {  	[sflag:s23] =	ssyncset.done $0x0  }
0xa4: {  	[sflag:s23] =	ssyncadd.s32 $0xFFFFFFFF  }
0xa5: {  	s4 =	sld [smem:$0x0]  }
0xa6: {  	s5 =	sand.u32 $0xFFFFFFFE, s1  }
0xa7: {  	p0 =	sne.s32 s1, s5  }
0xa8: {  	s5 =	sshll.u32 @p0 s5, $0xE  }
0xa9: {  	s5 =	sadd.s32 @p0 $0x11B8D, s5;
	s6 =	sshll.u32 @p0 s4, $0x11  }
0xaa: {  	s5 =	sor.u32 @p0 s6, s5  }
0xab: {  	[sflag:s5] =	ssyncadd.remote.s32 @p0 $0x1;
	_ =	sdelay $0x1  }
0xac: {  	s5 =	simm.s32 @p0 $0x1B8D  }
0xad: {  	_ =	swait.eq @p0 [sflag:s5], $0x1  }
0xae: {  	[sflag:s5] =	ssyncadd.s32 @p0 $0xFFFFFFFF  }
0xaf: {  	s6 =	sshll.u32 @!p0 s1, $0xE  }
0xb0: {  	s6 =	sor.u32 @!p0 $0x4000, s6;
	s5 =	simm.s32 @!p0 $0x1B8D  }
0xb1: {  	s4 =	sshll.u32 @!p0 s4, $0x11;
	s6 =	sadd.s32 @!p0 $0x11B8D, s6;
	_ =	swait.eq @!p0 [sflag:s5], $0x1  }
0xb2: {  	s4 =	sor.u32 @!p0 s4, s6;
	[sflag:s5] =	ssyncadd.s32 @!p0 $0xFFFFFFFF  }
0xb3: {  	s25 =	simm.s32 $0x1B8E;
	s24 =	sld [smem:$0x3FFE];
	[sflag:s4] =	ssyncadd.remote.s32 @!p0 $0x1  }
0xb4: {  	s26 =	simm.s32 $execute0_lowered;
	[smem:$0x3FD2] =	sst s25  }
0xb5: {  	s5 =	sshll.u32 s26, $0x1;
	_ =	strace $0x80000052;
	[dreg:$0x1] =	wrdreg $0xFFFFFFFF  }
0xb6: {  	s28 =	simm.s32 $_size_execute0_lowered;
	s3 =	sadd.s32 s3, s5;
	[dreg:$0x0] =	wrdreg $0x0  }
0xb7: {  	s5 =	sshll.u32 s28, $0x1;
	[dreg:$0x2] =	wrdreg s3  }
0xb8: {  	[dreg:$0x3] =	wrdreg s5  }
0xb9: {  	[dreg:$0x4] =	wrdreg $0xC0  }
0xba: {  	_ =	task [dreg:s22], $0x5FFFF  }
0xbb: {  	[dreg:$0x1] =	wrdreg $0xFFFFFFFF  }
0xbc: {  	[dreg:$0x0] =	wrdreg $0x60  }
0xbd: {  	[dreg:$0x2] =	wrdreg s24  }
0xbe: {  	[dreg:$0x3] =	wrdreg $0xA  }
0xbf: {  	_ =	task.clear_ibuf [dreg:s22], $0x4FFFF;
	_ =	strace $0x90000052  }
0xc0: {  	s29 =	simm.s32 $0xA;
	_ =	strace $0x80000054  }
0xc1: {  	_ =	swait.ge [sflag:s29], $0x1  }
0xc2: {  	[sflag:s29] =	ssyncadd.s32 $0xFFFFFFFF  }
0xc3: {  	_ =	strace $0x90000054  }
0xc4: {  	_ =	sfence  }
0xc5: {  	s30 =	sld [smem:$0x0];
	_ =	sdelay $0x2  }
0xc6: {  	s31 =	sshll.u32 s1, $0xD;
	s1 =	sshrl.u32 s1, $0x2  }
0xc7: {  	s4 =	sand.u32 $0x4000, s31;
	s1 =	sadd.s32 s1, s30  }
0xc8: {  	s0 =	sor.u32 s4, s0;
	s1 =	sshll.u32 s1, $0x11  }
0xc9: {  	s0 =	sor.u32 s1, s0  }
0xca: {  	s0 =	sadd.s32 $0x8F2B, s0  }
0xcb: {  	[sflag:s0] =	ssyncadd.remote.s32 $0x1  }
0xcc: {  	_ =	sfence.sel $0xFFFF  }
0xcd: {  	[dreg:$0x0] =	wrdreg $0xFFFFFFFF;
	(pc) =	sbr.abs _section_cstart, $3  }
0xce: {  	[dreg:$0x1] =	wrdreg $0xFFFFFFFF  }
0xcf: {  	_ =	task.clear_ibuf [dreg:s22], $0x2FFFF;
	_ =	strace $0x9FFFFFFF  }
0xd0: {  	(tm) =	ssettm $0x7FFFFFFF  }
0xd1: {  	_ =	shalt  }
tec
execute0_lowered:
.L_overlay_start_1:
0x0: {  	(tag) =	ssettag $0x1  }
0x1: {  	s4 =	rddreg [dreg:$0x0]  }
0x2: {  	s0 =	rddreg [dreg:$0x1];
	s2 =	simm.s32 $0x0;
	s3 =	srdreg.scid  }
0x3: {  	s1 =	stileid.u32;
	s10 =	simm.s32 $0xC8;
	s11 =	simm.s32 $0x100  }
0x4: {  	s12 =	simm.s32 $0x1;
	s13 =	simm.s32 $0x0;
	s6 =	smul.u32 $0x2710, s1  }
0x5: {  	[smem:$0x7FF] =	sst s2;
	s5 =	sand.u32 $0x1, s3;
	s8 =	smul.u32 $0x27100, s1  }
0x6: {  	s3 =	sadd.s32 $0xE000, s4;
	s7 =	smul.u32 $0x1388, s5;
	s9 =	ssub.s32 $0x2, s5  }
0x7: {  	_ =	strace $0x80000053;
	s5 =	smul.u32 $0x13880, s5;
	s29 =	sshrl.u32 s9, $0x1  }
0x8: {  	s8 =	sadd.s32 s8, s4;
	s6 =	sadd.s32 s7, s6;
	s7 =	ssub.s32 s9, s29  }
0x9: {  	s31 =	sadd.s32 s5, s8;
	s9 =	simm.s32 $0x2;
	s6 =	sshrl.u32 s6, $0x3  }
0xa: {  	s5 =	sadd.s32 $0x1878000, s31;
	s30 =	sadd.s32 s6, s4;
	s4 =	smax.u32 s7, $0x1  }
0xb: {  	s6 =	sadd.s32 $0x35200, s31;
	s7 =	sadd.s32 $0x4000, s30;
	s8 =	sadd.s32 $0x9000, s30  }
.LBB2_1:
0xc: {  	s14 =	sadd.s32 $0x0, s8  }
0xd: {  	[tilespmem:s2], [sflag:$0x2] =	stream.linear.gather [hbm4b:s14+s2], $0xC8, $0x38;
	[tilespmem:$0x6500] =	vst v63  }
0xe: {  	_ =	swait.ge [sflag:s9], $0xC8  }
0xf: {  	[sflag:s9] =	ssyncset.done $0x0  }
0x10: {  	[sflag:s9] =	ssyncadd.s32 $0xFFFFFF38  }
0x11: {  	[tilespmem:s11], [sflag:$0x1] =	stream.indirect.gather [hbm4b:s3+s10], $0x80, s2, s10, $0xb8;
	[tilespmem:$0x6500] =	vst v63  }
0x12: {  	_ =	swait.ge [sflag:s12], $0x6400  }
0x13: {  	[sflag:s12] =	ssyncset.done $0x0  }
0x14: {  	[sflag:s12] =	ssyncadd.s32 $0xFFFF9C00  }
0x15: {  	[hbm4b:s5+s2] =	stream.linear.scatter [tilespmem:s11], [sflag:$0x2], $0x6400, $0x38;
	[tilespmem:$0x6500] =	vst v63  }
0x16: {  	_ =	swait.ge [sflag:s9], $0x6400  }
0x17: {  	[sflag:s9] =	ssyncset.done $0x0  }
0x18: {  	s31 =	sadd.s32 $0x0, s7;
	[sflag:s9] =	ssyncadd.s32 $0xFFFF9C00  }
0x19: {  	[tilespmem:s2], [sflag:$0x2] =	stream.linear.gather [hbm4b:s31+s2], $0xC8, $0x38;
	[tilespmem:$0x6500] =	vst v63  }
0x1a: {  	_ =	swait.ge [sflag:s9], $0xC8  }
0x1b: {  	[sflag:s9] =	ssyncset.done $0x0  }
0x1c: {  	[sflag:s9] =	ssyncadd.s32 $0xFFFFFF38  }
0x1d: {  	[tilespmem:s11], [sflag:$0x1] =	stream.indirect.gather [hbm4b:s3+s10], $0x80, s2, s10, $0xb8;
	[tilespmem:$0x6500] =	vst v63  }
0x1e: {  	_ =	swait.ge [sflag:s12], $0x6400  }
0x1f: {  	[sflag:s12] =	ssyncset.done $0x0  }
0x20: {  	[sflag:s12] =	ssyncadd.s32 $0xFFFF9C00  }
0x21: {  	[hbm4b:s6+s2] =	stream.linear.scatter [tilespmem:s11], [sflag:$0x2], $0x6400, $0x38;
	[tilespmem:$0x6500] =	vst v63  }
0x22: {  	s15 =	simm.s32 $0x19;
	s17 =	simm.s32 $0x32;
	_ =	swait.ge [sflag:s9], $0x6400  }
0x23: {  	s16 =	sadd.s32 $0xC80, s5;
	s14 =	sadd.s32 $0xC80, s6;
	[sflag:s9] =	ssyncset.done $0x0  }
.LBB2_2:
0x24: {  	s18 =	sadd.s32 s15, s8  }
0x25: {  	[sflag:s9] =	ssyncadd.s32 $0xFFFF9C00;
	s19 =	smov.u32 s17;
	s20 =	sadd.s32 $0x19, s17  }
0x26: {  	[tilespmem:s2], [sflag:$0x2] =	stream.linear.gather [hbm4b:s18+s2], $0xC8, $0x38;
	[tilespmem:$0x6500] =	vst v63  }
0x27: {  	p0 =	sne.s32 s17, $0x258;
	_ =	swait.ge [sflag:s9], $0xC8  }
0x28: {  	[sflag:s9] =	ssyncset.done $0x0  }
0x29: {  	[sflag:s9] =	ssyncadd.s32 $0xFFFFFF38  }
0x2a: {  	[tilespmem:s11], [sflag:$0x1] =	stream.indirect.gather [hbm4b:s3+s10], $0x80, s2, s10, $0xb8;
	[tilespmem:$0x6500] =	vst v63  }
0x2b: {  	_ =	swait.ge [sflag:s12], $0x6400  }
0x2c: {  	[sflag:s12] =	ssyncset.done $0x0  }
0x2d: {  	[sflag:s12] =	ssyncadd.s32 $0xFFFF9C00  }
0x2e: {  	[hbm4b:s16+s2] =	stream.linear.scatter [tilespmem:s11], [sflag:$0x2], $0x6400, $0x38;
	[tilespmem:$0x6500] =	vst v63  }
0x2f: {  	_ =	swait.ge [sflag:s9], $0x6400  }
0x30: {  	[sflag:s9] =	ssyncset.done $0x0  }
0x31: {  	s17 =	sadd.s32 s15, s7;
	s15 =	smov.u32 s19;
	[sflag:s9] =	ssyncadd.s32 $0xFFFF9C00  }
0x32: {  	[tilespmem:s2], [sflag:$0x2] =	stream.linear.gather [hbm4b:s17+s2], $0xC8, $0x38;
	[tilespmem:$0x6500] =	vst v63  }
0x33: {  	_ =	swait.ge [sflag:s9], $0xC8  }
0x34: {  	[sflag:s9] =	ssyncset.done $0x0  }
0x35: {  	[sflag:s9] =	ssyncadd.s32 $0xFFFFFF38  }
0x36: {  	[tilespmem:s11], [sflag:$0x1] =	stream.indirect.gather [hbm4b:s3+s10], $0x80, s2, s10, $0xb8;
	[tilespmem:$0x6500] =	vst v63  }
0x37: {  	_ =	swait.ge [sflag:s12], $0x6400  }
.Ltmp0:
0x38: {  	[sflag:s12] =	ssyncset.done $0x0;
	(pc) =	sbr.rel @p0 .LBB2_2-.Ltmp0, $4  }
0x39: {  	[sflag:s12] =	ssyncadd.s32 $0xFFFF9C00  }
0x3a: {  	[hbm4b:s14+s2] =	stream.linear.scatter [tilespmem:s11], [sflag:$0x2], $0x6400, $0x38;
	[tilespmem:$0x6500] =	vst v63  }
0x3b: {  	s16 =	sadd.s32 $0xC80, s16;
	_ =	swait.ge [sflag:s9], $0x6400  }
0x3c: {  	s17 =	smov.u32 s20;
	s14 =	sadd.s32 $0xC80, s14;
	[sflag:s9] =	ssyncset.done $0x0  }
0x3d: {  	s17 =	sadd.s32 s15, s8;
	[sflag:s9] =	ssyncadd.s32 $0xFFFF9C00  }
0x3e: {  	[tilespmem:s2], [sflag:$0x2] =	stream.linear.gather [hbm4b:s17+s2], $0xC8, $0x38;
	[tilespmem:$0x6500] =	vst v63  }
0x3f: {  	_ =	swait.ge [sflag:s9], $0xC8  }
0x40: {  	[sflag:s9] =	ssyncset.done $0x0  }
0x41: {  	[sflag:s9] =	ssyncadd.s32 $0xFFFFFF38  }
0x42: {  	[tilespmem:s11], [sflag:$0x1] =	stream.indirect.gather [hbm4b:s3+s10], $0x80, s2, s10, $0xb8;
	[tilespmem:$0x6500] =	vst v63  }
0x43: {  	_ =	swait.ge [sflag:s12], $0x6400  }
0x44: {  	[sflag:s12] =	ssyncset.done $0x0  }
0x45: {  	[sflag:s12] =	ssyncadd.s32 $0xFFFF9C00  }
0x46: {  	[hbm4b:s16+s2] =	stream.linear.scatter [tilespmem:s11], [sflag:$0x2], $0x6400, $0x38;
	[tilespmem:$0x6500] =	vst v63  }
0x47: {  	_ =	swait.ge [sflag:s9], $0x6400  }
0x48: {  	[sflag:s9] =	ssyncset.done $0x0  }
0x49: {  	s31 =	sadd.s32 s15, s7;
	[sflag:s9] =	ssyncadd.s32 $0xFFFF9C00  }
0x4a: {  	[tilespmem:s2], [sflag:$0x2] =	stream.linear.gather [hbm4b:s31+s2], $0xC8, $0x38;
	[tilespmem:$0x6500] =	vst v63  }
0x4b: {  	_ =	swait.ge [sflag:s9], $0xC8  }
0x4c: {  	[sflag:s9] =	ssyncset.done $0x0  }
0x4d: {  	[sflag:s9] =	ssyncadd.s32 $0xFFFFFF38  }
0x4e: {  	[tilespmem:s11], [sflag:$0x1] =	stream.indirect.gather [hbm4b:s3+s10], $0x80, s2, s10, $0xb8;
	[tilespmem:$0x6500] =	vst v63  }
0x4f: {  	s13 =	sadd.s32 $0x1, s13;
	_ =	swait.ge [sflag:s12], $0x6400  }
0x50: {  	p0 =	sne.s32 s13, s4;
	[sflag:s12] =	ssyncset.done $0x0  }
.Ltmp1:
0x51: {  	[sflag:s12] =	ssyncadd.s32 $0xFFFF9C00;
	(pc) =	sbr.rel @p0 .LBB2_1-.Ltmp1, $4  }
0x52: {  	[hbm4b:s14+s2] =	stream.linear.scatter [tilespmem:s11], [sflag:$0x2], $0x6400, $0x38;
	[tilespmem:$0x6500] =	vst v63  }
0x53: {  	_ =	swait.ge [sflag:s9], $0x6400  }
0x54: {  	[sflag:s9] =	ssyncset.done $0x0  }
0x55: {  	[sflag:s9] =	ssyncadd.s32 $0xFFFF9C00  }
0x56: {  	_ =	sfence.sel $0x180000  }
0x57: {  	[bflag:$0x0] =	sbarrier.arrive $0xFFFF  }
0x58: {  	p0 =	sne.s32 s1, $0x0;
	_ =	strace $0x90000053  }
0x59: {  	s0 =	sadd.s32 @!p0 $0x100000, s0;
	[bflag:$0x2] =	sbarrier.arrive $0xFFFF  }
0x5a: {  	[sflag:s0] =	ssyncadd.tile.s32 @!p0 $0x1;
	_ =	shalt  }
.Lfunc_end2:
_tile_overlayer_lowered:
.L_overlay_start_2:
0x5b: {  	(tag) =	ssettag $0x2  }
0x5c: {  	s0 =	rddreg [dreg:$0x0];
	s2 =	stileid.u32  }
0x5d: {  	s1 =	rddreg [dreg:$0x1];
	p0 =	sne.s32 s2, $0x0  }
0x5e: {  	s3 =	rddreg [dreg:$0x2];
	[bflag:$0x3] =	sbarrier.arrive $0xFFFF;
	s2 =	simm.s32 @!p0 $0x1C02  }
0x5f: {  	[timem:s3], [sflag:s2] =	dma.local @!p0 [hbm:s0], s1  }
0x60: {  	s0 =	simm.s32 @!p0 $0x2  }
0x61: {  	_ =	swait.ge @!p0 [sflag:s0], s1  }
0x62: {  	s1 =	ssub.s32 @!p0 $0x0, s1;
	[sflag:s0] =	ssyncset.done @!p0 $0x0  }
0x63: {  	[sflag:s0] =	ssyncadd.s32 @!p0 s1  }
0x64: {  	[bflag:$0x3] =	sbarrier.arrive $0xFFFF  }
0x65: {  	_ =	shalt  }

// kernel: kernel.23.cloned.1.call-start
scs
__scs_entry_jumppad:
0x0: {  	(pc) =	sbr.rel $0x88, $3  }
0x1: {  	(tag) =	ssettag $0x0;
	lr =	simm.s32 $0x1  }
0x2: {  	[smem:$0x3F8F] =	sst lr;
	_ =	strace $0xD0000000  }
0x3: {  	_ = 	snop  }
0x4: {  	_ = 	snop  }
0x5: {  	_ = 	snop  }
0x6: {  	_ = 	snop  }
0x7: {  	_ = 	snop  }
__scs_overlays_trampoline_lowered:
0x8: {  	[smem:$0x3F9E] =	sst s0  }
0x9: {  	[smem:$0x3F9F] =	sst s1  }
0xa: {  	[smem:$0x3FA0] =	sst s2  }
0xb: {  	[smem:$0x3FA1] =	sst s3  }
0xc: {  	[smem:$0x3FA2] =	sst s4  }
0xd: {  	[smem:$0x3FA3] =	sst s5  }
0xe: {  	[smem:$0x3FA4] =	sst s6  }
0xf: {  	[smem:$0x3FA5] =	sst s7  }
0x10: {  	[smem:$0x3FA6] =	sst s8  }
0x11: {  	[smem:$0x3FA7] =	sst s9;
	s0 =	simm.s32 @!p0 $0x0  }
0x12: {  	s1 =	sld [smem:$0x3F8D];
	s0 =	simm.s32 @p0 $0x1  }
0x13: {  	[smem:$0x3FA8] =	sst s0;
	s0 =	simm.s32 @!p1 $0x0  }
0x14: {  	s2 =	sld [smem:$0x3F8C];
	s0 =	simm.s32 @p1 $0x1  }
0x15: {  	[smem:$0x3FA9] =	sst s0;
	s0 =	simm.s32 @!p2 $0x0  }
0x16: {  	s3 =	sld [smem:$0x3FDB];
	s0 =	simm.s32 @p2 $0x1  }
0x17: {  	s4 =	simm.s32 $0x1BF5;
	[smem:$0x3FAB] =	sst s0  }
0x18: {  	s0 =	sld [smem:$0x3F8E];
	_ =	swait.ge [sflag:s4], $0x0  }
0x19: {  	s7 =	sld [smem:$0x3F8F]  }
0x1a: {  	s8 =	sadd.s32 $0xFFFFE003, lr  }
0x1b: {  	s9 =	sadd.s32 $0xFFFFFEF7, lr;
	s5 =	simm.s32 $0xFFFFFFFF;
	p2 =	slt.u32 s8, $0xFFFFF086  }
0x1c: {  	p1 =	slt.u32 s9, $0xF7A;
	s5 =	simm.s32 @!p2 $0x0  }
0x1d: {  	s5 =	simm.s32 @p1 $0x1;
	p0 =	seq.s32 s7, s2  }
0x1e: {  	s7 =	smul.u32 @!p0 $0xF7A, s2;
	p2 =	seq.s32 @!p0 s5, $0x0  }
0x1f: {  	s9 =	smul.u32 $0xF7A, s1;
	s8 =	simm.s32 @!p0 $0x1BF5;
	p2 =	por !p2, p0  }
0x20: {  	[sflag:s8] =	ssyncset.s32 @!p0 $0xFFFFF086;
	s6 =	sadd.s32 @!p0 s3, s7;
	s7 =	simm.s32 @!p0 $0x108  }
0x21: {  	s3 =	sadd.s32 s3, s9;
	s6 =	sadd.s32 @!p0 $0x88, s6;
	s7 =	simm.s32 @p2 $0x1082  }
0x22: {  	[simem:s7], [sflag:s8] =	dma.local @!p0 [hbm:s6], $0xF7A  }
0x23: {  	s9 =	sor.u32 $0xD0000000, s2;
	s6 =	simm.s32 $0x108;
	_ =	swait.ge @!p0 [sflag:s8], $0x0  }
0x24: {  	s3 =	sadd.s32 $0x88, s3;
	s6 =	simm.s32 @!p1 $0x1082;
	[sflag:s4] =	ssyncset.s32 $0xFFFFF086  }
0x25: {  	[simem:s6], [sflag:s4] =	dma.local [hbm:s3], $0xF7A  }
0x26: {  	[smem:$0x3F8F] =	sst s1;
	(tag) =	ssettag s2;
	_ =	strace s9  }
0x27: {  	s1 =	sld [smem:$0x3F9F]  }
0x28: {  	s2 =	sld [smem:$0x3FA0]  }
0x29: {  	s4 =	sld [smem:$0x3FA2]  }
0x2a: {  	p0 =	seq.s32 s5, $0x0;
	s5 =	sld [smem:$0x3FA3]  }
0x2b: {  	s6 =	sld [smem:$0x3FA4]  }
0x2c: {  	s7 =	sld [smem:$0x3FA5]  }
0x2d: {  	s3 =	simm.s32 $0x108;
	s8 =	sld [smem:$0x3FA6]  }
0x2e: {  	s3 =	simm.s32 @!p0 $0x1082;
	s9 =	sld [smem:$0x3FA7]  }
0x2f: {  	lr =	sadd.s32 s0, s3;
	s0 =	sld [smem:$0x3F9E]  }
0x30: {  	s3 =	sld [smem:$0x3FA1]  }
0x31: {  	[smem:$0x3FAA] =	sst s10  }
0x32: {  	s10 =	sld [smem:$0x3FA8];
	_ =	sdelay $0x3  }
0x33: {  	p0 =	seq.s32 s10, $0x1;
	s10 =	sld [smem:$0x3FAA];
	_ =	sdelay $0x3  }
0x34: {  	[smem:$0x3FAA] =	sst s10  }
0x35: {  	s10 =	sld [smem:$0x3FA9];
	_ =	sdelay $0x3  }
0x36: {  	p1 =	seq.s32 s10, $0x1;
	s10 =	sld [smem:$0x3FAA];
	_ =	sdelay $0x3  }
0x37: {  	[smem:$0x3FAA] =	sst s10  }
0x38: {  	s10 =	sld [smem:$0x3FAB]  }
0x39: {  	_ = 	snop;
	(pc) =	sbr.ind lr, $3  }
0x3a: {  	_ = 	snop  }
0x3b: {  	_ = 	snop  }
0x3c: {  	p2 =	seq.s32 s10, $0x1;
	s10 =	sld [smem:$0x3FAA]  }
0x3d: {  	_ =	shalt  }
0x3e: {  	_ =	shalt  }
0x3f: {  	_ =	shalt  }
0x40: {  	_ =	shalt  }
0x41: {  	_ =	shalt  }
0x42: {  	_ =	shalt  }
0x43: {  	_ =	shalt  }
0x44: {  	_ =	shalt  }
0x45: {  	_ =	shalt  }
0x46: {  	_ =	shalt  }
0x47: {  	_ =	shalt  }
0x48: {  	_ =	shalt  }
0x49: {  	_ =	shalt  }
0x4a: {  	_ =	shalt  }
0x4b: {  	_ =	shalt  }
0x4c: {  	_ =	shalt  }
0x4d: {  	_ =	shalt  }
0x4e: {  	_ =	shalt  }
0x4f: {  	_ =	shalt  }
0x50: {  	_ =	shalt  }
0x51: {  	_ =	shalt  }
0x52: {  	_ =	shalt  }
0x53: {  	_ =	shalt  }
0x54: {  	_ =	shalt  }
0x55: {  	_ =	shalt  }
0x56: {  	_ =	shalt  }
0x57: {  	_ =	shalt  }
0x58: {  	_ =	shalt  }
0x59: {  	_ =	shalt  }
0x5a: {  	_ =	shalt  }
0x5b: {  	_ =	shalt  }
0x5c: {  	_ =	shalt  }
0x5d: {  	_ =	shalt  }
0x5e: {  	_ =	shalt  }
0x5f: {  	_ =	shalt  }
0x60: {  	_ =	shalt  }
0x61: {  	_ =	shalt  }
0x62: {  	_ =	shalt  }
0x63: {  	_ =	shalt  }
0x64: {  	_ =	shalt  }
0x65: {  	_ =	shalt  }
0x66: {  	_ =	shalt  }
0x67: {  	_ =	shalt  }
0x68: {  	_ =	shalt  }
0x69: {  	_ =	shalt  }
0x6a: {  	_ =	shalt  }
0x6b: {  	_ =	shalt  }
0x6c: {  	_ =	shalt  }
0x6d: {  	_ =	shalt  }
0x6e: {  	_ =	shalt  }
0x6f: {  	_ =	shalt  }
0x70: {  	_ =	shalt  }
0x71: {  	_ =	shalt  }
0x72: {  	_ =	shalt  }
0x73: {  	_ =	shalt  }
0x74: {  	_ =	shalt  }
0x75: {  	_ =	shalt  }
0x76: {  	_ =	shalt  }
0x77: {  	_ =	shalt  }
0x78: {  	_ =	shalt  }
0x79: {  	_ =	shalt  }
0x7a: {  	_ =	shalt  }
0x7b: {  	_ =	shalt  }
0x7c: {  	_ =	shalt  }
0x7d: {  	_ =	shalt  }
0x7e: {  	_ =	shalt  }
0x7f: {  	_ =	shalt  }
0x80: {  	_ =	shalt  }
0x81: {  	_ =	shalt  }
0x82: {  	_ =	shalt  }
0x83: {  	_ =	shalt  }
0x84: {  	_ =	shalt  }
0x85: {  	_ =	shalt  }
0x86: {  	_ =	shalt  }
0x87: {  	_ =	shalt  }
.Lfunc_end0:
.L_simem_size_0:
called_computation.4_lowered:
.L_overlay_start_0:
0x88: {  	s2 =	sld [smem:$0x3FD9]  }
0x89: {  	s3 =	sld [smem:$0x3FFE];
	_ =	sdelay $0x1  }
0x8a: {  	s1 =	srdreg.scid  }
0x8b: {  	s0 =	sand.u32 $0x1, s1  }
0x8c: {  	s15 =	sshll.u32 s0, $0xA;
	s2 =	sadd.s32 s3, s2  }
0x8d: {  	s2 =	sadd.s32 s2, s15  }
0x8e: {  	[smem:$0x3FB6] =	sst s2  }
0x8f: {  	_ = 	snop  }
0x90: {  	s2 =	sld [smem:$0x3FD0];
	_ =	sdelay $0x2  }
0x91: {  	s4 =	simm.s32 $0xB;
	s16 =	simm.s32 $0x10  }
0x92: {  	[smem:s16], [sflag:s4] =	dma.local [hbm:s2], $0x1  }
0x93: {  	_ =	swait.eq [sflag:s4], $0x1  }
0x94: {  	[sflag:s4] =	ssyncset.done $0x0  }
0x95: {  	s17 =	sld [smem:$0x13];
	[sflag:s4] =	ssyncadd.s32 $0xFFFFFFFF  }
0x96: {  	s18 =	sld [smem:$0x14];
	(tm) =	ssettm $0x1  }
0x97: {  	s19 =	sld [smem:$0x3FFB];
	_ =	sdelay $0x3  }
0x98: {  	_ =	strace s19  }
0x99: {  	s2 =	sld [smem:$0x3FFC];
	_ =	sdelay $0x3  }
0x9a: {  	_ =	strace s2  }
0x9b: {  	s2 =	sld [smem:$0x3FFD];
	_ =	sdelay $0x3  }
0x9c: {  	_ =	strace s2  }
0x9d: {  	_ =	strace $0x8FFFFFFF  }
0x9e: {  	s20 =	sld [smem:$0x3FDB];
	_ =	sdelay $0x1  }
0x9f: {  	s5 =	simm.s32 $_scs_section_size  }
0xa0: {  	s6 =	simm.s32 $_size__tile_overlayer_lowered;
	s7 =	simm.s32 $_tile_overlayer_lowered  }
0xa1: {  	s8 =	simm.s32 $0x1BFF;
	s21 =	sshll.u32 s7, $0x1;
	s5 =	sadd.s32 s5, s20  }
0xa2: {  	s22 =	simm.s32 $0x0;
	s6 =	sshll.u32 s6, $0x1;
	s7 =	sadd.s32 s21, s5  }
0xa3: {  	[timem:s22], [sflag:s8] =	dma.local [hbm:s7], s6  }
0xa4: {  	_ =	swait.ge [sflag:s8], s6  }
0xa5: {  	s6 =	ssub.s32 $0x0, s6;
	[sflag:s8] =	ssyncset.done $0x0  }
0xa6: {  	[sflag:s8] =	ssyncadd.s32 s6;
	_ =	sdelay $0x1  }
0xa7: {  	s23 =	simm.s32 $0x1B8B  }
0xa8: {  	_ =	swait.ge [sflag:s23], $0x1  }
0xa9: {  	[sflag:s23] =	ssyncset.done $0x0  }
0xaa: {  	[sflag:s23] =	ssyncadd.s32 $0xFFFFFFFF  }
0xab: {  	s6 =	sld [smem:$0x0]  }
0xac: {  	s7 =	sand.u32 $0xFFFFFFFE, s1  }
0xad: {  	p0 =	sne.s32 s1, s7  }
0xae: {  	s7 =	sshll.u32 @p0 s7, $0xE  }
0xaf: {  	s7 =	sadd.s32 @p0 $0x11B8D, s7;
	s8 =	sshll.u32 @p0 s6, $0x11  }
0xb0: {  	s7 =	sor.u32 @p0 s8, s7  }
0xb1: {  	[sflag:s7] =	ssyncadd.remote.s32 @p0 $0x1;
	_ =	sdelay $0x1  }
0xb2: {  	s7 =	simm.s32 @p0 $0x1B8D  }
0xb3: {  	_ =	swait.eq @p0 [sflag:s7], $0x1  }
0xb4: {  	[sflag:s7] =	ssyncadd.s32 @p0 $0xFFFFFFFF  }
0xb5: {  	s8 =	sshll.u32 @!p0 s1, $0xE  }
0xb6: {  	s8 =	sor.u32 @!p0 $0x4000, s8;
	s7 =	simm.s32 @!p0 $0x1B8D  }
0xb7: {  	s6 =	sshll.u32 @!p0 s6, $0x11;
	s8 =	sadd.s32 @!p0 $0x11B8D, s8;
	_ =	swait.eq @!p0 [sflag:s7], $0x1  }
0xb8: {  	s6 =	sor.u32 @!p0 s6, s8;
	[sflag:s7] =	ssyncadd.s32 @!p0 $0xFFFFFFFF  }
0xb9: {  	s25 =	simm.s32 $0x1B8E;
	s24 =	sld [smem:$0x3FFE];
	[sflag:s6] =	ssyncadd.remote.s32 @!p0 $0x1  }
0xba: {  	s26 =	simm.s32 $execute0_lowered;
	[smem:$0x3FD2] =	sst s25  }
0xbb: {  	s7 =	sshll.u32 s26, $0x1;
	_ =	strace $0x8000004F;
	[dreg:$0x1] =	wrdreg $0xFFFFFFFF  }
0xbc: {  	s28 =	simm.s32 $_size_execute0_lowered;
	s5 =	sadd.s32 s5, s7;
	[dreg:$0x0] =	wrdreg $0x0  }
0xbd: {  	s7 =	sshll.u32 s28, $0x1;
	[dreg:$0x2] =	wrdreg s5  }
0xbe: {  	[dreg:$0x3] =	wrdreg s7  }
0xbf: {  	[dreg:$0x4] =	wrdreg $0xC0  }
0xc0: {  	_ =	task [dreg:s22], $0x5FFFF  }
0xc1: {  	[dreg:$0x1] =	wrdreg $0xFFFFFFFF  }
0xc2: {  	[dreg:$0x0] =	wrdreg $0x60  }
0xc3: {  	[dreg:$0x2] =	wrdreg s24  }
0xc4: {  	[dreg:$0x3] =	wrdreg s17  }
0xc5: {  	[dreg:$0x4] =	wrdreg s18  }
0xc6: {  	[dreg:$0x5] =	wrdreg $0x51000  }
0xc7: {  	[dreg:$0x6] =	wrdreg $0x9  }
0xc8: {  	_ =	task.clear_ibuf [dreg:s22], $0x7FFFF;
	_ =	strace $0x9000004F  }
0xc9: {  	s29 =	simm.s32 $0x9;
	_ =	strace $0x80000051  }
0xca: {  	_ =	swait.ge [sflag:s29], $0x1  }
0xcb: {  	[sflag:s29] =	ssyncadd.s32 $0xFFFFFFFF  }
0xcc: {  	_ =	strace $0x90000051  }
0xcd: {  	_ =	sfence  }
0xce: {  	s30 =	sld [smem:$0x0];
	_ =	sdelay $0x2  }
0xcf: {  	s31 =	sshll.u32 s1, $0xD;
	s1 =	sshrl.u32 s1, $0x2  }
0xd0: {  	s4 =	sand.u32 $0x4000, s31;
	s1 =	sadd.s32 s1, s30  }
0xd1: {  	s0 =	sor.u32 s4, s0;
	s1 =	sshll.u32 s1, $0x11  }
0xd2: {  	s0 =	sor.u32 s1, s0  }
0xd3: {  	s0 =	sadd.s32 $0x8F2B, s0  }
0xd4: {  	[sflag:s0] =	ssyncadd.remote.s32 $0x1  }
0xd5: {  	_ =	sfence.sel $0xFFFF  }
0xd6: {  	[dreg:$0x0] =	wrdreg $0xFFFFFFFF;
	(pc) =	sbr.abs _section_cstart, $3  }
0xd7: {  	[dreg:$0x1] =	wrdreg $0xFFFFFFFF  }
0xd8: {  	_ =	task.clear_ibuf [dreg:s22], $0x2FFFF;
	_ =	strace $0x9FFFFFFF  }
0xd9: {  	(tm) =	ssettm $0x7FFFFFFF  }
tec
execute0_lowered:
.L_overlay_start_1:
0x0: {  	(tag) =	ssettag $0x1  }
0x1: {  	s24 =	stileid.u32  }
0x2: {  	s8 =	smul.u32 $0x500, s24  }
0x3: {  	s0 =	srdreg.scid;
	s19 =	smul.u32 $0x138800, s24  }
0x4: {  	s0 =	sand.u32 $0x1, s0;
	s21 =	smul.u32 $0x2800, s24  }
0x5: {  	s10 =	sor.u32 $0x10, s24;
	s2 =	smul.u32 $0x3, s0  }
0x6: {  	s9 =	sor.u32 $0x20, s24;
	s11 =	smul.u32 $0x500, s10  }
0x7: {  	s6 =	sor.u32 $0x30, s24;
	s12 =	smul.u32 $0x500, s9  }
0x8: {  	s7 =	sor.u32 $0x40, s24;
	s13 =	smul.u32 $0x500, s6  }
0x9: {  	s5 =	sor.u32 $0x50, s24;
	s14 =	smul.u32 $0x500, s7  }
0xa: {  	s22 =	rddreg [dreg:$0x1];
	s4 =	sor.u32 $0x60, s24;
	s15 =	smul.u32 $0x500, s5  }
0xb: {  	s3 =	sor.u32 $0x70, s24;
	[smem:$0x7EA] =	sst s6;
	s16 =	smul.u32 $0x500, s4  }
0xc: {  	[smem:$0x7EC] =	sst s5;
	s17 =	smul.u32 $0x500, s3  }
0xd: {  	[smem:$0x7EE] =	sst s4;
	s18 =	smul.u32 $0x3A98000, s0;
	s1 =	ssub.s32 $0x2, s0  }
0xe: {  	[smem:$0x7EF] =	sst s3;
	s0 =	smul.u32 $0x3A9800, s0;
	s20 =	sshrl.u32 s1, $0x1  }
0xf: {  	s8 =	sadd.s32 s22, s8;
	s1 =	ssub.s32 s1, s20;
	s20 =	smul.u32 $0x2800, s10  }
0x10: {  	[dreg:$0x5] =	wrdreg s8;
	s8 =	smul.u32 $0x2800, s9  }
0x11: {  	s2 =	sadd.s32 $0x1, s2;
	s23 =	sadd.s32 s22, s11;
	[smem:$0x7FA] =	sst s1  }
0x12: {  	s25 =	sadd.s32 s22, s12;
	s31 =	sadd.s32 s22, s13;
	[dreg:$0x6] =	wrdreg s23  }
0x13: {  	s12 =	sadd.s32 s22, s14;
	[dreg:$0x7] =	wrdreg s25;
	s26 =	smul.u32 $0x1388000, s2  }
0x14: {  	s13 =	sadd.s32 s22, s15;
	[dreg:$0x9] =	wrdreg s12;
	s12 =	smul.u32 $0x138800, s2  }
0x15: {  	s15 =	sadd.s32 s22, s17;
	[dreg:$0xa] =	wrdreg s13;
	s13 =	smul.u32 $0x2800, s6  }
0x16: {  	s14 =	sadd.s32 s22, s16;
	[dreg:$0xc] =	wrdreg s15;
	s15 =	smul.u32 $0x2800, s7  }
0x17: {  	[dreg:$0x8] =	wrdreg s31;
	s2 =	sadd.s32 s19, s18;
	s18 =	smul.u32 $0x2800, s5  }
0x18: {  	s17 =	sadd.s32 s21, s0;
	[dreg:$0xb] =	wrdreg s14;
	s1 =	smul.u32 $0x2800, s4  }
0x19: {  	s14 =	smov.u32 s7;
	s11 =	sshrl.u32 s17, $0x3;
	s23 =	smul.u32 $0x2800, s3  }
0x1a: {  	s17 =	sadd.s32 s0, s20;
	s16 =	sadd.s32 s19, s26;
	s19 =	sadd.s32 s0, s8  }
0x1b: {  	s22 =	sadd.s32 s0, s13;
	s3 =	sadd.s32 s0, s15;
	s25 =	sadd.s32 s0, s18  }
0x1c: {  	s26 =	sadd.s32 s0, s1;
	s28 =	sadd.s32 s0, s23;
	s0 =	sadd.s32 $0x271000, s0  }
0x1d: {  	s29 =	sadd.s32 s21, s12;
	s30 =	sadd.s32 s20, s12;
	s31 =	sadd.s32 s8, s12  }
0x1e: {  	s4 =	sadd.s32 s13, s12;
	s5 =	sadd.s32 s15, s12;
	s6 =	sadd.s32 s18, s12  }
0x1f: {  	s7 =	sadd.s32 s1, s12;
	s12 =	sadd.s32 s23, s12;
	[smem:$0x7F6] =	sst s16  }
0x20: {  	s21 =	sadd.s32 s21, s0;
	s20 =	sadd.s32 s20, s0;
	s8 =	sadd.s32 s8, s0  }
0x21: {  	s13 =	sadd.s32 s13, s0;
	s15 =	sadd.s32 s15, s0;
	s16 =	sadd.s32 s18, s0  }
0x22: {  	s18 =	sadd.s32 s1, s0;
	s1 =	rddreg [dreg:$0x2];
	s0 =	sadd.s32 s23, s0  }
0x23: {  	s23 =	sshrl.u32 s22, $0x3;
	s22 =	sshrl.u32 s25, $0x3;
	s11 =	sadd.s32 s1, s11  }
0x24: {  	s4 =	sshrl.u32 s4, $0x3;
	s25 =	sadd.s32 s1, s22;
	[dreg:$0xd] =	wrdreg s11  }
0x25: {  	s17 =	sshrl.u32 s17, $0x3;
	s4 =	sadd.s32 s1, s4;
	[dreg:$0x12] =	wrdreg s25  }
0x26: {  	s11 =	sadd.s32 s1, s17;
	[dreg:$0x18] =	wrdreg s4  }
0x27: {  	s22 =	sshrl.u32 s30, $0x3;
	s17 =	sadd.s32 s1, s23;
	[dreg:$0xe] =	wrdreg s11  }
0x28: {  	s25 =	sadd.s32 s1, s22;
	[dreg:$0x10] =	wrdreg s17  }
0x29: {  	s19 =	sshrl.u32 s19, $0x3;
	s23 =	sshrl.u32 s26, $0x3;
	[dreg:$0x16] =	wrdreg s25  }
0x2a: {  	s11 =	sadd.s32 s1, s19;
	s25 =	sshrl.u32 s13, $0x3;
	s13 =	rddreg [dreg:$0x0]  }
0x2b: {  	s19 =	sshrl.u32 s3, $0x3;
	s26 =	sadd.s32 s1, s23;
	[dreg:$0xf] =	wrdreg s11  }
0x2c: {  	s3 =	sadd.s32 s1, s19;
	[dreg:$0x13] =	wrdreg s26;
	s19 =	sshrl.u32 s29, $0x3  }
0x2d: {  	s11 =	sshrl.u32 s7, $0x3;
	s7 =	sshrl.u32 s0, $0x3;
	[dreg:$0x11] =	wrdreg s3  }
0x2e: {  	s0 =	simm.s32 $0x0;
	s3 =	sshrl.u32 s28, $0x3;
	s28 =	rddreg [dreg:$0x5]  }
0x2f: {  	s26 =	sshrl.u32 s31, $0x3;
	s23 =	sadd.s32 s1, s19;
	[smem:$0x7FF] =	sst s0  }
0x30: {  	s31 =	sadd.s32 s1, s26;
	[dreg:$0x15] =	wrdreg s23  }
0x31: {  	s5 =	sshrl.u32 s5, $0x3;
	s17 =	sadd.s32 s1, s3;
	[dreg:$0x17] =	wrdreg s31  }
0x32: {  	s22 =	sshrl.u32 s8, $0x3;
	s3 =	sadd.s32 s1, s5;
	[dreg:$0x14] =	wrdreg s17  }
0x33: {  	s6 =	sshrl.u32 s6, $0x3;
	s23 =	sadd.s32 s1, s22;
	[dreg:$0x19] =	wrdreg s3  }
0x34: {  	s12 =	sshrl.u32 s12, $0x3;
	s3 =	sadd.s32 s1, s6;
	[dreg:$0x1f] =	wrdreg s23  }
0x35: {  	s31 =	sshrl.u32 s16, $0x3;
	s17 =	sadd.s32 s1, s12;
	[dreg:$0x1a] =	wrdreg s3  }
0x36: {  	s10 =	smul.u32 $0xA000, s10;
	s5 =	sadd.s32 s1, s31;
	[dreg:$0x1c] =	wrdreg s17  }
0x37: {  	s8 =	smul.u32 $0x2710, s24;
	[smem:$0x7E6] =	sst s5  }
0x38: {  	s19 =	sshrl.u32 s21, $0x3;
	s3 =	sadd.s32 s1, s11;
	s11 =	rddreg [dreg:$0x3]  }
0x39: {  	s21 =	sshrl.u32 s20, $0x3;
	[dreg:$0x1b] =	wrdreg s3;
	s3 =	sadd.s32 s1, s19  }
0x3a: {  	s26 =	sshrl.u32 s15, $0x3;
	[dreg:$0x1d] =	wrdreg s3;
	s3 =	sadd.s32 s1, s21  }
0x3b: {  	s15 =	sadd.s32 $0x4000, s13;
	[dreg:$0x1e] =	wrdreg s3;
	s3 =	sadd.s32 s1, s25  }
0x3c: {  	s6 =	sshrl.u32 s18, $0x3;
	[smem:$0x7E4] =	sst s3;
	s3 =	sadd.s32 s1, s26  }
0x3d: {  	s12 =	sshrl.u32 s8, $0x3;
	[smem:$0x7E5] =	sst s3;
	s3 =	sadd.s32 s1, s6  }
0x3e: {  	s17 =	smul.u32 $0xA000, s24;
	s1 =	sadd.s32 s1, s7;
	[smem:$0x7E7] =	sst s3  }
0x3f: {  	[smem:$0x7E8] =	sst s1;
	s3 =	sadd.s32 s15, s12;
	s1 =	sshrl.u32 s10, $0x2  }
0x40: {  	p0 =	sgt.u32 s24, $0xC;
	[smem:$0x7E9] =	sst s3;
	s1 =	sadd.s32 s1, s11  }
0x41: {  	s3 =	sshrl.u32 s17, $0x2;
	_ =	strace $0x80000050;
	[smem:$0x7ED] =	sst s1  }
0x42: {  	s16 =	smul.u32 $0x4E2, s24;
	s3 =	sadd.s32 s3, s11;
	s19 =	sld [smem:$0x7EA]  }
0x43: {  	s13 =	sadd.s32 $0x1AE9000, s13;
	s18 =	smul.u32 $0xA000, s9;
	[smem:$0x7EB] =	sst s3  }
0x44: {  	s20 =	smul.u32 $0xA000, s14;
	s14 =	sadd.s32 $0x2710000, s2;
	s22 =	sld [smem:$0x7EC]  }
0x45: {  	s5 =	sadd.s32 s16, s15;
	s23 =	sshrl.u32 s18, $0x2;
	s25 =	sld [smem:$0x7EE]  }
0x46: {  	s16 =	sshrl.u32 s14, $0x3;
	s1 =	sadd.s32 s23, s11;
	s26 =	sld [smem:$0x7EF]  }
0x47: {  	s18 =	sadd.s32 $0x2800, s2;
	s21 =	sshll.u32 s24, $0x6;
	[smem:$0x7F0] =	sst s1  }
0x48: {  	s24 =	simm.s32 $0x4;
	s15 =	sor.u32 $0x1C05, s21;
	s10 =	sld [smem:$0x7F6]  }
0x49: {  	s12 =	sshrl.u32 s2, $0x3;
	s3 =	sshrl.u32 s20, $0x2;
	s17 =	sld [smem:$0x7FA]  }
0x4a: {  	s20 =	sadd.s32 $0x138D000, s2;
	s3 =	sadd.s32 s3, s11;
	s4 =	smul.u32 $0xA000, s19  }
0x4b: {  	s21 =	sshrl.u32 s20, $0x3;
	s20 =	simm.s32 $0x1;
	s7 =	smul.u32 $0xA000, s22  }
0x4c: {  	[smem:$0x7F2] =	sst s3;
	s3 =	sadd.s32 s13, s12;
	s6 =	smul.u32 $0xA000, s25  }
0x4d: {  	s30 =	sadd.s32 s21, s13;
	s21 =	simm.s32 $0x3;
	s8 =	smul.u32 $0xA000, s26  }
0x4e: {  	[smem:$0x7F7] =	sst s3;
	s19 =	sadd.s32 $0x14, s5;
	s22 =	sadd.s32 $0x138A800, s2  }
0x4f: {  	s25 =	sadd.s32 $0x2715000, s2;
	s26 =	sadd.s32 $0x5000, s2;
	s2 =	sadd.s32 $0x2712800, s2  }
0x50: {  	[smem:$0x7FC] =	sst s19;
	s23 =	sshrl.u32 s22, $0x3;
	s3 =	sshrl.u32 s25, $0x3  }
0x51: {  	[smem:$0x7FD] =	sst s26;
	s19 =	simm.s32 $0x2900;
	s4 =	sshrl.u32 s4, $0x2  }
0x52: {  	s6 =	sshrl.u32 s6, $0x2;
	s31 =	sadd.s32 s4, s11;
	s4 =	sshrl.u32 s7, $0x2  }
0x53: {  	s7 =	sshrl.u32 s8, $0x2;
	s8 =	sadd.s32 s6, s11;
	[smem:$0x7F1] =	sst s31  }
0x54: {  	s22 =	simm.s32 $0x50;
	s1 =	sadd.s32 s4, s11;
	[smem:$0x7F4] =	sst s8  }
0x55: {  	s9 =	sadd.s32 s7, s11;
	s31 =	sshrl.u32 s2, $0x3;
	[smem:$0x7F3] =	sst s1  }
0x56: {  	s2 =	simm.s32 $0x0;
	[smem:$0x7F5] =	sst s9;
	s1 =	sshrl.u32 s10, $0x3  }
0x57: {  	s9 =	sadd.s32 s23, s13;
	s10 =	sadd.s32 s3, s13;
	s1 =	sadd.s32 s13, s1  }
0x58: {  	s14 =	sadd.s32 s31, s13;
	[smem:$0x7F8] =	sst s1;
	s1 =	sadd.s32 s13, s16  }
0x59: {  	s23 =	simm.s32 $0x2;
	[smem:$0x7F9] =	sst s1;
	s1 =	smax.u32 s17, $0x1  }
0x5a: {  	s16 =	simm.s32 $0x5;
	[smem:$0x7FB] =	sst s1;
	s1 =	sshrl.u32 s18, $0x3  }
0x5b: {  	s17 =	simm.s32 $0x100;
	s18 =	simm.s32 $0x80;
	s29 =	sadd.s32 s1, s13  }
.LBB2_1:
0x5c: {  	s1 =	sld [smem:$0x7EB];
	_ =	sdelay $0x2  }
0x5d: {  	[smem:$0x7E1] =	sst s2;
	s1 =	sshrl.u32 s1, $0x3  }
0x5e: {  	[smem:$0x7E2] =	sst s1  }
0x5f: {  	[spmem:s1], [sflag:s15] =	dma.local [hbm:s28], $0x500  }
0x60: {  	_ =	swait.ge [sflag:s16], $0x500  }
0x61: {  	s3 =	sld [smem:$0x7ED];
	_ =	sdelay $0x1  }
0x62: {  	[sflag:s16] =	ssyncset.done $0x0  }
0x63: {  	s4 =	rddreg [dreg:$0x6];
	[sflag:s16] =	ssyncadd.s32 $0xFFFFFB00;
	s31 =	sshrl.u32 s3, $0x3  }
0x64: {  	[spmem:s31], [sflag:s15] =	dma.local [hbm:s4], $0x500  }
0x65: {  	_ =	swait.ge [sflag:s16], $0x500  }
0x66: {  	s5 =	sld [smem:$0x7F0];
	_ =	sdelay $0x1  }
0x67: {  	[sflag:s16] =	ssyncset.done $0x0  }
0x68: {  	s6 =	rddreg [dreg:$0x7];
	[sflag:s16] =	ssyncadd.s32 $0xFFFFFB00;
	s1 =	sshrl.u32 s5, $0x3  }
0x69: {  	[spmem:s1], [sflag:s15] =	dma.local [hbm:s6], $0x500  }
0x6a: {  	_ =	swait.ge [sflag:s16], $0x500  }
0x6b: {  	s7 =	sld [smem:$0x7F1];
	_ =	sdelay $0x1  }
0x6c: {  	[sflag:s16] =	ssyncset.done $0x0  }
0x6d: {  	s3 =	rddreg [dreg:$0x8];
	[sflag:s16] =	ssyncadd.s32 $0xFFFFFB00;
	s2 =	sshrl.u32 s7, $0x3  }
0x6e: {  	[spmem:s2], [sflag:s15] =	dma.local [hbm:s3], $0x500  }
0x6f: {  	_ =	swait.ge [sflag:s16], $0x500  }
0x70: {  	s8 =	sld [smem:$0x7F2];
	_ =	sdelay $0x1  }
0x71: {  	[sflag:s16] =	ssyncset.done $0x0  }
0x72: {  	s4 =	rddreg [dreg:$0x9];
	[sflag:s16] =	ssyncadd.s32 $0xFFFFFB00;
	s3 =	sshrl.u32 s8, $0x3  }
0x73: {  	[spmem:s3], [sflag:s15] =	dma.local [hbm:s4], $0x500  }
0x74: {  	_ =	swait.ge [sflag:s16], $0x500  }
0x75: {  	s12 =	sld [smem:$0x7F3];
	_ =	sdelay $0x1  }
0x76: {  	[sflag:s16] =	ssyncset.done $0x0  }
0x77: {  	s5 =	rddreg [dreg:$0xa];
	[sflag:s16] =	ssyncadd.s32 $0xFFFFFB00;
	s4 =	sshrl.u32 s12, $0x3  }
0x78: {  	[spmem:s4], [sflag:s15] =	dma.local [hbm:s5], $0x500  }
0x79: {  	_ =	swait.ge [sflag:s16], $0x500  }
0x7a: {  	s25 =	sld [smem:$0x7F4];
	_ =	sdelay $0x1  }
0x7b: {  	[sflag:s16] =	ssyncset.done $0x0  }
0x7c: {  	s6 =	rddreg [dreg:$0xb];
	[sflag:s16] =	ssyncadd.s32 $0xFFFFFB00;
	s5 =	sshrl.u32 s25, $0x3  }
0x7d: {  	[spmem:s5], [sflag:s15] =	dma.local [hbm:s6], $0x500  }
0x7e: {  	_ =	swait.ge [sflag:s16], $0x500  }
0x7f: {  	s6 =	sld [smem:$0x7F5];
	_ =	sdelay $0x1  }
0x80: {  	[sflag:s16] =	ssyncset.done $0x0  }
0x81: {  	s7 =	rddreg [dreg:$0xc];
	[sflag:s16] =	ssyncadd.s32 $0xFFFFFB00;
	s6 =	sshrl.u32 @!p0 s6, $0x3  }
0x82: {  	[spmem:s6], [sflag:s15] =	dma.local @!p0 [hbm:s7], $0x500  }
0x83: {  	s7 =	simm.s32 @!p0 $0x5  }
0x84: {  	_ =	swait.ge @!p0 [sflag:s7], $0x500  }
0x85: {  	[sflag:s7] =	ssyncset.done @!p0 $0x0  }
0x86: {  	[sflag:s7] =	ssyncadd.s32 @!p0 $0xFFFFFB00  }
0x87: {  	[bflag:$0x0] =	sbarrier.arrive $0xFFFF  }
0x88: {  	s26 =	sld [smem:$0x7E9];
	_ =	sdelay $0x1  }
0x89: {  	s8 =	sld [smem:$0x7F7]  }
0x8a: {  	[tilespmem:s0], [sflag:$0x1] =	stream.linear.gather [hbm4b:s26+s0], $0x50, $0x38;
	[tilespmem:$0x18980] =	vst v63  }
0x8b: {  	_ = 	snop  }
0x8c: {  	[tilespmem:s17], [sflag:$0x3] =	stream.linear.gather [hbm4b:s8+s0], $0x2800, $0x38;
	[tilespmem:$0x18980] =	vst v63  }
0x8d: {  	s8 =	sld [smem:$0x7FC];
	_ =	sdelay $0x2  }
0x8e: {  	s12 =	sadd.s32 $0xFFFFFFF6, s8  }
0x8f: {  	[tilespmem:s18], [sflag:$0x2] =	stream.linear.gather [hbm4b:s12+s0], $0x50, $0x38;
	[tilespmem:$0x18980] =	vst v63  }
0x90: {  	s25 =	sadd.s32 $0x0, s29;
	[smem:$0x7E3] =	sst s12  }
0x91: {  	[tilespmem:s19], [sflag:$0x4] =	stream.linear.gather [hbm4b:s25+s0], $0x2800, $0x38;
	[tilespmem:$0x18980] =	vst v63  }
0x92: {  	_ =	swait.ge [sflag:s20], $0x50  }
0x93: {  	[sflag:s20] =	ssyncset.done $0x0  }
0x94: {  	[sflag:s20] =	ssyncadd.s32 $0xFFFFFFB0  }
0x95: {  	_ =	swait.ge [sflag:s21], $0x2800  }
0x96: {  	[sflag:s21] =	ssyncset.done $0x0  }
0x97: {  	[sflag:s21] =	ssyncadd.s32 $0xFFFFD800  }
0x98: {  	[spmem:s11] =	stream.indirect.scatter.add.f32 [tilespmem:s17], [sflag:$0x5], $0x80, s0, s22, $0xb8;
	[tilespmem:$0x18980] =	vst v63  }
0x99: {  	_ =	swait.ge [sflag:s16], $0x2800  }
0x9a: {  	[sflag:s16] =	ssyncset.done $0x0;
	s12 =	sld [smem:$0x7FD]  }
0x9b: {  	[sflag:s16] =	ssyncadd.s32 $0xFFFFD800  }
0x9c: {  	[tilespmem:s0], [sflag:$0x1] =	stream.linear.gather [hbm4b:s8+s0], $0x50, $0x38;
	[tilespmem:$0x18980] =	vst v63  }
0x9d: {  	s26 =	sshrl.u32 s12, $0x3  }
0x9e: {  	s7 =	sadd.s32 s13, s26  }
0x9f: {  	[tilespmem:s17], [sflag:$0x3] =	stream.linear.gather [hbm4b:s7+s0], $0x2800, $0x38;
	[tilespmem:$0x18980] =	vst v63  }
0xa0: {  	_ =	swait.ge [sflag:s23], $0x50  }
0xa1: {  	[sflag:s23] =	ssyncset.done $0x0  }
0xa2: {  	[sflag:s23] =	ssyncadd.s32 $0xFFFFFFB0  }
0xa3: {  	_ =	swait.ge [sflag:s24], $0x2800  }
0xa4: {  	[sflag:s24] =	ssyncset.done $0x0  }
0xa5: {  	[sflag:s24] =	ssyncadd.s32 $0xFFFFD800  }
0xa6: {  	[spmem:s11] =	stream.indirect.scatter.add.f32 [tilespmem:s19], [sflag:$0x5], $0x80, s18, s22, $0xb8;
	[tilespmem:$0x18980] =	vst v63  }
0xa7: {  	s28 =	simm.s32 $0x1400;
	_ =	swait.ge [sflag:s16], $0x2800  }
0xa8: {  	s8 =	sadd.s32 $0x14, s8;
	s7 =	simm.s32 $0xA00;
	[sflag:s16] =	ssyncset.done $0x0  }
.LBB2_2:
0xa9: {  	s25 =	sadd.s32 $0xFFFFFFF6, s8  }
0xaa: {  	[sflag:s16] =	ssyncadd.s32 $0xFFFFD800;
	s12 =	sadd.s32 $0x5000, s12;
	s26 =	smov.u32 s28  }
0xab: {  	[tilespmem:s18], [sflag:$0x2] =	stream.linear.gather [hbm4b:s25+s0], $0x50, $0x38;
	[tilespmem:$0x18980] =	vst v63  }
0xac: {  	p1 =	sne.s32 s28, $0x26200;
	s28 =	sadd.s32 $0xA00, s28;
	s7 =	sadd.s32 s7, s29  }
0xad: {  	[tilespmem:s19], [sflag:$0x4] =	stream.linear.gather [hbm4b:s7+s0], $0x2800, $0x38;
	[tilespmem:$0x18980] =	vst v63  }
0xae: {  	s7 =	smov.u32 s26;
	_ =	swait.ge [sflag:s20], $0x50  }
0xaf: {  	[sflag:s20] =	ssyncset.done $0x0  }
0xb0: {  	[sflag:s20] =	ssyncadd.s32 $0xFFFFFFB0  }
0xb1: {  	_ =	swait.ge [sflag:s21], $0x2800  }
0xb2: {  	[sflag:s21] =	ssyncset.done $0x0  }
0xb3: {  	[sflag:s21] =	ssyncadd.s32 $0xFFFFD800  }
0xb4: {  	[spmem:s11] =	stream.indirect.scatter.add.f32 [tilespmem:s17], [sflag:$0x5], $0x80, s0, s22, $0xb8;
	[tilespmem:$0x18980] =	vst v63  }
0xb5: {  	_ =	swait.ge [sflag:s16], $0x2800  }
0xb6: {  	[sflag:s16] =	ssyncset.done $0x0  }
0xb7: {  	s25 =	sshrl.u32 s12, $0x3;
	[sflag:s16] =	ssyncadd.s32 $0xFFFFD800  }
0xb8: {  	[tilespmem:s0], [sflag:$0x1] =	stream.linear.gather [hbm4b:s8+s0], $0x50, $0x38;
	[tilespmem:$0x18980] =	vst v63  }
0xb9: {  	s25 =	sadd.s32 s13, s25  }
0xba: {  	[tilespmem:s17], [sflag:$0x3] =	stream.linear.gather [hbm4b:s25+s0], $0x2800, $0x38;
	[tilespmem:$0x18980] =	vst v63  }
0xbb: {  	_ =	swait.ge [sflag:s23], $0x50  }
0xbc: {  	[sflag:s23] =	ssyncset.done $0x0  }
0xbd: {  	[sflag:s23] =	ssyncadd.s32 $0xFFFFFFB0  }
0xbe: {  	_ =	swait.ge [sflag:s24], $0x2800  }
.Ltmp0:
0xbf: {  	[sflag:s24] =	ssyncset.done $0x0;
	(pc) =	sbr.rel @p1 .LBB2_2-.Ltmp0, $4  }
0xc0: {  	[sflag:s24] =	ssyncadd.s32 $0xFFFFD800  }
0xc1: {  	[spmem:s11] =	stream.indirect.scatter.add.f32 [tilespmem:s19], [sflag:$0x5], $0x80, s18, s22, $0xb8;
	[tilespmem:$0x18980] =	vst v63  }
0xc2: {  	_ =	swait.ge [sflag:s16], $0x2800  }
0xc3: {  	s8 =	sadd.s32 $0x14, s8;
	[sflag:s16] =	ssyncset.done $0x0  }
0xc4: {  	s25 =	sadd.s32 $0xFFFFFFF6, s8;
	[sflag:s16] =	ssyncadd.s32 $0xFFFFD800  }
0xc5: {  	[tilespmem:s18], [sflag:$0x2] =	stream.linear.gather [hbm4b:s25+s0], $0x50, $0x38;
	[tilespmem:$0x18980] =	vst v63  }
0xc6: {  	s7 =	sadd.s32 s7, s29  }
0xc7: {  	[tilespmem:s19], [sflag:$0x4] =	stream.linear.gather [hbm4b:s7+s0], $0x2800, $0x38;
	[tilespmem:$0x18980] =	vst v63  }
0xc8: {  	_ =	swait.ge [sflag:s20], $0x50  }
0xc9: {  	[sflag:s20] =	ssyncset.done $0x0  }
0xca: {  	[sflag:s20] =	ssyncadd.s32 $0xFFFFFFB0  }
0xcb: {  	_ =	swait.ge [sflag:s21], $0x2800  }
0xcc: {  	[sflag:s21] =	ssyncset.done $0x0  }
0xcd: {  	[sflag:s21] =	ssyncadd.s32 $0xFFFFD800  }
0xce: {  	[spmem:s11] =	stream.indirect.scatter.add.f32 [tilespmem:s17], [sflag:$0x5], $0x80, s0, s22, $0xb8;
	[tilespmem:$0x18980] =	vst v63  }
0xcf: {  	_ =	swait.ge [sflag:s16], $0x2800  }
0xd0: {  	s25 =	sadd.s32 $0x5000, s12;
	[sflag:s16] =	ssyncset.done $0x0  }
0xd1: {  	s7 =	sshrl.u32 s25, $0x3;
	[sflag:s16] =	ssyncadd.s32 $0xFFFFD800  }
0xd2: {  	[tilespmem:s0], [sflag:$0x1] =	stream.linear.gather [hbm4b:s8+s0], $0x50, $0x38;
	[tilespmem:$0x18980] =	vst v63  }
0xd3: {  	s7 =	sadd.s32 s13, s7  }
0xd4: {  	[tilespmem:s17], [sflag:$0x3] =	stream.linear.gather [hbm4b:s7+s0], $0x2800, $0x38;
	[tilespmem:$0x18980] =	vst v63  }
0xd5: {  	_ =	swait.ge [sflag:s23], $0x50  }
0xd6: {  	[sflag:s23] =	ssyncset.done $0x0  }
0xd7: {  	[sflag:s23] =	ssyncadd.s32 $0xFFFFFFB0  }
0xd8: {  	_ =	swait.ge [sflag:s24], $0x2800  }
0xd9: {  	[sflag:s24] =	ssyncset.done $0x0  }
0xda: {  	[sflag:s24] =	ssyncadd.s32 $0xFFFFD800  }
0xdb: {  	[spmem:s11] =	stream.indirect.scatter.add.f32 [tilespmem:s19], [sflag:$0x5], $0x80, s18, s22, $0xb8;
	[tilespmem:$0x18980] =	vst v63  }
0xdc: {  	_ =	swait.ge [sflag:s16], $0x2800  }
0xdd: {  	[sflag:s16] =	ssyncset.done $0x0  }
0xde: {  	[sflag:s16] =	ssyncadd.s32 $0xFFFFD800  }
0xdf: {  	_ =	swait.ge [sflag:s20], $0x50  }
0xe0: {  	[sflag:s20] =	ssyncset.done $0x0  }
0xe1: {  	[sflag:s20] =	ssyncadd.s32 $0xFFFFFFB0  }
0xe2: {  	_ =	swait.ge [sflag:s21], $0x2800  }
0xe3: {  	[sflag:s21] =	ssyncset.done $0x0  }
0xe4: {  	[sflag:s21] =	ssyncadd.s32 $0xFFFFD800  }
0xe5: {  	[spmem:s11] =	stream.indirect.scatter.add.f32 [tilespmem:s17], [sflag:$0x5], $0x80, s0, s22, $0xb8;
	[tilespmem:$0x18980] =	vst v63  }
0xe6: {  	_ =	swait.ge [sflag:s16], $0x2800  }
0xe7: {  	[sflag:s16] =	ssyncset.done $0x0  }
0xe8: {  	[sflag:s16] =	ssyncadd.s32 $0xFFFFD800  }
0xe9: {  	[bflag:$0x0] =	sbarrier.arrive $0xFFFF  }
0xea: {  	s8 =	sld [smem:$0x7E2];
	_ =	sdelay $0x1  }
0xeb: {  	s26 =	rddreg [dreg:$0xd]  }
0xec: {  	[hbm:s26], [sflag:s15] =	dma.local [spmem:s8], $0x500  }
0xed: {  	_ =	swait.ge [sflag:s16], $0x500  }
0xee: {  	[sflag:s16] =	ssyncset.done $0x0  }
0xef: {  	s12 =	rddreg [dreg:$0xe];
	[sflag:s16] =	ssyncadd.s32 $0xFFFFFB00  }
0xf0: {  	[hbm:s12], [sflag:s15] =	dma.local [spmem:s31], $0x500  }
0xf1: {  	_ =	swait.ge [sflag:s16], $0x500  }
0xf2: {  	[sflag:s16] =	ssyncset.done $0x0  }
0xf3: {  	s25 =	rddreg [dreg:$0xf];
	[sflag:s16] =	ssyncadd.s32 $0xFFFFFB00  }
0xf4: {  	[hbm:s25], [sflag:s15] =	dma.local [spmem:s1], $0x500  }
0xf5: {  	_ =	swait.ge [sflag:s16], $0x500  }
0xf6: {  	[sflag:s16] =	ssyncset.done $0x0  }
0xf7: {  	s26 =	rddreg [dreg:$0x10];
	[sflag:s16] =	ssyncadd.s32 $0xFFFFFB00  }
0xf8: {  	[hbm:s26], [sflag:s15] =	dma.local [spmem:s2], $0x500  }
0xf9: {  	_ =	swait.ge [sflag:s16], $0x500  }
0xfa: {  	[sflag:s16] =	ssyncset.done $0x0  }
0xfb: {  	s12 =	rddreg [dreg:$0x11];
	[sflag:s16] =	ssyncadd.s32 $0xFFFFFB00  }
0xfc: {  	[hbm:s12], [sflag:s15] =	dma.local [spmem:s3], $0x500  }
0xfd: {  	_ =	swait.ge [sflag:s16], $0x500  }
0xfe: {  	[sflag:s16] =	ssyncset.done $0x0  }
0xff: {  	s25 =	rddreg [dreg:$0x12];
	[sflag:s16] =	ssyncadd.s32 $0xFFFFFB00  }
0x100: {  	[hbm:s25], [sflag:s15] =	dma.local [spmem:s4], $0x500  }
0x101: {  	_ =	swait.ge [sflag:s16], $0x500  }
0x102: {  	[sflag:s16] =	ssyncset.done $0x0  }
0x103: {  	s26 =	rddreg [dreg:$0x13];
	[sflag:s16] =	ssyncadd.s32 $0xFFFFFB00  }
0x104: {  	[hbm:s26], [sflag:s15] =	dma.local [spmem:s5], $0x500  }
0x105: {  	_ =	swait.ge [sflag:s16], $0x500  }
0x106: {  	[sflag:s16] =	ssyncset.done $0x0  }
0x107: {  	s7 =	rddreg [dreg:$0x14];
	[sflag:s16] =	ssyncadd.s32 $0xFFFFFB00  }
0x108: {  	[hbm:s7], [sflag:s15] =	dma.local @!p0 [spmem:s6], $0x500  }
0x109: {  	s7 =	simm.s32 @!p0 $0x5  }
0x10a: {  	_ =	swait.ge @!p0 [sflag:s7], $0x500  }
0x10b: {  	[sflag:s7] =	ssyncset.done @!p0 $0x0  }
0x10c: {  	[sflag:s7] =	ssyncadd.s32 @!p0 $0xFFFFFB00  }
0x10d: {  	[bflag:$0x0] =	sbarrier.arrive $0xFFFF  }
0x10e: {  	s28 =	rddreg [dreg:$0x5]  }
0x10f: {  	[spmem:s8], [sflag:s15] =	dma.local [hbm:s28], $0x500  }
0x110: {  	_ =	swait.ge [sflag:s16], $0x500  }
0x111: {  	[sflag:s16] =	ssyncset.done $0x0  }
0x112: {  	s12 =	rddreg [dreg:$0x6];
	[sflag:s16] =	ssyncadd.s32 $0xFFFFFB00  }
0x113: {  	[spmem:s31], [sflag:s15] =	dma.local [hbm:s12], $0x500  }
0x114: {  	_ =	swait.ge [sflag:s16], $0x500  }
0x115: {  	[sflag:s16] =	ssyncset.done $0x0  }
0x116: {  	s25 =	rddreg [dreg:$0x7];
	[sflag:s16] =	ssyncadd.s32 $0xFFFFFB00  }
0x117: {  	[spmem:s1], [sflag:s15] =	dma.local [hbm:s25], $0x500  }
0x118: {  	_ =	swait.ge [sflag:s16], $0x500  }
0x119: {  	[sflag:s16] =	ssyncset.done $0x0  }
0x11a: {  	s26 =	rddreg [dreg:$0x8];
	[sflag:s16] =	ssyncadd.s32 $0xFFFFFB00  }
0x11b: {  	[spmem:s2], [sflag:s15] =	dma.local [hbm:s26], $0x500  }
0x11c: {  	_ =	swait.ge [sflag:s16], $0x500  }
0x11d: {  	[sflag:s16] =	ssyncset.done $0x0  }
0x11e: {  	s12 =	rddreg [dreg:$0x9];
	[sflag:s16] =	ssyncadd.s32 $0xFFFFFB00  }
0x11f: {  	[spmem:s3], [sflag:s15] =	dma.local [hbm:s12], $0x500  }
0x120: {  	_ =	swait.ge [sflag:s16], $0x500  }
0x121: {  	[sflag:s16] =	ssyncset.done $0x0  }
0x122: {  	s25 =	rddreg [dreg:$0xa];
	[sflag:s16] =	ssyncadd.s32 $0xFFFFFB00  }
0x123: {  	[spmem:s4], [sflag:s15] =	dma.local [hbm:s25], $0x500  }
0x124: {  	_ =	swait.ge [sflag:s16], $0x500  }
0x125: {  	[sflag:s16] =	ssyncset.done $0x0  }
0x126: {  	s26 =	rddreg [dreg:$0xb];
	[sflag:s16] =	ssyncadd.s32 $0xFFFFFB00  }
0x127: {  	[spmem:s5], [sflag:s15] =	dma.local [hbm:s26], $0x500  }
0x128: {  	_ =	swait.ge [sflag:s16], $0x500  }
0x129: {  	[sflag:s16] =	ssyncset.done $0x0  }
0x12a: {  	s8 =	rddreg [dreg:$0xc];
	[sflag:s16] =	ssyncadd.s32 $0xFFFFFB00  }
0x12b: {  	[spmem:s6], [sflag:s15] =	dma.local @!p0 [hbm:s8], $0x500  }
0x12c: {  	_ =	swait.ge @!p0 [sflag:s7], $0x500  }
0x12d: {  	[sflag:s7] =	ssyncset.done @!p0 $0x0  }
0x12e: {  	[sflag:s7] =	ssyncadd.s32 @!p0 $0xFFFFFB00  }
0x12f: {  	[bflag:$0x0] =	sbarrier.arrive $0xFFFF  }
0x130: {  	s25 =	sld [smem:$0x7E9];
	_ =	sdelay $0x1  }
0x131: {  	s12 =	simm.s32 $0x0;
	s26 =	sld [smem:$0x7F8]  }
0x132: {  	[tilespmem:s12], [sflag:$0x1] =	stream.linear.gather [hbm4b:s25+s12], $0x50, $0x38;
	[tilespmem:$0x18980] =	vst v63  }
0x133: {  	s8 =	sld [smem:$0x7E3]  }
0x134: {  	[tilespmem:s17], [sflag:$0x3] =	stream.linear.gather [hbm4b:s26+s12], $0x2800, $0x38;
	[tilespmem:$0x18980] =	vst v63  }
0x135: {  	_ = 	snop  }
0x136: {  	[tilespmem:s18], [sflag:$0x2] =	stream.linear.gather [hbm4b:s8+s0], $0x50, $0x38;
	[tilespmem:$0x18980] =	vst v63  }
0x137: {  	s12 =	sadd.s32 $0x0, s9  }
0x138: {  	[tilespmem:s19], [sflag:$0x4] =	stream.linear.gather [hbm4b:s12+s0], $0x2800, $0x38;
	[tilespmem:$0x18980] =	vst v63  }
0x139: {  	_ =	swait.ge [sflag:s20], $0x50  }
0x13a: {  	[sflag:s20] =	ssyncset.done $0x0  }
0x13b: {  	[sflag:s20] =	ssyncadd.s32 $0xFFFFFFB0  }
0x13c: {  	_ =	swait.ge [sflag:s21], $0x2800  }
0x13d: {  	[sflag:s21] =	ssyncset.done $0x0  }
0x13e: {  	[sflag:s21] =	ssyncadd.s32 $0xFFFFD800  }
0x13f: {  	[spmem:s11] =	stream.indirect.scatter.add.f32 [tilespmem:s17], [sflag:$0x5], $0x80, s0, s22, $0xb8;
	[tilespmem:$0x18980] =	vst v63  }
0x140: {  	_ =	swait.ge [sflag:s16], $0x2800  }
0x141: {  	s25 =	sld [smem:$0x7FC]  }
0x142: {  	[sflag:s16] =	ssyncset.done $0x0  }
0x143: {  	[sflag:s16] =	ssyncadd.s32 $0xFFFFD800  }
0x144: {  	[tilespmem:s0], [sflag:$0x1] =	stream.linear.gather [hbm4b:s25+s0], $0x50, $0x38;
	[tilespmem:$0x18980] =	vst v63  }
0x145: {  	s26 =	sadd.s32 $0x0, s30  }
0x146: {  	[tilespmem:s17], [sflag:$0x3] =	stream.linear.gather [hbm4b:s26+s0], $0x2800, $0x38;
	[tilespmem:$0x18980] =	vst v63  }
0x147: {  	_ =	swait.ge [sflag:s23], $0x50  }
0x148: {  	[sflag:s23] =	ssyncset.done $0x0  }
0x149: {  	[sflag:s23] =	ssyncadd.s32 $0xFFFFFFB0  }
0x14a: {  	_ =	swait.ge [sflag:s24], $0x2800  }
0x14b: {  	[sflag:s24] =	ssyncset.done $0x0  }
0x14c: {  	[sflag:s24] =	ssyncadd.s32 $0xFFFFD800  }
0x14d: {  	[spmem:s11] =	stream.indirect.scatter.add.f32 [tilespmem:s19], [sflag:$0x5], $0x80, s18, s22, $0xb8;
	[tilespmem:$0x18980] =	vst v63  }
0x14e: {  	s7 =	simm.s32 $0x1400;
	_ =	swait.ge [sflag:s16], $0x2800  }
0x14f: {  	s8 =	simm.s32 $0xA00;
	s12 =	sadd.s32 $0x14, s25;
	[sflag:s16] =	ssyncset.done $0x0  }
.LBB2_4:
0x150: {  	p1 =	sne.s32 s7, $0x26200;
	s25 =	sadd.s32 $0xFFFFFFF6, s12;
	[sflag:s16] =	ssyncadd.s32 $0xFFFFD800  }
0x151: {  	[tilespmem:s18], [sflag:$0x2] =	stream.linear.gather [hbm4b:s25+s0], $0x50, $0x38;
	[tilespmem:$0x18980] =	vst v63  }
0x152: {  	s26 =	smov.u32 s7;
	s7 =	sadd.s32 $0xA00, s7;
	s25 =	sadd.s32 s8, s9  }
0x153: {  	[tilespmem:s19], [sflag:$0x4] =	stream.linear.gather [hbm4b:s25+s0], $0x2800, $0x38;
	[tilespmem:$0x18980] =	vst v63  }
0x154: {  	_ =	swait.ge [sflag:s20], $0x50  }
0x155: {  	[sflag:s20] =	ssyncset.done $0x0  }
0x156: {  	[sflag:s20] =	ssyncadd.s32 $0xFFFFFFB0  }
0x157: {  	_ =	swait.ge [sflag:s21], $0x2800  }
0x158: {  	[sflag:s21] =	ssyncset.done $0x0  }
0x159: {  	[sflag:s21] =	ssyncadd.s32 $0xFFFFD800  }
0x15a: {  	[spmem:s11] =	stream.indirect.scatter.add.f32 [tilespmem:s17], [sflag:$0x5], $0x80, s0, s22, $0xb8;
	[tilespmem:$0x18980] =	vst v63  }
0x15b: {  	_ =	swait.ge [sflag:s16], $0x2800  }
0x15c: {  	[sflag:s16] =	ssyncset.done $0x0  }
0x15d: {  	[sflag:s16] =	ssyncadd.s32 $0xFFFFD800  }
0x15e: {  	[tilespmem:s0], [sflag:$0x1] =	stream.linear.gather [hbm4b:s12+s0], $0x50, $0x38;
	[tilespmem:$0x18980] =	vst v63  }
0x15f: {  	s25 =	sadd.s32 s8, s30;
	s8 =	smov.u32 s26  }
0x160: {  	[tilespmem:s17], [sflag:$0x3] =	stream.linear.gather [hbm4b:s25+s0], $0x2800, $0x38;
	[tilespmem:$0x18980] =	vst v63  }
0x161: {  	_ =	swait.ge [sflag:s23], $0x50  }
0x162: {  	[sflag:s23] =	ssyncset.done $0x0  }
0x163: {  	[sflag:s23] =	ssyncadd.s32 $0xFFFFFFB0  }
0x164: {  	_ =	swait.ge [sflag:s24], $0x2800  }
.Ltmp1:
0x165: {  	[sflag:s24] =	ssyncset.done $0x0;
	(pc) =	sbr.rel @p1 .LBB2_4-.Ltmp1, $4  }
0x166: {  	[sflag:s24] =	ssyncadd.s32 $0xFFFFD800  }
0x167: {  	[spmem:s11] =	stream.indirect.scatter.add.f32 [tilespmem:s19], [sflag:$0x5], $0x80, s18, s22, $0xb8;
	[tilespmem:$0x18980] =	vst v63  }
0x168: {  	_ =	swait.ge [sflag:s16], $0x2800  }
0x169: {  	s12 =	sadd.s32 $0x14, s12;
	[sflag:s16] =	ssyncset.done $0x0  }
0x16a: {  	s7 =	sadd.s32 $0xFFFFFFF6, s12;
	[sflag:s16] =	ssyncadd.s32 $0xFFFFD800  }
0x16b: {  	[tilespmem:s18], [sflag:$0x2] =	stream.linear.gather [hbm4b:s7+s0], $0x50, $0x38;
	[tilespmem:$0x18980] =	vst v63  }
0x16c: {  	s26 =	sadd.s32 s8, s9  }
0x16d: {  	[tilespmem:s19], [sflag:$0x4] =	stream.linear.gather [hbm4b:s26+s0], $0x2800, $0x38;
	[tilespmem:$0x18980] =	vst v63  }
0x16e: {  	_ =	swait.ge [sflag:s20], $0x50  }
0x16f: {  	[sflag:s20] =	ssyncset.done $0x0  }
0x170: {  	[sflag:s20] =	ssyncadd.s32 $0xFFFFFFB0  }
0x171: {  	_ =	swait.ge [sflag:s21], $0x2800  }
0x172: {  	[sflag:s21] =	ssyncset.done $0x0  }
0x173: {  	[sflag:s21] =	ssyncadd.s32 $0xFFFFD800  }
0x174: {  	[spmem:s11] =	stream.indirect.scatter.add.f32 [tilespmem:s17], [sflag:$0x5], $0x80, s0, s22, $0xb8;
	[tilespmem:$0x18980] =	vst v63  }
0x175: {  	_ =	swait.ge [sflag:s16], $0x2800  }
0x176: {  	[sflag:s16] =	ssyncset.done $0x0  }
0x177: {  	[sflag:s16] =	ssyncadd.s32 $0xFFFFD800  }
0x178: {  	[tilespmem:s0], [sflag:$0x1] =	stream.linear.gather [hbm4b:s12+s0], $0x50, $0x38;
	[tilespmem:$0x18980] =	vst v63  }
0x179: {  	s25 =	sadd.s32 s8, s30  }
0x17a: {  	[tilespmem:s17], [sflag:$0x3] =	stream.linear.gather [hbm4b:s25+s0], $0x2800, $0x38;
	[tilespmem:$0x18980] =	vst v63  }
0x17b: {  	_ =	swait.ge [sflag:s23], $0x50  }
0x17c: {  	[sflag:s23] =	ssyncset.done $0x0  }
0x17d: {  	[sflag:s23] =	ssyncadd.s32 $0xFFFFFFB0  }
0x17e: {  	_ =	swait.ge [sflag:s24], $0x2800  }
0x17f: {  	[sflag:s24] =	ssyncset.done $0x0  }
0x180: {  	[sflag:s24] =	ssyncadd.s32 $0xFFFFD800  }
0x181: {  	[spmem:s11] =	stream.indirect.scatter.add.f32 [tilespmem:s19], [sflag:$0x5], $0x80, s18, s22, $0xb8;
	[tilespmem:$0x18980] =	vst v63  }
0x182: {  	_ =	swait.ge [sflag:s16], $0x2800  }
0x183: {  	[sflag:s16] =	ssyncset.done $0x0  }
0x184: {  	[sflag:s16] =	ssyncadd.s32 $0xFFFFD800  }
0x185: {  	_ =	swait.ge [sflag:s20], $0x50  }
0x186: {  	[sflag:s20] =	ssyncset.done $0x0  }
0x187: {  	[sflag:s20] =	ssyncadd.s32 $0xFFFFFFB0  }
0x188: {  	_ =	swait.ge [sflag:s21], $0x2800  }
0x189: {  	[sflag:s21] =	ssyncset.done $0x0  }
0x18a: {  	[sflag:s21] =	ssyncadd.s32 $0xFFFFD800  }
0x18b: {  	[spmem:s11] =	stream.indirect.scatter.add.f32 [tilespmem:s17], [sflag:$0x5], $0x80, s0, s22, $0xb8;
	[tilespmem:$0x18980] =	vst v63  }
0x18c: {  	_ =	swait.ge [sflag:s16], $0x2800  }
0x18d: {  	[sflag:s16] =	ssyncset.done $0x0  }
0x18e: {  	[sflag:s16] =	ssyncadd.s32 $0xFFFFD800  }
0x18f: {  	[bflag:$0x0] =	sbarrier.arrive $0xFFFF  }
0x190: {  	s8 =	sld [smem:$0x7E2];
	_ =	sdelay $0x1  }
0x191: {  	s26 =	rddreg [dreg:$0x15]  }
0x192: {  	[hbm:s26], [sflag:s15] =	dma.local [spmem:s8], $0x500  }
0x193: {  	_ =	swait.ge [sflag:s16], $0x500  }
0x194: {  	[sflag:s16] =	ssyncset.done $0x0  }
0x195: {  	s12 =	rddreg [dreg:$0x16];
	[sflag:s16] =	ssyncadd.s32 $0xFFFFFB00  }
0x196: {  	[hbm:s12], [sflag:s15] =	dma.local [spmem:s31], $0x500  }
0x197: {  	_ =	swait.ge [sflag:s16], $0x500  }
0x198: {  	[sflag:s16] =	ssyncset.done $0x0  }
0x199: {  	s25 =	rddreg [dreg:$0x17];
	[sflag:s16] =	ssyncadd.s32 $0xFFFFFB00  }
0x19a: {  	[hbm:s25], [sflag:s15] =	dma.local [spmem:s1], $0x500  }
0x19b: {  	_ =	swait.ge [sflag:s16], $0x500  }
0x19c: {  	[sflag:s16] =	ssyncset.done $0x0  }
0x19d: {  	s26 =	rddreg [dreg:$0x18];
	[sflag:s16] =	ssyncadd.s32 $0xFFFFFB00  }
0x19e: {  	[hbm:s26], [sflag:s15] =	dma.local [spmem:s2], $0x500  }
0x19f: {  	_ =	swait.ge [sflag:s16], $0x500  }
0x1a0: {  	[sflag:s16] =	ssyncset.done $0x0  }
0x1a1: {  	s12 =	rddreg [dreg:$0x19];
	[sflag:s16] =	ssyncadd.s32 $0xFFFFFB00  }
0x1a2: {  	[hbm:s12], [sflag:s15] =	dma.local [spmem:s3], $0x500  }
0x1a3: {  	_ =	swait.ge [sflag:s16], $0x500  }
0x1a4: {  	[sflag:s16] =	ssyncset.done $0x0  }
0x1a5: {  	s25 =	rddreg [dreg:$0x1a];
	[sflag:s16] =	ssyncadd.s32 $0xFFFFFB00  }
0x1a6: {  	[hbm:s25], [sflag:s15] =	dma.local [spmem:s4], $0x500  }
0x1a7: {  	_ =	swait.ge [sflag:s16], $0x500  }
0x1a8: {  	[sflag:s16] =	ssyncset.done $0x0  }
0x1a9: {  	s26 =	rddreg [dreg:$0x1b];
	[sflag:s16] =	ssyncadd.s32 $0xFFFFFB00  }
0x1aa: {  	[hbm:s26], [sflag:s15] =	dma.local [spmem:s5], $0x500  }
0x1ab: {  	_ =	swait.ge [sflag:s16], $0x500  }
0x1ac: {  	[sflag:s16] =	ssyncset.done $0x0  }
0x1ad: {  	s7 =	rddreg [dreg:$0x1c];
	[sflag:s16] =	ssyncadd.s32 $0xFFFFFB00  }
0x1ae: {  	[hbm:s7], [sflag:s15] =	dma.local @!p0 [spmem:s6], $0x500  }
0x1af: {  	s7 =	simm.s32 @!p0 $0x5  }
0x1b0: {  	_ =	swait.ge @!p0 [sflag:s7], $0x500  }
0x1b1: {  	[sflag:s7] =	ssyncset.done @!p0 $0x0  }
0x1b2: {  	[sflag:s7] =	ssyncadd.s32 @!p0 $0xFFFFFB00  }
0x1b3: {  	[bflag:$0x0] =	sbarrier.arrive $0xFFFF  }
0x1b4: {  	[spmem:s8], [sflag:s15] =	dma.local [hbm:s28], $0x500  }
0x1b5: {  	_ =	swait.ge [sflag:s16], $0x500  }
0x1b6: {  	[sflag:s16] =	ssyncset.done $0x0  }
0x1b7: {  	s12 =	rddreg [dreg:$0x6];
	[sflag:s16] =	ssyncadd.s32 $0xFFFFFB00  }
0x1b8: {  	[spmem:s31], [sflag:s15] =	dma.local [hbm:s12], $0x500  }
0x1b9: {  	_ =	swait.ge [sflag:s16], $0x500  }
0x1ba: {  	[sflag:s16] =	ssyncset.done $0x0  }
0x1bb: {  	s25 =	rddreg [dreg:$0x7];
	[sflag:s16] =	ssyncadd.s32 $0xFFFFFB00  }
0x1bc: {  	[spmem:s1], [sflag:s15] =	dma.local [hbm:s25], $0x500  }
0x1bd: {  	_ =	swait.ge [sflag:s16], $0x500  }
0x1be: {  	[sflag:s16] =	ssyncset.done $0x0  }
0x1bf: {  	s26 =	rddreg [dreg:$0x8];
	[sflag:s16] =	ssyncadd.s32 $0xFFFFFB00  }
0x1c0: {  	[spmem:s2], [sflag:s15] =	dma.local [hbm:s26], $0x500  }
0x1c1: {  	_ =	swait.ge [sflag:s16], $0x500  }
0x1c2: {  	[sflag:s16] =	ssyncset.done $0x0  }
0x1c3: {  	s12 =	rddreg [dreg:$0x9];
	[sflag:s16] =	ssyncadd.s32 $0xFFFFFB00  }
0x1c4: {  	[spmem:s3], [sflag:s15] =	dma.local [hbm:s12], $0x500  }
0x1c5: {  	_ =	swait.ge [sflag:s16], $0x500  }
0x1c6: {  	[sflag:s16] =	ssyncset.done $0x0  }
0x1c7: {  	s25 =	rddreg [dreg:$0xa];
	[sflag:s16] =	ssyncadd.s32 $0xFFFFFB00  }
0x1c8: {  	[spmem:s4], [sflag:s15] =	dma.local [hbm:s25], $0x500  }
0x1c9: {  	_ =	swait.ge [sflag:s16], $0x500  }
0x1ca: {  	[sflag:s16] =	ssyncset.done $0x0  }
0x1cb: {  	s26 =	rddreg [dreg:$0xb];
	[sflag:s16] =	ssyncadd.s32 $0xFFFFFB00  }
0x1cc: {  	[spmem:s5], [sflag:s15] =	dma.local [hbm:s26], $0x500  }
0x1cd: {  	_ =	swait.ge [sflag:s16], $0x500  }
0x1ce: {  	[sflag:s16] =	ssyncset.done $0x0  }
0x1cf: {  	s8 =	rddreg [dreg:$0xc];
	[sflag:s16] =	ssyncadd.s32 $0xFFFFFB00  }
0x1d0: {  	[spmem:s6], [sflag:s15] =	dma.local @!p0 [hbm:s8], $0x500  }
0x1d1: {  	_ =	swait.ge @!p0 [sflag:s7], $0x500  }
0x1d2: {  	[sflag:s7] =	ssyncset.done @!p0 $0x0  }
0x1d3: {  	[sflag:s7] =	ssyncadd.s32 @!p0 $0xFFFFFB00  }
0x1d4: {  	[bflag:$0x0] =	sbarrier.arrive $0xFFFF  }
0x1d5: {  	s25 =	sld [smem:$0x7E9];
	_ =	sdelay $0x1  }
0x1d6: {  	s12 =	simm.s32 $0x0;
	s26 =	sld [smem:$0x7F9]  }
0x1d7: {  	[tilespmem:s12], [sflag:$0x1] =	stream.linear.gather [hbm4b:s25+s12], $0x50, $0x38;
	[tilespmem:$0x18980] =	vst v63  }
0x1d8: {  	s8 =	sld [smem:$0x7E3]  }
0x1d9: {  	[tilespmem:s17], [sflag:$0x3] =	stream.linear.gather [hbm4b:s26+s12], $0x2800, $0x38;
	[tilespmem:$0x18980] =	vst v63  }
0x1da: {  	_ = 	snop  }
0x1db: {  	[tilespmem:s18], [sflag:$0x2] =	stream.linear.gather [hbm4b:s8+s0], $0x50, $0x38;
	[tilespmem:$0x18980] =	vst v63  }
0x1dc: {  	s12 =	sadd.s32 $0x0, s14  }
0x1dd: {  	[tilespmem:s19], [sflag:$0x4] =	stream.linear.gather [hbm4b:s12+s0], $0x2800, $0x38;
	[tilespmem:$0x18980] =	vst v63  }
0x1de: {  	_ =	swait.ge [sflag:s20], $0x50  }
0x1df: {  	[sflag:s20] =	ssyncset.done $0x0  }
0x1e0: {  	[sflag:s20] =	ssyncadd.s32 $0xFFFFFFB0  }
0x1e1: {  	_ =	swait.ge [sflag:s21], $0x2800  }
0x1e2: {  	[sflag:s21] =	ssyncset.done $0x0  }
0x1e3: {  	[sflag:s21] =	ssyncadd.s32 $0xFFFFD800  }
0x1e4: {  	[spmem:s11] =	stream.indirect.scatter.add.f32 [tilespmem:s17], [sflag:$0x5], $0x80, s0, s22, $0xb8;
	[tilespmem:$0x18980] =	vst v63  }
0x1e5: {  	_ =	swait.ge [sflag:s16], $0x2800  }
0x1e6: {  	s25 =	sld [smem:$0x7FC]  }
0x1e7: {  	[sflag:s16] =	ssyncset.done $0x0  }
0x1e8: {  	[sflag:s16] =	ssyncadd.s32 $0xFFFFD800  }
0x1e9: {  	[tilespmem:s0], [sflag:$0x1] =	stream.linear.gather [hbm4b:s25+s0], $0x50, $0x38;
	[tilespmem:$0x18980] =	vst v63  }
0x1ea: {  	s26 =	sadd.s32 $0x0, s10  }
0x1eb: {  	[tilespmem:s17], [sflag:$0x3] =	stream.linear.gather [hbm4b:s26+s0], $0x2800, $0x38;
	[tilespmem:$0x18980] =	vst v63  }
0x1ec: {  	_ =	swait.ge [sflag:s23], $0x50  }
0x1ed: {  	[sflag:s23] =	ssyncset.done $0x0  }
0x1ee: {  	[sflag:s23] =	ssyncadd.s32 $0xFFFFFFB0  }
0x1ef: {  	_ =	swait.ge [sflag:s24], $0x2800  }
0x1f0: {  	[sflag:s24] =	ssyncset.done $0x0  }
0x1f1: {  	[sflag:s24] =	ssyncadd.s32 $0xFFFFD800  }
0x1f2: {  	[spmem:s11] =	stream.indirect.scatter.add.f32 [tilespmem:s19], [sflag:$0x5], $0x80, s18, s22, $0xb8;
	[tilespmem:$0x18980] =	vst v63  }
0x1f3: {  	s7 =	simm.s32 $0xA00;
	_ =	swait.ge [sflag:s16], $0x2800  }
0x1f4: {  	s12 =	simm.s32 $0x1400;
	s8 =	sadd.s32 $0x14, s25;
	[sflag:s16] =	ssyncset.done $0x0  }
.LBB2_6:
0x1f5: {  	p1 =	sne.s32 s12, $0x26200;
	s25 =	sadd.s32 $0xFFFFFFF6, s8;
	[sflag:s16] =	ssyncadd.s32 $0xFFFFD800  }
0x1f6: {  	[tilespmem:s18], [sflag:$0x2] =	stream.linear.gather [hbm4b:s25+s0], $0x50, $0x38;
	[tilespmem:$0x18980] =	vst v63  }
0x1f7: {  	s26 =	smov.u32 s12;
	s12 =	sadd.s32 $0xA00, s12;
	s25 =	sadd.s32 s7, s14  }
0x1f8: {  	[tilespmem:s19], [sflag:$0x4] =	stream.linear.gather [hbm4b:s25+s0], $0x2800, $0x38;
	[tilespmem:$0x18980] =	vst v63  }
0x1f9: {  	_ =	swait.ge [sflag:s20], $0x50  }
0x1fa: {  	[sflag:s20] =	ssyncset.done $0x0  }
0x1fb: {  	[sflag:s20] =	ssyncadd.s32 $0xFFFFFFB0  }
0x1fc: {  	_ =	swait.ge [sflag:s21], $0x2800  }
0x1fd: {  	[sflag:s21] =	ssyncset.done $0x0  }
0x1fe: {  	[sflag:s21] =	ssyncadd.s32 $0xFFFFD800  }
0x1ff: {  	[spmem:s11] =	stream.indirect.scatter.add.f32 [tilespmem:s17], [sflag:$0x5], $0x80, s0, s22, $0xb8;
	[tilespmem:$0x18980] =	vst v63  }
0x200: {  	_ =	swait.ge [sflag:s16], $0x2800  }
0x201: {  	[sflag:s16] =	ssyncset.done $0x0  }
0x202: {  	[sflag:s16] =	ssyncadd.s32 $0xFFFFD800  }
0x203: {  	[tilespmem:s0], [sflag:$0x1] =	stream.linear.gather [hbm4b:s8+s0], $0x50, $0x38;
	[tilespmem:$0x18980] =	vst v63  }
0x204: {  	s25 =	sadd.s32 s7, s10;
	s7 =	smov.u32 s26  }
0x205: {  	[tilespmem:s17], [sflag:$0x3] =	stream.linear.gather [hbm4b:s25+s0], $0x2800, $0x38;
	[tilespmem:$0x18980] =	vst v63  }
0x206: {  	_ =	swait.ge [sflag:s23], $0x50  }
0x207: {  	[sflag:s23] =	ssyncset.done $0x0  }
0x208: {  	[sflag:s23] =	ssyncadd.s32 $0xFFFFFFB0  }
0x209: {  	_ =	swait.ge [sflag:s24], $0x2800  }
.Ltmp2:
0x20a: {  	[sflag:s24] =	ssyncset.done $0x0;
	(pc) =	sbr.rel @p1 .LBB2_6-.Ltmp2, $4  }
0x20b: {  	[sflag:s24] =	ssyncadd.s32 $0xFFFFD800  }
0x20c: {  	[spmem:s11] =	stream.indirect.scatter.add.f32 [tilespmem:s19], [sflag:$0x5], $0x80, s18, s22, $0xb8;
	[tilespmem:$0x18980] =	vst v63  }
0x20d: {  	_ =	swait.ge [sflag:s16], $0x2800  }
0x20e: {  	s8 =	sadd.s32 $0x14, s8;
	[sflag:s16] =	ssyncset.done $0x0  }
0x20f: {  	s12 =	sadd.s32 $0xFFFFFFF6, s8;
	[sflag:s16] =	ssyncadd.s32 $0xFFFFD800  }
0x210: {  	[tilespmem:s18], [sflag:$0x2] =	stream.linear.gather [hbm4b:s12+s0], $0x50, $0x38;
	[tilespmem:$0x18980] =	vst v63  }
0x211: {  	s26 =	sadd.s32 s7, s14  }
0x212: {  	[tilespmem:s19], [sflag:$0x4] =	stream.linear.gather [hbm4b:s26+s0], $0x2800, $0x38;
	[tilespmem:$0x18980] =	vst v63  }
0x213: {  	_ =	swait.ge [sflag:s20], $0x50  }
0x214: {  	[sflag:s20] =	ssyncset.done $0x0  }
0x215: {  	[sflag:s20] =	ssyncadd.s32 $0xFFFFFFB0  }
0x216: {  	_ =	swait.ge [sflag:s21], $0x2800  }
0x217: {  	[sflag:s21] =	ssyncset.done $0x0  }
0x218: {  	[sflag:s21] =	ssyncadd.s32 $0xFFFFD800  }
0x219: {  	[spmem:s11] =	stream.indirect.scatter.add.f32 [tilespmem:s17], [sflag:$0x5], $0x80, s0, s22, $0xb8;
	[tilespmem:$0x18980] =	vst v63  }
0x21a: {  	_ =	swait.ge [sflag:s16], $0x2800  }
0x21b: {  	[sflag:s16] =	ssyncset.done $0x0  }
0x21c: {  	[sflag:s16] =	ssyncadd.s32 $0xFFFFD800  }
0x21d: {  	[tilespmem:s0], [sflag:$0x1] =	stream.linear.gather [hbm4b:s8+s0], $0x50, $0x38;
	[tilespmem:$0x18980] =	vst v63  }
0x21e: {  	s8 =	sadd.s32 s7, s10  }
0x21f: {  	[tilespmem:s17], [sflag:$0x3] =	stream.linear.gather [hbm4b:s8+s0], $0x2800, $0x38;
	[tilespmem:$0x18980] =	vst v63  }
0x220: {  	_ =	swait.ge [sflag:s23], $0x50  }
0x221: {  	[sflag:s23] =	ssyncset.done $0x0  }
0x222: {  	[sflag:s23] =	ssyncadd.s32 $0xFFFFFFB0  }
0x223: {  	_ =	swait.ge [sflag:s24], $0x2800  }
0x224: {  	[sflag:s24] =	ssyncset.done $0x0  }
0x225: {  	[sflag:s24] =	ssyncadd.s32 $0xFFFFD800  }
0x226: {  	[spmem:s11] =	stream.indirect.scatter.add.f32 [tilespmem:s19], [sflag:$0x5], $0x80, s18, s22, $0xb8;
	[tilespmem:$0x18980] =	vst v63  }
0x227: {  	_ =	swait.ge [sflag:s16], $0x2800  }
0x228: {  	[sflag:s16] =	ssyncset.done $0x0  }
0x229: {  	[sflag:s16] =	ssyncadd.s32 $0xFFFFD800  }
0x22a: {  	_ =	swait.ge [sflag:s20], $0x50  }
0x22b: {  	[sflag:s20] =	ssyncset.done $0x0  }
0x22c: {  	[sflag:s20] =	ssyncadd.s32 $0xFFFFFFB0  }
0x22d: {  	_ =	swait.ge [sflag:s21], $0x2800  }
0x22e: {  	[sflag:s21] =	ssyncset.done $0x0  }
0x22f: {  	[sflag:s21] =	ssyncadd.s32 $0xFFFFD800  }
0x230: {  	[spmem:s11] =	stream.indirect.scatter.add.f32 [tilespmem:s17], [sflag:$0x5], $0x80, s0, s22, $0xb8;
	[tilespmem:$0x18980] =	vst v63  }
0x231: {  	_ =	swait.ge [sflag:s16], $0x2800  }
0x232: {  	[sflag:s16] =	ssyncset.done $0x0  }
0x233: {  	[sflag:s16] =	ssyncadd.s32 $0xFFFFD800  }
0x234: {  	[bflag:$0x0] =	sbarrier.arrive $0xFFFF  }
0x235: {  	s25 =	sld [smem:$0x7E2];
	_ =	sdelay $0x1  }
0x236: {  	s12 =	rddreg [dreg:$0x1d]  }
0x237: {  	[hbm:s12], [sflag:s15] =	dma.local [spmem:s25], $0x500  }
0x238: {  	_ =	swait.ge [sflag:s16], $0x500  }
0x239: {  	[sflag:s16] =	ssyncset.done $0x0  }
0x23a: {  	s26 =	rddreg [dreg:$0x1e];
	[sflag:s16] =	ssyncadd.s32 $0xFFFFFB00  }
0x23b: {  	[hbm:s26], [sflag:s15] =	dma.local [spmem:s31], $0x500  }
0x23c: {  	_ =	swait.ge [sflag:s16], $0x500  }
0x23d: {  	[sflag:s16] =	ssyncset.done $0x0  }
0x23e: {  	s31 =	rddreg [dreg:$0x1f];
	[sflag:s16] =	ssyncadd.s32 $0xFFFFFB00  }
0x23f: {  	[hbm:s31], [sflag:s15] =	dma.local [spmem:s1], $0x500  }
0x240: {  	_ =	swait.ge [sflag:s16], $0x500  }
0x241: {  	s7 =	sld [smem:$0x7E4]  }
0x242: {  	[sflag:s16] =	ssyncset.done $0x0  }
0x243: {  	[sflag:s16] =	ssyncadd.s32 $0xFFFFFB00  }
0x244: {  	[hbm:s7], [sflag:s15] =	dma.local [spmem:s2], $0x500  }
0x245: {  	_ =	swait.ge [sflag:s16], $0x500  }
0x246: {  	s8 =	sld [smem:$0x7E5]  }
0x247: {  	[sflag:s16] =	ssyncset.done $0x0  }
0x248: {  	[sflag:s16] =	ssyncadd.s32 $0xFFFFFB00  }
0x249: {  	[hbm:s8], [sflag:s15] =	dma.local [spmem:s3], $0x500  }
0x24a: {  	_ =	swait.ge [sflag:s16], $0x500  }
0x24b: {  	s12 =	sld [smem:$0x7E6]  }
0x24c: {  	[sflag:s16] =	ssyncset.done $0x0  }
0x24d: {  	[sflag:s16] =	ssyncadd.s32 $0xFFFFFB00  }
0x24e: {  	[hbm:s12], [sflag:s15] =	dma.local [spmem:s4], $0x500  }
0x24f: {  	_ =	swait.ge [sflag:s16], $0x500  }
0x250: {  	s25 =	sld [smem:$0x7E7]  }
0x251: {  	[sflag:s16] =	ssyncset.done $0x0  }
0x252: {  	[sflag:s16] =	ssyncadd.s32 $0xFFFFFB00  }
0x253: {  	[hbm:s25], [sflag:s15] =	dma.local [spmem:s5], $0x500  }
0x254: {  	_ =	swait.ge [sflag:s16], $0x500  }
0x255: {  	s1 =	sld [smem:$0x7E8]  }
0x256: {  	[sflag:s16] =	ssyncset.done $0x0  }
0x257: {  	[sflag:s16] =	ssyncadd.s32 $0xFFFFFB00  }
0x258: {  	[hbm:s1], [sflag:s15] =	dma.local @!p0 [spmem:s6], $0x500  }
0x259: {  	s1 =	simm.s32 @!p0 $0x5  }
0x25a: {  	_ =	swait.ge @!p0 [sflag:s1], $0x500  }
0x25b: {  	s26 =	sld [smem:$0x7E1]  }
0x25c: {  	s31 =	sld [smem:$0x7FB];
	_ =	sdelay $0x1  }
0x25d: {  	s2 =	sadd.s32 $0x1, s26  }
0x25e: {  	p1 =	sne.s32 s2, s31  }
.Ltmp3:
0x25f: {  	_ = 	snop;
	(pc) =	sbr.rel @p1 .LBB2_1-.Ltmp3, $3  }
0x260: {  	[sflag:s1] =	ssyncset.done @!p0 $0x0  }
0x261: {  	[sflag:s1] =	ssyncadd.s32 @!p0 $0xFFFFFB00  }
0x262: {  	[bflag:$0x0] =	sbarrier.arrive $0xFFFF;
	_ =	sdelay $0x1  }
0x263: {  	_ =	sfence.sel $0x180000  }
0x264: {  	[bflag:$0x0] =	sbarrier.arrive $0xFFFF  }
0x265: {  	_ =	strace $0x90000050  }
0x266: {  	s0 =	stileid.u32;
	[bflag:$0x2] =	sbarrier.arrive $0xFFFF  }
0x267: {  	p0 =	sne.s32 s0, $0x0;
	s0 =	rddreg [dreg:$0x4]  }
0x268: {  	s0 =	sadd.s32 @!p0 $0x100000, s0  }
0x269: {  	[sflag:s0] =	ssyncadd.tile.s32 @!p0 $0x1;
	_ =	shalt  }
.Lfunc_end2:
_tile_overlayer_lowered:
.L_overlay_start_2:
0x26a: {  	(tag) =	ssettag $0x2  }
0x26b: {  	s0 =	rddreg [dreg:$0x0];
	s2 =	stileid.u32  }
0x26c: {  	s1 =	rddreg [dreg:$0x1];
	p0 =	sne.s32 s2, $0x0  }
0x26d: {  	s3 =	rddreg [dreg:$0x2];
	[bflag:$0x3] =	sbarrier.arrive $0xFFFF;
	s2 =	simm.s32 @!p0 $0x1C05  }
0x26e: {  	[timem:s3], [sflag:s2] =	dma.local @!p0 [hbm:s0], s1  }
0x26f: {  	s0 =	simm.s32 @!p0 $0x5  }
0x270: {  	_ =	swait.ge @!p0 [sflag:s0], s1  }
0x271: {  	s1 =	ssub.s32 @!p0 $0x0, s1;
	[sflag:s0] =	ssyncset.done @!p0 $0x0  }
0x272: {  	[sflag:s0] =	ssyncadd.s32 @!p0 s1  }
0x273: {  	[bflag:$0x3] =	sbarrier.arrive $0xFFFF  }
0x274: {  	_ =	shalt  }

</sc_bundles>
